<compile_context>
chip_gen: v7x
topology: tpu7x:2x2x1
jax: 0.10.2.dev20260603
libtpu: 0.0.44.dev20260713+nightly
codegen_flags: <defaults>
</compile_context>

<pallas_src>
import functools

import jax
import jax.numpy as jnp
from jax import lax
from jax.experimental import pallas as pl
from jax.experimental.pallas import tpu as pltpu
from jax.experimental.pallas import tpu_sc as plsc

_N = 10000
_E = 320000
_D = 128
_NC = 2
_NS = 16
_NW = _NC * _NS
_CH = 80
_NCH = _E // (_NW * _CH)
_SCC = 25
_NSC = _NCH // _SCC
_RPT = 624
_RPT_LAST = _N - _RPT * (_NS - 1)

_R = 1000
_G = _N // _R


def _init_rows(zeros_hbm, acc_sh, sid):
    base = sid * _RPT

    @pl.when(sid == _NS - 1)
    def _():
        pltpu.sync_copy(zeros_hbm, acc_sh.at[pl.ds(base, _RPT_LAST)])

    @pl.when(sid < _NS - 1)
    def _():
        pltpu.sync_copy(zeros_hbm.at[pl.ds(0, _RPT)],
                        acc_sh.at[pl.ds(base, _RPT)])


def _dump_rows(acc_sh, out_hbm, cid, sid):
    base = sid * _RPT

    @pl.when(sid == _NS - 1)
    def _():
        pltpu.sync_copy(acc_sh.at[pl.ds(base, _RPT_LAST)],
                        out_hbm.at[cid, pl.ds(base, _RPT_LAST)])

    @pl.when(sid < _NS - 1)
    def _():
        pltpu.sync_copy(acc_sh.at[pl.ds(base, _RPT)],
                        out_hbm.at[cid, pl.ds(base, _RPT)])


def _make_degreg():
    mesh = plsc.VectorSubcoreMesh(core_axis_name="c", subcore_axis_name="s",
                                  num_cores=_NC, num_subcores=_NS)

    @functools.partial(
        pl.kernel,
        out_type=jax.ShapeDtypeStruct((_NW * 10240,), jnp.float32),
        mesh=mesh,
        compiler_params=pltpu.CompilerParams(needs_layout_passes=False),
        scratch_types=[
            pltpu.VMEM((_NCH, _CH), jnp.int32),
            pltpu.VMEM((10240,), jnp.float32),
        ],
    )
    def degreg_kernel(dst_hbm, zeros_hbm, out_hbm, idx_v, acc_v):
        cid = lax.axis_index("c")
        sid = lax.axis_index("s")
        wid = sid * _NC + cid
        pltpu.sync_copy(zeros_hbm, acc_v)
        pltpu.sync_copy(dst_hbm.at[wid], idx_v)
        ones = jnp.ones((16,), jnp.float32)

        def body(k, carry):
            for j in range(5):
                v = idx_v[k, pl.ds(j * 16, 16)]
                plsc.addupdate_scatter(acc_v, [v], ones)
            return carry

        lax.fori_loop(0, _NCH, body, 0)
        pltpu.sync_copy(acc_v, out_hbm.at[pl.ds(wid * 10240, 10240)])

    return degreg_kernel


def _make_agg():
    mesh = plsc.VectorSubcoreMesh(core_axis_name="c", subcore_axis_name="s", num_cores=_NC, num_subcores=_NS)

    @functools.partial(
        pl.kernel,
        out_type=jax.ShapeDtypeStruct((_NC, _N, _D), jnp.float32),
        mesh=mesh,
        scratch_types=[
            pltpu.VMEM((_SCC, _CH), jnp.int32),
            pltpu.VMEM((_SCC, _CH), jnp.int32),
            pltpu.VMEM((_CH, _D), jnp.float32),
            pltpu.VMEM((_CH, _D), jnp.float32),
            pltpu.VMEM((_CH, _D), jnp.float32),
            pltpu.SemaphoreType.DMA,
            pltpu.SemaphoreType.DMA,
            pltpu.SemaphoreType.DMA,
            pltpu.VMEM_SHARED((_N, _D), jnp.float32),
        ],
    )
    def agg_kernel(hp_hbm, src_hbm, dst_hbm, zeros_hbm, out_hbm,
                   srcs, dsts, buf0, buf1, buf2, sem0, sem1, sem2, acc_sh):
        cid = lax.axis_index("c")
        sid = lax.axis_index("s")
        wid = sid * _NC + cid
        _init_rows(zeros_hbm, acc_sh, sid)
        plsc.subcore_barrier()

        bufs = (buf0, buf1, buf2)
        sems = (sem0, sem1, sem2)

        def superchunk(sc, carry):
            pltpu.sync_copy(src_hbm.at[wid, sc], srcs)
            pltpu.sync_copy(dst_hbm.at[wid, sc], dsts)
            for b in range(3):
                pltpu.async_copy(hp_hbm.at[srcs.at[b]], bufs[b], sems[b])

            def body(i, carry2):
                c = i * 3
                for b in range(3):
                    cc = c + b
                    pltpu.make_async_copy(hp_hbm.at[srcs.at[cc]],
                                          bufs[b], sems[b]).wait()
                    pltpu.sync_copy(bufs[b], acc_sh.at[dsts.at[cc]], add=True)
                    pltpu.async_copy(hp_hbm.at[srcs.at[cc + 3]], bufs[b], sems[b])
                return carry2

            loop = (_SCC - 4) // 3
            lax.fori_loop(0, loop, body, 0)
            t = loop * 3
            pltpu.make_async_copy(hp_hbm.at[srcs.at[t]], buf0, sem0).wait()
            pltpu.sync_copy(buf0, acc_sh.at[dsts.at[t]], add=True)
            pltpu.async_copy(hp_hbm.at[srcs.at[_SCC - 1]], buf0, sem0)
            pltpu.make_async_copy(hp_hbm.at[srcs.at[t + 1]], buf1, sem1).wait()
            pltpu.sync_copy(buf1, acc_sh.at[dsts.at[t + 1]], add=True)
            pltpu.make_async_copy(hp_hbm.at[srcs.at[t + 2]], buf2, sem2).wait()
            pltpu.sync_copy(buf2, acc_sh.at[dsts.at[t + 2]], add=True)
            pltpu.make_async_copy(hp_hbm.at[srcs.at[_SCC - 1]], buf0, sem0).wait()
            pltpu.sync_copy(buf0, acc_sh.at[dsts.at[_SCC - 1]], add=True)
            return carry

        lax.fori_loop(0, _NSC, superchunk, 0)

        plsc.subcore_barrier()
        plsc.subcore_barrier()
        _dump_rows(acc_sh, out_hbm, cid, sid)

    return agg_kernel


_degreg = _make_degreg()
_agg = _make_agg()


def _dsum_body(dp_ref, dis_ref):
    deg = jnp.sum(dp_ref[...], axis=0, keepdims=True)
    pos = deg > 0.0
    dis_ref[...] = jnp.where(pos, lax.rsqrt(jnp.where(pos, deg, 1.0)), 0.0)


_dsum = pl.pallas_call(
    _dsum_body,
    grid=(8,),
    in_specs=[pl.BlockSpec((_NW, 1280), lambda i: (0, i))],
    out_specs=pl.BlockSpec((1, 1280), lambda i: (0, i)),
    out_shape=jax.ShapeDtypeStruct((1, 10240), jnp.float32),
)


def _k1_body(dis_ref, x_ref, w_ref, hp_ref):
    dis_b = jnp.broadcast_to(dis_ref[...], (_R, _D))
    hp_ref[...] = dis_b * jnp.dot(x_ref[...], w_ref[...],
                                  preferred_element_type=jnp.float32)


_k1 = pl.pallas_call(
    _k1_body,
    grid=(_G,),
    in_specs=[
        pl.BlockSpec((_R, 1), lambda i: (i, 0)),
        pl.BlockSpec((_R, _D), lambda i: (i, 0)),
        pl.BlockSpec((_D, _D), lambda i: (0, 0)),
    ],
    out_specs=pl.BlockSpec((_R, _D), lambda i: (i, 0)),
    out_shape=jax.ShapeDtypeStruct((_N, _D), jnp.float32),
)


def _epilogue(p, dis, b, g, be):
    h = dis * (p[0] + p[1]) + b
    mu = jnp.mean(h, axis=-1, keepdims=True)
    xc = h - mu
    var = jnp.mean(xc * xc, axis=-1, keepdims=True)
    h = xc * lax.rsqrt(var + 1e-5) * g + be
    return jnp.maximum(h, 0.0)


def _mid_body(p_ref, dis_ref, b_ref, g_ref, be_ref, w_ref, out_ref):
    dis = jnp.broadcast_to(dis_ref[...], (_R, _D))
    h = _epilogue(p_ref[...], dis, b_ref[...], g_ref[...], be_ref[...])
    out_ref[...] = dis * jnp.dot(h, w_ref[...], preferred_element_type=jnp.float32)


_mid = pl.pallas_call(
    _mid_body,
    grid=(_G,),
    in_specs=[
        pl.BlockSpec((2, _R, _D), lambda i: (0, i, 0)),
        pl.BlockSpec((_R, 1), lambda i: (i, 0)),
        pl.BlockSpec((1, _D), lambda i: (0, 0)),
        pl.BlockSpec((1, _D), lambda i: (0, 0)),
        pl.BlockSpec((1, _D), lambda i: (0, 0)),
        pl.BlockSpec((_D, _D), lambda i: (0, 0)),
    ],
    out_specs=pl.BlockSpec((_R, _D), lambda i: (i, 0)),
    out_shape=jax.ShapeDtypeStruct((_N, _D), jnp.float32),
)

_NCLS = 40


def _fin_body(p_ref, dis_ref, b_ref, g_ref, be_ref, wo_ref, bo_ref, out_ref):
    h = _epilogue(p_ref[...], jnp.broadcast_to(dis_ref[...], (_R, _D)),
                  b_ref[...], g_ref[...], be_ref[...])
    logits = jnp.dot(h, wo_ref[...], preferred_element_type=jnp.float32) + bo_ref[...]
    m = jnp.max(logits, axis=-1, keepdims=True)
    s = logits - m
    lse = jnp.log(jnp.sum(jnp.exp(s), axis=-1, keepdims=True))
    out_ref[...] = s - lse


_fin = pl.pallas_call(
    _fin_body,
    grid=(_G,),
    in_specs=[
        pl.BlockSpec((2, _R, _D), lambda i: (0, i, 0)),
        pl.BlockSpec((_R, 1), lambda i: (i, 0)),
        pl.BlockSpec((1, _D), lambda i: (0, 0)),
        pl.BlockSpec((1, _D), lambda i: (0, 0)),
        pl.BlockSpec((1, _D), lambda i: (0, 0)),
        pl.BlockSpec((_D, _NCLS), lambda i: (0, 0)),
        pl.BlockSpec((1, _NCLS), lambda i: (0, 0)),
    ],
    out_specs=pl.BlockSpec((_R, _NCLS), lambda i: (i, 0)),
    out_shape=jax.ShapeDtypeStruct((_N, _NCLS), jnp.float32),
)


def kernel(x, edge_index, W1, b1, g1, be1, W2, b2, g2, be2, W3, b3, g3, be3, Wo, bo):
    src = edge_index[0].reshape(_NW, _NSC, _SCC, _CH)
    dst = edge_index[1].reshape(_NW, _NSC, _SCC, _CH)
    dst3 = edge_index[1].reshape(_NW, _NCH, _CH)
    zerosD = jnp.zeros((_RPT_LAST, _D), jnp.float32)
    zeros1 = jnp.zeros((10240,), jnp.float32)

    deg_reg = _degreg(dst3, zeros1)
    dis_b = _dsum(deg_reg.reshape(_NW, 10240)).reshape(10240)[:_N, None]
    hp = _k1(dis_b, x, W1)
    for (W, b, g, be) in ((W2, b1, g1, be1), (W3, b2, g2, be2)):
        p = _agg(hp, src, dst, zerosD)
        hp = _mid(p, dis_b, b.reshape(1, _D), g.reshape(1, _D),
                  be.reshape(1, _D), W)
    p = _agg(hp, src, dst, zerosD)
    return _fin(p, dis_b, b3.reshape(1, _D), g3.reshape(1, _D),
                be3.reshape(1, _D), Wo, bo.reshape(1, _NCLS))

# --- scband reference (transcript-rebuilt; emitter-appended) ---
"""Pipeline reference for scband-vanilla-gcn-9809705304380 (READ-ONLY COPY).

The authoritative reference and input builder live on the scoring server;
editing this copy changes nothing except your own understanding.
"""

import jax, jax.numpy as jnp
import numpy as np

N = 10000
E = 320000
D_IN = 128
HID = 128
NUM_CLASSES = 40


def setup_inputs(seed: int = 0) -> dict:
    key = jax.random.key(seed)
    ks = jax.random.split(key, 16)
    x = jax.random.normal(ks[0], (N, D_IN), dtype=jnp.float32)
    edge_index = jax.random.randint(ks[1], (2, E), 0, N, dtype=jnp.int32)

    def glorot(k, fan_in, fan_out):
        s = (6.0 / (fan_in + fan_out)) ** 0.5
        return jax.random.uniform(k, (fan_in, fan_out), jnp.float32, -s, s)

    inp = {"x": x, "edge_index": edge_index}
    dims = [D_IN, HID, HID, HID]
    for i in range(3):
        inp["W%d" % (i + 1)] = glorot(ks[2 + i], dims[i], dims[i + 1])
        inp["b%d" % (i + 1)] = jnp.zeros((dims[i + 1],), jnp.float32)
        inp["g%d" % (i + 1)] = jnp.ones((dims[i + 1],), jnp.float32)
        inp["be%d" % (i + 1)] = jnp.zeros((dims[i + 1],), jnp.float32)
    inp["Wo"] = glorot(ks[10], HID, NUM_CLASSES)
    inp["bo"] = jnp.zeros((NUM_CLASSES,), jnp.float32)
    return inp


def _gcn_conv(x, src, dst, W, b, n):
    # GCNConv with add_self_loops=False: out = D^{-1/2} A D^{-1/2} (x W) + b
    deg = jnp.zeros((n,), x.dtype).at[dst].add(jnp.ones((src.shape[0],), x.dtype))
    safe_deg = jnp.where(deg > 0, deg, 1.0)
    dis = jnp.where(deg > 0, jax.lax.rsqrt(safe_deg), 0.0)
    norm = dis[src] * dis[dst]
    h = x @ W
    msg = h[src] * norm[:, None]
    out = jnp.zeros((n, W.shape[1]), x.dtype).at[dst].add(msg)
    return out + b


def _layernorm(x, g, b, eps=1e-5):
    mu = jnp.mean(x, axis=-1, keepdims=True)
    var = jnp.mean((x - mu) ** 2, axis=-1, keepdims=True)
    return (x - mu) * jax.lax.rsqrt(var + eps) * g + b


def reference(x, edge_index, W1, b1, g1, be1, W2, b2, g2, be2, W3, b3, g3, be3, Wo, bo):
    n = x.shape[0]
    src = edge_index[0]
    dst = edge_index[1]
    h = x
    for (W, b, g, be) in ((W1, b1, g1, be1), (W2, b2, g2, be2), (W3, b3, g3, be3)):
        h = _gcn_conv(h, src, dst, W, b, n)
        h = _layernorm(h, g, be)
        h = jax.nn.relu(h)
        # Dropout(p=0.5) is identity in eval/inference mode
    h = h @ Wo + bo
    return jax.nn.log_softmax(h, axis=-1)

if __name__ == "__main__":
    import jax
    _d = setup_inputs()
    print(jax.jit(kernel)(*tuple(_d.values())))

</pallas_src>

<mosaic_0001>
#map = affine_map<(d0, d1) -> (0, 0, 0)>
#map1 = affine_map<(d0, d1) -> (0)>
module attributes {stable_mosaic.version = 14 : i64} {
  func.func @degreg_kernel(%arg0: i32, %arg1: i32, %arg2: memref<32x125x80xi32, #tpu.memory_space<hbm>>, %arg3: memref<10240xf32, #tpu.memory_space<hbm>>, %arg4: memref<327680xf32, #tpu.memory_space<hbm>>, %arg5: memref<125x80xi32, #tpu.memory_space<vmem>>, %arg6: memref<10240xf32, #tpu.memory_space<vmem>>) attributes {dimension_semantics = [#tpu.dimension_semantics<core_parallel>, #tpu.dimension_semantics<subcore_parallel>], iteration_bounds = array<i64: 2, 16>, scalar_prefetch = 0 : i64, scratch_operands = 2 : i64, tpu.core_type = #tpu.core_type<sc_vector_subcore>, window_params = [{transform_indices = #map}, {transform_indices = #map1}, {transform_indices = #map1}]} {
    %mul3A = arith.constant 2 : i32
    %mul3A_0 = arith.muli %arg1, %mul3A : i32
    %add3A = arith.addi %mul3A_0, %arg0 : i32
    "tpu.region"() ({
      %run_scoped3A = tpu.sem_alloc : memref<!tpu.dma_semaphore, #tpu.memory_space<semaphore_mem>>
      tpu.enqueue_dma source(%arg3 : memref<10240xf32, #tpu.memory_space<hbm>>) target(%arg6 : memref<10240xf32, #tpu.memory_space<vmem>>) target_semaphore(%run_scoped3A : memref<!tpu.dma_semaphore, #tpu.memory_space<semaphore_mem>>)
      tpu.wait_dma2 semaphore(%run_scoped3A : memref<!tpu.dma_semaphore, #tpu.memory_space<semaphore_mem>>) src(%arg3 : memref<10240xf32, #tpu.memory_space<hbm>>) dst(%arg6 : memref<10240xf32, #tpu.memory_space<vmem>>)
      tpu.yield
    }) : () -> ()
    "tpu.region"() ({
      %run_scoped3A = tpu.sem_alloc : memref<!tpu.dma_semaphore, #tpu.memory_space<semaphore_mem>>
      %dma_start3A = arith.constant 0 : i32
      %dma_start3A_9 = arith.constant 0 : i32
      %dma_start3A_10 = tpu.memref_slice %arg2[%add3A, %dma_start3A, %dma_start3A_9] : memref<32x125x80xi32, #tpu.memory_space<hbm>> -> memref<1x125x80xi32, #tpu.memory_space<hbm>>
      %dma_start3A_11 = tpu.memref_squeeze %dma_start3A_10 : memref<1x125x80xi32, #tpu.memory_space<hbm>> -> memref<125x80xi32, #tpu.memory_space<hbm>>
      %dma_start3A_12 = arith.constant 0 : i32
      %dma_start3A_13 = arith.constant 0 : i32
      %dma_start3A_14 = tpu.memref_slice %arg2[%add3A, %dma_start3A_12, %dma_start3A_13] : memref<32x125x80xi32, #tpu.memory_space<hbm>> -> memref<1x125x80xi32, #tpu.memory_space<hbm>>
      %dma_start3A_15 = tpu.memref_squeeze %dma_start3A_14 : memref<1x125x80xi32, #tpu.memory_space<hbm>> -> memref<125x80xi32, #tpu.memory_space<hbm>>
      tpu.enqueue_dma source(%dma_start3A_15 : memref<125x80xi32, #tpu.memory_space<hbm>>) target(%arg5 : memref<125x80xi32, #tpu.memory_space<vmem>>) target_semaphore(%run_scoped3A : memref<!tpu.dma_semaphore, #tpu.memory_space<semaphore_mem>>)
      %dma_wait3A = arith.constant 0 : i32
      %dma_wait3A_16 = arith.constant 0 : i32
      %dma_wait3A_17 = tpu.memref_slice %arg2[%add3A, %dma_wait3A, %dma_wait3A_16] : memref<32x125x80xi32, #tpu.memory_space<hbm>> -> memref<1x125x80xi32, #tpu.memory_space<hbm>>
      %dma_wait3A_18 = tpu.memref_squeeze %dma_wait3A_17 : memref<1x125x80xi32, #tpu.memory_space<hbm>> -> memref<125x80xi32, #tpu.memory_space<hbm>>
      %dma_wait3A_19 = arith.constant 0 : i32
      %dma_wait3A_20 = arith.constant 0 : i32
      %dma_wait3A_21 = tpu.memref_slice %arg2[%add3A, %dma_wait3A_19, %dma_wait3A_20] : memref<32x125x80xi32, #tpu.memory_space<hbm>> -> memref<1x125x80xi32, #tpu.memory_space<hbm>>
      %dma_wait3A_22 = tpu.memref_squeeze %dma_wait3A_21 : memref<1x125x80xi32, #tpu.memory_space<hbm>> -> memref<125x80xi32, #tpu.memory_space<hbm>>
      tpu.wait_dma2 semaphore(%run_scoped3A : memref<!tpu.dma_semaphore, #tpu.memory_space<semaphore_mem>>) src(%dma_wait3A_22 : memref<125x80xi32, #tpu.memory_space<hbm>>) dst(%arg5 : memref<125x80xi32, #tpu.memory_space<vmem>>)
      tpu.yield
    }) : () -> ()
    %broadcast_in_dim3A = arith.constant 1.000000e+00 : f32
    %broadcast_in_dim3A_1 = vector.broadcast %broadcast_in_dim3A : f32 to vector<16xf32>
    %scan3A = arith.constant 0 : i32
    %scan3A_2 = arith.constant 0 : i32
    %scan3A_3 = arith.constant 125 : i32
    %scan3A_4 = arith.addi %scan3A_2, %scan3A_3 : i32
    %scan3A_5 = arith.constant 1 : i32
    scf.for %scan3A_9 = %scan3A_2 to %scan3A_4 step %scan3A_5  : i32 {
      %get3A = arith.index_cast %scan3A_9 : i32 to index
      %get3A_10 = arith.constant 0 : index
      %get3A_11 = tpu.vector_load %arg5[%get3A, %get3A_10] {strides = array<i32>} : memref<125x80xi32, #tpu.memory_space<vmem>>, vector<16xi32>,
      tpu.vector_store_idx %arg6[%get3A_11], %broadcast_in_dim3A_1 {add = true} : memref<10240xf32, #tpu.memory_space<vmem>>[vector<16xi32>], vector<16xf32>,
      %get3A_12 = arith.index_cast %scan3A_9 : i32 to index
      %get3A_13 = arith.constant 16 : index
      %get3A_14 = tpu.vector_load %arg5[%get3A_12, %get3A_13] {strides = array<i32>} : memref<125x80xi32, #tpu.memory_space<vmem>>, vector<16xi32>,
      tpu.vector_store_idx %arg6[%get3A_14], %broadcast_in_dim3A_1 {add = true} : memref<10240xf32, #tpu.memory_space<vmem>>[vector<16xi32>], vector<16xf32>,
      %get3A_15 = arith.index_cast %scan3A_9 : i32 to index
      %get3A_16 = arith.constant 32 : index
      %get3A_17 = tpu.vector_load %arg5[%get3A_15, %get3A_16] {strides = array<i32>} : memref<125x80xi32, #tpu.memory_space<vmem>>, vector<16xi32>,
      tpu.vector_store_idx %arg6[%get3A_17], %broadcast_in_dim3A_1 {add = true} : memref<10240xf32, #tpu.memory_space<vmem>>[vector<16xi32>], vector<16xf32>,
      %get3A_18 = arith.index_cast %scan3A_9 : i32 to index
      %get3A_19 = arith.constant 48 : index
      %get3A_20 = tpu.vector_load %arg5[%get3A_18, %get3A_19] {strides = array<i32>} : memref<125x80xi32, #tpu.memory_space<vmem>>, vector<16xi32>,
      tpu.vector_store_idx %arg6[%get3A_20], %broadcast_in_dim3A_1 {add = true} : memref<10240xf32, #tpu.memory_space<vmem>>[vector<16xi32>], vector<16xf32>,
      %get3A_21 = arith.index_cast %scan3A_9 : i32 to index
      %get3A_22 = arith.constant 64 : index
      %get3A_23 = tpu.vector_load %arg5[%get3A_21, %get3A_22] {strides = array<i32>} : memref<125x80xi32, #tpu.memory_space<vmem>>, vector<16xi32>,
      tpu.vector_store_idx %arg6[%get3A_23], %broadcast_in_dim3A_1 {add = true} : memref<10240xf32, #tpu.memory_space<vmem>>[vector<16xi32>], vector<16xf32>,
    }
    %scan3A_6 = arith.constant 125 : i32
    %mul3A_7 = arith.constant 10240 : i32
    %mul3A_8 = arith.muli %add3A, %mul3A_7 : i32
    "tpu.region"() ({
      %run_scoped3A = tpu.sem_alloc : memref<!tpu.dma_semaphore, #tpu.memory_space<semaphore_mem>>
      %dma_start3A = tpu.memref_slice %arg4[%mul3A_8] : memref<327680xf32, #tpu.memory_space<hbm>> -> memref<10240xf32, #tpu.memory_space<hbm>>
      %dma_start3A_9 = tpu.memref_slice %arg4[%mul3A_8] : memref<327680xf32, #tpu.memory_space<hbm>> -> memref<10240xf32, #tpu.memory_space<hbm>>
      tpu.enqueue_dma source(%arg6 : memref<10240xf32, #tpu.memory_space<vmem>>) target(%dma_start3A_9 : memref<10240xf32, #tpu.memory_space<hbm>>) target_semaphore(%run_scoped3A : memref<!tpu.dma_semaphore, #tpu.memory_space<semaphore_mem>>)
      %dma_wait3A = tpu.memref_slice %arg4[%mul3A_8] : memref<327680xf32, #tpu.memory_space<hbm>> -> memref<10240xf32, #tpu.memory_space<hbm>>
      %dma_wait3A_10 = tpu.memref_slice %arg4[%mul3A_8] : memref<327680xf32, #tpu.memory_space<hbm>> -> memref<10240xf32, #tpu.memory_space<hbm>>
      tpu.wait_dma2 semaphore(%run_scoped3A : memref<!tpu.dma_semaphore, #tpu.memory_space<semaphore_mem>>) src(%arg6 : memref<10240xf32, #tpu.memory_space<vmem>>) dst(%dma_wait3A_10 : memref<10240xf32, #tpu.memory_space<hbm>>)
      tpu.yield
    }) : () -> ()
    return
  }
}

#map = affine_map<(d0, d1) -> (0, 0)>
#map1 = affine_map<(d0, d1) -> (0, 0, 0, 0)>
#map2 = affine_map<(d0, d1) -> (0, 0, 0)>
module attributes {stable_mosaic.version = 14 : i64} {
  func.func @agg_kernel(%arg0: i32, %arg1: i32, %arg2: memref<10000x128xf32, #tpu.memory_space<hbm>>, %arg3: memref<32x5x25x80xi32, #tpu.memory_space<hbm>>, %arg4: memref<32x5x25x80xi32, #tpu.memory_space<hbm>>, %arg5: memref<640x128xf32, #tpu.memory_space<hbm>>, %arg6: memref<2x10000x128xf32, #tpu.memory_space<hbm>>, %arg7: memref<25x80xi32, #tpu.memory_space<vmem>>, %arg8: memref<25x80xi32, #tpu.memory_space<vmem>>, %arg9: memref<80x128xf32, #tpu.memory_space<vmem>>, %arg10: memref<80x128xf32, #tpu.memory_space<vmem>>, %arg11: memref<80x128xf32, #tpu.memory_space<vmem>>, %arg12: memref<!tpu.dma_semaphore, #tpu.memory_space<semaphore_mem>>, %arg13: memref<!tpu.dma_semaphore, #tpu.memory_space<semaphore_mem>>, %arg14: memref<!tpu.dma_semaphore, #tpu.memory_space<semaphore_mem>>, %arg15: memref<10000x128xf32, #tpu.memory_space<vmem_shared>>) attributes {dimension_semantics = [#tpu.dimension_semantics<core_parallel>, #tpu.dimension_semantics<subcore_parallel>], iteration_bounds = array<i64: 2, 16>, scalar_prefetch = 0 : i64, scratch_operands = 9 : i64, tpu.core_type = #tpu.core_type<sc_vector_subcore>, window_params = [{transform_indices = #map}, {transform_indices = #map1}, {transform_indices = #map1}, {transform_indices = #map}, {transform_indices = #map2}]} {
    %mul3A = arith.constant 2 : i32
    %mul3A_0 = arith.muli %arg1, %mul3A : i32
    %add3A = arith.addi %mul3A_0, %arg0 : i32
    %mul3A_1 = arith.constant 624 : i32
    %mul3A_2 = arith.muli %arg1, %mul3A_1 : i32
    %eq3A = arith.constant 15 : i32
    %eq3A_3 = arith.cmpi eq, %arg1, %eq3A : i32
    %convert_element_type3A = arith.extui %eq3A_3 : i1 to i32
    %cond3A = arith.constant 0 : i32
    %cond3A_4 = arith.cmpi ne, %convert_element_type3A, %cond3A : i32
    scf.if %cond3A_4 {
      "tpu.region"() ({
        %run_scoped3A = tpu.sem_alloc : memref<!tpu.dma_semaphore, #tpu.memory_space<semaphore_mem>>
        %dma_start3A = arith.constant 0 : i32
        %dma_start3A_28 = tpu.memref_slice %arg15[%mul3A_2, %dma_start3A] : memref<10000x128xf32, #tpu.memory_space<vmem_shared>> -> memref<640x128xf32, #tpu.memory_space<vmem_shared>>
        tpu.enqueue_dma source(%arg5 : memref<640x128xf32, #tpu.memory_space<hbm>>) target(%dma_start3A_28 : memref<640x128xf32, #tpu.memory_space<vmem_shared>>) target_semaphore(%run_scoped3A : memref<!tpu.dma_semaphore, #tpu.memory_space<semaphore_mem>>)
        %dma_wait3A = arith.constant 0 : i32
        %dma_wait3A_29 = tpu.memref_slice %arg15[%mul3A_2, %dma_wait3A] : memref<10000x128xf32, #tpu.memory_space<vmem_shared>> -> memref<640x128xf32, #tpu.memory_space<vmem_shared>>
        tpu.wait_dma2 semaphore(%run_scoped3A : memref<!tpu.dma_semaphore, #tpu.memory_space<semaphore_mem>>) src(%arg5 : memref<640x128xf32, #tpu.memory_space<hbm>>) dst(%dma_wait3A_29 : memref<640x128xf32, #tpu.memory_space<vmem_shared>>)
        tpu.yield
      }) : () -> ()
    } else {
    }
    %lt3A = arith.constant 15 : i32
    %lt3A_5 = arith.cmpi slt, %arg1, %lt3A : i32
    %convert_element_type3A_6 = arith.extui %lt3A_5 : i1 to i32
    %cond3A_7 = arith.constant 0 : i32
    %cond3A_8 = arith.cmpi ne, %convert_element_type3A_6, %cond3A_7 : i32
    scf.if %cond3A_8 {
      "tpu.region"() ({
        %run_scoped3A = tpu.sem_alloc : memref<!tpu.dma_semaphore, #tpu.memory_space<semaphore_mem>>
        %dma_start3A = arith.constant 0 : i32
        %dma_start3A_28 = tpu.memref_slice %arg15[%mul3A_2, %dma_start3A] : memref<10000x128xf32, #tpu.memory_space<vmem_shared>> -> memref<624x128xf32, #tpu.memory_space<vmem_shared>>
        %dma_start3A_29 = arith.constant 0 : i32
        %dma_start3A_30 = arith.constant 0 : i32
        %dma_start3A_31 = tpu.memref_slice %arg5[%dma_start3A_29, %dma_start3A_30] : memref<640x128xf32, #tpu.memory_space<hbm>> -> memref<624x128xf32, #tpu.memory_space<hbm>>
        tpu.enqueue_dma source(%dma_start3A_31 : memref<624x128xf32, #tpu.memory_space<hbm>>) target(%dma_start3A_28 : memref<624x128xf32, #tpu.memory_space<vmem_shared>>) target_semaphore(%run_scoped3A : memref<!tpu.dma_semaphore, #tpu.memory_space<semaphore_mem>>)
        %dma_wait3A = arith.constant 0 : i32
        %dma_wait3A_32 = tpu.memref_slice %arg15[%mul3A_2, %dma_wait3A] : memref<10000x128xf32, #tpu.memory_space<vmem_shared>> -> memref<624x128xf32, #tpu.memory_space<vmem_shared>>
        %dma_wait3A_33 = arith.constant 0 : i32
        %dma_wait3A_34 = arith.constant 0 : i32
        %dma_wait3A_35 = tpu.memref_slice %arg5[%dma_wait3A_33, %dma_wait3A_34] : memref<640x128xf32, #tpu.memory_space<hbm>> -> memref<624x128xf32, #tpu.memory_space<hbm>>
        tpu.wait_dma2 semaphore(%run_scoped3A : memref<!tpu.dma_semaphore, #tpu.memory_space<semaphore_mem>>) src(%dma_wait3A_35 : memref<624x128xf32, #tpu.memory_space<hbm>>) dst(%dma_wait3A_32 : memref<624x128xf32, #tpu.memory_space<vmem_shared>>)
        tpu.yield
      }) : () -> ()
    } else {
    }
    %barrier3A = arith.constant 0 : index
    tpu.barrier barrier_id(%barrier3A)
    %scan3A = arith.constant 0 : i32
    %scan3A_9 = arith.constant 0 : i32
    %scan3A_10 = arith.constant 5 : i32
    %scan3A_11 = arith.addi %scan3A_9, %scan3A_10 : i32
    %scan3A_12 = arith.constant 1 : i32
    scf.for %scan3A_28 = %scan3A_9 to %scan3A_11 step %scan3A_12  : i32 {
      "tpu.region"() ({
        %run_scoped3A_92 = tpu.sem_alloc : memref<!tpu.dma_semaphore, #tpu.memory_space<semaphore_mem>>
        %dma_start3A_93 = arith.constant 0 : i32
        %dma_start3A_94 = arith.constant 0 : i32
        %dma_start3A_95 = tpu.memref_slice %arg3[%add3A, %scan3A_28, %dma_start3A_93, %dma_start3A_94] : memref<32x5x25x80xi32, #tpu.memory_space<hbm>> -> memref<1x1x25x80xi32, #tpu.memory_space<hbm>>
        %dma_start3A_96 = tpu.memref_squeeze %dma_start3A_95 : memref<1x1x25x80xi32, #tpu.memory_space<hbm>> -> memref<25x80xi32, #tpu.memory_space<hbm>>
        %dma_start3A_97 = arith.constant 0 : i32
        %dma_start3A_98 = arith.constant 0 : i32
        %dma_start3A_99 = tpu.memref_slice %arg3[%add3A, %scan3A_28, %dma_start3A_97, %dma_start3A_98] : memref<32x5x25x80xi32, #tpu.memory_space<hbm>> -> memref<1x1x25x80xi32, #tpu.memory_space<hbm>>
        %dma_start3A_100 = tpu.memref_squeeze %dma_start3A_99 : memref<1x1x25x80xi32, #tpu.memory_space<hbm>> -> memref<25x80xi32, #tpu.memory_space<hbm>>
        tpu.enqueue_dma source(%dma_start3A_100 : memref<25x80xi32, #tpu.memory_space<hbm>>) target(%arg7 : memref<25x80xi32, #tpu.memory_space<vmem>>) target_semaphore(%run_scoped3A_92 : memref<!tpu.dma_semaphore, #tpu.memory_space<semaphore_mem>>)
        %dma_wait3A_101 = arith.constant 0 : i32
        %dma_wait3A_102 = arith.constant 0 : i32
        %dma_wait3A_103 = tpu.memref_slice %arg3[%add3A, %scan3A_28, %dma_wait3A_101, %dma_wait3A_102] : memref<32x5x25x80xi32, #tpu.memory_space<hbm>> -> memref<1x1x25x80xi32, #tpu.memory_space<hbm>>
        %dma_wait3A_104 = tpu.memref_squeeze %dma_wait3A_103 : memref<1x1x25x80xi32, #tpu.memory_space<hbm>> -> memref<25x80xi32, #tpu.memory_space<hbm>>
        %dma_wait3A_105 = arith.constant 0 : i32
        %dma_wait3A_106 = arith.constant 0 : i32
        %dma_wait3A_107 = tpu.memref_slice %arg3[%add3A, %scan3A_28, %dma_wait3A_105, %dma_wait3A_106] : memref<32x5x25x80xi32, #tpu.memory_space<hbm>> -> memref<1x1x25x80xi32, #tpu.memory_space<hbm>>
        %dma_wait3A_108 = tpu.memref_squeeze %dma_wait3A_107 : memref<1x1x25x80xi32, #tpu.memory_space<hbm>> -> memref<25x80xi32, #tpu.memory_space<hbm>>
        tpu.wait_dma2 semaphore(%run_scoped3A_92 : memref<!tpu.dma_semaphore, #tpu.memory_space<semaphore_mem>>) src(%dma_wait3A_108 : memref<25x80xi32, #tpu.memory_space<hbm>>) dst(%arg7 : memref<25x80xi32, #tpu.memory_space<vmem>>)
        tpu.yield
      }) : () -> ()
      "tpu.region"() ({
        %run_scoped3A_92 = tpu.sem_alloc : memref<!tpu.dma_semaphore, #tpu.memory_space<semaphore_mem>>
        %dma_start3A_93 = arith.constant 0 : i32
        %dma_start3A_94 = arith.constant 0 : i32
        %dma_start3A_95 = tpu.memref_slice %arg4[%add3A, %scan3A_28, %dma_start3A_93, %dma_start3A_94] : memref<32x5x25x80xi32, #tpu.memory_space<hbm>> -> memref<1x1x25x80xi32, #tpu.memory_space<hbm>>
        %dma_start3A_96 = tpu.memref_squeeze %dma_start3A_95 : memref<1x1x25x80xi32, #tpu.memory_space<hbm>> -> memref<25x80xi32, #tpu.memory_space<hbm>>
        %dma_start3A_97 = arith.constant 0 : i32
        %dma_start3A_98 = arith.constant 0 : i32
        %dma_start3A_99 = tpu.memref_slice %arg4[%add3A, %scan3A_28, %dma_start3A_97, %dma_start3A_98] : memref<32x5x25x80xi32, #tpu.memory_space<hbm>> -> memref<1x1x25x80xi32, #tpu.memory_space<hbm>>
        %dma_start3A_100 = tpu.memref_squeeze %dma_start3A_99 : memref<1x1x25x80xi32, #tpu.memory_space<hbm>> -> memref<25x80xi32, #tpu.memory_space<hbm>>
        tpu.enqueue_dma source(%dma_start3A_100 : memref<25x80xi32, #tpu.memory_space<hbm>>) target(%arg8 : memref<25x80xi32, #tpu.memory_space<vmem>>) target_semaphore(%run_scoped3A_92 : memref<!tpu.dma_semaphore, #tpu.memory_space<semaphore_mem>>)
        %dma_wait3A_101 = arith.constant 0 : i32
        %dma_wait3A_102 = arith.constant 0 : i32
        %dma_wait3A_103 = tpu.memref_slice %arg4[%add3A, %scan3A_28, %dma_wait3A_101, %dma_wait3A_102] : memref<32x5x25x80xi32, #tpu.memory_space<hbm>> -> memref<1x1x25x80xi32, #tpu.memory_space<hbm>>
        %dma_wait3A_104 = tpu.memref_squeeze %dma_wait3A_103 : memref<1x1x25x80xi32, #tpu.memory_space<hbm>> -> memref<25x80xi32, #tpu.memory_space<hbm>>
        %dma_wait3A_105 = arith.constant 0 : i32
        %dma_wait3A_106 = arith.constant 0 : i32
        %dma_wait3A_107 = tpu.memref_slice %arg4[%add3A, %scan3A_28, %dma_wait3A_105, %dma_wait3A_106] : memref<32x5x25x80xi32, #tpu.memory_space<hbm>> -> memref<1x1x25x80xi32, #tpu.memory_space<hbm>>
        %dma_wait3A_108 = tpu.memref_squeeze %dma_wait3A_107 : memref<1x1x25x80xi32, #tpu.memory_space<hbm>> -> memref<25x80xi32, #tpu.memory_space<hbm>>
        tpu.wait_dma2 semaphore(%run_scoped3A_92 : memref<!tpu.dma_semaphore, #tpu.memory_space<semaphore_mem>>) src(%dma_wait3A_108 : memref<25x80xi32, #tpu.memory_space<hbm>>) dst(%arg8 : memref<25x80xi32, #tpu.memory_space<vmem>>)
        tpu.yield
      }) : () -> ()
      %dma_start3A = arith.constant 0 : i32
      %dma_start3A_29 = arith.constant 0 : i32
      %dma_start3A_30 = tpu.memref_slice %arg7[%dma_start3A, %dma_start3A_29] : memref<25x80xi32, #tpu.memory_space<vmem>> -> memref<1x80xi32, #tpu.memory_space<vmem>>
      %dma_start3A_31 = tpu.memref_squeeze %dma_start3A_30 : memref<1x80xi32, #tpu.memory_space<vmem>> -> memref<80xi32, #tpu.memory_space<vmem>>
      %dma_start3A_32 = arith.constant 0 : i32
      %dma_start3A_33 = arith.constant 0 : i32
      %dma_start3A_34 = tpu.memref_slice %arg2[%dma_start3A_32, %dma_start3A_33] : memref<10000x128xf32, #tpu.memory_space<hbm>> -> memref<10000x128xf32, #tpu.memory_space<hbm>>
      tpu.enqueue_indirect_dma source(%dma_start3A_34 : memref<10000x128xf32, #tpu.memory_space<hbm>>) target(%arg9 : memref<80x128xf32, #tpu.memory_space<vmem>>) offsets(%dma_start3A_31 : memref<80xi32, #tpu.memory_space<vmem>>) semaphore(%arg12 : memref<!tpu.dma_semaphore, #tpu.memory_space<semaphore_mem>>)
      %dma_start3A_35 = arith.constant 1 : i32
      %dma_start3A_36 = arith.constant 0 : i32
      %dma_start3A_37 = tpu.memref_slice %arg7[%dma_start3A_35, %dma_start3A_36] : memref<25x80xi32, #tpu.memory_space<vmem>> -> memref<1x80xi32, #tpu.memory_space<vmem>>
      %dma_start3A_38 = tpu.memref_squeeze %dma_start3A_37 : memref<1x80xi32, #tpu.memory_space<vmem>> -> memref<80xi32, #tpu.memory_space<vmem>>
      %dma_start3A_39 = arith.constant 0 : i32
      %dma_start3A_40 = arith.constant 0 : i32
      %dma_start3A_41 = tpu.memref_slice %arg2[%dma_start3A_39, %dma_start3A_40] : memref<10000x128xf32, #tpu.memory_space<hbm>> -> memref<10000x128xf32, #tpu.memory_space<hbm>>
      tpu.enqueue_indirect_dma source(%dma_start3A_41 : memref<10000x128xf32, #tpu.memory_space<hbm>>) target(%arg10 : memref<80x128xf32, #tpu.memory_space<vmem>>) offsets(%dma_start3A_38 : memref<80xi32, #tpu.memory_space<vmem>>) semaphore(%arg13 : memref<!tpu.dma_semaphore, #tpu.memory_space<semaphore_mem>>)
      %dma_start3A_42 = arith.constant 2 : i32
      %dma_start3A_43 = arith.constant 0 : i32
      %dma_start3A_44 = tpu.memref_slice %arg7[%dma_start3A_42, %dma_start3A_43] : memref<25x80xi32, #tpu.memory_space<vmem>> -> memref<1x80xi32, #tpu.memory_space<vmem>>
      %dma_start3A_45 = tpu.memref_squeeze %dma_start3A_44 : memref<1x80xi32, #tpu.memory_space<vmem>> -> memref<80xi32, #tpu.memory_space<vmem>>
      %dma_start3A_46 = arith.constant 0 : i32
      %dma_start3A_47 = arith.constant 0 : i32
      %dma_start3A_48 = tpu.memref_slice %arg2[%dma_start3A_46, %dma_start3A_47] : memref<10000x128xf32, #tpu.memory_space<hbm>> -> memref<10000x128xf32, #tpu.memory_space<hbm>>
      tpu.enqueue_indirect_dma source(%dma_start3A_48 : memref<10000x128xf32, #tpu.memory_space<hbm>>) target(%arg11 : memref<80x128xf32, #tpu.memory_space<vmem>>) offsets(%dma_start3A_45 : memref<80xi32, #tpu.memory_space<vmem>>) semaphore(%arg14 : memref<!tpu.dma_semaphore, #tpu.memory_space<semaphore_mem>>)
      %scan3A_49 = arith.constant 0 : i32
      %scan3A_50 = arith.constant 0 : i32
      %scan3A_51 = arith.constant 7 : i32
      %scan3A_52 = arith.addi %scan3A_50, %scan3A_51 : i32
      %scan3A_53 = arith.constant 1 : i32
      scf.for %scan3A_92 = %scan3A_50 to %scan3A_52 step %scan3A_53  : i32 {
        %mul3A_93 = arith.constant 3 : i32
        %mul3A_94 = arith.muli %scan3A_92, %mul3A_93 : i32
        %add3A_95 = arith.constant 0 : i32
        %add3A_96 = arith.addi %mul3A_94, %add3A_95 : i32
        %dma_wait3A_97 = arith.constant 0 : i32
        %dma_wait3A_98 = tpu.memref_slice %arg7[%add3A_96, %dma_wait3A_97] : memref<25x80xi32, #tpu.memory_space<vmem>> -> memref<1x80xi32, #tpu.memory_space<vmem>>
        %dma_wait3A_99 = tpu.memref_squeeze %dma_wait3A_98 : memref<1x80xi32, #tpu.memory_space<vmem>> -> memref<80xi32, #tpu.memory_space<vmem>>
        %dma_wait3A_100 = arith.constant 0 : i32
        %dma_wait3A_101 = arith.constant 0 : i32
        %dma_wait3A_102 = tpu.memref_slice %arg2[%dma_wait3A_100, %dma_wait3A_101] : memref<10000x128xf32, #tpu.memory_space<hbm>> -> memref<10000x128xf32, #tpu.memory_space<hbm>>
        tpu.wait_indirect_dma semaphore(%arg12 : memref<!tpu.dma_semaphore, #tpu.memory_space<semaphore_mem>>) src(%dma_wait3A_102 : memref<10000x128xf32, #tpu.memory_space<hbm>>) dst(%arg9 : memref<80x128xf32, #tpu.memory_space<vmem>>)
        "tpu.region"() ({
          %run_scoped3A_143 = tpu.sem_alloc : memref<!tpu.dma_semaphore, #tpu.memory_space<semaphore_mem>>
          %dma_start3A_144 = arith.constant 0 : i32
          %dma_start3A_145 = tpu.memref_slice %arg8[%add3A_96, %dma_start3A_144] : memref<25x80xi32, #tpu.memory_space<vmem>> -> memref<1x80xi32, #tpu.memory_space<vmem>>
          %dma_start3A_146 = tpu.memref_squeeze %dma_start3A_145 : memref<1x80xi32, #tpu.memory_space<vmem>> -> memref<80xi32, #tpu.memory_space<vmem>>
          %dma_start3A_147 = arith.constant 0 : i32
          %dma_start3A_148 = arith.constant 0 : i32
          %dma_start3A_149 = tpu.memref_slice %arg15[%dma_start3A_147, %dma_start3A_148] : memref<10000x128xf32, #tpu.memory_space<vmem_shared>> -> memref<10000x128xf32, #tpu.memory_space<vmem_shared>>
          tpu.enqueue_indirect_dma source(%arg9 : memref<80x128xf32, #tpu.memory_space<vmem>>) target(%dma_start3A_149 : memref<10000x128xf32, #tpu.memory_space<vmem_shared>>) offsets(%dma_start3A_146 : memref<80xi32, #tpu.memory_space<vmem>>) semaphore(%run_scoped3A_143 : memref<!tpu.dma_semaphore, #tpu.memory_space<semaphore_mem>>) {add = true}
          %dma_wait3A_150 = arith.constant 0 : i32
          %dma_wait3A_151 = tpu.memref_slice %arg8[%add3A_96, %dma_wait3A_150] : memref<25x80xi32, #tpu.memory_space<vmem>> -> memref<1x80xi32, #tpu.memory_space<vmem>>
          %dma_wait3A_152 = tpu.memref_squeeze %dma_wait3A_151 : memref<1x80xi32, #tpu.memory_space<vmem>> -> memref<80xi32, #tpu.memory_space<vmem>>
          %dma_wait3A_153 = arith.constant 0 : i32
          %dma_wait3A_154 = arith.constant 0 : i32
          %dma_wait3A_155 = tpu.memref_slice %arg15[%dma_wait3A_153, %dma_wait3A_154] : memref<10000x128xf32, #tpu.memory_space<vmem_shared>> -> memref<10000x128xf32, #tpu.memory_space<vmem_shared>>
          tpu.wait_indirect_dma semaphore(%run_scoped3A_143 : memref<!tpu.dma_semaphore, #tpu.memory_space<semaphore_mem>>) src(%arg9 : memref<80x128xf32, #tpu.memory_space<vmem>>) dst(%dma_wait3A_155 : memref<10000x128xf32, #tpu.memory_space<vmem_shared>>)
          tpu.yield
        }) : () -> ()
        %add3A_103 = arith.constant 3 : i32
        %add3A_104 = arith.addi %add3A_96, %add3A_103 : i32
        %dma_start3A_105 = arith.constant 0 : i32
        %dma_start3A_106 = tpu.memref_slice %arg7[%add3A_104, %dma_start3A_105] : memref<25x80xi32, #tpu.memory_space<vmem>> -> memref<1x80xi32, #tpu.memory_space<vmem>>
        %dma_start3A_107 = tpu.memref_squeeze %dma_start3A_106 : memref<1x80xi32, #tpu.memory_space<vmem>> -> memref<80xi32, #tpu.memory_space<vmem>>
        %dma_start3A_108 = arith.constant 0 : i32
        %dma_start3A_109 = arith.constant 0 : i32
        %dma_start3A_110 = tpu.memref_slice %arg2[%dma_start3A_108, %dma_start3A_109] : memref<10000x128xf32, #tpu.memory_space<hbm>> -> memref<10000x128xf32, #tpu.memory_space<hbm>>
        tpu.enqueue_indirect_dma source(%dma_start3A_110 : memref<10000x128xf32, #tpu.memory_space<hbm>>) target(%arg9 : memref<80x128xf32, #tpu.memory_space<vmem>>) offsets(%dma_start3A_107 : memref<80xi32, #tpu.memory_space<vmem>>) semaphore(%arg12 : memref<!tpu.dma_semaphore, #tpu.memory_space<semaphore_mem>>)
        %add3A_111 = arith.constant 1 : i32
        %add3A_112 = arith.addi %mul3A_94, %add3A_111 : i32
        %dma_wait3A_113 = arith.constant 0 : i32
        %dma_wait3A_114 = tpu.memref_slice %arg7[%add3A_112, %dma_wait3A_113] : memref<25x80xi32, #tpu.memory_space<vmem>> -> memref<1x80xi32, #tpu.memory_space<vmem>>
        %dma_wait3A_115 = tpu.memref_squeeze %dma_wait3A_114 : memref<1x80xi32, #tpu.memory_space<vmem>> -> memref<80xi32, #tpu.memory_space<vmem>>
        %dma_wait3A_116 = arith.constant 0 : i32
        %dma_wait3A_117 = arith.constant 0 : i32
        %dma_wait3A_118 = tpu.memref_slice %arg2[%dma_wait3A_116, %dma_wait3A_117] : memref<10000x128xf32, #tpu.memory_space<hbm>> -> memref<10000x128xf32, #tpu.memory_space<hbm>>
        tpu.wait_indirect_dma semaphore(%arg13 : memref<!tpu.dma_semaphore, #tpu.memory_space<semaphore_mem>>) src(%dma_wait3A_118 : memref<10000x128xf32, #tpu.memory_space<hbm>>) dst(%arg10 : memref<80x128xf32, #tpu.memory_space<vmem>>)
        "tpu.region"() ({
          %run_scoped3A_143 = tpu.sem_alloc : memref<!tpu.dma_semaphore, #tpu.memory_space<semaphore_mem>>
          %dma_start3A_144 = arith.constant 0 : i32
          %dma_start3A_145 = tpu.memref_slice %arg8[%add3A_112, %dma_start3A_144] : memref<25x80xi32, #tpu.memory_space<vmem>> -> memref<1x80xi32, #tpu.memory_space<vmem>>
          %dma_start3A_146 = tpu.memref_squeeze %dma_start3A_145 : memref<1x80xi32, #tpu.memory_space<vmem>> -> memref<80xi32, #tpu.memory_space<vmem>>
          %dma_start3A_147 = arith.constant 0 : i32
          %dma_start3A_148 = arith.constant 0 : i32
          %dma_start3A_149 = tpu.memref_slice %arg15[%dma_start3A_147, %dma_start3A_148] : memref<10000x128xf32, #tpu.memory_space<vmem_shared>> -> memref<10000x128xf32, #tpu.memory_space<vmem_shared>>
          tpu.enqueue_indirect_dma source(%arg10 : memref<80x128xf32, #tpu.memory_space<vmem>>) target(%dma_start3A_149 : memref<10000x128xf32, #tpu.memory_space<vmem_shared>>) offsets(%dma_start3A_146 : memref<80xi32, #tpu.memory_space<vmem>>) semaphore(%run_scoped3A_143 : memref<!tpu.dma_semaphore, #tpu.memory_space<semaphore_mem>>) {add = true}
          %dma_wait3A_150 = arith.constant 0 : i32
          %dma_wait3A_151 = tpu.memref_slice %arg8[%add3A_112, %dma_wait3A_150] : memref<25x80xi32, #tpu.memory_space<vmem>> -> memref<1x80xi32, #tpu.memory_space<vmem>>
          %dma_wait3A_152 = tpu.memref_squeeze %dma_wait3A_151 : memref<1x80xi32, #tpu.memory_space<vmem>> -> memref<80xi32, #tpu.memory_space<vmem>>
          %dma_wait3A_153 = arith.constant 0 : i32
          %dma_wait3A_154 = arith.constant 0 : i32
          %dma_wait3A_155 = tpu.memref_slice %arg15[%dma_wait3A_153, %dma_wait3A_154] : memref<10000x128xf32, #tpu.memory_space<vmem_shared>> -> memref<10000x128xf32, #tpu.memory_space<vmem_shared>>
          tpu.wait_indirect_dma semaphore(%run_scoped3A_143 : memref<!tpu.dma_semaphore, #tpu.memory_space<semaphore_mem>>) src(%arg10 : memref<80x128xf32, #tpu.memory_space<vmem>>) dst(%dma_wait3A_155 : memref<10000x128xf32, #tpu.memory_space<vmem_shared>>)
          tpu.yield
        }) : () -> ()
        %add3A_119 = arith.constant 3 : i32
        %add3A_120 = arith.addi %add3A_112, %add3A_119 : i32
        %dma_start3A_121 = arith.constant 0 : i32
        %dma_start3A_122 = tpu.memref_slice %arg7[%add3A_120, %dma_start3A_121] : memref<25x80xi32, #tpu.memory_space<vmem>> -> memref<1x80xi32, #tpu.memory_space<vmem>>
        %dma_start3A_123 = tpu.memref_squeeze %dma_start3A_122 : memref<1x80xi32, #tpu.memory_space<vmem>> -> memref<80xi32, #tpu.memory_space<vmem>>
        %dma_start3A_124 = arith.constant 0 : i32
        %dma_start3A_125 = arith.constant 0 : i32
        %dma_start3A_126 = tpu.memref_slice %arg2[%dma_start3A_124, %dma_start3A_125] : memref<10000x128xf32, #tpu.memory_space<hbm>> -> memref<10000x128xf32, #tpu.memory_space<hbm>>
        tpu.enqueue_indirect_dma source(%dma_start3A_126 : memref<10000x128xf32, #tpu.memory_space<hbm>>) target(%arg10 : memref<80x128xf32, #tpu.memory_space<vmem>>) offsets(%dma_start3A_123 : memref<80xi32, #tpu.memory_space<vmem>>) semaphore(%arg13 : memref<!tpu.dma_semaphore, #tpu.memory_space<semaphore_mem>>)
        %add3A_127 = arith.constant 2 : i32
        %add3A_128 = arith.addi %mul3A_94, %add3A_127 : i32
        %dma_wait3A_129 = arith.constant 0 : i32
        %dma_wait3A_130 = tpu.memref_slice %arg7[%add3A_128, %dma_wait3A_129] : memref<25x80xi32, #tpu.memory_space<vmem>> -> memref<1x80xi32, #tpu.memory_space<vmem>>
        %dma_wait3A_131 = tpu.memref_squeeze %dma_wait3A_130 : memref<1x80xi32, #tpu.memory_space<vmem>> -> memref<80xi32, #tpu.memory_space<vmem>>
        %dma_wait3A_132 = arith.constant 0 : i32
        %dma_wait3A_133 = arith.constant 0 : i32
        %dma_wait3A_134 = tpu.memref_slice %arg2[%dma_wait3A_132, %dma_wait3A_133] : memref<10000x128xf32, #tpu.memory_space<hbm>> -> memref<10000x128xf32, #tpu.memory_space<hbm>>
        tpu.wait_indirect_dma semaphore(%arg14 : memref<!tpu.dma_semaphore, #tpu.memory_space<semaphore_mem>>) src(%dma_wait3A_134 : memref<10000x128xf32, #tpu.memory_space<hbm>>) dst(%arg11 : memref<80x128xf32, #tpu.memory_space<vmem>>)
        "tpu.region"() ({
          %run_scoped3A_143 = tpu.sem_alloc : memref<!tpu.dma_semaphore, #tpu.memory_space<semaphore_mem>>
          %dma_start3A_144 = arith.constant 0 : i32
          %dma_start3A_145 = tpu.memref_slice %arg8[%add3A_128, %dma_start3A_144] : memref<25x80xi32, #tpu.memory_space<vmem>> -> memref<1x80xi32, #tpu.memory_space<vmem>>
          %dma_start3A_146 = tpu.memref_squeeze %dma_start3A_145 : memref<1x80xi32, #tpu.memory_space<vmem>> -> memref<80xi32, #tpu.memory_space<vmem>>
          %dma_start3A_147 = arith.constant 0 : i32
          %dma_start3A_148 = arith.constant 0 : i32
          %dma_start3A_149 = tpu.memref_slice %arg15[%dma_start3A_147, %dma_start3A_148] : memref<10000x128xf32, #tpu.memory_space<vmem_shared>> -> memref<10000x128xf32, #tpu.memory_space<vmem_shared>>
          tpu.enqueue_indirect_dma source(%arg11 : memref<80x128xf32, #tpu.memory_space<vmem>>) target(%dma_start3A_149 : memref<10000x128xf32, #tpu.memory_space<vmem_shared>>) offsets(%dma_start3A_146 : memref<80xi32, #tpu.memory_space<vmem>>) semaphore(%run_scoped3A_143 : memref<!tpu.dma_semaphore, #tpu.memory_space<semaphore_mem>>) {add = true}
          %dma_wait3A_150 = arith.constant 0 : i32
          %dma_wait3A_151 = tpu.memref_slice %arg8[%add3A_128, %dma_wait3A_150] : memref<25x80xi32, #tpu.memory_space<vmem>> -> memref<1x80xi32, #tpu.memory_space<vmem>>
          %dma_wait3A_152 = tpu.memref_squeeze %dma_wait3A_151 : memref<1x80xi32, #tpu.memory_space<vmem>> -> memref<80xi32, #tpu.memory_space<vmem>>
          %dma_wait3A_153 = arith.constant 0 : i32
          %dma_wait3A_154 = arith.constant 0 : i32
          %dma_wait3A_155 = tpu.memref_slice %arg15[%dma_wait3A_153, %dma_wait3A_154] : memref<10000x128xf32, #tpu.memory_space<vmem_shared>> -> memref<10000x128xf32, #tpu.memory_space<vmem_shared>>
          tpu.wait_indirect_dma semaphore(%run_scoped3A_143 : memref<!tpu.dma_semaphore, #tpu.memory_space<semaphore_mem>>) src(%arg11 : memref<80x128xf32, #tpu.memory_space<vmem>>) dst(%dma_wait3A_155 : memref<10000x128xf32, #tpu.memory_space<vmem_shared>>)
          tpu.yield
        }) : () -> ()
        %add3A_135 = arith.constant 3 : i32
        %add3A_136 = arith.addi %add3A_128, %add3A_135 : i32
        %dma_start3A_137 = arith.constant 0 : i32
        %dma_start3A_138 = tpu.memref_slice %arg7[%add3A_136, %dma_start3A_137] : memref<25x80xi32, #tpu.memory_space<vmem>> -> memref<1x80xi32, #tpu.memory_space<vmem>>
        %dma_start3A_139 = tpu.memref_squeeze %dma_start3A_138 : memref<1x80xi32, #tpu.memory_space<vmem>> -> memref<80xi32, #tpu.memory_space<vmem>>
        %dma_start3A_140 = arith.constant 0 : i32
        %dma_start3A_141 = arith.constant 0 : i32
        %dma_start3A_142 = tpu.memref_slice %arg2[%dma_start3A_140, %dma_start3A_141] : memref<10000x128xf32, #tpu.memory_space<hbm>> -> memref<10000x128xf32, #tpu.memory_space<hbm>>
        tpu.enqueue_indirect_dma source(%dma_start3A_142 : memref<10000x128xf32, #tpu.memory_space<hbm>>) target(%arg11 : memref<80x128xf32, #tpu.memory_space<vmem>>) offsets(%dma_start3A_139 : memref<80xi32, #tpu.memory_space<vmem>>) semaphore(%arg14 : memref<!tpu.dma_semaphore, #tpu.memory_space<semaphore_mem>>)
      }
      %scan3A_54 = arith.constant 7 : i32
      %dma_wait3A = arith.constant 21 : i32
      %dma_wait3A_55 = arith.constant 0 : i32
      %dma_wait3A_56 = tpu.memref_slice %arg7[%dma_wait3A, %dma_wait3A_55] : memref<25x80xi32, #tpu.memory_space<vmem>> -> memref<1x80xi32, #tpu.memory_space<vmem>>
      %dma_wait3A_57 = tpu.memref_squeeze %dma_wait3A_56 : memref<1x80xi32, #tpu.memory_space<vmem>> -> memref<80xi32, #tpu.memory_space<vmem>>
      %dma_wait3A_58 = arith.constant 0 : i32
      %dma_wait3A_59 = arith.constant 0 : i32
      %dma_wait3A_60 = tpu.memref_slice %arg2[%dma_wait3A_58, %dma_wait3A_59] : memref<10000x128xf32, #tpu.memory_space<hbm>> -> memref<10000x128xf32, #tpu.memory_space<hbm>>
      tpu.wait_indirect_dma semaphore(%arg12 : memref<!tpu.dma_semaphore, #tpu.memory_space<semaphore_mem>>) src(%dma_wait3A_60 : memref<10000x128xf32, #tpu.memory_space<hbm>>) dst(%arg9 : memref<80x128xf32, #tpu.memory_space<vmem>>)
      %run_scoped3A = arith.constant 21 : i32
      "tpu.region"() ({
        %run_scoped3A_92 = tpu.sem_alloc : memref<!tpu.dma_semaphore, #tpu.memory_space<semaphore_mem>>
        %dma_start3A_93 = arith.constant 0 : i32
        %dma_start3A_94 = tpu.memref_slice %arg8[%run_scoped3A, %dma_start3A_93] : memref<25x80xi32, #tpu.memory_space<vmem>> -> memref<1x80xi32, #tpu.memory_space<vmem>>
        %dma_start3A_95 = tpu.memref_squeeze %dma_start3A_94 : memref<1x80xi32, #tpu.memory_space<vmem>> -> memref<80xi32, #tpu.memory_space<vmem>>
        %dma_start3A_96 = arith.constant 0 : i32
        %dma_start3A_97 = arith.constant 0 : i32
        %dma_start3A_98 = tpu.memref_slice %arg15[%dma_start3A_96, %dma_start3A_97] : memref<10000x128xf32, #tpu.memory_space<vmem_shared>> -> memref<10000x128xf32, #tpu.memory_space<vmem_shared>>
        tpu.enqueue_indirect_dma source(%arg9 : memref<80x128xf32, #tpu.memory_space<vmem>>) target(%dma_start3A_98 : memref<10000x128xf32, #tpu.memory_space<vmem_shared>>) offsets(%dma_start3A_95 : memref<80xi32, #tpu.memory_space<vmem>>) semaphore(%run_scoped3A_92 : memref<!tpu.dma_semaphore, #tpu.memory_space<semaphore_mem>>) {add = true}
        %dma_wait3A_99 = arith.constant 0 : i32
        %dma_wait3A_100 = tpu.memref_slice %arg8[%run_scoped3A, %dma_wait3A_99] : memref<25x80xi32, #tpu.memory_space<vmem>> -> memref<1x80xi32, #tpu.memory_space<vmem>>
        %dma_wait3A_101 = tpu.memref_squeeze %dma_wait3A_100 : memref<1x80xi32, #tpu.memory_space<vmem>> -> memref<80xi32, #tpu.memory_space<vmem>>
        %dma_wait3A_102 = arith.constant 0 : i32
        %dma_wait3A_103 = arith.constant 0 : i32
        %dma_wait3A_104 = tpu.memref_slice %arg15[%dma_wait3A_102, %dma_wait3A_103] : memref<10000x128xf32, #tpu.memory_space<vmem_shared>> -> memref<10000x128xf32, #tpu.memory_space<vmem_shared>>
        tpu.wait_indirect_dma semaphore(%run_scoped3A_92 : memref<!tpu.dma_semaphore, #tpu.memory_space<semaphore_mem>>) src(%arg9 : memref<80x128xf32, #tpu.memory_space<vmem>>) dst(%dma_wait3A_104 : memref<10000x128xf32, #tpu.memory_space<vmem_shared>>)
        tpu.yield
      }) : () -> ()
      %dma_start3A_61 = arith.constant 24 : i32
      %dma_start3A_62 = arith.constant 0 : i32
      %dma_start3A_63 = tpu.memref_slice %arg7[%dma_start3A_61, %dma_start3A_62] : memref<25x80xi32, #tpu.memory_space<vmem>> -> memref<1x80xi32, #tpu.memory_space<vmem>>
      %dma_start3A_64 = tpu.memref_squeeze %dma_start3A_63 : memref<1x80xi32, #tpu.memory_space<vmem>> -> memref<80xi32, #tpu.memory_space<vmem>>
      %dma_start3A_65 = arith.constant 0 : i32
      %dma_start3A_66 = arith.constant 0 : i32
      %dma_start3A_67 = tpu.memref_slice %arg2[%dma_start3A_65, %dma_start3A_66] : memref<10000x128xf32, #tpu.memory_space<hbm>> -> memref<10000x128xf32, #tpu.memory_space<hbm>>
      tpu.enqueue_indirect_dma source(%dma_start3A_67 : memref<10000x128xf32, #tpu.memory_space<hbm>>) target(%arg9 : memref<80x128xf32, #tpu.memory_space<vmem>>) offsets(%dma_start3A_64 : memref<80xi32, #tpu.memory_space<vmem>>) semaphore(%arg12 : memref<!tpu.dma_semaphore, #tpu.memory_space<semaphore_mem>>)
      %dma_wait3A_68 = arith.constant 22 : i32
      %dma_wait3A_69 = arith.constant 0 : i32
      %dma_wait3A_70 = tpu.memref_slice %arg7[%dma_wait3A_68, %dma_wait3A_69] : memref<25x80xi32, #tpu.memory_space<vmem>> -> memref<1x80xi32, #tpu.memory_space<vmem>>
      %dma_wait3A_71 = tpu.memref_squeeze %dma_wait3A_70 : memref<1x80xi32, #tpu.memory_space<vmem>> -> memref<80xi32, #tpu.memory_space<vmem>>
      %dma_wait3A_72 = arith.constant 0 : i32
      %dma_wait3A_73 = arith.constant 0 : i32
      %dma_wait3A_74 = tpu.memref_slice %arg2[%dma_wait3A_72, %dma_wait3A_73] : memref<10000x128xf32, #tpu.memory_space<hbm>> -> memref<10000x128xf32, #tpu.memory_space<hbm>>
      tpu.wait_indirect_dma semaphore(%arg13 : memref<!tpu.dma_semaphore, #tpu.memory_space<semaphore_mem>>) src(%dma_wait3A_74 : memref<10000x128xf32, #tpu.memory_space<hbm>>) dst(%arg10 : memref<80x128xf32, #tpu.memory_space<vmem>>)
      %run_scoped3A_75 = arith.constant 22 : i32
      "tpu.region"() ({
        %run_scoped3A_92 = tpu.sem_alloc : memref<!tpu.dma_semaphore, #tpu.memory_space<semaphore_mem>>
        %dma_start3A_93 = arith.constant 0 : i32
        %dma_start3A_94 = tpu.memref_slice %arg8[%run_scoped3A_75, %dma_start3A_93] : memref<25x80xi32, #tpu.memory_space<vmem>> -> memref<1x80xi32, #tpu.memory_space<vmem>>
        %dma_start3A_95 = tpu.memref_squeeze %dma_start3A_94 : memref<1x80xi32, #tpu.memory_space<vmem>> -> memref<80xi32, #tpu.memory_space<vmem>>
        %dma_start3A_96 = arith.constant 0 : i32
        %dma_start3A_97 = arith.constant 0 : i32
        %dma_start3A_98 = tpu.memref_slice %arg15[%dma_start3A_96, %dma_start3A_97] : memref<10000x128xf32, #tpu.memory_space<vmem_shared>> -> memref<10000x128xf32, #tpu.memory_space<vmem_shared>>
        tpu.enqueue_indirect_dma source(%arg10 : memref<80x128xf32, #tpu.memory_space<vmem>>) target(%dma_start3A_98 : memref<10000x128xf32, #tpu.memory_space<vmem_shared>>) offsets(%dma_start3A_95 : memref<80xi32, #tpu.memory_space<vmem>>) semaphore(%run_scoped3A_92 : memref<!tpu.dma_semaphore, #tpu.memory_space<semaphore_mem>>) {add = true}
        %dma_wait3A_99 = arith.constant 0 : i32
        %dma_wait3A_100 = tpu.memref_slice %arg8[%run_scoped3A_75, %dma_wait3A_99] : memref<25x80xi32, #tpu.memory_space<vmem>> -> memref<1x80xi32, #tpu.memory_space<vmem>>
        %dma_wait3A_101 = tpu.memref_squeeze %dma_wait3A_100 : memref<1x80xi32, #tpu.memory_space<vmem>> -> memref<80xi32, #tpu.memory_space<vmem>>
        %dma_wait3A_102 = arith.constant 0 : i32
        %dma_wait3A_103 = arith.constant 0 : i32
        %dma_wait3A_104 = tpu.memref_slice %arg15[%dma_wait3A_102, %dma_wait3A_103] : memref<10000x128xf32, #tpu.memory_space<vmem_shared>> -> memref<10000x128xf32, #tpu.memory_space<vmem_shared>>
        tpu.wait_indirect_dma semaphore(%run_scoped3A_92 : memref<!tpu.dma_semaphore, #tpu.memory_space<semaphore_mem>>) src(%arg10 : memref<80x128xf32, #tpu.memory_space<vmem>>) dst(%dma_wait3A_104 : memref<10000x128xf32, #tpu.memory_space<vmem_shared>>)
        tpu.yield
      }) : () -> ()
      %dma_wait3A_76 = arith.constant 23 : i32
      %dma_wait3A_77 = arith.constant 0 : i32
      %dma_wait3A_78 = tpu.memref_slice %arg7[%dma_wait3A_76, %dma_wait3A_77] : memref<25x80xi32, #tpu.memory_space<vmem>> -> memref<1x80xi32, #tpu.memory_space<vmem>>
      %dma_wait3A_79 = tpu.memref_squeeze %dma_wait3A_78 : memref<1x80xi32, #tpu.memory_space<vmem>> -> memref<80xi32, #tpu.memory_space<vmem>>
      %dma_wait3A_80 = arith.constant 0 : i32
      %dma_wait3A_81 = arith.constant 0 : i32
      %dma_wait3A_82 = tpu.memref_slice %arg2[%dma_wait3A_80, %dma_wait3A_81] : memref<10000x128xf32, #tpu.memory_space<hbm>> -> memref<10000x128xf32, #tpu.memory_space<hbm>>
      tpu.wait_indirect_dma semaphore(%arg14 : memref<!tpu.dma_semaphore, #tpu.memory_space<semaphore_mem>>) src(%dma_wait3A_82 : memref<10000x128xf32, #tpu.memory_space<hbm>>) dst(%arg11 : memref<80x128xf32, #tpu.memory_space<vmem>>)
      %run_scoped3A_83 = arith.constant 23 : i32
      "tpu.region"() ({
        %run_scoped3A_92 = tpu.sem_alloc : memref<!tpu.dma_semaphore, #tpu.memory_space<semaphore_mem>>
        %dma_start3A_93 = arith.constant 0 : i32
        %dma_start3A_94 = tpu.memref_slice %arg8[%run_scoped3A_83, %dma_start3A_93] : memref<25x80xi32, #tpu.memory_space<vmem>> -> memref<1x80xi32, #tpu.memory_space<vmem>>
        %dma_start3A_95 = tpu.memref_squeeze %dma_start3A_94 : memref<1x80xi32, #tpu.memory_space<vmem>> -> memref<80xi32, #tpu.memory_space<vmem>>
        %dma_start3A_96 = arith.constant 0 : i32
        %dma_start3A_97 = arith.constant 0 : i32
        %dma_start3A_98 = tpu.memref_slice %arg15[%dma_start3A_96, %dma_start3A_97] : memref<10000x128xf32, #tpu.memory_space<vmem_shared>> -> memref<10000x128xf32, #tpu.memory_space<vmem_shared>>
        tpu.enqueue_indirect_dma source(%arg11 : memref<80x128xf32, #tpu.memory_space<vmem>>) target(%dma_start3A_98 : memref<10000x128xf32, #tpu.memory_space<vmem_shared>>) offsets(%dma_start3A_95 : memref<80xi32, #tpu.memory_space<vmem>>) semaphore(%run_scoped3A_92 : memref<!tpu.dma_semaphore, #tpu.memory_space<semaphore_mem>>) {add = true}
        %dma_wait3A_99 = arith.constant 0 : i32
        %dma_wait3A_100 = tpu.memref_slice %arg8[%run_scoped3A_83, %dma_wait3A_99] : memref<25x80xi32, #tpu.memory_space<vmem>> -> memref<1x80xi32, #tpu.memory_space<vmem>>
        %dma_wait3A_101 = tpu.memref_squeeze %dma_wait3A_100 : memref<1x80xi32, #tpu.memory_space<vmem>> -> memref<80xi32, #tpu.memory_space<vmem>>
        %dma_wait3A_102 = arith.constant 0 : i32
        %dma_wait3A_103 = arith.constant 0 : i32
        %dma_wait3A_104 = tpu.memref_slice %arg15[%dma_wait3A_102, %dma_wait3A_103] : memref<10000x128xf32, #tpu.memory_space<vmem_shared>> -> memref<10000x128xf32, #tpu.memory_space<vmem_shared>>
        tpu.wait_indirect_dma semaphore(%run_scoped3A_92 : memref<!tpu.dma_semaphore, #tpu.memory_space<semaphore_mem>>) src(%arg11 : memref<80x128xf32, #tpu.memory_space<vmem>>) dst(%dma_wait3A_104 : memref<10000x128xf32, #tpu.memory_space<vmem_shared>>)
        tpu.yield
      }) : () -> ()
      %dma_wait3A_84 = arith.constant 24 : i32
      %dma_wait3A_85 = arith.constant 0 : i32
      %dma_wait3A_86 = tpu.memref_slice %arg7[%dma_wait3A_84, %dma_wait3A_85] : memref<25x80xi32, #tpu.memory_space<vmem>> -> memref<1x80xi32, #tpu.memory_space<vmem>>
      %dma_wait3A_87 = tpu.memref_squeeze %dma_wait3A_86 : memref<1x80xi32, #tpu.memory_space<vmem>> -> memref<80xi32, #tpu.memory_space<vmem>>
      %dma_wait3A_88 = arith.constant 0 : i32
      %dma_wait3A_89 = arith.constant 0 : i32
      %dma_wait3A_90 = tpu.memref_slice %arg2[%dma_wait3A_88, %dma_wait3A_89] : memref<10000x128xf32, #tpu.memory_space<hbm>> -> memref<10000x128xf32, #tpu.memory_space<hbm>>
      tpu.wait_indirect_dma semaphore(%arg12 : memref<!tpu.dma_semaphore, #tpu.memory_space<semaphore_mem>>) src(%dma_wait3A_90 : memref<10000x128xf32, #tpu.memory_space<hbm>>) dst(%arg9 : memref<80x128xf32, #tpu.memory_space<vmem>>)
      %run_scoped3A_91 = arith.constant 24 : i32
      "tpu.region"() ({
        %run_scoped3A_92 = tpu.sem_alloc : memref<!tpu.dma_semaphore, #tpu.memory_space<semaphore_mem>>
        %dma_start3A_93 = arith.constant 0 : i32
        %dma_start3A_94 = tpu.memref_slice %arg8[%run_scoped3A_91, %dma_start3A_93] : memref<25x80xi32, #tpu.memory_space<vmem>> -> memref<1x80xi32, #tpu.memory_space<vmem>>
        %dma_start3A_95 = tpu.memref_squeeze %dma_start3A_94 : memref<1x80xi32, #tpu.memory_space<vmem>> -> memref<80xi32, #tpu.memory_space<vmem>>
        %dma_start3A_96 = arith.constant 0 : i32
        %dma_start3A_97 = arith.constant 0 : i32
        %dma_start3A_98 = tpu.memref_slice %arg15[%dma_start3A_96, %dma_start3A_97] : memref<10000x128xf32, #tpu.memory_space<vmem_shared>> -> memref<10000x128xf32, #tpu.memory_space<vmem_shared>>
        tpu.enqueue_indirect_dma source(%arg9 : memref<80x128xf32, #tpu.memory_space<vmem>>) target(%dma_start3A_98 : memref<10000x128xf32, #tpu.memory_space<vmem_shared>>) offsets(%dma_start3A_95 : memref<80xi32, #tpu.memory_space<vmem>>) semaphore(%run_scoped3A_92 : memref<!tpu.dma_semaphore, #tpu.memory_space<semaphore_mem>>) {add = true}
        %dma_wait3A_99 = arith.constant 0 : i32
        %dma_wait3A_100 = tpu.memref_slice %arg8[%run_scoped3A_91, %dma_wait3A_99] : memref<25x80xi32, #tpu.memory_space<vmem>> -> memref<1x80xi32, #tpu.memory_space<vmem>>
        %dma_wait3A_101 = tpu.memref_squeeze %dma_wait3A_100 : memref<1x80xi32, #tpu.memory_space<vmem>> -> memref<80xi32, #tpu.memory_space<vmem>>
        %dma_wait3A_102 = arith.constant 0 : i32
        %dma_wait3A_103 = arith.constant 0 : i32
        %dma_wait3A_104 = tpu.memref_slice %arg15[%dma_wait3A_102, %dma_wait3A_103] : memref<10000x128xf32, #tpu.memory_space<vmem_shared>> -> memref<10000x128xf32, #tpu.memory_space<vmem_shared>>
        tpu.wait_indirect_dma semaphore(%run_scoped3A_92 : memref<!tpu.dma_semaphore, #tpu.memory_space<semaphore_mem>>) src(%arg9 : memref<80x128xf32, #tpu.memory_space<vmem>>) dst(%dma_wait3A_104 : memref<10000x128xf32, #tpu.memory_space<vmem_shared>>)
        tpu.yield
      }) : () -> ()
    }
    %scan3A_13 = arith.constant 5 : i32
    %barrier3A_14 = arith.constant 0 : index
    tpu.barrier barrier_id(%barrier3A_14)
    %barrier3A_15 = arith.constant 0 : index
    tpu.barrier barrier_id(%barrier3A_15)
    %mul3A_16 = arith.constant 624 : i32
    %mul3A_17 = arith.muli %arg1, %mul3A_16 : i32
    %eq3A_18 = arith.constant 15 : i32
    %eq3A_19 = arith.cmpi eq, %arg1, %eq3A_18 : i32
    %convert_element_type3A_20 = arith.extui %eq3A_19 : i1 to i32
    %cond3A_21 = arith.constant 0 : i32
    %cond3A_22 = arith.cmpi ne, %convert_element_type3A_20, %cond3A_21 : i32
    scf.if %cond3A_22 {
      "tpu.region"() ({
        %run_scoped3A = tpu.sem_alloc : memref<!tpu.dma_semaphore, #tpu.memory_space<semaphore_mem>>
        %dma_start3A = arith.constant 0 : i32
        %dma_start3A_28 = tpu.memref_slice %arg6[%arg0, %mul3A_17, %dma_start3A] : memref<2x10000x128xf32, #tpu.memory_space<hbm>> -> memref<1x640x128xf32, #tpu.memory_space<hbm>>
        %dma_start3A_29 = tpu.memref_squeeze %dma_start3A_28 : memref<1x640x128xf32, #tpu.memory_space<hbm>> -> memref<640x128xf32, #tpu.memory_space<hbm>>
        %dma_start3A_30 = arith.constant 0 : i32
        %dma_start3A_31 = tpu.memref_slice %arg15[%mul3A_17, %dma_start3A_30] : memref<10000x128xf32, #tpu.memory_space<vmem_shared>> -> memref<640x128xf32, #tpu.memory_space<vmem_shared>>
        tpu.enqueue_dma source(%dma_start3A_31 : memref<640x128xf32, #tpu.memory_space<vmem_shared>>) target(%dma_start3A_29 : memref<640x128xf32, #tpu.memory_space<hbm>>) target_semaphore(%run_scoped3A : memref<!tpu.dma_semaphore, #tpu.memory_space<semaphore_mem>>)
        %dma_wait3A = arith.constant 0 : i32
        %dma_wait3A_32 = tpu.memref_slice %arg6[%arg0, %mul3A_17, %dma_wait3A] : memref<2x10000x128xf32, #tpu.memory_space<hbm>> -> memref<1x640x128xf32, #tpu.memory_space<hbm>>
        %dma_wait3A_33 = tpu.memref_squeeze %dma_wait3A_32 : memref<1x640x128xf32, #tpu.memory_space<hbm>> -> memref<640x128xf32, #tpu.memory_space<hbm>>
        %dma_wait3A_34 = arith.constant 0 : i32
        %dma_wait3A_35 = tpu.memref_slice %arg15[%mul3A_17, %dma_wait3A_34] : memref<10000x128xf32, #tpu.memory_space<vmem_shared>> -> memref<640x128xf32, #tpu.memory_space<vmem_shared>>
        tpu.wait_dma2 semaphore(%run_scoped3A : memref<!tpu.dma_semaphore, #tpu.memory_space<semaphore_mem>>) src(%dma_wait3A_35 : memref<640x128xf32, #tpu.memory_space<vmem_shared>>) dst(%dma_wait3A_33 : memref<640x128xf32, #tpu.memory_space<hbm>>)
        tpu.yield
      }) : () -> ()
    } else {
    }
    %lt3A_23 = arith.constant 15 : i32
    %lt3A_24 = arith.cmpi slt, %arg1, %lt3A_23 : i32
    %convert_element_type3A_25 = arith.extui %lt3A_24 : i1 to i32
    %cond3A_26 = arith.constant 0 : i32
    %cond3A_27 = arith.cmpi ne, %convert_element_type3A_25, %cond3A_26 : i32
    scf.if %cond3A_27 {
      "tpu.region"() ({
        %run_scoped3A = tpu.sem_alloc : memref<!tpu.dma_semaphore, #tpu.memory_space<semaphore_mem>>
        %dma_start3A = arith.constant 0 : i32
        %dma_start3A_28 = tpu.memref_slice %arg6[%arg0, %mul3A_17, %dma_start3A] : memref<2x10000x128xf32, #tpu.memory_space<hbm>> -> memref<1x624x128xf32, #tpu.memory_space<hbm>>
        %dma_start3A_29 = tpu.memref_squeeze %dma_start3A_28 : memref<1x624x128xf32, #tpu.memory_space<hbm>> -> memref<624x128xf32, #tpu.memory_space<hbm>>
        %dma_start3A_30 = arith.constant 0 : i32
        %dma_start3A_31 = tpu.memref_slice %arg15[%mul3A_17, %dma_start3A_30] : memref<10000x128xf32, #tpu.memory_space<vmem_shared>> -> memref<624x128xf32, #tpu.memory_space<vmem_shared>>
        tpu.enqueue_dma source(%dma_start3A_31 : memref<624x128xf32, #tpu.memory_space<vmem_shared>>) target(%dma_start3A_29 : memref<624x128xf32, #tpu.memory_space<hbm>>) target_semaphore(%run_scoped3A : memref<!tpu.dma_semaphore, #tpu.memory_space<semaphore_mem>>)
        %dma_wait3A = arith.constant 0 : i32
        %dma_wait3A_32 = tpu.memref_slice %arg6[%arg0, %mul3A_17, %dma_wait3A] : memref<2x10000x128xf32, #tpu.memory_space<hbm>> -> memref<1x624x128xf32, #tpu.memory_space<hbm>>
        %dma_wait3A_33 = tpu.memref_squeeze %dma_wait3A_32 : memref<1x624x128xf32, #tpu.memory_space<hbm>> -> memref<624x128xf32, #tpu.memory_space<hbm>>
        %dma_wait3A_34 = arith.constant 0 : i32
        %dma_wait3A_35 = tpu.memref_slice %arg15[%mul3A_17, %dma_wait3A_34] : memref<10000x128xf32, #tpu.memory_space<vmem_shared>> -> memref<624x128xf32, #tpu.memory_space<vmem_shared>>
        tpu.wait_dma2 semaphore(%run_scoped3A : memref<!tpu.dma_semaphore, #tpu.memory_space<semaphore_mem>>) src(%dma_wait3A_35 : memref<624x128xf32, #tpu.memory_space<vmem_shared>>) dst(%dma_wait3A_33 : memref<624x128xf32, #tpu.memory_space<hbm>>)
        tpu.yield
      }) : () -> ()
    } else {
    }
    return
  }
}

#map = affine_map<(d0, d1) -> (0, 0)>
#map1 = affine_map<(d0, d1) -> (0, 0, 0, 0)>
#map2 = affine_map<(d0, d1) -> (0, 0, 0)>
module attributes {stable_mosaic.version = 14 : i64} {
  func.func @agg_kernel(%arg0: i32, %arg1: i32, %arg2: memref<10000x128xf32, #tpu.memory_space<hbm>>, %arg3: memref<32x5x25x80xi32, #tpu.memory_space<hbm>>, %arg4: memref<32x5x25x80xi32, #tpu.memory_space<hbm>>, %arg5: memref<640x128xf32, #tpu.memory_space<hbm>>, %arg6: memref<2x10000x128xf32, #tpu.memory_space<hbm>>, %arg7: memref<25x80xi32, #tpu.memory_space<vmem>>, %arg8: memref<25x80xi32, #tpu.memory_space<vmem>>, %arg9: memref<80x128xf32, #tpu.memory_space<vmem>>, %arg10: memref<80x128xf32, #tpu.memory_space<vmem>>, %arg11: memref<80x128xf32, #tpu.memory_space<vmem>>, %arg12: memref<!tpu.dma_semaphore, #tpu.memory_space<semaphore_mem>>, %arg13: memref<!tpu.dma_semaphore, #tpu.memory_space<semaphore_mem>>, %arg14: memref<!tpu.dma_semaphore, #tpu.memory_space<semaphore_mem>>, %arg15: memref<10000x128xf32, #tpu.memory_space<vmem_shared>>) attributes {dimension_semantics = [#tpu.dimension_semantics<core_parallel>, #tpu.dimension_semantics<subcore_parallel>], iteration_bounds = array<i64: 2, 16>, scalar_prefetch = 0 : i64, scratch_operands = 9 : i64, tpu.core_type = #tpu.core_type<sc_vector_subcore>, window_params = [{transform_indices = #map}, {transform_indices = #map1}, {transform_indices = #map1}, {transform_indices = #map}, {transform_indices = #map2}]} {
    %mul3A = arith.constant 2 : i32
    %mul3A_0 = arith.muli %arg1, %mul3A : i32
    %add3A = arith.addi %mul3A_0, %arg0 : i32
    %mul3A_1 = arith.constant 624 : i32
    %mul3A_2 = arith.muli %arg1, %mul3A_1 : i32
    %eq3A = arith.constant 15 : i32
    %eq3A_3 = arith.cmpi eq, %arg1, %eq3A : i32
    %convert_element_type3A = arith.extui %eq3A_3 : i1 to i32
    %cond3A = arith.constant 0 : i32
    %cond3A_4 = arith.cmpi ne, %convert_element_type3A, %cond3A : i32
    scf.if %cond3A_4 {
      "tpu.region"() ({
        %run_scoped3A = tpu.sem_alloc : memref<!tpu.dma_semaphore, #tpu.memory_space<semaphore_mem>>
        %dma_start3A = arith.constant 0 : i32
        %dma_start3A_28 = tpu.memref_slice %arg15[%mul3A_2, %dma_start3A] : memref<10000x128xf32, #tpu.memory_space<vmem_shared>> -> memref<640x128xf32, #tpu.memory_space<vmem_shared>>
        tpu.enqueue_dma source(%arg5 : memref<640x128xf32, #tpu.memory_space<hbm>>) target(%dma_start3A_28 : memref<640x128xf32, #tpu.memory_space<vmem_shared>>) target_semaphore(%run_scoped3A : memref<!tpu.dma_semaphore, #tpu.memory_space<semaphore_mem>>)
        %dma_wait3A = arith.constant 0 : i32
        %dma_wait3A_29 = tpu.memref_slice %arg15[%mul3A_2, %dma_wait3A] : memref<10000x128xf32, #tpu.memory_space<vmem_shared>> -> memref<640x128xf32, #tpu.memory_space<vmem_shared>>
        tpu.wait_dma2 semaphore(%run_scoped3A : memref<!tpu.dma_semaphore, #tpu.memory_space<semaphore_mem>>) src(%arg5 : memref<640x128xf32, #tpu.memory_space<hbm>>) dst(%dma_wait3A_29 : memref<640x128xf32, #tpu.memory_space<vmem_shared>>)
        tpu.yield
      }) : () -> ()
    } else {
    }
    %lt3A = arith.constant 15 : i32
    %lt3A_5 = arith.cmpi slt, %arg1, %lt3A : i32
    %convert_element_type3A_6 = arith.extui %lt3A_5 : i1 to i32
    %cond3A_7 = arith.constant 0 : i32
    %cond3A_8 = arith.cmpi ne, %convert_element_type3A_6, %cond3A_7 : i32
    scf.if %cond3A_8 {
      "tpu.region"() ({
        %run_scoped3A = tpu.sem_alloc : memref<!tpu.dma_semaphore, #tpu.memory_space<semaphore_mem>>
        %dma_start3A = arith.constant 0 : i32
        %dma_start3A_28 = tpu.memref_slice %arg15[%mul3A_2, %dma_start3A] : memref<10000x128xf32, #tpu.memory_space<vmem_shared>> -> memref<624x128xf32, #tpu.memory_space<vmem_shared>>
        %dma_start3A_29 = arith.constant 0 : i32
        %dma_start3A_30 = arith.constant 0 : i32
        %dma_start3A_31 = tpu.memref_slice %arg5[%dma_start3A_29, %dma_start3A_30] : memref<640x128xf32, #tpu.memory_space<hbm>> -> memref<624x128xf32, #tpu.memory_space<hbm>>
        tpu.enqueue_dma source(%dma_start3A_31 : memref<624x128xf32, #tpu.memory_space<hbm>>) target(%dma_start3A_28 : memref<624x128xf32, #tpu.memory_space<vmem_shared>>) target_semaphore(%run_scoped3A : memref<!tpu.dma_semaphore, #tpu.memory_space<semaphore_mem>>)
        %dma_wait3A = arith.constant 0 : i32
        %dma_wait3A_32 = tpu.memref_slice %arg15[%mul3A_2, %dma_wait3A] : memref<10000x128xf32, #tpu.memory_space<vmem_shared>> -> memref<624x128xf32, #tpu.memory_space<vmem_shared>>
        %dma_wait3A_33 = arith.constant 0 : i32
        %dma_wait3A_34 = arith.constant 0 : i32
        %dma_wait3A_35 = tpu.memref_slice %arg5[%dma_wait3A_33, %dma_wait3A_34] : memref<640x128xf32, #tpu.memory_space<hbm>> -> memref<624x128xf32, #tpu.memory_space<hbm>>
        tpu.wait_dma2 semaphore(%run_scoped3A : memref<!tpu.dma_semaphore, #tpu.memory_space<semaphore_mem>>) src(%dma_wait3A_35 : memref<624x128xf32, #tpu.memory_space<hbm>>) dst(%dma_wait3A_32 : memref<624x128xf32, #tpu.memory_space<vmem_shared>>)
        tpu.yield
      }) : () -> ()
    } else {
    }
    %barrier3A = arith.constant 0 : index
    tpu.barrier barrier_id(%barrier3A)
    %scan3A = arith.constant 0 : i32
    %scan3A_9 = arith.constant 0 : i32
    %scan3A_10 = arith.constant 5 : i32
    %scan3A_11 = arith.addi %scan3A_9, %scan3A_10 : i32
    %scan3A_12 = arith.constant 1 : i32
    scf.for %scan3A_28 = %scan3A_9 to %scan3A_11 step %scan3A_12  : i32 {
      "tpu.region"() ({
        %run_scoped3A_92 = tpu.sem_alloc : memref<!tpu.dma_semaphore, #tpu.memory_space<semaphore_mem>>
        %dma_start3A_93 = arith.constant 0 : i32
        %dma_start3A_94 = arith.constant 0 : i32
        %dma_start3A_95 = tpu.memref_slice %arg3[%add3A, %scan3A_28, %dma_start3A_93, %dma_start3A_94] : memref<32x5x25x80xi32, #tpu.memory_space<hbm>> -> memref<1x1x25x80xi32, #tpu.memory_space<hbm>>
        %dma_start3A_96 = tpu.memref_squeeze %dma_start3A_95 : memref<1x1x25x80xi32, #tpu.memory_space<hbm>> -> memref<25x80xi32, #tpu.memory_space<hbm>>
        %dma_start3A_97 = arith.constant 0 : i32
        %dma_start3A_98 = arith.constant 0 : i32
        %dma_start3A_99 = tpu.memref_slice %arg3[%add3A, %scan3A_28, %dma_start3A_97, %dma_start3A_98] : memref<32x5x25x80xi32, #tpu.memory_space<hbm>> -> memref<1x1x25x80xi32, #tpu.memory_space<hbm>>
        %dma_start3A_100 = tpu.memref_squeeze %dma_start3A_99 : memref<1x1x25x80xi32, #tpu.memory_space<hbm>> -> memref<25x80xi32, #tpu.memory_space<hbm>>
        tpu.enqueue_dma source(%dma_start3A_100 : memref<25x80xi32, #tpu.memory_space<hbm>>) target(%arg7 : memref<25x80xi32, #tpu.memory_space<vmem>>) target_semaphore(%run_scoped3A_92 : memref<!tpu.dma_semaphore, #tpu.memory_space<semaphore_mem>>)
        %dma_wait3A_101 = arith.constant 0 : i32
        %dma_wait3A_102 = arith.constant 0 : i32
        %dma_wait3A_103 = tpu.memref_slice %arg3[%add3A, %scan3A_28, %dma_wait3A_101, %dma_wait3A_102] : memref<32x5x25x80xi32, #tpu.memory_space<hbm>> -> memref<1x1x25x80xi32, #tpu.memory_space<hbm>>
        %dma_wait3A_104 = tpu.memref_squeeze %dma_wait3A_103 : memref<1x1x25x80xi32, #tpu.memory_space<hbm>> -> memref<25x80xi32, #tpu.memory_space<hbm>>
        %dma_wait3A_105 = arith.constant 0 : i32
        %dma_wait3A_106 = arith.constant 0 : i32
        %dma_wait3A_107 = tpu.memref_slice %arg3[%add3A, %scan3A_28, %dma_wait3A_105, %dma_wait3A_106] : memref<32x5x25x80xi32, #tpu.memory_space<hbm>> -> memref<1x1x25x80xi32, #tpu.memory_space<hbm>>
        %dma_wait3A_108 = tpu.memref_squeeze %dma_wait3A_107 : memref<1x1x25x80xi32, #tpu.memory_space<hbm>> -> memref<25x80xi32, #tpu.memory_space<hbm>>
        tpu.wait_dma2 semaphore(%run_scoped3A_92 : memref<!tpu.dma_semaphore, #tpu.memory_space<semaphore_mem>>) src(%dma_wait3A_108 : memref<25x80xi32, #tpu.memory_space<hbm>>) dst(%arg7 : memref<25x80xi32, #tpu.memory_space<vmem>>)
        tpu.yield
      }) : () -> ()
      "tpu.region"() ({
        %run_scoped3A_92 = tpu.sem_alloc : memref<!tpu.dma_semaphore, #tpu.memory_space<semaphore_mem>>
        %dma_start3A_93 = arith.constant 0 : i32
        %dma_start3A_94 = arith.constant 0 : i32
        %dma_start3A_95 = tpu.memref_slice %arg4[%add3A, %scan3A_28, %dma_start3A_93, %dma_start3A_94] : memref<32x5x25x80xi32, #tpu.memory_space<hbm>> -> memref<1x1x25x80xi32, #tpu.memory_space<hbm>>
        %dma_start3A_96 = tpu.memref_squeeze %dma_start3A_95 : memref<1x1x25x80xi32, #tpu.memory_space<hbm>> -> memref<25x80xi32, #tpu.memory_space<hbm>>
        %dma_start3A_97 = arith.constant 0 : i32
        %dma_start3A_98 = arith.constant 0 : i32
        %dma_start3A_99 = tpu.memref_slice %arg4[%add3A, %scan3A_28, %dma_start3A_97, %dma_start3A_98] : memref<32x5x25x80xi32, #tpu.memory_space<hbm>> -> memref<1x1x25x80xi32, #tpu.memory_space<hbm>>
        %dma_start3A_100 = tpu.memref_squeeze %dma_start3A_99 : memref<1x1x25x80xi32, #tpu.memory_space<hbm>> -> memref<25x80xi32, #tpu.memory_space<hbm>>
        tpu.enqueue_dma source(%dma_start3A_100 : memref<25x80xi32, #tpu.memory_space<hbm>>) target(%arg8 : memref<25x80xi32, #tpu.memory_space<vmem>>) target_semaphore(%run_scoped3A_92 : memref<!tpu.dma_semaphore, #tpu.memory_space<semaphore_mem>>)
        %dma_wait3A_101 = arith.constant 0 : i32
        %dma_wait3A_102 = arith.constant 0 : i32
        %dma_wait3A_103 = tpu.memref_slice %arg4[%add3A, %scan3A_28, %dma_wait3A_101, %dma_wait3A_102] : memref<32x5x25x80xi32, #tpu.memory_space<hbm>> -> memref<1x1x25x80xi32, #tpu.memory_space<hbm>>
        %dma_wait3A_104 = tpu.memref_squeeze %dma_wait3A_103 : memref<1x1x25x80xi32, #tpu.memory_space<hbm>> -> memref<25x80xi32, #tpu.memory_space<hbm>>
        %dma_wait3A_105 = arith.constant 0 : i32
        %dma_wait3A_106 = arith.constant 0 : i32
        %dma_wait3A_107 = tpu.memref_slice %arg4[%add3A, %scan3A_28, %dma_wait3A_105, %dma_wait3A_106] : memref<32x5x25x80xi32, #tpu.memory_space<hbm>> -> memref<1x1x25x80xi32, #tpu.memory_space<hbm>>
        %dma_wait3A_108 = tpu.memref_squeeze %dma_wait3A_107 : memref<1x1x25x80xi32, #tpu.memory_space<hbm>> -> memref<25x80xi32, #tpu.memory_space<hbm>>
        tpu.wait_dma2 semaphore(%run_scoped3A_92 : memref<!tpu.dma_semaphore, #tpu.memory_space<semaphore_mem>>) src(%dma_wait3A_108 : memref<25x80xi32, #tpu.memory_space<hbm>>) dst(%arg8 : memref<25x80xi32, #tpu.memory_space<vmem>>)
        tpu.yield
      }) : () -> ()
      %dma_start3A = arith.constant 0 : i32
      %dma_start3A_29 = arith.constant 0 : i32
      %dma_start3A_30 = tpu.memref_slice %arg7[%dma_start3A, %dma_start3A_29] : memref<25x80xi32, #tpu.memory_space<vmem>> -> memref<1x80xi32, #tpu.memory_space<vmem>>
      %dma_start3A_31 = tpu.memref_squeeze %dma_start3A_30 : memref<1x80xi32, #tpu.memory_space<vmem>> -> memref<80xi32, #tpu.memory_space<vmem>>
      %dma_start3A_32 = arith.constant 0 : i32
      %dma_start3A_33 = arith.constant 0 : i32
      %dma_start3A_34 = tpu.memref_slice %arg2[%dma_start3A_32, %dma_start3A_33] : memref<10000x128xf32, #tpu.memory_space<hbm>> -> memref<10000x128xf32, #tpu.memory_space<hbm>>
      tpu.enqueue_indirect_dma source(%dma_start3A_34 : memref<10000x128xf32, #tpu.memory_space<hbm>>) target(%arg9 : memref<80x128xf32, #tpu.memory_space<vmem>>) offsets(%dma_start3A_31 : memref<80xi32, #tpu.memory_space<vmem>>) semaphore(%arg12 : memref<!tpu.dma_semaphore, #tpu.memory_space<semaphore_mem>>)
      %dma_start3A_35 = arith.constant 1 : i32
      %dma_start3A_36 = arith.constant 0 : i32
      %dma_start3A_37 = tpu.memref_slice %arg7[%dma_start3A_35, %dma_start3A_36] : memref<25x80xi32, #tpu.memory_space<vmem>> -> memref<1x80xi32, #tpu.memory_space<vmem>>
      %dma_start3A_38 = tpu.memref_squeeze %dma_start3A_37 : memref<1x80xi32, #tpu.memory_space<vmem>> -> memref<80xi32, #tpu.memory_space<vmem>>
      %dma_start3A_39 = arith.constant 0 : i32
      %dma_start3A_40 = arith.constant 0 : i32
      %dma_start3A_41 = tpu.memref_slice %arg2[%dma_start3A_39, %dma_start3A_40] : memref<10000x128xf32, #tpu.memory_space<hbm>> -> memref<10000x128xf32, #tpu.memory_space<hbm>>
      tpu.enqueue_indirect_dma source(%dma_start3A_41 : memref<10000x128xf32, #tpu.memory_space<hbm>>) target(%arg10 : memref<80x128xf32, #tpu.memory_space<vmem>>) offsets(%dma_start3A_38 : memref<80xi32, #tpu.memory_space<vmem>>) semaphore(%arg13 : memref<!tpu.dma_semaphore, #tpu.memory_space<semaphore_mem>>)
      %dma_start3A_42 = arith.constant 2 : i32
      %dma_start3A_43 = arith.constant 0 : i32
      %dma_start3A_44 = tpu.memref_slice %arg7[%dma_start3A_42, %dma_start3A_43] : memref<25x80xi32, #tpu.memory_space<vmem>> -> memref<1x80xi32, #tpu.memory_space<vmem>>
      %dma_start3A_45 = tpu.memref_squeeze %dma_start3A_44 : memref<1x80xi32, #tpu.memory_space<vmem>> -> memref<80xi32, #tpu.memory_space<vmem>>
      %dma_start3A_46 = arith.constant 0 : i32
      %dma_start3A_47 = arith.constant 0 : i32
      %dma_start3A_48 = tpu.memref_slice %arg2[%dma_start3A_46, %dma_start3A_47] : memref<10000x128xf32, #tpu.memory_space<hbm>> -> memref<10000x128xf32, #tpu.memory_space<hbm>>
      tpu.enqueue_indirect_dma source(%dma_start3A_48 : memref<10000x128xf32, #tpu.memory_space<hbm>>) target(%arg11 : memref<80x128xf32, #tpu.memory_space<vmem>>) offsets(%dma_start3A_45 : memref<80xi32, #tpu.memory_space<vmem>>) semaphore(%arg14 : memref<!tpu.dma_semaphore, #tpu.memory_space<semaphore_mem>>)
      %scan3A_49 = arith.constant 0 : i32
      %scan3A_50 = arith.constant 0 : i32
      %scan3A_51 = arith.constant 7 : i32
      %scan3A_52 = arith.addi %scan3A_50, %scan3A_51 : i32
      %scan3A_53 = arith.constant 1 : i32
      scf.for %scan3A_92 = %scan3A_50 to %scan3A_52 step %scan3A_53  : i32 {
        %mul3A_93 = arith.constant 3 : i32
        %mul3A_94 = arith.muli %scan3A_92, %mul3A_93 : i32
        %add3A_95 = arith.constant 0 : i32
        %add3A_96 = arith.addi %mul3A_94, %add3A_95 : i32
        %dma_wait3A_97 = arith.constant 0 : i32
        %dma_wait3A_98 = tpu.memref_slice %arg7[%add3A_96, %dma_wait3A_97] : memref<25x80xi32, #tpu.memory_space<vmem>> -> memref<1x80xi32, #tpu.memory_space<vmem>>
        %dma_wait3A_99 = tpu.memref_squeeze %dma_wait3A_98 : memref<1x80xi32, #tpu.memory_space<vmem>> -> memref<80xi32, #tpu.memory_space<vmem>>
        %dma_wait3A_100 = arith.constant 0 : i32
        %dma_wait3A_101 = arith.constant 0 : i32
        %dma_wait3A_102 = tpu.memref_slice %arg2[%dma_wait3A_100, %dma_wait3A_101] : memref<10000x128xf32, #tpu.memory_space<hbm>> -> memref<10000x128xf32, #tpu.memory_space<hbm>>
        tpu.wait_indirect_dma semaphore(%arg12 : memref<!tpu.dma_semaphore, #tpu.memory_space<semaphore_mem>>) src(%dma_wait3A_102 : memref<10000x128xf32, #tpu.memory_space<hbm>>) dst(%arg9 : memref<80x128xf32, #tpu.memory_space<vmem>>)
        "tpu.region"() ({
          %run_scoped3A_143 = tpu.sem_alloc : memref<!tpu.dma_semaphore, #tpu.memory_space<semaphore_mem>>
          %dma_start3A_144 = arith.constant 0 : i32
          %dma_start3A_145 = tpu.memref_slice %arg8[%add3A_96, %dma_start3A_144] : memref<25x80xi32, #tpu.memory_space<vmem>> -> memref<1x80xi32, #tpu.memory_space<vmem>>
          %dma_start3A_146 = tpu.memref_squeeze %dma_start3A_145 : memref<1x80xi32, #tpu.memory_space<vmem>> -> memref<80xi32, #tpu.memory_space<vmem>>
          %dma_start3A_147 = arith.constant 0 : i32
          %dma_start3A_148 = arith.constant 0 : i32
          %dma_start3A_149 = tpu.memref_slice %arg15[%dma_start3A_147, %dma_start3A_148] : memref<10000x128xf32, #tpu.memory_space<vmem_shared>> -> memref<10000x128xf32, #tpu.memory_space<vmem_shared>>
          tpu.enqueue_indirect_dma source(%arg9 : memref<80x128xf32, #tpu.memory_space<vmem>>) target(%dma_start3A_149 : memref<10000x128xf32, #tpu.memory_space<vmem_shared>>) offsets(%dma_start3A_146 : memref<80xi32, #tpu.memory_space<vmem>>) semaphore(%run_scoped3A_143 : memref<!tpu.dma_semaphore, #tpu.memory_space<semaphore_mem>>) {add = true}
          %dma_wait3A_150 = arith.constant 0 : i32
          %dma_wait3A_151 = tpu.memref_slice %arg8[%add3A_96, %dma_wait3A_150] : memref<25x80xi32, #tpu.memory_space<vmem>> -> memref<1x80xi32, #tpu.memory_space<vmem>>
          %dma_wait3A_152 = tpu.memref_squeeze %dma_wait3A_151 : memref<1x80xi32, #tpu.memory_space<vmem>> -> memref<80xi32, #tpu.memory_space<vmem>>
          %dma_wait3A_153 = arith.constant 0 : i32
          %dma_wait3A_154 = arith.constant 0 : i32
          %dma_wait3A_155 = tpu.memref_slice %arg15[%dma_wait3A_153, %dma_wait3A_154] : memref<10000x128xf32, #tpu.memory_space<vmem_shared>> -> memref<10000x128xf32, #tpu.memory_space<vmem_shared>>
          tpu.wait_indirect_dma semaphore(%run_scoped3A_143 : memref<!tpu.dma_semaphore, #tpu.memory_space<semaphore_mem>>) src(%arg9 : memref<80x128xf32, #tpu.memory_space<vmem>>) dst(%dma_wait3A_155 : memref<10000x128xf32, #tpu.memory_space<vmem_shared>>)
          tpu.yield
        }) : () -> ()
        %add3A_103 = arith.constant 3 : i32
        %add3A_104 = arith.addi %add3A_96, %add3A_103 : i32
        %dma_start3A_105 = arith.constant 0 : i32
        %dma_start3A_106 = tpu.memref_slice %arg7[%add3A_104, %dma_start3A_105] : memref<25x80xi32, #tpu.memory_space<vmem>> -> memref<1x80xi32, #tpu.memory_space<vmem>>
        %dma_start3A_107 = tpu.memref_squeeze %dma_start3A_106 : memref<1x80xi32, #tpu.memory_space<vmem>> -> memref<80xi32, #tpu.memory_space<vmem>>
        %dma_start3A_108 = arith.constant 0 : i32
        %dma_start3A_109 = arith.constant 0 : i32
        %dma_start3A_110 = tpu.memref_slice %arg2[%dma_start3A_108, %dma_start3A_109] : memref<10000x128xf32, #tpu.memory_space<hbm>> -> memref<10000x128xf32, #tpu.memory_space<hbm>>
        tpu.enqueue_indirect_dma source(%dma_start3A_110 : memref<10000x128xf32, #tpu.memory_space<hbm>>) target(%arg9 : memref<80x128xf32, #tpu.memory_space<vmem>>) offsets(%dma_start3A_107 : memref<80xi32, #tpu.memory_space<vmem>>) semaphore(%arg12 : memref<!tpu.dma_semaphore, #tpu.memory_space<semaphore_mem>>)
        %add3A_111 = arith.constant 1 : i32
        %add3A_112 = arith.addi %mul3A_94, %add3A_111 : i32
        %dma_wait3A_113 = arith.constant 0 : i32
        %dma_wait3A_114 = tpu.memref_slice %arg7[%add3A_112, %dma_wait3A_113] : memref<25x80xi32, #tpu.memory_space<vmem>> -> memref<1x80xi32, #tpu.memory_space<vmem>>
        %dma_wait3A_115 = tpu.memref_squeeze %dma_wait3A_114 : memref<1x80xi32, #tpu.memory_space<vmem>> -> memref<80xi32, #tpu.memory_space<vmem>>
        %dma_wait3A_116 = arith.constant 0 : i32
        %dma_wait3A_117 = arith.constant 0 : i32
        %dma_wait3A_118 = tpu.memref_slice %arg2[%dma_wait3A_116, %dma_wait3A_117] : memref<10000x128xf32, #tpu.memory_space<hbm>> -> memref<10000x128xf32, #tpu.memory_space<hbm>>
        tpu.wait_indirect_dma semaphore(%arg13 : memref<!tpu.dma_semaphore, #tpu.memory_space<semaphore_mem>>) src(%dma_wait3A_118 : memref<10000x128xf32, #tpu.memory_space<hbm>>) dst(%arg10 : memref<80x128xf32, #tpu.memory_space<vmem>>)
        "tpu.region"() ({
          %run_scoped3A_143 = tpu.sem_alloc : memref<!tpu.dma_semaphore, #tpu.memory_space<semaphore_mem>>
          %dma_start3A_144 = arith.constant 0 : i32
          %dma_start3A_145 = tpu.memref_slice %arg8[%add3A_112, %dma_start3A_144] : memref<25x80xi32, #tpu.memory_space<vmem>> -> memref<1x80xi32, #tpu.memory_space<vmem>>
          %dma_start3A_146 = tpu.memref_squeeze %dma_start3A_145 : memref<1x80xi32, #tpu.memory_space<vmem>> -> memref<80xi32, #tpu.memory_space<vmem>>
          %dma_start3A_147 = arith.constant 0 : i32
          %dma_start3A_148 = arith.constant 0 : i32
          %dma_start3A_149 = tpu.memref_slice %arg15[%dma_start3A_147, %dma_start3A_148] : memref<10000x128xf32, #tpu.memory_space<vmem_shared>> -> memref<10000x128xf32, #tpu.memory_space<vmem_shared>>
          tpu.enqueue_indirect_dma source(%arg10 : memref<80x128xf32, #tpu.memory_space<vmem>>) target(%dma_start3A_149 : memref<10000x128xf32, #tpu.memory_space<vmem_shared>>) offsets(%dma_start3A_146 : memref<80xi32, #tpu.memory_space<vmem>>) semaphore(%run_scoped3A_143 : memref<!tpu.dma_semaphore, #tpu.memory_space<semaphore_mem>>) {add = true}
          %dma_wait3A_150 = arith.constant 0 : i32
          %dma_wait3A_151 = tpu.memref_slice %arg8[%add3A_112, %dma_wait3A_150] : memref<25x80xi32, #tpu.memory_space<vmem>> -> memref<1x80xi32, #tpu.memory_space<vmem>>
          %dma_wait3A_152 = tpu.memref_squeeze %dma_wait3A_151 : memref<1x80xi32, #tpu.memory_space<vmem>> -> memref<80xi32, #tpu.memory_space<vmem>>
          %dma_wait3A_153 = arith.constant 0 : i32
          %dma_wait3A_154 = arith.constant 0 : i32
          %dma_wait3A_155 = tpu.memref_slice %arg15[%dma_wait3A_153, %dma_wait3A_154] : memref<10000x128xf32, #tpu.memory_space<vmem_shared>> -> memref<10000x128xf32, #tpu.memory_space<vmem_shared>>
          tpu.wait_indirect_dma semaphore(%run_scoped3A_143 : memref<!tpu.dma_semaphore, #tpu.memory_space<semaphore_mem>>) src(%arg10 : memref<80x128xf32, #tpu.memory_space<vmem>>) dst(%dma_wait3A_155 : memref<10000x128xf32, #tpu.memory_space<vmem_shared>>)
          tpu.yield
        }) : () -> ()
        %add3A_119 = arith.constant 3 : i32
        %add3A_120 = arith.addi %add3A_112, %add3A_119 : i32
        %dma_start3A_121 = arith.constant 0 : i32
        %dma_start3A_122 = tpu.memref_slice %arg7[%add3A_120, %dma_start3A_121] : memref<25x80xi32, #tpu.memory_space<vmem>> -> memref<1x80xi32, #tpu.memory_space<vmem>>
        %dma_start3A_123 = tpu.memref_squeeze %dma_start3A_122 : memref<1x80xi32, #tpu.memory_space<vmem>> -> memref<80xi32, #tpu.memory_space<vmem>>
        %dma_start3A_124 = arith.constant 0 : i32
        %dma_start3A_125 = arith.constant 0 : i32
        %dma_start3A_126 = tpu.memref_slice %arg2[%dma_start3A_124, %dma_start3A_125] : memref<10000x128xf32, #tpu.memory_space<hbm>> -> memref<10000x128xf32, #tpu.memory_space<hbm>>
        tpu.enqueue_indirect_dma source(%dma_start3A_126 : memref<10000x128xf32, #tpu.memory_space<hbm>>) target(%arg10 : memref<80x128xf32, #tpu.memory_space<vmem>>) offsets(%dma_start3A_123 : memref<80xi32, #tpu.memory_space<vmem>>) semaphore(%arg13 : memref<!tpu.dma_semaphore, #tpu.memory_space<semaphore_mem>>)
        %add3A_127 = arith.constant 2 : i32
        %add3A_128 = arith.addi %mul3A_94, %add3A_127 : i32
        %dma_wait3A_129 = arith.constant 0 : i32
        %dma_wait3A_130 = tpu.memref_slice %arg7[%add3A_128, %dma_wait3A_129] : memref<25x80xi32, #tpu.memory_space<vmem>> -> memref<1x80xi32, #tpu.memory_space<vmem>>
        %dma_wait3A_131 = tpu.memref_squeeze %dma_wait3A_130 : memref<1x80xi32, #tpu.memory_space<vmem>> -> memref<80xi32, #tpu.memory_space<vmem>>
        %dma_wait3A_132 = arith.constant 0 : i32
        %dma_wait3A_133 = arith.constant 0 : i32
        %dma_wait3A_134 = tpu.memref_slice %arg2[%dma_wait3A_132, %dma_wait3A_133] : memref<10000x128xf32, #tpu.memory_space<hbm>> -> memref<10000x128xf32, #tpu.memory_space<hbm>>
        tpu.wait_indirect_dma semaphore(%arg14 : memref<!tpu.dma_semaphore, #tpu.memory_space<semaphore_mem>>) src(%dma_wait3A_134 : memref<10000x128xf32, #tpu.memory_space<hbm>>) dst(%arg11 : memref<80x128xf32, #tpu.memory_space<vmem>>)
        "tpu.region"() ({
          %run_scoped3A_143 = tpu.sem_alloc : memref<!tpu.dma_semaphore, #tpu.memory_space<semaphore_mem>>
          %dma_start3A_144 = arith.constant 0 : i32
          %dma_start3A_145 = tpu.memref_slice %arg8[%add3A_128, %dma_start3A_144] : memref<25x80xi32, #tpu.memory_space<vmem>> -> memref<1x80xi32, #tpu.memory_space<vmem>>
          %dma_start3A_146 = tpu.memref_squeeze %dma_start3A_145 : memref<1x80xi32, #tpu.memory_space<vmem>> -> memref<80xi32, #tpu.memory_space<vmem>>
          %dma_start3A_147 = arith.constant 0 : i32
          %dma_start3A_148 = arith.constant 0 : i32
          %dma_start3A_149 = tpu.memref_slice %arg15[%dma_start3A_147, %dma_start3A_148] : memref<10000x128xf32, #tpu.memory_space<vmem_shared>> -> memref<10000x128xf32, #tpu.memory_space<vmem_shared>>
          tpu.enqueue_indirect_dma source(%arg11 : memref<80x128xf32, #tpu.memory_space<vmem>>) target(%dma_start3A_149 : memref<10000x128xf32, #tpu.memory_space<vmem_shared>>) offsets(%dma_start3A_146 : memref<80xi32, #tpu.memory_space<vmem>>) semaphore(%run_scoped3A_143 : memref<!tpu.dma_semaphore, #tpu.memory_space<semaphore_mem>>) {add = true}
          %dma_wait3A_150 = arith.constant 0 : i32
          %dma_wait3A_151 = tpu.memref_slice %arg8[%add3A_128, %dma_wait3A_150] : memref<25x80xi32, #tpu.memory_space<vmem>> -> memref<1x80xi32, #tpu.memory_space<vmem>>
          %dma_wait3A_152 = tpu.memref_squeeze %dma_wait3A_151 : memref<1x80xi32, #tpu.memory_space<vmem>> -> memref<80xi32, #tpu.memory_space<vmem>>
          %dma_wait3A_153 = arith.constant 0 : i32
          %dma_wait3A_154 = arith.constant 0 : i32
          %dma_wait3A_155 = tpu.memref_slice %arg15[%dma_wait3A_153, %dma_wait3A_154] : memref<10000x128xf32, #tpu.memory_space<vmem_shared>> -> memref<10000x128xf32, #tpu.memory_space<vmem_shared>>
          tpu.wait_indirect_dma semaphore(%run_scoped3A_143 : memref<!tpu.dma_semaphore, #tpu.memory_space<semaphore_mem>>) src(%arg11 : memref<80x128xf32, #tpu.memory_space<vmem>>) dst(%dma_wait3A_155 : memref<10000x128xf32, #tpu.memory_space<vmem_shared>>)
          tpu.yield
        }) : () -> ()
        %add3A_135 = arith.constant 3 : i32
        %add3A_136 = arith.addi %add3A_128, %add3A_135 : i32
        %dma_start3A_137 = arith.constant 0 : i32
        %dma_start3A_138 = tpu.memref_slice %arg7[%add3A_136, %dma_start3A_137] : memref<25x80xi32, #tpu.memory_space<vmem>> -> memref<1x80xi32, #tpu.memory_space<vmem>>
        %dma_start3A_139 = tpu.memref_squeeze %dma_start3A_138 : memref<1x80xi32, #tpu.memory_space<vmem>> -> memref<80xi32, #tpu.memory_space<vmem>>
        %dma_start3A_140 = arith.constant 0 : i32
        %dma_start3A_141 = arith.constant 0 : i32
        %dma_start3A_142 = tpu.memref_slice %arg2[%dma_start3A_140, %dma_start3A_141] : memref<10000x128xf32, #tpu.memory_space<hbm>> -> memref<10000x128xf32, #tpu.memory_space<hbm>>
        tpu.enqueue_indirect_dma source(%dma_start3A_142 : memref<10000x128xf32, #tpu.memory_space<hbm>>) target(%arg11 : memref<80x128xf32, #tpu.memory_space<vmem>>) offsets(%dma_start3A_139 : memref<80xi32, #tpu.memory_space<vmem>>) semaphore(%arg14 : memref<!tpu.dma_semaphore, #tpu.memory_space<semaphore_mem>>)
      }
      %scan3A_54 = arith.constant 7 : i32
      %dma_wait3A = arith.constant 21 : i32
      %dma_wait3A_55 = arith.constant 0 : i32
      %dma_wait3A_56 = tpu.memref_slice %arg7[%dma_wait3A, %dma_wait3A_55] : memref<25x80xi32, #tpu.memory_space<vmem>> -> memref<1x80xi32, #tpu.memory_space<vmem>>
      %dma_wait3A_57 = tpu.memref_squeeze %dma_wait3A_56 : memref<1x80xi32, #tpu.memory_space<vmem>> -> memref<80xi32, #tpu.memory_space<vmem>>
      %dma_wait3A_58 = arith.constant 0 : i32
      %dma_wait3A_59 = arith.constant 0 : i32
      %dma_wait3A_60 = tpu.memref_slice %arg2[%dma_wait3A_58, %dma_wait3A_59] : memref<10000x128xf32, #tpu.memory_space<hbm>> -> memref<10000x128xf32, #tpu.memory_space<hbm>>
      tpu.wait_indirect_dma semaphore(%arg12 : memref<!tpu.dma_semaphore, #tpu.memory_space<semaphore_mem>>) src(%dma_wait3A_60 : memref<10000x128xf32, #tpu.memory_space<hbm>>) dst(%arg9 : memref<80x128xf32, #tpu.memory_space<vmem>>)
      %run_scoped3A = arith.constant 21 : i32
      "tpu.region"() ({
        %run_scoped3A_92 = tpu.sem_alloc : memref<!tpu.dma_semaphore, #tpu.memory_space<semaphore_mem>>
        %dma_start3A_93 = arith.constant 0 : i32
        %dma_start3A_94 = tpu.memref_slice %arg8[%run_scoped3A, %dma_start3A_93] : memref<25x80xi32, #tpu.memory_space<vmem>> -> memref<1x80xi32, #tpu.memory_space<vmem>>
        %dma_start3A_95 = tpu.memref_squeeze %dma_start3A_94 : memref<1x80xi32, #tpu.memory_space<vmem>> -> memref<80xi32, #tpu.memory_space<vmem>>
        %dma_start3A_96 = arith.constant 0 : i32
        %dma_start3A_97 = arith.constant 0 : i32
        %dma_start3A_98 = tpu.memref_slice %arg15[%dma_start3A_96, %dma_start3A_97] : memref<10000x128xf32, #tpu.memory_space<vmem_shared>> -> memref<10000x128xf32, #tpu.memory_space<vmem_shared>>
        tpu.enqueue_indirect_dma source(%arg9 : memref<80x128xf32, #tpu.memory_space<vmem>>) target(%dma_start3A_98 : memref<10000x128xf32, #tpu.memory_space<vmem_shared>>) offsets(%dma_start3A_95 : memref<80xi32, #tpu.memory_space<vmem>>) semaphore(%run_scoped3A_92 : memref<!tpu.dma_semaphore, #tpu.memory_space<semaphore_mem>>) {add = true}
        %dma_wait3A_99 = arith.constant 0 : i32
        %dma_wait3A_100 = tpu.memref_slice %arg8[%run_scoped3A, %dma_wait3A_99] : memref<25x80xi32, #tpu.memory_space<vmem>> -> memref<1x80xi32, #tpu.memory_space<vmem>>
        %dma_wait3A_101 = tpu.memref_squeeze %dma_wait3A_100 : memref<1x80xi32, #tpu.memory_space<vmem>> -> memref<80xi32, #tpu.memory_space<vmem>>
        %dma_wait3A_102 = arith.constant 0 : i32
        %dma_wait3A_103 = arith.constant 0 : i32
        %dma_wait3A_104 = tpu.memref_slice %arg15[%dma_wait3A_102, %dma_wait3A_103] : memref<10000x128xf32, #tpu.memory_space<vmem_shared>> -> memref<10000x128xf32, #tpu.memory_space<vmem_shared>>
        tpu.wait_indirect_dma semaphore(%run_scoped3A_92 : memref<!tpu.dma_semaphore, #tpu.memory_space<semaphore_mem>>) src(%arg9 : memref<80x128xf32, #tpu.memory_space<vmem>>) dst(%dma_wait3A_104 : memref<10000x128xf32, #tpu.memory_space<vmem_shared>>)
        tpu.yield
      }) : () -> ()
      %dma_start3A_61 = arith.constant 24 : i32
      %dma_start3A_62 = arith.constant 0 : i32
      %dma_start3A_63 = tpu.memref_slice %arg7[%dma_start3A_61, %dma_start3A_62] : memref<25x80xi32, #tpu.memory_space<vmem>> -> memref<1x80xi32, #tpu.memory_space<vmem>>
      %dma_start3A_64 = tpu.memref_squeeze %dma_start3A_63 : memref<1x80xi32, #tpu.memory_space<vmem>> -> memref<80xi32, #tpu.memory_space<vmem>>
      %dma_start3A_65 = arith.constant 0 : i32
      %dma_start3A_66 = arith.constant 0 : i32
      %dma_start3A_67 = tpu.memref_slice %arg2[%dma_start3A_65, %dma_start3A_66] : memref<10000x128xf32, #tpu.memory_space<hbm>> -> memref<10000x128xf32, #tpu.memory_space<hbm>>
      tpu.enqueue_indirect_dma source(%dma_start3A_67 : memref<10000x128xf32, #tpu.memory_space<hbm>>) target(%arg9 : memref<80x128xf32, #tpu.memory_space<vmem>>) offsets(%dma_start3A_64 : memref<80xi32, #tpu.memory_space<vmem>>) semaphore(%arg12 : memref<!tpu.dma_semaphore, #tpu.memory_space<semaphore_mem>>)
      %dma_wait3A_68 = arith.constant 22 : i32
      %dma_wait3A_69 = arith.constant 0 : i32
      %dma_wait3A_70 = tpu.memref_slice %arg7[%dma_wait3A_68, %dma_wait3A_69] : memref<25x80xi32, #tpu.memory_space<vmem>> -> memref<1x80xi32, #tpu.memory_space<vmem>>
      %dma_wait3A_71 = tpu.memref_squeeze %dma_wait3A_70 : memref<1x80xi32, #tpu.memory_space<vmem>> -> memref<80xi32, #tpu.memory_space<vmem>>
      %dma_wait3A_72 = arith.constant 0 : i32
      %dma_wait3A_73 = arith.constant 0 : i32
      %dma_wait3A_74 = tpu.memref_slice %arg2[%dma_wait3A_72, %dma_wait3A_73] : memref<10000x128xf32, #tpu.memory_space<hbm>> -> memref<10000x128xf32, #tpu.memory_space<hbm>>
      tpu.wait_indirect_dma semaphore(%arg13 : memref<!tpu.dma_semaphore, #tpu.memory_space<semaphore_mem>>) src(%dma_wait3A_74 : memref<10000x128xf32, #tpu.memory_space<hbm>>) dst(%arg10 : memref<80x128xf32, #tpu.memory_space<vmem>>)
      %run_scoped3A_75 = arith.constant 22 : i32
      "tpu.region"() ({
        %run_scoped3A_92 = tpu.sem_alloc : memref<!tpu.dma_semaphore, #tpu.memory_space<semaphore_mem>>
        %dma_start3A_93 = arith.constant 0 : i32
        %dma_start3A_94 = tpu.memref_slice %arg8[%run_scoped3A_75, %dma_start3A_93] : memref<25x80xi32, #tpu.memory_space<vmem>> -> memref<1x80xi32, #tpu.memory_space<vmem>>
        %dma_start3A_95 = tpu.memref_squeeze %dma_start3A_94 : memref<1x80xi32, #tpu.memory_space<vmem>> -> memref<80xi32, #tpu.memory_space<vmem>>
        %dma_start3A_96 = arith.constant 0 : i32
        %dma_start3A_97 = arith.constant 0 : i32
        %dma_start3A_98 = tpu.memref_slice %arg15[%dma_start3A_96, %dma_start3A_97] : memref<10000x128xf32, #tpu.memory_space<vmem_shared>> -> memref<10000x128xf32, #tpu.memory_space<vmem_shared>>
        tpu.enqueue_indirect_dma source(%arg10 : memref<80x128xf32, #tpu.memory_space<vmem>>) target(%dma_start3A_98 : memref<10000x128xf32, #tpu.memory_space<vmem_shared>>) offsets(%dma_start3A_95 : memref<80xi32, #tpu.memory_space<vmem>>) semaphore(%run_scoped3A_92 : memref<!tpu.dma_semaphore, #tpu.memory_space<semaphore_mem>>) {add = true}
        %dma_wait3A_99 = arith.constant 0 : i32
        %dma_wait3A_100 = tpu.memref_slice %arg8[%run_scoped3A_75, %dma_wait3A_99] : memref<25x80xi32, #tpu.memory_space<vmem>> -> memref<1x80xi32, #tpu.memory_space<vmem>>
        %dma_wait3A_101 = tpu.memref_squeeze %dma_wait3A_100 : memref<1x80xi32, #tpu.memory_space<vmem>> -> memref<80xi32, #tpu.memory_space<vmem>>
        %dma_wait3A_102 = arith.constant 0 : i32
        %dma_wait3A_103 = arith.constant 0 : i32
        %dma_wait3A_104 = tpu.memref_slice %arg15[%dma_wait3A_102, %dma_wait3A_103] : memref<10000x128xf32, #tpu.memory_space<vmem_shared>> -> memref<10000x128xf32, #tpu.memory_space<vmem_shared>>
        tpu.wait_indirect_dma semaphore(%run_scoped3A_92 : memref<!tpu.dma_semaphore, #tpu.memory_space<semaphore_mem>>) src(%arg10 : memref<80x128xf32, #tpu.memory_space<vmem>>) dst(%dma_wait3A_104 : memref<10000x128xf32, #tpu.memory_space<vmem_shared>>)
        tpu.yield
      }) : () -> ()
      %dma_wait3A_76 = arith.constant 23 : i32
      %dma_wait3A_77 = arith.constant 0 : i32
      %dma_wait3A_78 = tpu.memref_slice %arg7[%dma_wait3A_76, %dma_wait3A_77] : memref<25x80xi32, #tpu.memory_space<vmem>> -> memref<1x80xi32, #tpu.memory_space<vmem>>
      %dma_wait3A_79 = tpu.memref_squeeze %dma_wait3A_78 : memref<1x80xi32, #tpu.memory_space<vmem>> -> memref<80xi32, #tpu.memory_space<vmem>>
      %dma_wait3A_80 = arith.constant 0 : i32
      %dma_wait3A_81 = arith.constant 0 : i32
      %dma_wait3A_82 = tpu.memref_slice %arg2[%dma_wait3A_80, %dma_wait3A_81] : memref<10000x128xf32, #tpu.memory_space<hbm>> -> memref<10000x128xf32, #tpu.memory_space<hbm>>
      tpu.wait_indirect_dma semaphore(%arg14 : memref<!tpu.dma_semaphore, #tpu.memory_space<semaphore_mem>>) src(%dma_wait3A_82 : memref<10000x128xf32, #tpu.memory_space<hbm>>) dst(%arg11 : memref<80x128xf32, #tpu.memory_space<vmem>>)
      %run_scoped3A_83 = arith.constant 23 : i32
      "tpu.region"() ({
        %run_scoped3A_92 = tpu.sem_alloc : memref<!tpu.dma_semaphore, #tpu.memory_space<semaphore_mem>>
        %dma_start3A_93 = arith.constant 0 : i32
        %dma_start3A_94 = tpu.memref_slice %arg8[%run_scoped3A_83, %dma_start3A_93] : memref<25x80xi32, #tpu.memory_space<vmem>> -> memref<1x80xi32, #tpu.memory_space<vmem>>
        %dma_start3A_95 = tpu.memref_squeeze %dma_start3A_94 : memref<1x80xi32, #tpu.memory_space<vmem>> -> memref<80xi32, #tpu.memory_space<vmem>>
        %dma_start3A_96 = arith.constant 0 : i32
        %dma_start3A_97 = arith.constant 0 : i32
        %dma_start3A_98 = tpu.memref_slice %arg15[%dma_start3A_96, %dma_start3A_97] : memref<10000x128xf32, #tpu.memory_space<vmem_shared>> -> memref<10000x128xf32, #tpu.memory_space<vmem_shared>>
        tpu.enqueue_indirect_dma source(%arg11 : memref<80x128xf32, #tpu.memory_space<vmem>>) target(%dma_start3A_98 : memref<10000x128xf32, #tpu.memory_space<vmem_shared>>) offsets(%dma_start3A_95 : memref<80xi32, #tpu.memory_space<vmem>>) semaphore(%run_scoped3A_92 : memref<!tpu.dma_semaphore, #tpu.memory_space<semaphore_mem>>) {add = true}
        %dma_wait3A_99 = arith.constant 0 : i32
        %dma_wait3A_100 = tpu.memref_slice %arg8[%run_scoped3A_83, %dma_wait3A_99] : memref<25x80xi32, #tpu.memory_space<vmem>> -> memref<1x80xi32, #tpu.memory_space<vmem>>
        %dma_wait3A_101 = tpu.memref_squeeze %dma_wait3A_100 : memref<1x80xi32, #tpu.memory_space<vmem>> -> memref<80xi32, #tpu.memory_space<vmem>>
        %dma_wait3A_102 = arith.constant 0 : i32
        %dma_wait3A_103 = arith.constant 0 : i32
        %dma_wait3A_104 = tpu.memref_slice %arg15[%dma_wait3A_102, %dma_wait3A_103] : memref<10000x128xf32, #tpu.memory_space<vmem_shared>> -> memref<10000x128xf32, #tpu.memory_space<vmem_shared>>
        tpu.wait_indirect_dma semaphore(%run_scoped3A_92 : memref<!tpu.dma_semaphore, #tpu.memory_space<semaphore_mem>>) src(%arg11 : memref<80x128xf32, #tpu.memory_space<vmem>>) dst(%dma_wait3A_104 : memref<10000x128xf32, #tpu.memory_space<vmem_shared>>)
        tpu.yield
      }) : () -> ()
      %dma_wait3A_84 = arith.constant 24 : i32
      %dma_wait3A_85 = arith.constant 0 : i32
      %dma_wait3A_86 = tpu.memref_slice %arg7[%dma_wait3A_84, %dma_wait3A_85] : memref<25x80xi32, #tpu.memory_space<vmem>> -> memref<1x80xi32, #tpu.memory_space<vmem>>
      %dma_wait3A_87 = tpu.memref_squeeze %dma_wait3A_86 : memref<1x80xi32, #tpu.memory_space<vmem>> -> memref<80xi32, #tpu.memory_space<vmem>>
      %dma_wait3A_88 = arith.constant 0 : i32
      %dma_wait3A_89 = arith.constant 0 : i32
      %dma_wait3A_90 = tpu.memref_slice %arg2[%dma_wait3A_88, %dma_wait3A_89] : memref<10000x128xf32, #tpu.memory_space<hbm>> -> memref<10000x128xf32, #tpu.memory_space<hbm>>
      tpu.wait_indirect_dma semaphore(%arg12 : memref<!tpu.dma_semaphore, #tpu.memory_space<semaphore_mem>>) src(%dma_wait3A_90 : memref<10000x128xf32, #tpu.memory_space<hbm>>) dst(%arg9 : memref<80x128xf32, #tpu.memory_space<vmem>>)
      %run_scoped3A_91 = arith.constant 24 : i32
      "tpu.region"() ({
        %run_scoped3A_92 = tpu.sem_alloc : memref<!tpu.dma_semaphore, #tpu.memory_space<semaphore_mem>>
        %dma_start3A_93 = arith.constant 0 : i32
        %dma_start3A_94 = tpu.memref_slice %arg8[%run_scoped3A_91, %dma_start3A_93] : memref<25x80xi32, #tpu.memory_space<vmem>> -> memref<1x80xi32, #tpu.memory_space<vmem>>
        %dma_start3A_95 = tpu.memref_squeeze %dma_start3A_94 : memref<1x80xi32, #tpu.memory_space<vmem>> -> memref<80xi32, #tpu.memory_space<vmem>>
        %dma_start3A_96 = arith.constant 0 : i32
        %dma_start3A_97 = arith.constant 0 : i32
        %dma_start3A_98 = tpu.memref_slice %arg15[%dma_start3A_96, %dma_start3A_97] : memref<10000x128xf32, #tpu.memory_space<vmem_shared>> -> memref<10000x128xf32, #tpu.memory_space<vmem_shared>>
        tpu.enqueue_indirect_dma source(%arg9 : memref<80x128xf32, #tpu.memory_space<vmem>>) target(%dma_start3A_98 : memref<10000x128xf32, #tpu.memory_space<vmem_shared>>) offsets(%dma_start3A_95 : memref<80xi32, #tpu.memory_space<vmem>>) semaphore(%run_scoped3A_92 : memref<!tpu.dma_semaphore, #tpu.memory_space<semaphore_mem>>) {add = true}
        %dma_wait3A_99 = arith.constant 0 : i32
        %dma_wait3A_100 = tpu.memref_slice %arg8[%run_scoped3A_91, %dma_wait3A_99] : memref<25x80xi32, #tpu.memory_space<vmem>> -> memref<1x80xi32, #tpu.memory_space<vmem>>
        %dma_wait3A_101 = tpu.memref_squeeze %dma_wait3A_100 : memref<1x80xi32, #tpu.memory_space<vmem>> -> memref<80xi32, #tpu.memory_space<vmem>>
        %dma_wait3A_102 = arith.constant 0 : i32
        %dma_wait3A_103 = arith.constant 0 : i32
        %dma_wait3A_104 = tpu.memref_slice %arg15[%dma_wait3A_102, %dma_wait3A_103] : memref<10000x128xf32, #tpu.memory_space<vmem_shared>> -> memref<10000x128xf32, #tpu.memory_space<vmem_shared>>
        tpu.wait_indirect_dma semaphore(%run_scoped3A_92 : memref<!tpu.dma_semaphore, #tpu.memory_space<semaphore_mem>>) src(%arg9 : memref<80x128xf32, #tpu.memory_space<vmem>>) dst(%dma_wait3A_104 : memref<10000x128xf32, #tpu.memory_space<vmem_shared>>)
        tpu.yield
      }) : () -> ()
    }
    %scan3A_13 = arith.constant 5 : i32
    %barrier3A_14 = arith.constant 0 : index
    tpu.barrier barrier_id(%barrier3A_14)
    %barrier3A_15 = arith.constant 0 : index
    tpu.barrier barrier_id(%barrier3A_15)
    %mul3A_16 = arith.constant 624 : i32
    %mul3A_17 = arith.muli %arg1, %mul3A_16 : i32
    %eq3A_18 = arith.constant 15 : i32
    %eq3A_19 = arith.cmpi eq, %arg1, %eq3A_18 : i32
    %convert_element_type3A_20 = arith.extui %eq3A_19 : i1 to i32
    %cond3A_21 = arith.constant 0 : i32
    %cond3A_22 = arith.cmpi ne, %convert_element_type3A_20, %cond3A_21 : i32
    scf.if %cond3A_22 {
      "tpu.region"() ({
        %run_scoped3A = tpu.sem_alloc : memref<!tpu.dma_semaphore, #tpu.memory_space<semaphore_mem>>
        %dma_start3A = arith.constant 0 : i32
        %dma_start3A_28 = tpu.memref_slice %arg6[%arg0, %mul3A_17, %dma_start3A] : memref<2x10000x128xf32, #tpu.memory_space<hbm>> -> memref<1x640x128xf32, #tpu.memory_space<hbm>>
        %dma_start3A_29 = tpu.memref_squeeze %dma_start3A_28 : memref<1x640x128xf32, #tpu.memory_space<hbm>> -> memref<640x128xf32, #tpu.memory_space<hbm>>
        %dma_start3A_30 = arith.constant 0 : i32
        %dma_start3A_31 = tpu.memref_slice %arg15[%mul3A_17, %dma_start3A_30] : memref<10000x128xf32, #tpu.memory_space<vmem_shared>> -> memref<640x128xf32, #tpu.memory_space<vmem_shared>>
        tpu.enqueue_dma source(%dma_start3A_31 : memref<640x128xf32, #tpu.memory_space<vmem_shared>>) target(%dma_start3A_29 : memref<640x128xf32, #tpu.memory_space<hbm>>) target_semaphore(%run_scoped3A : memref<!tpu.dma_semaphore, #tpu.memory_space<semaphore_mem>>)
        %dma_wait3A = arith.constant 0 : i32
        %dma_wait3A_32 = tpu.memref_slice %arg6[%arg0, %mul3A_17, %dma_wait3A] : memref<2x10000x128xf32, #tpu.memory_space<hbm>> -> memref<1x640x128xf32, #tpu.memory_space<hbm>>
        %dma_wait3A_33 = tpu.memref_squeeze %dma_wait3A_32 : memref<1x640x128xf32, #tpu.memory_space<hbm>> -> memref<640x128xf32, #tpu.memory_space<hbm>>
        %dma_wait3A_34 = arith.constant 0 : i32
        %dma_wait3A_35 = tpu.memref_slice %arg15[%mul3A_17, %dma_wait3A_34] : memref<10000x128xf32, #tpu.memory_space<vmem_shared>> -> memref<640x128xf32, #tpu.memory_space<vmem_shared>>
        tpu.wait_dma2 semaphore(%run_scoped3A : memref<!tpu.dma_semaphore, #tpu.memory_space<semaphore_mem>>) src(%dma_wait3A_35 : memref<640x128xf32, #tpu.memory_space<vmem_shared>>) dst(%dma_wait3A_33 : memref<640x128xf32, #tpu.memory_space<hbm>>)
        tpu.yield
      }) : () -> ()
    } else {
    }
    %lt3A_23 = arith.constant 15 : i32
    %lt3A_24 = arith.cmpi slt, %arg1, %lt3A_23 : i32
    %convert_element_type3A_25 = arith.extui %lt3A_24 : i1 to i32
    %cond3A_26 = arith.constant 0 : i32
    %cond3A_27 = arith.cmpi ne, %convert_element_type3A_25, %cond3A_26 : i32
    scf.if %cond3A_27 {
      "tpu.region"() ({
        %run_scoped3A = tpu.sem_alloc : memref<!tpu.dma_semaphore, #tpu.memory_space<semaphore_mem>>
        %dma_start3A = arith.constant 0 : i32
        %dma_start3A_28 = tpu.memref_slice %arg6[%arg0, %mul3A_17, %dma_start3A] : memref<2x10000x128xf32, #tpu.memory_space<hbm>> -> memref<1x624x128xf32, #tpu.memory_space<hbm>>
        %dma_start3A_29 = tpu.memref_squeeze %dma_start3A_28 : memref<1x624x128xf32, #tpu.memory_space<hbm>> -> memref<624x128xf32, #tpu.memory_space<hbm>>
        %dma_start3A_30 = arith.constant 0 : i32
        %dma_start3A_31 = tpu.memref_slice %arg15[%mul3A_17, %dma_start3A_30] : memref<10000x128xf32, #tpu.memory_space<vmem_shared>> -> memref<624x128xf32, #tpu.memory_space<vmem_shared>>
        tpu.enqueue_dma source(%dma_start3A_31 : memref<624x128xf32, #tpu.memory_space<vmem_shared>>) target(%dma_start3A_29 : memref<624x128xf32, #tpu.memory_space<hbm>>) target_semaphore(%run_scoped3A : memref<!tpu.dma_semaphore, #tpu.memory_space<semaphore_mem>>)
        %dma_wait3A = arith.constant 0 : i32
        %dma_wait3A_32 = tpu.memref_slice %arg6[%arg0, %mul3A_17, %dma_wait3A] : memref<2x10000x128xf32, #tpu.memory_space<hbm>> -> memref<1x624x128xf32, #tpu.memory_space<hbm>>
        %dma_wait3A_33 = tpu.memref_squeeze %dma_wait3A_32 : memref<1x624x128xf32, #tpu.memory_space<hbm>> -> memref<624x128xf32, #tpu.memory_space<hbm>>
        %dma_wait3A_34 = arith.constant 0 : i32
        %dma_wait3A_35 = tpu.memref_slice %arg15[%mul3A_17, %dma_wait3A_34] : memref<10000x128xf32, #tpu.memory_space<vmem_shared>> -> memref<624x128xf32, #tpu.memory_space<vmem_shared>>
        tpu.wait_dma2 semaphore(%run_scoped3A : memref<!tpu.dma_semaphore, #tpu.memory_space<semaphore_mem>>) src(%dma_wait3A_35 : memref<624x128xf32, #tpu.memory_space<vmem_shared>>) dst(%dma_wait3A_33 : memref<624x128xf32, #tpu.memory_space<hbm>>)
        tpu.yield
      }) : () -> ()
    } else {
    }
    return
  }
}

#map = affine_map<(d0, d1) -> (0, 0)>
#map1 = affine_map<(d0, d1) -> (0, 0, 0, 0)>
#map2 = affine_map<(d0, d1) -> (0, 0, 0)>
module attributes {stable_mosaic.version = 14 : i64} {
  func.func @agg_kernel(%arg0: i32, %arg1: i32, %arg2: memref<10000x128xf32, #tpu.memory_space<hbm>>, %arg3: memref<32x5x25x80xi32, #tpu.memory_space<hbm>>, %arg4: memref<32x5x25x80xi32, #tpu.memory_space<hbm>>, %arg5: memref<640x128xf32, #tpu.memory_space<hbm>>, %arg6: memref<2x10000x128xf32, #tpu.memory_space<hbm>>, %arg7: memref<25x80xi32, #tpu.memory_space<vmem>>, %arg8: memref<25x80xi32, #tpu.memory_space<vmem>>, %arg9: memref<80x128xf32, #tpu.memory_space<vmem>>, %arg10: memref<80x128xf32, #tpu.memory_space<vmem>>, %arg11: memref<80x128xf32, #tpu.memory_space<vmem>>, %arg12: memref<!tpu.dma_semaphore, #tpu.memory_space<semaphore_mem>>, %arg13: memref<!tpu.dma_semaphore, #tpu.memory_space<semaphore_mem>>, %arg14: memref<!tpu.dma_semaphore, #tpu.memory_space<semaphore_mem>>, %arg15: memref<10000x128xf32, #tpu.memory_space<vmem_shared>>) attributes {dimension_semantics = [#tpu.dimension_semantics<core_parallel>, #tpu.dimension_semantics<subcore_parallel>], iteration_bounds = array<i64: 2, 16>, scalar_prefetch = 0 : i64, scratch_operands = 9 : i64, tpu.core_type = #tpu.core_type<sc_vector_subcore>, window_params = [{transform_indices = #map}, {transform_indices = #map1}, {transform_indices = #map1}, {transform_indices = #map}, {transform_indices = #map2}]} {
    %mul3A = arith.constant 2 : i32
    %mul3A_0 = arith.muli %arg1, %mul3A : i32
    %add3A = arith.addi %mul3A_0, %arg0 : i32
    %mul3A_1 = arith.constant 624 : i32
    %mul3A_2 = arith.muli %arg1, %mul3A_1 : i32
    %eq3A = arith.constant 15 : i32
    %eq3A_3 = arith.cmpi eq, %arg1, %eq3A : i32
    %convert_element_type3A = arith.extui %eq3A_3 : i1 to i32
    %cond3A = arith.constant 0 : i32
    %cond3A_4 = arith.cmpi ne, %convert_element_type3A, %cond3A : i32
    scf.if %cond3A_4 {
      "tpu.region"() ({
        %run_scoped3A = tpu.sem_alloc : memref<!tpu.dma_semaphore, #tpu.memory_space<semaphore_mem>>
        %dma_start3A = arith.constant 0 : i32
        %dma_start3A_28 = tpu.memref_slice %arg15[%mul3A_2, %dma_start3A] : memref<10000x128xf32, #tpu.memory_space<vmem_shared>> -> memref<640x128xf32, #tpu.memory_space<vmem_shared>>
        tpu.enqueue_dma source(%arg5 : memref<640x128xf32, #tpu.memory_space<hbm>>) target(%dma_start3A_28 : memref<640x128xf32, #tpu.memory_space<vmem_shared>>) target_semaphore(%run_scoped3A : memref<!tpu.dma_semaphore, #tpu.memory_space<semaphore_mem>>)
        %dma_wait3A = arith.constant 0 : i32
        %dma_wait3A_29 = tpu.memref_slice %arg15[%mul3A_2, %dma_wait3A] : memref<10000x128xf32, #tpu.memory_space<vmem_shared>> -> memref<640x128xf32, #tpu.memory_space<vmem_shared>>
        tpu.wait_dma2 semaphore(%run_scoped3A : memref<!tpu.dma_semaphore, #tpu.memory_space<semaphore_mem>>) src(%arg5 : memref<640x128xf32, #tpu.memory_space<hbm>>) dst(%dma_wait3A_29 : memref<640x128xf32, #tpu.memory_space<vmem_shared>>)
        tpu.yield
      }) : () -> ()
    } else {
    }
    %lt3A = arith.constant 15 : i32
    %lt3A_5 = arith.cmpi slt, %arg1, %lt3A : i32
    %convert_element_type3A_6 = arith.extui %lt3A_5 : i1 to i32
    %cond3A_7 = arith.constant 0 : i32
    %cond3A_8 = arith.cmpi ne, %convert_element_type3A_6, %cond3A_7 : i32
    scf.if %cond3A_8 {
      "tpu.region"() ({
        %run_scoped3A = tpu.sem_alloc : memref<!tpu.dma_semaphore, #tpu.memory_space<semaphore_mem>>
        %dma_start3A = arith.constant 0 : i32
        %dma_start3A_28 = tpu.memref_slice %arg15[%mul3A_2, %dma_start3A] : memref<10000x128xf32, #tpu.memory_space<vmem_shared>> -> memref<624x128xf32, #tpu.memory_space<vmem_shared>>
        %dma_start3A_29 = arith.constant 0 : i32
        %dma_start3A_30 = arith.constant 0 : i32
        %dma_start3A_31 = tpu.memref_slice %arg5[%dma_start3A_29, %dma_start3A_30] : memref<640x128xf32, #tpu.memory_space<hbm>> -> memref<624x128xf32, #tpu.memory_space<hbm>>
        tpu.enqueue_dma source(%dma_start3A_31 : memref<624x128xf32, #tpu.memory_space<hbm>>) target(%dma_start3A_28 : memref<624x128xf32, #tpu.memory_space<vmem_shared>>) target_semaphore(%run_scoped3A : memref<!tpu.dma_semaphore, #tpu.memory_space<semaphore_mem>>)
        %dma_wait3A = arith.constant 0 : i32
        %dma_wait3A_32 = tpu.memref_slice %arg15[%mul3A_2, %dma_wait3A] : memref<10000x128xf32, #tpu.memory_space<vmem_shared>> -> memref<624x128xf32, #tpu.memory_space<vmem_shared>>
        %dma_wait3A_33 = arith.constant 0 : i32
        %dma_wait3A_34 = arith.constant 0 : i32
        %dma_wait3A_35 = tpu.memref_slice %arg5[%dma_wait3A_33, %dma_wait3A_34] : memref<640x128xf32, #tpu.memory_space<hbm>> -> memref<624x128xf32, #tpu.memory_space<hbm>>
        tpu.wait_dma2 semaphore(%run_scoped3A : memref<!tpu.dma_semaphore, #tpu.memory_space<semaphore_mem>>) src(%dma_wait3A_35 : memref<624x128xf32, #tpu.memory_space<hbm>>) dst(%dma_wait3A_32 : memref<624x128xf32, #tpu.memory_space<vmem_shared>>)
        tpu.yield
      }) : () -> ()
    } else {
    }
    %barrier3A = arith.constant 0 : index
    tpu.barrier barrier_id(%barrier3A)
    %scan3A = arith.constant 0 : i32
    %scan3A_9 = arith.constant 0 : i32
    %scan3A_10 = arith.constant 5 : i32
    %scan3A_11 = arith.addi %scan3A_9, %scan3A_10 : i32
    %scan3A_12 = arith.constant 1 : i32
    scf.for %scan3A_28 = %scan3A_9 to %scan3A_11 step %scan3A_12  : i32 {
      "tpu.region"() ({
        %run_scoped3A_92 = tpu.sem_alloc : memref<!tpu.dma_semaphore, #tpu.memory_space<semaphore_mem>>
        %dma_start3A_93 = arith.constant 0 : i32
        %dma_start3A_94 = arith.constant 0 : i32
        %dma_start3A_95 = tpu.memref_slice %arg3[%add3A, %scan3A_28, %dma_start3A_93, %dma_start3A_94] : memref<32x5x25x80xi32, #tpu.memory_space<hbm>> -> memref<1x1x25x80xi32, #tpu.memory_space<hbm>>
        %dma_start3A_96 = tpu.memref_squeeze %dma_start3A_95 : memref<1x1x25x80xi32, #tpu.memory_space<hbm>> -> memref<25x80xi32, #tpu.memory_space<hbm>>
        %dma_start3A_97 = arith.constant 0 : i32
        %dma_start3A_98 = arith.constant 0 : i32
        %dma_start3A_99 = tpu.memref_slice %arg3[%add3A, %scan3A_28, %dma_start3A_97, %dma_start3A_98] : memref<32x5x25x80xi32, #tpu.memory_space<hbm>> -> memref<1x1x25x80xi32, #tpu.memory_space<hbm>>
        %dma_start3A_100 = tpu.memref_squeeze %dma_start3A_99 : memref<1x1x25x80xi32, #tpu.memory_space<hbm>> -> memref<25x80xi32, #tpu.memory_space<hbm>>
        tpu.enqueue_dma source(%dma_start3A_100 : memref<25x80xi32, #tpu.memory_space<hbm>>) target(%arg7 : memref<25x80xi32, #tpu.memory_space<vmem>>) target_semaphore(%run_scoped3A_92 : memref<!tpu.dma_semaphore, #tpu.memory_space<semaphore_mem>>)
        %dma_wait3A_101 = arith.constant 0 : i32
        %dma_wait3A_102 = arith.constant 0 : i32
        %dma_wait3A_103 = tpu.memref_slice %arg3[%add3A, %scan3A_28, %dma_wait3A_101, %dma_wait3A_102] : memref<32x5x25x80xi32, #tpu.memory_space<hbm>> -> memref<1x1x25x80xi32, #tpu.memory_space<hbm>>
        %dma_wait3A_104 = tpu.memref_squeeze %dma_wait3A_103 : memref<1x1x25x80xi32, #tpu.memory_space<hbm>> -> memref<25x80xi32, #tpu.memory_space<hbm>>
        %dma_wait3A_105 = arith.constant 0 : i32
        %dma_wait3A_106 = arith.constant 0 : i32
        %dma_wait3A_107 = tpu.memref_slice %arg3[%add3A, %scan3A_28, %dma_wait3A_105, %dma_wait3A_106] : memref<32x5x25x80xi32, #tpu.memory_space<hbm>> -> memref<1x1x25x80xi32, #tpu.memory_space<hbm>>
        %dma_wait3A_108 = tpu.memref_squeeze %dma_wait3A_107 : memref<1x1x25x80xi32, #tpu.memory_space<hbm>> -> memref<25x80xi32, #tpu.memory_space<hbm>>
        tpu.wait_dma2 semaphore(%run_scoped3A_92 : memref<!tpu.dma_semaphore, #tpu.memory_space<semaphore_mem>>) src(%dma_wait3A_108 : memref<25x80xi32, #tpu.memory_space<hbm>>) dst(%arg7 : memref<25x80xi32, #tpu.memory_space<vmem>>)
        tpu.yield
      }) : () -> ()
      "tpu.region"() ({
        %run_scoped3A_92 = tpu.sem_alloc : memref<!tpu.dma_semaphore, #tpu.memory_space<semaphore_mem>>
        %dma_start3A_93 = arith.constant 0 : i32
        %dma_start3A_94 = arith.constant 0 : i32
        %dma_start3A_95 = tpu.memref_slice %arg4[%add3A, %scan3A_28, %dma_start3A_93, %dma_start3A_94] : memref<32x5x25x80xi32, #tpu.memory_space<hbm>> -> memref<1x1x25x80xi32, #tpu.memory_space<hbm>>
        %dma_start3A_96 = tpu.memref_squeeze %dma_start3A_95 : memref<1x1x25x80xi32, #tpu.memory_space<hbm>> -> memref<25x80xi32, #tpu.memory_space<hbm>>
        %dma_start3A_97 = arith.constant 0 : i32
        %dma_start3A_98 = arith.constant 0 : i32
        %dma_start3A_99 = tpu.memref_slice %arg4[%add3A, %scan3A_28, %dma_start3A_97, %dma_start3A_98] : memref<32x5x25x80xi32, #tpu.memory_space<hbm>> -> memref<1x1x25x80xi32, #tpu.memory_space<hbm>>
        %dma_start3A_100 = tpu.memref_squeeze %dma_start3A_99 : memref<1x1x25x80xi32, #tpu.memory_space<hbm>> -> memref<25x80xi32, #tpu.memory_space<hbm>>
        tpu.enqueue_dma source(%dma_start3A_100 : memref<25x80xi32, #tpu.memory_space<hbm>>) target(%arg8 : memref<25x80xi32, #tpu.memory_space<vmem>>) target_semaphore(%run_scoped3A_92 : memref<!tpu.dma_semaphore, #tpu.memory_space<semaphore_mem>>)
        %dma_wait3A_101 = arith.constant 0 : i32
        %dma_wait3A_102 = arith.constant 0 : i32
        %dma_wait3A_103 = tpu.memref_slice %arg4[%add3A, %scan3A_28, %dma_wait3A_101, %dma_wait3A_102] : memref<32x5x25x80xi32, #tpu.memory_space<hbm>> -> memref<1x1x25x80xi32, #tpu.memory_space<hbm>>
        %dma_wait3A_104 = tpu.memref_squeeze %dma_wait3A_103 : memref<1x1x25x80xi32, #tpu.memory_space<hbm>> -> memref<25x80xi32, #tpu.memory_space<hbm>>
        %dma_wait3A_105 = arith.constant 0 : i32
        %dma_wait3A_106 = arith.constant 0 : i32
        %dma_wait3A_107 = tpu.memref_slice %arg4[%add3A, %scan3A_28, %dma_wait3A_105, %dma_wait3A_106] : memref<32x5x25x80xi32, #tpu.memory_space<hbm>> -> memref<1x1x25x80xi32, #tpu.memory_space<hbm>>
        %dma_wait3A_108 = tpu.memref_squeeze %dma_wait3A_107 : memref<1x1x25x80xi32, #tpu.memory_space<hbm>> -> memref<25x80xi32, #tpu.memory_space<hbm>>
        tpu.wait_dma2 semaphore(%run_scoped3A_92 : memref<!tpu.dma_semaphore, #tpu.memory_space<semaphore_mem>>) src(%dma_wait3A_108 : memref<25x80xi32, #tpu.memory_space<hbm>>) dst(%arg8 : memref<25x80xi32, #tpu.memory_space<vmem>>)
        tpu.yield
      }) : () -> ()
      %dma_start3A = arith.constant 0 : i32
      %dma_start3A_29 = arith.constant 0 : i32
      %dma_start3A_30 = tpu.memref_slice %arg7[%dma_start3A, %dma_start3A_29] : memref<25x80xi32, #tpu.memory_space<vmem>> -> memref<1x80xi32, #tpu.memory_space<vmem>>
      %dma_start3A_31 = tpu.memref_squeeze %dma_start3A_30 : memref<1x80xi32, #tpu.memory_space<vmem>> -> memref<80xi32, #tpu.memory_space<vmem>>
      %dma_start3A_32 = arith.constant 0 : i32
      %dma_start3A_33 = arith.constant 0 : i32
      %dma_start3A_34 = tpu.memref_slice %arg2[%dma_start3A_32, %dma_start3A_33] : memref<10000x128xf32, #tpu.memory_space<hbm>> -> memref<10000x128xf32, #tpu.memory_space<hbm>>
      tpu.enqueue_indirect_dma source(%dma_start3A_34 : memref<10000x128xf32, #tpu.memory_space<hbm>>) target(%arg9 : memref<80x128xf32, #tpu.memory_space<vmem>>) offsets(%dma_start3A_31 : memref<80xi32, #tpu.memory_space<vmem>>) semaphore(%arg12 : memref<!tpu.dma_semaphore, #tpu.memory_space<semaphore_mem>>)
      %dma_start3A_35 = arith.constant 1 : i32
      %dma_start3A_36 = arith.constant 0 : i32
      %dma_start3A_37 = tpu.memref_slice %arg7[%dma_start3A_35, %dma_start3A_36] : memref<25x80xi32, #tpu.memory_space<vmem>> -> memref<1x80xi32, #tpu.memory_space<vmem>>
      %dma_start3A_38 = tpu.memref_squeeze %dma_start3A_37 : memref<1x80xi32, #tpu.memory_space<vmem>> -> memref<80xi32, #tpu.memory_space<vmem>>
      %dma_start3A_39 = arith.constant 0 : i32
      %dma_start3A_40 = arith.constant 0 : i32
      %dma_start3A_41 = tpu.memref_slice %arg2[%dma_start3A_39, %dma_start3A_40] : memref<10000x128xf32, #tpu.memory_space<hbm>> -> memref<10000x128xf32, #tpu.memory_space<hbm>>
      tpu.enqueue_indirect_dma source(%dma_start3A_41 : memref<10000x128xf32, #tpu.memory_space<hbm>>) target(%arg10 : memref<80x128xf32, #tpu.memory_space<vmem>>) offsets(%dma_start3A_38 : memref<80xi32, #tpu.memory_space<vmem>>) semaphore(%arg13 : memref<!tpu.dma_semaphore, #tpu.memory_space<semaphore_mem>>)
      %dma_start3A_42 = arith.constant 2 : i32
      %dma_start3A_43 = arith.constant 0 : i32
      %dma_start3A_44 = tpu.memref_slice %arg7[%dma_start3A_42, %dma_start3A_43] : memref<25x80xi32, #tpu.memory_space<vmem>> -> memref<1x80xi32, #tpu.memory_space<vmem>>
      %dma_start3A_45 = tpu.memref_squeeze %dma_start3A_44 : memref<1x80xi32, #tpu.memory_space<vmem>> -> memref<80xi32, #tpu.memory_space<vmem>>
      %dma_start3A_46 = arith.constant 0 : i32
      %dma_start3A_47 = arith.constant 0 : i32
      %dma_start3A_48 = tpu.memref_slice %arg2[%dma_start3A_46, %dma_start3A_47] : memref<10000x128xf32, #tpu.memory_space<hbm>> -> memref<10000x128xf32, #tpu.memory_space<hbm>>
      tpu.enqueue_indirect_dma source(%dma_start3A_48 : memref<10000x128xf32, #tpu.memory_space<hbm>>) target(%arg11 : memref<80x128xf32, #tpu.memory_space<vmem>>) offsets(%dma_start3A_45 : memref<80xi32, #tpu.memory_space<vmem>>) semaphore(%arg14 : memref<!tpu.dma_semaphore, #tpu.memory_space<semaphore_mem>>)
      %scan3A_49 = arith.constant 0 : i32
      %scan3A_50 = arith.constant 0 : i32
      %scan3A_51 = arith.constant 7 : i32
      %scan3A_52 = arith.addi %scan3A_50, %scan3A_51 : i32
      %scan3A_53 = arith.constant 1 : i32
      scf.for %scan3A_92 = %scan3A_50 to %scan3A_52 step %scan3A_53  : i32 {
        %mul3A_93 = arith.constant 3 : i32
        %mul3A_94 = arith.muli %scan3A_92, %mul3A_93 : i32
        %add3A_95 = arith.constant 0 : i32
        %add3A_96 = arith.addi %mul3A_94, %add3A_95 : i32
        %dma_wait3A_97 = arith.constant 0 : i32
        %dma_wait3A_98 = tpu.memref_slice %arg7[%add3A_96, %dma_wait3A_97] : memref<25x80xi32, #tpu.memory_space<vmem>> -> memref<1x80xi32, #tpu.memory_space<vmem>>
        %dma_wait3A_99 = tpu.memref_squeeze %dma_wait3A_98 : memref<1x80xi32, #tpu.memory_space<vmem>> -> memref<80xi32, #tpu.memory_space<vmem>>
        %dma_wait3A_100 = arith.constant 0 : i32
        %dma_wait3A_101 = arith.constant 0 : i32
        %dma_wait3A_102 = tpu.memref_slice %arg2[%dma_wait3A_100, %dma_wait3A_101] : memref<10000x128xf32, #tpu.memory_space<hbm>> -> memref<10000x128xf32, #tpu.memory_space<hbm>>
        tpu.wait_indirect_dma semaphore(%arg12 : memref<!tpu.dma_semaphore, #tpu.memory_space<semaphore_mem>>) src(%dma_wait3A_102 : memref<10000x128xf32, #tpu.memory_space<hbm>>) dst(%arg9 : memref<80x128xf32, #tpu.memory_space<vmem>>)
        "tpu.region"() ({
          %run_scoped3A_143 = tpu.sem_alloc : memref<!tpu.dma_semaphore, #tpu.memory_space<semaphore_mem>>
          %dma_start3A_144 = arith.constant 0 : i32
          %dma_start3A_145 = tpu.memref_slice %arg8[%add3A_96, %dma_start3A_144] : memref<25x80xi32, #tpu.memory_space<vmem>> -> memref<1x80xi32, #tpu.memory_space<vmem>>
          %dma_start3A_146 = tpu.memref_squeeze %dma_start3A_145 : memref<1x80xi32, #tpu.memory_space<vmem>> -> memref<80xi32, #tpu.memory_space<vmem>>
          %dma_start3A_147 = arith.constant 0 : i32
          %dma_start3A_148 = arith.constant 0 : i32
          %dma_start3A_149 = tpu.memref_slice %arg15[%dma_start3A_147, %dma_start3A_148] : memref<10000x128xf32, #tpu.memory_space<vmem_shared>> -> memref<10000x128xf32, #tpu.memory_space<vmem_shared>>
          tpu.enqueue_indirect_dma source(%arg9 : memref<80x128xf32, #tpu.memory_space<vmem>>) target(%dma_start3A_149 : memref<10000x128xf32, #tpu.memory_space<vmem_shared>>) offsets(%dma_start3A_146 : memref<80xi32, #tpu.memory_space<vmem>>) semaphore(%run_scoped3A_143 : memref<!tpu.dma_semaphore, #tpu.memory_space<semaphore_mem>>) {add = true}
          %dma_wait3A_150 = arith.constant 0 : i32
          %dma_wait3A_151 = tpu.memref_slice %arg8[%add3A_96, %dma_wait3A_150] : memref<25x80xi32, #tpu.memory_space<vmem>> -> memref<1x80xi32, #tpu.memory_space<vmem>>
          %dma_wait3A_152 = tpu.memref_squeeze %dma_wait3A_151 : memref<1x80xi32, #tpu.memory_space<vmem>> -> memref<80xi32, #tpu.memory_space<vmem>>
          %dma_wait3A_153 = arith.constant 0 : i32
          %dma_wait3A_154 = arith.constant 0 : i32
          %dma_wait3A_155 = tpu.memref_slice %arg15[%dma_wait3A_153, %dma_wait3A_154] : memref<10000x128xf32, #tpu.memory_space<vmem_shared>> -> memref<10000x128xf32, #tpu.memory_space<vmem_shared>>
          tpu.wait_indirect_dma semaphore(%run_scoped3A_143 : memref<!tpu.dma_semaphore, #tpu.memory_space<semaphore_mem>>) src(%arg9 : memref<80x128xf32, #tpu.memory_space<vmem>>) dst(%dma_wait3A_155 : memref<10000x128xf32, #tpu.memory_space<vmem_shared>>)
          tpu.yield
        }) : () -> ()
        %add3A_103 = arith.constant 3 : i32
        %add3A_104 = arith.addi %add3A_96, %add3A_103 : i32
        %dma_start3A_105 = arith.constant 0 : i32
        %dma_start3A_106 = tpu.memref_slice %arg7[%add3A_104, %dma_start3A_105] : memref<25x80xi32, #tpu.memory_space<vmem>> -> memref<1x80xi32, #tpu.memory_space<vmem>>
        %dma_start3A_107 = tpu.memref_squeeze %dma_start3A_106 : memref<1x80xi32, #tpu.memory_space<vmem>> -> memref<80xi32, #tpu.memory_space<vmem>>
        %dma_start3A_108 = arith.constant 0 : i32
        %dma_start3A_109 = arith.constant 0 : i32
        %dma_start3A_110 = tpu.memref_slice %arg2[%dma_start3A_108, %dma_start3A_109] : memref<10000x128xf32, #tpu.memory_space<hbm>> -> memref<10000x128xf32, #tpu.memory_space<hbm>>
        tpu.enqueue_indirect_dma source(%dma_start3A_110 : memref<10000x128xf32, #tpu.memory_space<hbm>>) target(%arg9 : memref<80x128xf32, #tpu.memory_space<vmem>>) offsets(%dma_start3A_107 : memref<80xi32, #tpu.memory_space<vmem>>) semaphore(%arg12 : memref<!tpu.dma_semaphore, #tpu.memory_space<semaphore_mem>>)
        %add3A_111 = arith.constant 1 : i32
        %add3A_112 = arith.addi %mul3A_94, %add3A_111 : i32
        %dma_wait3A_113 = arith.constant 0 : i32
        %dma_wait3A_114 = tpu.memref_slice %arg7[%add3A_112, %dma_wait3A_113] : memref<25x80xi32, #tpu.memory_space<vmem>> -> memref<1x80xi32, #tpu.memory_space<vmem>>
        %dma_wait3A_115 = tpu.memref_squeeze %dma_wait3A_114 : memref<1x80xi32, #tpu.memory_space<vmem>> -> memref<80xi32, #tpu.memory_space<vmem>>
        %dma_wait3A_116 = arith.constant 0 : i32
        %dma_wait3A_117 = arith.constant 0 : i32
        %dma_wait3A_118 = tpu.memref_slice %arg2[%dma_wait3A_116, %dma_wait3A_117] : memref<10000x128xf32, #tpu.memory_space<hbm>> -> memref<10000x128xf32, #tpu.memory_space<hbm>>
        tpu.wait_indirect_dma semaphore(%arg13 : memref<!tpu.dma_semaphore, #tpu.memory_space<semaphore_mem>>) src(%dma_wait3A_118 : memref<10000x128xf32, #tpu.memory_space<hbm>>) dst(%arg10 : memref<80x128xf32, #tpu.memory_space<vmem>>)
        "tpu.region"() ({
          %run_scoped3A_143 = tpu.sem_alloc : memref<!tpu.dma_semaphore, #tpu.memory_space<semaphore_mem>>
          %dma_start3A_144 = arith.constant 0 : i32
          %dma_start3A_145 = tpu.memref_slice %arg8[%add3A_112, %dma_start3A_144] : memref<25x80xi32, #tpu.memory_space<vmem>> -> memref<1x80xi32, #tpu.memory_space<vmem>>
          %dma_start3A_146 = tpu.memref_squeeze %dma_start3A_145 : memref<1x80xi32, #tpu.memory_space<vmem>> -> memref<80xi32, #tpu.memory_space<vmem>>
          %dma_start3A_147 = arith.constant 0 : i32
          %dma_start3A_148 = arith.constant 0 : i32
          %dma_start3A_149 = tpu.memref_slice %arg15[%dma_start3A_147, %dma_start3A_148] : memref<10000x128xf32, #tpu.memory_space<vmem_shared>> -> memref<10000x128xf32, #tpu.memory_space<vmem_shared>>
          tpu.enqueue_indirect_dma source(%arg10 : memref<80x128xf32, #tpu.memory_space<vmem>>) target(%dma_start3A_149 : memref<10000x128xf32, #tpu.memory_space<vmem_shared>>) offsets(%dma_start3A_146 : memref<80xi32, #tpu.memory_space<vmem>>) semaphore(%run_scoped3A_143 : memref<!tpu.dma_semaphore, #tpu.memory_space<semaphore_mem>>) {add = true}
          %dma_wait3A_150 = arith.constant 0 : i32
          %dma_wait3A_151 = tpu.memref_slice %arg8[%add3A_112, %dma_wait3A_150] : memref<25x80xi32, #tpu.memory_space<vmem>> -> memref<1x80xi32, #tpu.memory_space<vmem>>
          %dma_wait3A_152 = tpu.memref_squeeze %dma_wait3A_151 : memref<1x80xi32, #tpu.memory_space<vmem>> -> memref<80xi32, #tpu.memory_space<vmem>>
          %dma_wait3A_153 = arith.constant 0 : i32
          %dma_wait3A_154 = arith.constant 0 : i32
          %dma_wait3A_155 = tpu.memref_slice %arg15[%dma_wait3A_153, %dma_wait3A_154] : memref<10000x128xf32, #tpu.memory_space<vmem_shared>> -> memref<10000x128xf32, #tpu.memory_space<vmem_shared>>
          tpu.wait_indirect_dma semaphore(%run_scoped3A_143 : memref<!tpu.dma_semaphore, #tpu.memory_space<semaphore_mem>>) src(%arg10 : memref<80x128xf32, #tpu.memory_space<vmem>>) dst(%dma_wait3A_155 : memref<10000x128xf32, #tpu.memory_space<vmem_shared>>)
          tpu.yield
        }) : () -> ()
        %add3A_119 = arith.constant 3 : i32
        %add3A_120 = arith.addi %add3A_112, %add3A_119 : i32
        %dma_start3A_121 = arith.constant 0 : i32
        %dma_start3A_122 = tpu.memref_slice %arg7[%add3A_120, %dma_start3A_121] : memref<25x80xi32, #tpu.memory_space<vmem>> -> memref<1x80xi32, #tpu.memory_space<vmem>>
        %dma_start3A_123 = tpu.memref_squeeze %dma_start3A_122 : memref<1x80xi32, #tpu.memory_space<vmem>> -> memref<80xi32, #tpu.memory_space<vmem>>
        %dma_start3A_124 = arith.constant 0 : i32
        %dma_start3A_125 = arith.constant 0 : i32
        %dma_start3A_126 = tpu.memref_slice %arg2[%dma_start3A_124, %dma_start3A_125] : memref<10000x128xf32, #tpu.memory_space<hbm>> -> memref<10000x128xf32, #tpu.memory_space<hbm>>
        tpu.enqueue_indirect_dma source(%dma_start3A_126 : memref<10000x128xf32, #tpu.memory_space<hbm>>) target(%arg10 : memref<80x128xf32, #tpu.memory_space<vmem>>) offsets(%dma_start3A_123 : memref<80xi32, #tpu.memory_space<vmem>>) semaphore(%arg13 : memref<!tpu.dma_semaphore, #tpu.memory_space<semaphore_mem>>)
        %add3A_127 = arith.constant 2 : i32
        %add3A_128 = arith.addi %mul3A_94, %add3A_127 : i32
        %dma_wait3A_129 = arith.constant 0 : i32
        %dma_wait3A_130 = tpu.memref_slice %arg7[%add3A_128, %dma_wait3A_129] : memref<25x80xi32, #tpu.memory_space<vmem>> -> memref<1x80xi32, #tpu.memory_space<vmem>>
        %dma_wait3A_131 = tpu.memref_squeeze %dma_wait3A_130 : memref<1x80xi32, #tpu.memory_space<vmem>> -> memref<80xi32, #tpu.memory_space<vmem>>
        %dma_wait3A_132 = arith.constant 0 : i32
        %dma_wait3A_133 = arith.constant 0 : i32
        %dma_wait3A_134 = tpu.memref_slice %arg2[%dma_wait3A_132, %dma_wait3A_133] : memref<10000x128xf32, #tpu.memory_space<hbm>> -> memref<10000x128xf32, #tpu.memory_space<hbm>>
        tpu.wait_indirect_dma semaphore(%arg14 : memref<!tpu.dma_semaphore, #tpu.memory_space<semaphore_mem>>) src(%dma_wait3A_134 : memref<10000x128xf32, #tpu.memory_space<hbm>>) dst(%arg11 : memref<80x128xf32, #tpu.memory_space<vmem>>)
        "tpu.region"() ({
          %run_scoped3A_143 = tpu.sem_alloc : memref<!tpu.dma_semaphore, #tpu.memory_space<semaphore_mem>>
          %dma_start3A_144 = arith.constant 0 : i32
          %dma_start3A_145 = tpu.memref_slice %arg8[%add3A_128, %dma_start3A_144] : memref<25x80xi32, #tpu.memory_space<vmem>> -> memref<1x80xi32, #tpu.memory_space<vmem>>
          %dma_start3A_146 = tpu.memref_squeeze %dma_start3A_145 : memref<1x80xi32, #tpu.memory_space<vmem>> -> memref<80xi32, #tpu.memory_space<vmem>>
          %dma_start3A_147 = arith.constant 0 : i32
          %dma_start3A_148 = arith.constant 0 : i32
          %dma_start3A_149 = tpu.memref_slice %arg15[%dma_start3A_147, %dma_start3A_148] : memref<10000x128xf32, #tpu.memory_space<vmem_shared>> -> memref<10000x128xf32, #tpu.memory_space<vmem_shared>>
          tpu.enqueue_indirect_dma source(%arg11 : memref<80x128xf32, #tpu.memory_space<vmem>>) target(%dma_start3A_149 : memref<10000x128xf32, #tpu.memory_space<vmem_shared>>) offsets(%dma_start3A_146 : memref<80xi32, #tpu.memory_space<vmem>>) semaphore(%run_scoped3A_143 : memref<!tpu.dma_semaphore, #tpu.memory_space<semaphore_mem>>) {add = true}
          %dma_wait3A_150 = arith.constant 0 : i32
          %dma_wait3A_151 = tpu.memref_slice %arg8[%add3A_128, %dma_wait3A_150] : memref<25x80xi32, #tpu.memory_space<vmem>> -> memref<1x80xi32, #tpu.memory_space<vmem>>
          %dma_wait3A_152 = tpu.memref_squeeze %dma_wait3A_151 : memref<1x80xi32, #tpu.memory_space<vmem>> -> memref<80xi32, #tpu.memory_space<vmem>>
          %dma_wait3A_153 = arith.constant 0 : i32
          %dma_wait3A_154 = arith.constant 0 : i32
          %dma_wait3A_155 = tpu.memref_slice %arg15[%dma_wait3A_153, %dma_wait3A_154] : memref<10000x128xf32, #tpu.memory_space<vmem_shared>> -> memref<10000x128xf32, #tpu.memory_space<vmem_shared>>
          tpu.wait_indirect_dma semaphore(%run_scoped3A_143 : memref<!tpu.dma_semaphore, #tpu.memory_space<semaphore_mem>>) src(%arg11 : memref<80x128xf32, #tpu.memory_space<vmem>>) dst(%dma_wait3A_155 : memref<10000x128xf32, #tpu.memory_space<vmem_shared>>)
          tpu.yield
        }) : () -> ()
        %add3A_135 = arith.constant 3 : i32
        %add3A_136 = arith.addi %add3A_128, %add3A_135 : i32
        %dma_start3A_137 = arith.constant 0 : i32
        %dma_start3A_138 = tpu.memref_slice %arg7[%add3A_136, %dma_start3A_137] : memref<25x80xi32, #tpu.memory_space<vmem>> -> memref<1x80xi32, #tpu.memory_space<vmem>>
        %dma_start3A_139 = tpu.memref_squeeze %dma_start3A_138 : memref<1x80xi32, #tpu.memory_space<vmem>> -> memref<80xi32, #tpu.memory_space<vmem>>
        %dma_start3A_140 = arith.constant 0 : i32
        %dma_start3A_141 = arith.constant 0 : i32
        %dma_start3A_142 = tpu.memref_slice %arg2[%dma_start3A_140, %dma_start3A_141] : memref<10000x128xf32, #tpu.memory_space<hbm>> -> memref<10000x128xf32, #tpu.memory_space<hbm>>
        tpu.enqueue_indirect_dma source(%dma_start3A_142 : memref<10000x128xf32, #tpu.memory_space<hbm>>) target(%arg11 : memref<80x128xf32, #tpu.memory_space<vmem>>) offsets(%dma_start3A_139 : memref<80xi32, #tpu.memory_space<vmem>>) semaphore(%arg14 : memref<!tpu.dma_semaphore, #tpu.memory_space<semaphore_mem>>)
      }
      %scan3A_54 = arith.constant 7 : i32
      %dma_wait3A = arith.constant 21 : i32
      %dma_wait3A_55 = arith.constant 0 : i32
      %dma_wait3A_56 = tpu.memref_slice %arg7[%dma_wait3A, %dma_wait3A_55] : memref<25x80xi32, #tpu.memory_space<vmem>> -> memref<1x80xi32, #tpu.memory_space<vmem>>
      %dma_wait3A_57 = tpu.memref_squeeze %dma_wait3A_56 : memref<1x80xi32, #tpu.memory_space<vmem>> -> memref<80xi32, #tpu.memory_space<vmem>>
      %dma_wait3A_58 = arith.constant 0 : i32
      %dma_wait3A_59 = arith.constant 0 : i32
      %dma_wait3A_60 = tpu.memref_slice %arg2[%dma_wait3A_58, %dma_wait3A_59] : memref<10000x128xf32, #tpu.memory_space<hbm>> -> memref<10000x128xf32, #tpu.memory_space<hbm>>
      tpu.wait_indirect_dma semaphore(%arg12 : memref<!tpu.dma_semaphore, #tpu.memory_space<semaphore_mem>>) src(%dma_wait3A_60 : memref<10000x128xf32, #tpu.memory_space<hbm>>) dst(%arg9 : memref<80x128xf32, #tpu.memory_space<vmem>>)
      %run_scoped3A = arith.constant 21 : i32
      "tpu.region"() ({
        %run_scoped3A_92 = tpu.sem_alloc : memref<!tpu.dma_semaphore, #tpu.memory_space<semaphore_mem>>
        %dma_start3A_93 = arith.constant 0 : i32
        %dma_start3A_94 = tpu.memref_slice %arg8[%run_scoped3A, %dma_start3A_93] : memref<25x80xi32, #tpu.memory_space<vmem>> -> memref<1x80xi32, #tpu.memory_space<vmem>>
        %dma_start3A_95 = tpu.memref_squeeze %dma_start3A_94 : memref<1x80xi32, #tpu.memory_space<vmem>> -> memref<80xi32, #tpu.memory_space<vmem>>
        %dma_start3A_96 = arith.constant 0 : i32
        %dma_start3A_97 = arith.constant 0 : i32
        %dma_start3A_98 = tpu.memref_slice %arg15[%dma_start3A_96, %dma_start3A_97] : memref<10000x128xf32, #tpu.memory_space<vmem_shared>> -> memref<10000x128xf32, #tpu.memory_space<vmem_shared>>
        tpu.enqueue_indirect_dma source(%arg9 : memref<80x128xf32, #tpu.memory_space<vmem>>) target(%dma_start3A_98 : memref<10000x128xf32, #tpu.memory_space<vmem_shared>>) offsets(%dma_start3A_95 : memref<80xi32, #tpu.memory_space<vmem>>) semaphore(%run_scoped3A_92 : memref<!tpu.dma_semaphore, #tpu.memory_space<semaphore_mem>>) {add = true}
        %dma_wait3A_99 = arith.constant 0 : i32
        %dma_wait3A_100 = tpu.memref_slice %arg8[%run_scoped3A, %dma_wait3A_99] : memref<25x80xi32, #tpu.memory_space<vmem>> -> memref<1x80xi32, #tpu.memory_space<vmem>>
        %dma_wait3A_101 = tpu.memref_squeeze %dma_wait3A_100 : memref<1x80xi32, #tpu.memory_space<vmem>> -> memref<80xi32, #tpu.memory_space<vmem>>
        %dma_wait3A_102 = arith.constant 0 : i32
        %dma_wait3A_103 = arith.constant 0 : i32
        %dma_wait3A_104 = tpu.memref_slice %arg15[%dma_wait3A_102, %dma_wait3A_103] : memref<10000x128xf32, #tpu.memory_space<vmem_shared>> -> memref<10000x128xf32, #tpu.memory_space<vmem_shared>>
        tpu.wait_indirect_dma semaphore(%run_scoped3A_92 : memref<!tpu.dma_semaphore, #tpu.memory_space<semaphore_mem>>) src(%arg9 : memref<80x128xf32, #tpu.memory_space<vmem>>) dst(%dma_wait3A_104 : memref<10000x128xf32, #tpu.memory_space<vmem_shared>>)
        tpu.yield
      }) : () -> ()
      %dma_start3A_61 = arith.constant 24 : i32
      %dma_start3A_62 = arith.constant 0 : i32
      %dma_start3A_63 = tpu.memref_slice %arg7[%dma_start3A_61, %dma_start3A_62] : memref<25x80xi32, #tpu.memory_space<vmem>> -> memref<1x80xi32, #tpu.memory_space<vmem>>
      %dma_start3A_64 = tpu.memref_squeeze %dma_start3A_63 : memref<1x80xi32, #tpu.memory_space<vmem>> -> memref<80xi32, #tpu.memory_space<vmem>>
      %dma_start3A_65 = arith.constant 0 : i32
      %dma_start3A_66 = arith.constant 0 : i32
      %dma_start3A_67 = tpu.memref_slice %arg2[%dma_start3A_65, %dma_start3A_66] : memref<10000x128xf32, #tpu.memory_space<hbm>> -> memref<10000x128xf32, #tpu.memory_space<hbm>>
      tpu.enqueue_indirect_dma source(%dma_start3A_67 : memref<10000x128xf32, #tpu.memory_space<hbm>>) target(%arg9 : memref<80x128xf32, #tpu.memory_space<vmem>>) offsets(%dma_start3A_64 : memref<80xi32, #tpu.memory_space<vmem>>) semaphore(%arg12 : memref<!tpu.dma_semaphore, #tpu.memory_space<semaphore_mem>>)
      %dma_wait3A_68 = arith.constant 22 : i32
      %dma_wait3A_69 = arith.constant 0 : i32
      %dma_wait3A_70 = tpu.memref_slice %arg7[%dma_wait3A_68, %dma_wait3A_69] : memref<25x80xi32, #tpu.memory_space<vmem>> -> memref<1x80xi32, #tpu.memory_space<vmem>>
      %dma_wait3A_71 = tpu.memref_squeeze %dma_wait3A_70 : memref<1x80xi32, #tpu.memory_space<vmem>> -> memref<80xi32, #tpu.memory_space<vmem>>
      %dma_wait3A_72 = arith.constant 0 : i32
      %dma_wait3A_73 = arith.constant 0 : i32
      %dma_wait3A_74 = tpu.memref_slice %arg2[%dma_wait3A_72, %dma_wait3A_73] : memref<10000x128xf32, #tpu.memory_space<hbm>> -> memref<10000x128xf32, #tpu.memory_space<hbm>>
      tpu.wait_indirect_dma semaphore(%arg13 : memref<!tpu.dma_semaphore, #tpu.memory_space<semaphore_mem>>) src(%dma_wait3A_74 : memref<10000x128xf32, #tpu.memory_space<hbm>>) dst(%arg10 : memref<80x128xf32, #tpu.memory_space<vmem>>)
      %run_scoped3A_75 = arith.constant 22 : i32
      "tpu.region"() ({
        %run_scoped3A_92 = tpu.sem_alloc : memref<!tpu.dma_semaphore, #tpu.memory_space<semaphore_mem>>
        %dma_start3A_93 = arith.constant 0 : i32
        %dma_start3A_94 = tpu.memref_slice %arg8[%run_scoped3A_75, %dma_start3A_93] : memref<25x80xi32, #tpu.memory_space<vmem>> -> memref<1x80xi32, #tpu.memory_space<vmem>>
        %dma_start3A_95 = tpu.memref_squeeze %dma_start3A_94 : memref<1x80xi32, #tpu.memory_space<vmem>> -> memref<80xi32, #tpu.memory_space<vmem>>
        %dma_start3A_96 = arith.constant 0 : i32
        %dma_start3A_97 = arith.constant 0 : i32
        %dma_start3A_98 = tpu.memref_slice %arg15[%dma_start3A_96, %dma_start3A_97] : memref<10000x128xf32, #tpu.memory_space<vmem_shared>> -> memref<10000x128xf32, #tpu.memory_space<vmem_shared>>
        tpu.enqueue_indirect_dma source(%arg10 : memref<80x128xf32, #tpu.memory_space<vmem>>) target(%dma_start3A_98 : memref<10000x128xf32, #tpu.memory_space<vmem_shared>>) offsets(%dma_start3A_95 : memref<80xi32, #tpu.memory_space<vmem>>) semaphore(%run_scoped3A_92 : memref<!tpu.dma_semaphore, #tpu.memory_space<semaphore_mem>>) {add = true}
        %dma_wait3A_99 = arith.constant 0 : i32
        %dma_wait3A_100 = tpu.memref_slice %arg8[%run_scoped3A_75, %dma_wait3A_99] : memref<25x80xi32, #tpu.memory_space<vmem>> -> memref<1x80xi32, #tpu.memory_space<vmem>>
        %dma_wait3A_101 = tpu.memref_squeeze %dma_wait3A_100 : memref<1x80xi32, #tpu.memory_space<vmem>> -> memref<80xi32, #tpu.memory_space<vmem>>
        %dma_wait3A_102 = arith.constant 0 : i32
        %dma_wait3A_103 = arith.constant 0 : i32
        %dma_wait3A_104 = tpu.memref_slice %arg15[%dma_wait3A_102, %dma_wait3A_103] : memref<10000x128xf32, #tpu.memory_space<vmem_shared>> -> memref<10000x128xf32, #tpu.memory_space<vmem_shared>>
        tpu.wait_indirect_dma semaphore(%run_scoped3A_92 : memref<!tpu.dma_semaphore, #tpu.memory_space<semaphore_mem>>) src(%arg10 : memref<80x128xf32, #tpu.memory_space<vmem>>) dst(%dma_wait3A_104 : memref<10000x128xf32, #tpu.memory_space<vmem_shared>>)
        tpu.yield
      }) : () -> ()
      %dma_wait3A_76 = arith.constant 23 : i32
      %dma_wait3A_77 = arith.constant 0 : i32
      %dma_wait3A_78 = tpu.memref_slice %arg7[%dma_wait3A_76, %dma_wait3A_77] : memref<25x80xi32, #tpu.memory_space<vmem>> -> memref<1x80xi32, #tpu.memory_space<vmem>>
      %dma_wait3A_79 = tpu.memref_squeeze %dma_wait3A_78 : memref<1x80xi32, #tpu.memory_space<vmem>> -> memref<80xi32, #tpu.memory_space<vmem>>
      %dma_wait3A_80 = arith.constant 0 : i32
      %dma_wait3A_81 = arith.constant 0 : i32
      %dma_wait3A_82 = tpu.memref_slice %arg2[%dma_wait3A_80, %dma_wait3A_81] : memref<10000x128xf32, #tpu.memory_space<hbm>> -> memref<10000x128xf32, #tpu.memory_space<hbm>>
      tpu.wait_indirect_dma semaphore(%arg14 : memref<!tpu.dma_semaphore, #tpu.memory_space<semaphore_mem>>) src(%dma_wait3A_82 : memref<10000x128xf32, #tpu.memory_space<hbm>>) dst(%arg11 : memref<80x128xf32, #tpu.memory_space<vmem>>)
      %run_scoped3A_83 = arith.constant 23 : i32
      "tpu.region"() ({
        %run_scoped3A_92 = tpu.sem_alloc : memref<!tpu.dma_semaphore, #tpu.memory_space<semaphore_mem>>
        %dma_start3A_93 = arith.constant 0 : i32
        %dma_start3A_94 = tpu.memref_slice %arg8[%run_scoped3A_83, %dma_start3A_93] : memref<25x80xi32, #tpu.memory_space<vmem>> -> memref<1x80xi32, #tpu.memory_space<vmem>>
        %dma_start3A_95 = tpu.memref_squeeze %dma_start3A_94 : memref<1x80xi32, #tpu.memory_space<vmem>> -> memref<80xi32, #tpu.memory_space<vmem>>
        %dma_start3A_96 = arith.constant 0 : i32
        %dma_start3A_97 = arith.constant 0 : i32
        %dma_start3A_98 = tpu.memref_slice %arg15[%dma_start3A_96, %dma_start3A_97] : memref<10000x128xf32, #tpu.memory_space<vmem_shared>> -> memref<10000x128xf32, #tpu.memory_space<vmem_shared>>
        tpu.enqueue_indirect_dma source(%arg11 : memref<80x128xf32, #tpu.memory_space<vmem>>) target(%dma_start3A_98 : memref<10000x128xf32, #tpu.memory_space<vmem_shared>>) offsets(%dma_start3A_95 : memref<80xi32, #tpu.memory_space<vmem>>) semaphore(%run_scoped3A_92 : memref<!tpu.dma_semaphore, #tpu.memory_space<semaphore_mem>>) {add = true}
        %dma_wait3A_99 = arith.constant 0 : i32
        %dma_wait3A_100 = tpu.memref_slice %arg8[%run_scoped3A_83, %dma_wait3A_99] : memref<25x80xi32, #tpu.memory_space<vmem>> -> memref<1x80xi32, #tpu.memory_space<vmem>>
        %dma_wait3A_101 = tpu.memref_squeeze %dma_wait3A_100 : memref<1x80xi32, #tpu.memory_space<vmem>> -> memref<80xi32, #tpu.memory_space<vmem>>
        %dma_wait3A_102 = arith.constant 0 : i32
        %dma_wait3A_103 = arith.constant 0 : i32
        %dma_wait3A_104 = tpu.memref_slice %arg15[%dma_wait3A_102, %dma_wait3A_103] : memref<10000x128xf32, #tpu.memory_space<vmem_shared>> -> memref<10000x128xf32, #tpu.memory_space<vmem_shared>>
        tpu.wait_indirect_dma semaphore(%run_scoped3A_92 : memref<!tpu.dma_semaphore, #tpu.memory_space<semaphore_mem>>) src(%arg11 : memref<80x128xf32, #tpu.memory_space<vmem>>) dst(%dma_wait3A_104 : memref<10000x128xf32, #tpu.memory_space<vmem_shared>>)
        tpu.yield
      }) : () -> ()
      %dma_wait3A_84 = arith.constant 24 : i32
      %dma_wait3A_85 = arith.constant 0 : i32
      %dma_wait3A_86 = tpu.memref_slice %arg7[%dma_wait3A_84, %dma_wait3A_85] : memref<25x80xi32, #tpu.memory_space<vmem>> -> memref<1x80xi32, #tpu.memory_space<vmem>>
      %dma_wait3A_87 = tpu.memref_squeeze %dma_wait3A_86 : memref<1x80xi32, #tpu.memory_space<vmem>> -> memref<80xi32, #tpu.memory_space<vmem>>
      %dma_wait3A_88 = arith.constant 0 : i32
      %dma_wait3A_89 = arith.constant 0 : i32
      %dma_wait3A_90 = tpu.memref_slice %arg2[%dma_wait3A_88, %dma_wait3A_89] : memref<10000x128xf32, #tpu.memory_space<hbm>> -> memref<10000x128xf32, #tpu.memory_space<hbm>>
      tpu.wait_indirect_dma semaphore(%arg12 : memref<!tpu.dma_semaphore, #tpu.memory_space<semaphore_mem>>) src(%dma_wait3A_90 : memref<10000x128xf32, #tpu.memory_space<hbm>>) dst(%arg9 : memref<80x128xf32, #tpu.memory_space<vmem>>)
      %run_scoped3A_91 = arith.constant 24 : i32
      "tpu.region"() ({
        %run_scoped3A_92 = tpu.sem_alloc : memref<!tpu.dma_semaphore, #tpu.memory_space<semaphore_mem>>
        %dma_start3A_93 = arith.constant 0 : i32
        %dma_start3A_94 = tpu.memref_slice %arg8[%run_scoped3A_91, %dma_start3A_93] : memref<25x80xi32, #tpu.memory_space<vmem>> -> memref<1x80xi32, #tpu.memory_space<vmem>>
        %dma_start3A_95 = tpu.memref_squeeze %dma_start3A_94 : memref<1x80xi32, #tpu.memory_space<vmem>> -> memref<80xi32, #tpu.memory_space<vmem>>
        %dma_start3A_96 = arith.constant 0 : i32
        %dma_start3A_97 = arith.constant 0 : i32
        %dma_start3A_98 = tpu.memref_slice %arg15[%dma_start3A_96, %dma_start3A_97] : memref<10000x128xf32, #tpu.memory_space<vmem_shared>> -> memref<10000x128xf32, #tpu.memory_space<vmem_shared>>
        tpu.enqueue_indirect_dma source(%arg9 : memref<80x128xf32, #tpu.memory_space<vmem>>) target(%dma_start3A_98 : memref<10000x128xf32, #tpu.memory_space<vmem_shared>>) offsets(%dma_start3A_95 : memref<80xi32, #tpu.memory_space<vmem>>) semaphore(%run_scoped3A_92 : memref<!tpu.dma_semaphore, #tpu.memory_space<semaphore_mem>>) {add = true}
        %dma_wait3A_99 = arith.constant 0 : i32
        %dma_wait3A_100 = tpu.memref_slice %arg8[%run_scoped3A_91, %dma_wait3A_99] : memref<25x80xi32, #tpu.memory_space<vmem>> -> memref<1x80xi32, #tpu.memory_space<vmem>>
        %dma_wait3A_101 = tpu.memref_squeeze %dma_wait3A_100 : memref<1x80xi32, #tpu.memory_space<vmem>> -> memref<80xi32, #tpu.memory_space<vmem>>
        %dma_wait3A_102 = arith.constant 0 : i32
        %dma_wait3A_103 = arith.constant 0 : i32
        %dma_wait3A_104 = tpu.memref_slice %arg15[%dma_wait3A_102, %dma_wait3A_103] : memref<10000x128xf32, #tpu.memory_space<vmem_shared>> -> memref<10000x128xf32, #tpu.memory_space<vmem_shared>>
        tpu.wait_indirect_dma semaphore(%run_scoped3A_92 : memref<!tpu.dma_semaphore, #tpu.memory_space<semaphore_mem>>) src(%arg9 : memref<80x128xf32, #tpu.memory_space<vmem>>) dst(%dma_wait3A_104 : memref<10000x128xf32, #tpu.memory_space<vmem_shared>>)
        tpu.yield
      }) : () -> ()
    }
    %scan3A_13 = arith.constant 5 : i32
    %barrier3A_14 = arith.constant 0 : index
    tpu.barrier barrier_id(%barrier3A_14)
    %barrier3A_15 = arith.constant 0 : index
    tpu.barrier barrier_id(%barrier3A_15)
    %mul3A_16 = arith.constant 624 : i32
    %mul3A_17 = arith.muli %arg1, %mul3A_16 : i32
    %eq3A_18 = arith.constant 15 : i32
    %eq3A_19 = arith.cmpi eq, %arg1, %eq3A_18 : i32
    %convert_element_type3A_20 = arith.extui %eq3A_19 : i1 to i32
    %cond3A_21 = arith.constant 0 : i32
    %cond3A_22 = arith.cmpi ne, %convert_element_type3A_20, %cond3A_21 : i32
    scf.if %cond3A_22 {
      "tpu.region"() ({
        %run_scoped3A = tpu.sem_alloc : memref<!tpu.dma_semaphore, #tpu.memory_space<semaphore_mem>>
        %dma_start3A = arith.constant 0 : i32
        %dma_start3A_28 = tpu.memref_slice %arg6[%arg0, %mul3A_17, %dma_start3A] : memref<2x10000x128xf32, #tpu.memory_space<hbm>> -> memref<1x640x128xf32, #tpu.memory_space<hbm>>
        %dma_start3A_29 = tpu.memref_squeeze %dma_start3A_28 : memref<1x640x128xf32, #tpu.memory_space<hbm>> -> memref<640x128xf32, #tpu.memory_space<hbm>>
        %dma_start3A_30 = arith.constant 0 : i32
        %dma_start3A_31 = tpu.memref_slice %arg15[%mul3A_17, %dma_start3A_30] : memref<10000x128xf32, #tpu.memory_space<vmem_shared>> -> memref<640x128xf32, #tpu.memory_space<vmem_shared>>
        tpu.enqueue_dma source(%dma_start3A_31 : memref<640x128xf32, #tpu.memory_space<vmem_shared>>) target(%dma_start3A_29 : memref<640x128xf32, #tpu.memory_space<hbm>>) target_semaphore(%run_scoped3A : memref<!tpu.dma_semaphore, #tpu.memory_space<semaphore_mem>>)
        %dma_wait3A = arith.constant 0 : i32
        %dma_wait3A_32 = tpu.memref_slice %arg6[%arg0, %mul3A_17, %dma_wait3A] : memref<2x10000x128xf32, #tpu.memory_space<hbm>> -> memref<1x640x128xf32, #tpu.memory_space<hbm>>
        %dma_wait3A_33 = tpu.memref_squeeze %dma_wait3A_32 : memref<1x640x128xf32, #tpu.memory_space<hbm>> -> memref<640x128xf32, #tpu.memory_space<hbm>>
        %dma_wait3A_34 = arith.constant 0 : i32
        %dma_wait3A_35 = tpu.memref_slice %arg15[%mul3A_17, %dma_wait3A_34] : memref<10000x128xf32, #tpu.memory_space<vmem_shared>> -> memref<640x128xf32, #tpu.memory_space<vmem_shared>>
        tpu.wait_dma2 semaphore(%run_scoped3A : memref<!tpu.dma_semaphore, #tpu.memory_space<semaphore_mem>>) src(%dma_wait3A_35 : memref<640x128xf32, #tpu.memory_space<vmem_shared>>) dst(%dma_wait3A_33 : memref<640x128xf32, #tpu.memory_space<hbm>>)
        tpu.yield
      }) : () -> ()
    } else {
    }
    %lt3A_23 = arith.constant 15 : i32
    %lt3A_24 = arith.cmpi slt, %arg1, %lt3A_23 : i32
    %convert_element_type3A_25 = arith.extui %lt3A_24 : i1 to i32
    %cond3A_26 = arith.constant 0 : i32
    %cond3A_27 = arith.cmpi ne, %convert_element_type3A_25, %cond3A_26 : i32
    scf.if %cond3A_27 {
      "tpu.region"() ({
        %run_scoped3A = tpu.sem_alloc : memref<!tpu.dma_semaphore, #tpu.memory_space<semaphore_mem>>
        %dma_start3A = arith.constant 0 : i32
        %dma_start3A_28 = tpu.memref_slice %arg6[%arg0, %mul3A_17, %dma_start3A] : memref<2x10000x128xf32, #tpu.memory_space<hbm>> -> memref<1x624x128xf32, #tpu.memory_space<hbm>>
        %dma_start3A_29 = tpu.memref_squeeze %dma_start3A_28 : memref<1x624x128xf32, #tpu.memory_space<hbm>> -> memref<624x128xf32, #tpu.memory_space<hbm>>
        %dma_start3A_30 = arith.constant 0 : i32
        %dma_start3A_31 = tpu.memref_slice %arg15[%mul3A_17, %dma_start3A_30] : memref<10000x128xf32, #tpu.memory_space<vmem_shared>> -> memref<624x128xf32, #tpu.memory_space<vmem_shared>>
        tpu.enqueue_dma source(%dma_start3A_31 : memref<624x128xf32, #tpu.memory_space<vmem_shared>>) target(%dma_start3A_29 : memref<624x128xf32, #tpu.memory_space<hbm>>) target_semaphore(%run_scoped3A : memref<!tpu.dma_semaphore, #tpu.memory_space<semaphore_mem>>)
        %dma_wait3A = arith.constant 0 : i32
        %dma_wait3A_32 = tpu.memref_slice %arg6[%arg0, %mul3A_17, %dma_wait3A] : memref<2x10000x128xf32, #tpu.memory_space<hbm>> -> memref<1x624x128xf32, #tpu.memory_space<hbm>>
        %dma_wait3A_33 = tpu.memref_squeeze %dma_wait3A_32 : memref<1x624x128xf32, #tpu.memory_space<hbm>> -> memref<624x128xf32, #tpu.memory_space<hbm>>
        %dma_wait3A_34 = arith.constant 0 : i32
        %dma_wait3A_35 = tpu.memref_slice %arg15[%mul3A_17, %dma_wait3A_34] : memref<10000x128xf32, #tpu.memory_space<vmem_shared>> -> memref<624x128xf32, #tpu.memory_space<vmem_shared>>
        tpu.wait_dma2 semaphore(%run_scoped3A : memref<!tpu.dma_semaphore, #tpu.memory_space<semaphore_mem>>) src(%dma_wait3A_35 : memref<624x128xf32, #tpu.memory_space<vmem_shared>>) dst(%dma_wait3A_33 : memref<624x128xf32, #tpu.memory_space<hbm>>)
        tpu.yield
      }) : () -> ()
    } else {
    }
    return
  }
}

module attributes {stable_mosaic.version = 14 : i64} {
  func.func @_dsum_body(%arg0: i32, %arg1: memref<32x1280xf32, #tpu.memory_space<vmem>>, %arg2: memref<1x1280xf32, #tpu.memory_space<vmem>>) attributes {dimension_semantics = [#tpu.dimension_semantics<arbitrary>], iteration_bounds = array<i64: 8>, scalar_prefetch = 0 : i64, scratch_operands = 0 : i64, tpu.core_type = #tpu.core_type<tc>, window_params = [{transform_indices = @transform_0, window_bounds = array<i64: 32, 1280>}, {transform_indices = @transform_1, window_bounds = array<i64: 1, 1280>}]} {
    %get3A = arith.constant 0 : index
    %get3A_0 = arith.constant 0 : index
    %get3A_1 = vector.load %arg1[%get3A, %get3A_0] : memref<32x1280xf32, #tpu.memory_space<vmem>>, vector<32x1280xf32>
    %reduce_sum3A = arith.constant dense<0.000000e+00> : vector<1280xf32>
    %reduce_sum3A_2 = vector.multi_reduction <add>, %get3A_1, %reduce_sum3A [0] : vector<32x1280xf32> to vector<1280xf32>
    %broadcast_in_dim3A = vector.shape_cast %reduce_sum3A_2 : vector<1280xf32> to vector<1x1280xf32>
    %gt3A = arith.constant 0.000000e+00 : f32
    %gt3A_3 = vector.broadcast %gt3A : f32 to vector<1x1280xf32>
    %gt3A_4 = arith.cmpf ogt, %broadcast_in_dim3A, %gt3A_3 : vector<1x1280xf32>
    %jit3A = arith.constant 1.000000e+00 : f32
    %broadcast_in_dim3A_5 = vector.broadcast %jit3A : f32 to vector<1x1280xf32>
    %select_n3A = arith.select %gt3A_4, %broadcast_in_dim3A, %broadcast_in_dim3A_5 : vector<1x1280xi1>, vector<1x1280xf32>
    %rsqrt3A = math.rsqrt %select_n3A : vector<1x1280xf32>
    %jit3A_6 = arith.constant 0.000000e+00 : f32
    %broadcast_in_dim3A_7 = vector.broadcast %jit3A_6 : f32 to vector<1x1280xf32>
    %select_n3A_8 = arith.select %gt3A_4, %rsqrt3A, %broadcast_in_dim3A_7 : vector<1x1280xi1>, vector<1x1280xf32>
    %swap3A = arith.constant 0 : index
    %swap3A_9 = arith.constant 0 : index
    %swap3A_10 = vector.load %arg2[%swap3A, %swap3A_9] : memref<1x1280xf32, #tpu.memory_space<vmem>>, vector<1x1280xf32>
    tpu.vector_store %arg2[%swap3A, %swap3A_9], %select_n3A_8 {strides = array<i32>} : memref<1x1280xf32, #tpu.memory_space<vmem>>, vector<1x1280xf32>,
    return
  }
  func.func @transform_0(%arg0: i32) -> (i32, i32) {
    %c0_i32 = arith.constant 0 : i32
    %c0_i32_0 = arith.constant 0 : i32
    return %c0_i32, %arg0 : i32, i32
  }
  func.func @transform_1(%arg0: i32) -> (i32, i32) {
    %c0_i32 = arith.constant 0 : i32
    %c0_i32_0 = arith.constant 0 : i32
    return %c0_i32, %arg0 : i32, i32
  }
}

module attributes {stable_mosaic.version = 14 : i64} {
  func.func @_k1_body(%arg0: i32, %arg1: memref<1000x1xf32, #tpu.memory_space<vmem>>, %arg2: memref<1000x128xf32, #tpu.memory_space<vmem>>, %arg3: memref<128x128xf32, #tpu.memory_space<vmem>>, %arg4: memref<1000x128xf32, #tpu.memory_space<vmem>>) attributes {dimension_semantics = [#tpu.dimension_semantics<arbitrary>], iteration_bounds = array<i64: 10>, scalar_prefetch = 0 : i64, scratch_operands = 0 : i64, tpu.core_type = #tpu.core_type<tc>, window_params = [{transform_indices = @transform_0, window_bounds = array<i64: 1000, 1>}, {transform_indices = @transform_1, window_bounds = array<i64: 1000, 128>}, {pipeline_mode = #tpu.pipeline_mode<synchronous>, transform_indices = @transform_2, window_bounds = array<i64: 128, 128>}, {transform_indices = @transform_3, window_bounds = array<i64: 1000, 128>}]} {
    %get3A = arith.constant 0 : index
    %get3A_0 = arith.constant 0 : index
    %get3A_1 = vector.load %arg1[%get3A, %get3A_0] : memref<1000x1xf32, #tpu.memory_space<vmem>>, vector<1000x1xf32>
    %broadcast_in_dim3A = vector.shape_cast %get3A_1 : vector<1000x1xf32> to vector<1000x1xf32>
    %broadcast_in_dim3A_2 = vector.broadcast %broadcast_in_dim3A : vector<1000x1xf32> to vector<1000x128xf32>
    %get3A_3 = arith.constant 0 : index
    %get3A_4 = arith.constant 0 : index
    %get3A_5 = vector.load %arg2[%get3A_3, %get3A_4] : memref<1000x128xf32, #tpu.memory_space<vmem>>, vector<1000x128xf32>
    %get3A_6 = arith.constant 0 : index
    %get3A_7 = arith.constant 0 : index
    %get3A_8 = vector.load %arg3[%get3A_6, %get3A_7] : memref<128x128xf32, #tpu.memory_space<vmem>>, vector<128x128xf32>
    %dot_general3A = arith.constant dense<0.000000e+00> : vector<1000x128xf32>
    %dot_general3A_9 = tpu.matmul %get3A_5, %get3A_8, %dot_general3A {dimension_numbers = #tpu.dot_dimension_numbers<[1], [0], [0], [1], [0, 0, 1, 1], [], []>, transpose_lhs_hint = false} : vector<1000x128xf32>, vector<128x128xf32>, vector<1000x128xf32> -> vector<1000x128xf32>
    %mul3A = arith.mulf %broadcast_in_dim3A_2, %dot_general3A_9 : vector<1000x128xf32>
    %swap3A = arith.constant 0 : index
    %swap3A_10 = arith.constant 0 : index
    %swap3A_11 = vector.load %arg4[%swap3A, %swap3A_10] : memref<1000x128xf32, #tpu.memory_space<vmem>>, vector<1000x128xf32>
    tpu.vector_store %arg4[%swap3A, %swap3A_10], %mul3A {strides = array<i32>} : memref<1000x128xf32, #tpu.memory_space<vmem>>, vector<1000x128xf32>,
    return
  }
  func.func @transform_0(%arg0: i32) -> (i32, i32) {
    %c0_i32 = arith.constant 0 : i32
    %c0_i32_0 = arith.constant 0 : i32
    return %arg0, %c0_i32 : i32, i32
  }
  func.func @transform_1(%arg0: i32) -> (i32, i32) {
    %c0_i32 = arith.constant 0 : i32
    %c0_i32_0 = arith.constant 0 : i32
    return %arg0, %c0_i32 : i32, i32
  }
  func.func @transform_2(%arg0: i32) -> (i32, i32) {
    %c0_i32 = arith.constant 0 : i32
    %c0_i32_0 = arith.constant 0 : i32
    %c0_i32_1 = arith.constant 0 : i32
    return %c0_i32, %c0_i32_0 : i32, i32
  }
  func.func @transform_3(%arg0: i32) -> (i32, i32) {
    %c0_i32 = arith.constant 0 : i32
    %c0_i32_0 = arith.constant 0 : i32
    return %arg0, %c0_i32 : i32, i32
  }
}

module attributes {stable_mosaic.version = 14 : i64} {
  func.func @_mid_body(%arg0: i32, %arg1: memref<2x1000x128xf32, #tpu.memory_space<vmem>>, %arg2: memref<1000x1xf32, #tpu.memory_space<vmem>>, %arg3: memref<1x128xf32, #tpu.memory_space<vmem>>, %arg4: memref<1x128xf32, #tpu.memory_space<vmem>>, %arg5: memref<1x128xf32, #tpu.memory_space<vmem>>, %arg6: memref<128x128xf32, #tpu.memory_space<vmem>>, %arg7: memref<1000x128xf32, #tpu.memory_space<vmem>>) attributes {dimension_semantics = [#tpu.dimension_semantics<arbitrary>], iteration_bounds = array<i64: 10>, scalar_prefetch = 0 : i64, scratch_operands = 0 : i64, tpu.core_type = #tpu.core_type<tc>, window_params = [{transform_indices = @transform_0, window_bounds = array<i64: 2, 1000, 128>}, {transform_indices = @transform_1, window_bounds = array<i64: 1000, 1>}, {pipeline_mode = #tpu.pipeline_mode<synchronous>, transform_indices = @transform_2, window_bounds = array<i64: 1, 128>}, {pipeline_mode = #tpu.pipeline_mode<synchronous>, transform_indices = @transform_3, window_bounds = array<i64: 1, 128>}, {pipeline_mode = #tpu.pipeline_mode<synchronous>, transform_indices = @transform_4, window_bounds = array<i64: 1, 128>}, {pipeline_mode = #tpu.pipeline_mode<synchronous>, transform_indices = @transform_5, window_bounds = array<i64: 128, 128>}, {transform_indices = @transform_6, window_bounds = array<i64: 1000, 128>}]} {
    %get3A = arith.constant 0 : index
    %get3A_0 = arith.constant 0 : index
    %get3A_1 = vector.load %arg2[%get3A, %get3A_0] : memref<1000x1xf32, #tpu.memory_space<vmem>>, vector<1000x1xf32>
    %broadcast_in_dim3A = vector.shape_cast %get3A_1 : vector<1000x1xf32> to vector<1000x1xf32>
    %broadcast_in_dim3A_2 = vector.broadcast %broadcast_in_dim3A : vector<1000x1xf32> to vector<1000x128xf32>
    %get3A_3 = arith.constant 0 : index
    %get3A_4 = arith.constant 0 : index
    %get3A_5 = arith.constant 0 : index
    %get3A_6 = vector.load %arg1[%get3A_3, %get3A_4, %get3A_5] : memref<2x1000x128xf32, #tpu.memory_space<vmem>>, vector<2x1000x128xf32>
    %get3A_7 = arith.constant 0 : index
    %get3A_8 = arith.constant 0 : index
    %get3A_9 = vector.load %arg3[%get3A_7, %get3A_8] : memref<1x128xf32, #tpu.memory_space<vmem>>, vector<1x128xf32>
    %get3A_10 = arith.constant 0 : index
    %get3A_11 = arith.constant 0 : index
    %get3A_12 = vector.load %arg4[%get3A_10, %get3A_11] : memref<1x128xf32, #tpu.memory_space<vmem>>, vector<1x128xf32>
    %get3A_13 = arith.constant 0 : index
    %get3A_14 = arith.constant 0 : index
    %get3A_15 = vector.load %arg5[%get3A_13, %get3A_14] : memref<1x128xf32, #tpu.memory_space<vmem>>, vector<1x128xf32>
    %slice3A = vector.extract_strided_slice %get3A_6 {offsets = [0, 0, 0], sizes = [1, 1000, 128], strides = [1, 1, 1]} : vector<2x1000x128xf32> to vector<1x1000x128xf32>
    %squeeze3A = vector.shape_cast %slice3A : vector<1x1000x128xf32> to vector<1000x128xf32>
    %slice3A_16 = vector.extract_strided_slice %get3A_6 {offsets = [1, 0, 0], sizes = [1, 1000, 128], strides = [1, 1, 1]} : vector<2x1000x128xf32> to vector<1x1000x128xf32>
    %squeeze3A_17 = vector.shape_cast %slice3A_16 : vector<1x1000x128xf32> to vector<1000x128xf32>
    %add3A = arith.addf %squeeze3A, %squeeze3A_17 : vector<1000x128xf32>
    %mul3A = arith.mulf %broadcast_in_dim3A_2, %add3A : vector<1000x128xf32>
    %add3A_18 = vector.broadcast %get3A_9 : vector<1x128xf32> to vector<1000x128xf32>
    %add3A_19 = arith.addf %mul3A, %add3A_18 : vector<1000x128xf32>
    %reduce_sum3A = arith.constant dense<0.000000e+00> : vector<1000xf32>
    %reduce_sum3A_20 = vector.multi_reduction <add>, %add3A_19, %reduce_sum3A [1] : vector<1000x128xf32> to vector<1000xf32>
    %broadcast_in_dim3A_21 = vector.shape_cast %reduce_sum3A_20 : vector<1000xf32> to vector<1000x1xf32>
    %div3A = arith.constant 1.280000e+02 : f32
    %div3A_22 = vector.broadcast %div3A : f32 to vector<1000x1xf32>
    %div3A_23 = arith.divf %broadcast_in_dim3A_21, %div3A_22 : vector<1000x1xf32>
    %sub3A = vector.broadcast %div3A_23 : vector<1000x1xf32> to vector<1000x128xf32>
    %sub3A_24 = arith.subf %add3A_19, %sub3A : vector<1000x128xf32>
    %mul3A_25 = arith.mulf %sub3A_24, %sub3A_24 : vector<1000x128xf32>
    %reduce_sum3A_26 = arith.constant dense<0.000000e+00> : vector<1000xf32>
    %reduce_sum3A_27 = vector.multi_reduction <add>, %mul3A_25, %reduce_sum3A_26 [1] : vector<1000x128xf32> to vector<1000xf32>
    %broadcast_in_dim3A_28 = vector.shape_cast %reduce_sum3A_27 : vector<1000xf32> to vector<1000x1xf32>
    %div3A_29 = arith.constant 1.280000e+02 : f32
    %div3A_30 = vector.broadcast %div3A_29 : f32 to vector<1000x1xf32>
    %div3A_31 = arith.divf %broadcast_in_dim3A_28, %div3A_30 : vector<1000x1xf32>
    %add3A_32 = arith.constant 9.99999974E-6 : f32
    %add3A_33 = vector.broadcast %add3A_32 : f32 to vector<1000x1xf32>
    %add3A_34 = arith.addf %div3A_31, %add3A_33 : vector<1000x1xf32>
    %rsqrt3A = math.rsqrt %add3A_34 : vector<1000x1xf32>
    %mul3A_35 = vector.broadcast %rsqrt3A : vector<1000x1xf32> to vector<1000x128xf32>
    %mul3A_36 = arith.mulf %sub3A_24, %mul3A_35 : vector<1000x128xf32>
    %mul3A_37 = vector.broadcast %get3A_12 : vector<1x128xf32> to vector<1000x128xf32>
    %mul3A_38 = arith.mulf %mul3A_36, %mul3A_37 : vector<1000x128xf32>
    %add3A_39 = vector.broadcast %get3A_15 : vector<1x128xf32> to vector<1000x128xf32>
    %add3A_40 = arith.addf %mul3A_38, %add3A_39 : vector<1000x128xf32>
    %max3A = arith.constant 0.000000e+00 : f32
    %max3A_41 = vector.broadcast %max3A : f32 to vector<1000x128xf32>
    %max3A_42 = arith.maximumf %add3A_40, %max3A_41 : vector<1000x128xf32>
    %get3A_43 = arith.constant 0 : index
    %get3A_44 = arith.constant 0 : index
    %get3A_45 = vector.load %arg6[%get3A_43, %get3A_44] : memref<128x128xf32, #tpu.memory_space<vmem>>, vector<128x128xf32>
    %dot_general3A = arith.constant dense<0.000000e+00> : vector<1000x128xf32>
    %dot_general3A_46 = tpu.matmul %max3A_42, %get3A_45, %dot_general3A {dimension_numbers = #tpu.dot_dimension_numbers<[1], [0], [0], [1], [0, 0, 1, 1], [], []>, transpose_lhs_hint = false} : vector<1000x128xf32>, vector<128x128xf32>, vector<1000x128xf32> -> vector<1000x128xf32>
    %mul3A_47 = arith.mulf %broadcast_in_dim3A_2, %dot_general3A_46 : vector<1000x128xf32>
    %swap3A = arith.constant 0 : index
    %swap3A_48 = arith.constant 0 : index
    %swap3A_49 = vector.load %arg7[%swap3A, %swap3A_48] : memref<1000x128xf32, #tpu.memory_space<vmem>>, vector<1000x128xf32>
    tpu.vector_store %arg7[%swap3A, %swap3A_48], %mul3A_47 {strides = array<i32>} : memref<1000x128xf32, #tpu.memory_space<vmem>>, vector<1000x128xf32>,
    return
  }
  func.func @transform_0(%arg0: i32) -> (i32, i32, i32) {
    %c0_i32 = arith.constant 0 : i32
    %c0_i32_0 = arith.constant 0 : i32
    %c0_i32_1 = arith.constant 0 : i32
    return %c0_i32, %arg0, %c0_i32_0 : i32, i32, i32
  }
  func.func @transform_1(%arg0: i32) -> (i32, i32) {
    %c0_i32 = arith.constant 0 : i32
    %c0_i32_0 = arith.constant 0 : i32
    return %arg0, %c0_i32 : i32, i32
  }
  func.func @transform_2(%arg0: i32) -> (i32, i32) {
    %c0_i32 = arith.constant 0 : i32
    %c0_i32_0 = arith.constant 0 : i32
    %c0_i32_1 = arith.constant 0 : i32
    return %c0_i32, %c0_i32_0 : i32, i32
  }
  func.func @transform_3(%arg0: i32) -> (i32, i32) {
    %c0_i32 = arith.constant 0 : i32
    %c0_i32_0 = arith.constant 0 : i32
    %c0_i32_1 = arith.constant 0 : i32
    return %c0_i32, %c0_i32_0 : i32, i32
  }
  func.func @transform_4(%arg0: i32) -> (i32, i32) {
    %c0_i32 = arith.constant 0 : i32
    %c0_i32_0 = arith.constant 0 : i32
    %c0_i32_1 = arith.constant 0 : i32
    return %c0_i32, %c0_i32_0 : i32, i32
  }
  func.func @transform_5(%arg0: i32) -> (i32, i32) {
    %c0_i32 = arith.constant 0 : i32
    %c0_i32_0 = arith.constant 0 : i32
    %c0_i32_1 = arith.constant 0 : i32
    return %c0_i32, %c0_i32_0 : i32, i32
  }
  func.func @transform_6(%arg0: i32) -> (i32, i32) {
    %c0_i32 = arith.constant 0 : i32
    %c0_i32_0 = arith.constant 0 : i32
    return %arg0, %c0_i32 : i32, i32
  }
}

module attributes {stable_mosaic.version = 14 : i64} {
  func.func @_fin_body(%arg0: i32, %arg1: memref<2x1000x128xf32, #tpu.memory_space<vmem>>, %arg2: memref<1000x1xf32, #tpu.memory_space<vmem>>, %arg3: memref<1x128xf32, #tpu.memory_space<vmem>>, %arg4: memref<1x128xf32, #tpu.memory_space<vmem>>, %arg5: memref<1x128xf32, #tpu.memory_space<vmem>>, %arg6: memref<128x40xf32, #tpu.memory_space<vmem>>, %arg7: memref<1x40xf32, #tpu.memory_space<vmem>>, %arg8: memref<1000x40xf32, #tpu.memory_space<vmem>>) attributes {dimension_semantics = [#tpu.dimension_semantics<arbitrary>], iteration_bounds = array<i64: 10>, scalar_prefetch = 0 : i64, scratch_operands = 0 : i64, tpu.core_type = #tpu.core_type<tc>, window_params = [{transform_indices = @transform_0, window_bounds = array<i64: 2, 1000, 128>}, {transform_indices = @transform_1, window_bounds = array<i64: 1000, 1>}, {pipeline_mode = #tpu.pipeline_mode<synchronous>, transform_indices = @transform_2, window_bounds = array<i64: 1, 128>}, {pipeline_mode = #tpu.pipeline_mode<synchronous>, transform_indices = @transform_3, window_bounds = array<i64: 1, 128>}, {pipeline_mode = #tpu.pipeline_mode<synchronous>, transform_indices = @transform_4, window_bounds = array<i64: 1, 128>}, {pipeline_mode = #tpu.pipeline_mode<synchronous>, transform_indices = @transform_5, window_bounds = array<i64: 128, 40>}, {pipeline_mode = #tpu.pipeline_mode<synchronous>, transform_indices = @transform_6, window_bounds = array<i64: 1, 40>}, {transform_indices = @transform_7, window_bounds = array<i64: 1000, 40>}]} {
    %get3A = arith.constant 0 : index
    %get3A_0 = arith.constant 0 : index
    %get3A_1 = arith.constant 0 : index
    %get3A_2 = vector.load %arg1[%get3A, %get3A_0, %get3A_1] : memref<2x1000x128xf32, #tpu.memory_space<vmem>>, vector<2x1000x128xf32>
    %get3A_3 = arith.constant 0 : index
    %get3A_4 = arith.constant 0 : index
    %get3A_5 = vector.load %arg2[%get3A_3, %get3A_4] : memref<1000x1xf32, #tpu.memory_space<vmem>>, vector<1000x1xf32>
    %broadcast_in_dim3A = vector.shape_cast %get3A_5 : vector<1000x1xf32> to vector<1000x1xf32>
    %broadcast_in_dim3A_6 = vector.broadcast %broadcast_in_dim3A : vector<1000x1xf32> to vector<1000x128xf32>
    %get3A_7 = arith.constant 0 : index
    %get3A_8 = arith.constant 0 : index
    %get3A_9 = vector.load %arg3[%get3A_7, %get3A_8] : memref<1x128xf32, #tpu.memory_space<vmem>>, vector<1x128xf32>
    %get3A_10 = arith.constant 0 : index
    %get3A_11 = arith.constant 0 : index
    %get3A_12 = vector.load %arg4[%get3A_10, %get3A_11] : memref<1x128xf32, #tpu.memory_space<vmem>>, vector<1x128xf32>
    %get3A_13 = arith.constant 0 : index
    %get3A_14 = arith.constant 0 : index
    %get3A_15 = vector.load %arg5[%get3A_13, %get3A_14] : memref<1x128xf32, #tpu.memory_space<vmem>>, vector<1x128xf32>
    %slice3A = vector.extract_strided_slice %get3A_2 {offsets = [0, 0, 0], sizes = [1, 1000, 128], strides = [1, 1, 1]} : vector<2x1000x128xf32> to vector<1x1000x128xf32>
    %squeeze3A = vector.shape_cast %slice3A : vector<1x1000x128xf32> to vector<1000x128xf32>
    %slice3A_16 = vector.extract_strided_slice %get3A_2 {offsets = [1, 0, 0], sizes = [1, 1000, 128], strides = [1, 1, 1]} : vector<2x1000x128xf32> to vector<1x1000x128xf32>
    %squeeze3A_17 = vector.shape_cast %slice3A_16 : vector<1x1000x128xf32> to vector<1000x128xf32>
    %add3A = arith.addf %squeeze3A, %squeeze3A_17 : vector<1000x128xf32>
    %mul3A = arith.mulf %broadcast_in_dim3A_6, %add3A : vector<1000x128xf32>
    %add3A_18 = vector.broadcast %get3A_9 : vector<1x128xf32> to vector<1000x128xf32>
    %add3A_19 = arith.addf %mul3A, %add3A_18 : vector<1000x128xf32>
    %reduce_sum3A = arith.constant dense<0.000000e+00> : vector<1000xf32>
    %reduce_sum3A_20 = vector.multi_reduction <add>, %add3A_19, %reduce_sum3A [1] : vector<1000x128xf32> to vector<1000xf32>
    %broadcast_in_dim3A_21 = vector.shape_cast %reduce_sum3A_20 : vector<1000xf32> to vector<1000x1xf32>
    %div3A = arith.constant 1.280000e+02 : f32
    %div3A_22 = vector.broadcast %div3A : f32 to vector<1000x1xf32>
    %div3A_23 = arith.divf %broadcast_in_dim3A_21, %div3A_22 : vector<1000x1xf32>
    %sub3A = vector.broadcast %div3A_23 : vector<1000x1xf32> to vector<1000x128xf32>
    %sub3A_24 = arith.subf %add3A_19, %sub3A : vector<1000x128xf32>
    %mul3A_25 = arith.mulf %sub3A_24, %sub3A_24 : vector<1000x128xf32>
    %reduce_sum3A_26 = arith.constant dense<0.000000e+00> : vector<1000xf32>
    %reduce_sum3A_27 = vector.multi_reduction <add>, %mul3A_25, %reduce_sum3A_26 [1] : vector<1000x128xf32> to vector<1000xf32>
    %broadcast_in_dim3A_28 = vector.shape_cast %reduce_sum3A_27 : vector<1000xf32> to vector<1000x1xf32>
    %div3A_29 = arith.constant 1.280000e+02 : f32
    %div3A_30 = vector.broadcast %div3A_29 : f32 to vector<1000x1xf32>
    %div3A_31 = arith.divf %broadcast_in_dim3A_28, %div3A_30 : vector<1000x1xf32>
    %add3A_32 = arith.constant 9.99999974E-6 : f32
    %add3A_33 = vector.broadcast %add3A_32 : f32 to vector<1000x1xf32>
    %add3A_34 = arith.addf %div3A_31, %add3A_33 : vector<1000x1xf32>
    %rsqrt3A = math.rsqrt %add3A_34 : vector<1000x1xf32>
    %mul3A_35 = vector.broadcast %rsqrt3A : vector<1000x1xf32> to vector<1000x128xf32>
    %mul3A_36 = arith.mulf %sub3A_24, %mul3A_35 : vector<1000x128xf32>
    %mul3A_37 = vector.broadcast %get3A_12 : vector<1x128xf32> to vector<1000x128xf32>
    %mul3A_38 = arith.mulf %mul3A_36, %mul3A_37 : vector<1000x128xf32>
    %add3A_39 = vector.broadcast %get3A_15 : vector<1x128xf32> to vector<1000x128xf32>
    %add3A_40 = arith.addf %mul3A_38, %add3A_39 : vector<1000x128xf32>
    %max3A = arith.constant 0.000000e+00 : f32
    %max3A_41 = vector.broadcast %max3A : f32 to vector<1000x128xf32>
    %max3A_42 = arith.maximumf %add3A_40, %max3A_41 : vector<1000x128xf32>
    %get3A_43 = arith.constant 0 : index
    %get3A_44 = arith.constant 0 : index
    %get3A_45 = vector.load %arg6[%get3A_43, %get3A_44] : memref<128x40xf32, #tpu.memory_space<vmem>>, vector<128x40xf32>
    %dot_general3A = arith.constant dense<0.000000e+00> : vector<1000x40xf32>
    %dot_general3A_46 = tpu.matmul %max3A_42, %get3A_45, %dot_general3A {dimension_numbers = #tpu.dot_dimension_numbers<[1], [0], [0], [1], [0, 0, 1, 1], [], []>, transpose_lhs_hint = false} : vector<1000x128xf32>, vector<128x40xf32>, vector<1000x40xf32> -> vector<1000x40xf32>
    %get3A_47 = arith.constant 0 : index
    %get3A_48 = arith.constant 0 : index
    %get3A_49 = vector.load %arg7[%get3A_47, %get3A_48] : memref<1x40xf32, #tpu.memory_space<vmem>>, vector<1x40xf32>
    %add3A_50 = vector.broadcast %get3A_49 : vector<1x40xf32> to vector<1000x40xf32>
    %add3A_51 = arith.addf %dot_general3A_46, %add3A_50 : vector<1000x40xf32>
    %reduce_max3A = arith.constant dense<0xFF800000> : vector<1000xf32>
    %reduce_max3A_52 = vector.multi_reduction <maximumf>, %add3A_51, %reduce_max3A [1] : vector<1000x40xf32> to vector<1000xf32>
    %broadcast_in_dim3A_53 = vector.shape_cast %reduce_max3A_52 : vector<1000xf32> to vector<1000x1xf32>
    %sub3A_54 = vector.broadcast %broadcast_in_dim3A_53 : vector<1000x1xf32> to vector<1000x40xf32>
    %sub3A_55 = arith.subf %add3A_51, %sub3A_54 : vector<1000x40xf32>
    %exp3A = math.exp %sub3A_55 : vector<1000x40xf32>
    %reduce_sum3A_56 = arith.constant dense<0.000000e+00> : vector<1000xf32>
    %reduce_sum3A_57 = vector.multi_reduction <add>, %exp3A, %reduce_sum3A_56 [1] : vector<1000x40xf32> to vector<1000xf32>
    %broadcast_in_dim3A_58 = vector.shape_cast %reduce_sum3A_57 : vector<1000xf32> to vector<1000x1xf32>
    %log3A = math.log %broadcast_in_dim3A_58 : vector<1000x1xf32>
    %sub3A_59 = vector.broadcast %log3A : vector<1000x1xf32> to vector<1000x40xf32>
    %sub3A_60 = arith.subf %sub3A_55, %sub3A_59 : vector<1000x40xf32>
    %swap3A = arith.constant 0 : index
    %swap3A_61 = arith.constant 0 : index
    %swap3A_62 = vector.load %arg8[%swap3A, %swap3A_61] : memref<1000x40xf32, #tpu.memory_space<vmem>>, vector<1000x40xf32>
    tpu.vector_store %arg8[%swap3A, %swap3A_61], %sub3A_60 {strides = array<i32>} : memref<1000x40xf32, #tpu.memory_space<vmem>>, vector<1000x40xf32>,
    return
  }
  func.func @transform_0(%arg0: i32) -> (i32, i32, i32) {
    %c0_i32 = arith.constant 0 : i32
    %c0_i32_0 = arith.constant 0 : i32
    %c0_i32_1 = arith.constant 0 : i32
    return %c0_i32, %arg0, %c0_i32_0 : i32, i32, i32
  }
  func.func @transform_1(%arg0: i32) -> (i32, i32) {
    %c0_i32 = arith.constant 0 : i32
    %c0_i32_0 = arith.constant 0 : i32
    return %arg0, %c0_i32 : i32, i32
  }
  func.func @transform_2(%arg0: i32) -> (i32, i32) {
    %c0_i32 = arith.constant 0 : i32
    %c0_i32_0 = arith.constant 0 : i32
    %c0_i32_1 = arith.constant 0 : i32
    return %c0_i32, %c0_i32_0 : i32, i32
  }
  func.func @transform_3(%arg0: i32) -> (i32, i32) {
    %c0_i32 = arith.constant 0 : i32
    %c0_i32_0 = arith.constant 0 : i32
    %c0_i32_1 = arith.constant 0 : i32
    return %c0_i32, %c0_i32_0 : i32, i32
  }
  func.func @transform_4(%arg0: i32) -> (i32, i32) {
    %c0_i32 = arith.constant 0 : i32
    %c0_i32_0 = arith.constant 0 : i32
    %c0_i32_1 = arith.constant 0 : i32
    return %c0_i32, %c0_i32_0 : i32, i32
  }
  func.func @transform_5(%arg0: i32) -> (i32, i32) {
    %c0_i32 = arith.constant 0 : i32
    %c0_i32_0 = arith.constant 0 : i32
    %c0_i32_1 = arith.constant 0 : i32
    return %c0_i32, %c0_i32_0 : i32, i32
  }
  func.func @transform_6(%arg0: i32) -> (i32, i32) {
    %c0_i32 = arith.constant 0 : i32
    %c0_i32_0 = arith.constant 0 : i32
    %c0_i32_1 = arith.constant 0 : i32
    return %c0_i32, %c0_i32_0 : i32, i32
  }
  func.func @transform_7(%arg0: i32) -> (i32, i32) {
    %c0_i32 = arith.constant 0 : i32
    %c0_i32_0 = arith.constant 0 : i32
    return %arg0, %c0_i32 : i32, i32
  }
}

</mosaic_0001>

<sc_bundles>
// kernel: kernel.11.cloned.1.call-start
scs
__scs_entry_jumppad:
0x0: {  	(pc) =	sbr.rel $0x88, $3  }
0x1: {  	(tag) =	ssettag $0x0;
	lr =	simm.s32 $0x1  }
0x2: {  	[smem:$0x3F91] =	sst lr;
	_ =	strace $0xD0000000  }
0x3: {  	_ = 	snop  }
0x4: {  	_ = 	snop  }
0x5: {  	_ = 	snop  }
0x6: {  	_ = 	snop  }
0x7: {  	_ = 	snop  }
__scs_overlays_trampoline_lowered:
0x8: {  	[smem:$0x3FA0] =	sst s0  }
0x9: {  	[smem:$0x3FA1] =	sst s1  }
0xa: {  	[smem:$0x3FA2] =	sst s2  }
0xb: {  	[smem:$0x3FA3] =	sst s3  }
0xc: {  	[smem:$0x3FA4] =	sst s4  }
0xd: {  	[smem:$0x3FA5] =	sst s5  }
0xe: {  	[smem:$0x3FA6] =	sst s6  }
0xf: {  	[smem:$0x3FA7] =	sst s7  }
0x10: {  	[smem:$0x3FA8] =	sst s8  }
0x11: {  	[smem:$0x3FA9] =	sst s9;
	s0 =	simm.s32 @!p0 $0x0  }
0x12: {  	s1 =	sld [smem:$0x3F8F];
	s0 =	simm.s32 @p0 $0x1  }
0x13: {  	[smem:$0x3FAA] =	sst s0;
	s0 =	simm.s32 @!p1 $0x0  }
0x14: {  	s2 =	sld [smem:$0x3F8E];
	s0 =	simm.s32 @p1 $0x1  }
0x15: {  	[smem:$0x3FAB] =	sst s0;
	s0 =	simm.s32 @!p2 $0x0  }
0x16: {  	s3 =	sld [smem:$0x3FDB];
	s0 =	simm.s32 @p2 $0x1  }
0x17: {  	s4 =	simm.s32 $0x1BF5;
	[smem:$0x3FAD] =	sst s0  }
0x18: {  	s0 =	sld [smem:$0x3F90];
	_ =	swait.ge [sflag:s4], $0x0  }
0x19: {  	s7 =	sld [smem:$0x3F91]  }
0x1a: {  	s8 =	sadd.s32 $0xFFFFE003, lr  }
0x1b: {  	s9 =	sadd.s32 $0xFFFFFEF7, lr;
	s5 =	simm.s32 $0xFFFFFFFF;
	p2 =	slt.u32 s8, $0xFFFFF086  }
0x1c: {  	p1 =	slt.u32 s9, $0xF7A;
	s5 =	simm.s32 @!p2 $0x0  }
0x1d: {  	s5 =	simm.s32 @p1 $0x1;
	p0 =	seq.s32 s7, s2  }
0x1e: {  	s7 =	smul.u32 @!p0 $0xF7A, s2;
	p2 =	seq.s32 @!p0 s5, $0x0  }
0x1f: {  	s9 =	smul.u32 $0xF7A, s1;
	s8 =	simm.s32 @!p0 $0x1BF5;
	p2 =	por !p2, p0  }
0x20: {  	[sflag:s8] =	ssyncset.s32 @!p0 $0xFFFFF086;
	s6 =	sadd.s32 @!p0 s3, s7;
	s7 =	simm.s32 @!p0 $0x108  }
0x21: {  	s3 =	sadd.s32 s3, s9;
	s6 =	sadd.s32 @!p0 $0x88, s6;
	s7 =	simm.s32 @p2 $0x1082  }
0x22: {  	[simem:s7], [sflag:s8] =	dma.local @!p0 [hbm:s6], $0xF7A  }
0x23: {  	s9 =	sor.u32 $0xD0000000, s2;
	s6 =	simm.s32 $0x108;
	_ =	swait.ge @!p0 [sflag:s8], $0x0  }
0x24: {  	s3 =	sadd.s32 $0x88, s3;
	s6 =	simm.s32 @!p1 $0x1082;
	[sflag:s4] =	ssyncset.s32 $0xFFFFF086  }
0x25: {  	[simem:s6], [sflag:s4] =	dma.local [hbm:s3], $0xF7A  }
0x26: {  	[smem:$0x3F91] =	sst s1;
	(tag) =	ssettag s2;
	_ =	strace s9  }
0x27: {  	s1 =	sld [smem:$0x3FA1]  }
0x28: {  	s2 =	sld [smem:$0x3FA2]  }
0x29: {  	s4 =	sld [smem:$0x3FA4]  }
0x2a: {  	p0 =	seq.s32 s5, $0x0;
	s5 =	sld [smem:$0x3FA5]  }
0x2b: {  	s6 =	sld [smem:$0x3FA6]  }
0x2c: {  	s7 =	sld [smem:$0x3FA7]  }
0x2d: {  	s3 =	simm.s32 $0x108;
	s8 =	sld [smem:$0x3FA8]  }
0x2e: {  	s3 =	simm.s32 @!p0 $0x1082;
	s9 =	sld [smem:$0x3FA9]  }
0x2f: {  	lr =	sadd.s32 s0, s3;
	s0 =	sld [smem:$0x3FA0]  }
0x30: {  	s3 =	sld [smem:$0x3FA3]  }
0x31: {  	[smem:$0x3FAC] =	sst s10  }
0x32: {  	s10 =	sld [smem:$0x3FAA];
	_ =	sdelay $0x3  }
0x33: {  	p0 =	seq.s32 s10, $0x1;
	s10 =	sld [smem:$0x3FAC];
	_ =	sdelay $0x3  }
0x34: {  	[smem:$0x3FAC] =	sst s10  }
0x35: {  	s10 =	sld [smem:$0x3FAB];
	_ =	sdelay $0x3  }
0x36: {  	p1 =	seq.s32 s10, $0x1;
	s10 =	sld [smem:$0x3FAC];
	_ =	sdelay $0x3  }
0x37: {  	[smem:$0x3FAC] =	sst s10  }
0x38: {  	s10 =	sld [smem:$0x3FAD]  }
0x39: {  	_ = 	snop;
	(pc) =	sbr.ind lr, $3  }
0x3a: {  	_ = 	snop  }
0x3b: {  	_ = 	snop  }
0x3c: {  	p2 =	seq.s32 s10, $0x1;
	s10 =	sld [smem:$0x3FAC]  }
0x3d: {  	_ =	shalt  }
0x3e: {  	_ =	shalt  }
0x3f: {  	_ =	shalt  }
0x40: {  	_ =	shalt  }
0x41: {  	_ =	shalt  }
0x42: {  	_ =	shalt  }
0x43: {  	_ =	shalt  }
0x44: {  	_ =	shalt  }
0x45: {  	_ =	shalt  }
0x46: {  	_ =	shalt  }
0x47: {  	_ =	shalt  }
0x48: {  	_ =	shalt  }
0x49: {  	_ =	shalt  }
0x4a: {  	_ =	shalt  }
0x4b: {  	_ =	shalt  }
0x4c: {  	_ =	shalt  }
0x4d: {  	_ =	shalt  }
0x4e: {  	_ =	shalt  }
0x4f: {  	_ =	shalt  }
0x50: {  	_ =	shalt  }
0x51: {  	_ =	shalt  }
0x52: {  	_ =	shalt  }
0x53: {  	_ =	shalt  }
0x54: {  	_ =	shalt  }
0x55: {  	_ =	shalt  }
0x56: {  	_ =	shalt  }
0x57: {  	_ =	shalt  }
0x58: {  	_ =	shalt  }
0x59: {  	_ =	shalt  }
0x5a: {  	_ =	shalt  }
0x5b: {  	_ =	shalt  }
0x5c: {  	_ =	shalt  }
0x5d: {  	_ =	shalt  }
0x5e: {  	_ =	shalt  }
0x5f: {  	_ =	shalt  }
0x60: {  	_ =	shalt  }
0x61: {  	_ =	shalt  }
0x62: {  	_ =	shalt  }
0x63: {  	_ =	shalt  }
0x64: {  	_ =	shalt  }
0x65: {  	_ =	shalt  }
0x66: {  	_ =	shalt  }
0x67: {  	_ =	shalt  }
0x68: {  	_ =	shalt  }
0x69: {  	_ =	shalt  }
0x6a: {  	_ =	shalt  }
0x6b: {  	_ =	shalt  }
0x6c: {  	_ =	shalt  }
0x6d: {  	_ =	shalt  }
0x6e: {  	_ =	shalt  }
0x6f: {  	_ =	shalt  }
0x70: {  	_ =	shalt  }
0x71: {  	_ =	shalt  }
0x72: {  	_ =	shalt  }
0x73: {  	_ =	shalt  }
0x74: {  	_ =	shalt  }
0x75: {  	_ =	shalt  }
0x76: {  	_ =	shalt  }
0x77: {  	_ =	shalt  }
0x78: {  	_ =	shalt  }
0x79: {  	_ =	shalt  }
0x7a: {  	_ =	shalt  }
0x7b: {  	_ =	shalt  }
0x7c: {  	_ =	shalt  }
0x7d: {  	_ =	shalt  }
0x7e: {  	_ =	shalt  }
0x7f: {  	_ =	shalt  }
0x80: {  	_ =	shalt  }
0x81: {  	_ =	shalt  }
0x82: {  	_ =	shalt  }
0x83: {  	_ =	shalt  }
0x84: {  	_ =	shalt  }
0x85: {  	_ =	shalt  }
0x86: {  	_ =	shalt  }
0x87: {  	_ =	shalt  }
.Lfunc_end0:
.L_simem_size_0:
called_computation_lowered:
.L_overlay_start_0:
0x88: {  	s2 =	sld [smem:$0x3FD9]  }
0x89: {  	s3 =	sld [smem:$0x3FFE];
	_ =	sdelay $0x1  }
0x8a: {  	s1 =	srdreg.scid  }
0x8b: {  	s0 =	sand.u32 $0x1, s1  }
0x8c: {  	s17 =	sshll.u32 s0, $0xA;
	s2 =	sadd.s32 s3, s2  }
0x8d: {  	s2 =	sadd.s32 s2, s17  }
0x8e: {  	[smem:$0x3FB8] =	sst s2  }
0x8f: {  	_ = 	snop  }
0x90: {  	s2 =	sld [smem:$0x3FD0];
	(tm) =	ssettm $0x1  }
0x91: {  	s18 =	sld [smem:$0x3FFB];
	_ =	sdelay $0x3  }
0x92: {  	_ =	strace s18  }
0x93: {  	s3 =	sld [smem:$0x3FFC];
	_ =	sdelay $0x3  }
0x94: {  	_ =	strace s3  }
0x95: {  	s3 =	sld [smem:$0x3FFD];
	_ =	sdelay $0x3  }
0x96: {  	_ =	strace s3  }
0x97: {  	_ =	strace $0x8FFFFFFF  }
0x98: {  	s19 =	sld [smem:$0x3FDB];
	_ =	sdelay $0x1  }
0x99: {  	s4 =	simm.s32 $_scs_section_size  }
0x9a: {  	s5 =	simm.s32 $_size__tile_overlayer_lowered;
	s6 =	simm.s32 $_tile_overlayer_lowered  }
0x9b: {  	s22 =	simm.s32 $0x1BFF;
	s21 =	sshll.u32 s6, $0x1;
	s3 =	sadd.s32 s4, s19  }
0x9c: {  	s7 =	simm.s32 $0x0;
	s20 =	sshll.u32 s5, $0x1;
	s5 =	sadd.s32 s21, s3  }
0x9d: {  	[timem:s7], [sflag:s22] =	dma.local [hbm:s5], s20  }
0x9e: {  	_ =	swait.ge [sflag:s22], s20  }
0x9f: {  	s4 =	ssub.s32 $0x0, s20;
	[sflag:s22] =	ssyncset.done $0x0  }
0xa0: {  	[sflag:s22] =	ssyncadd.s32 s4;
	_ =	sdelay $0x1  }
0xa1: {  	s23 =	simm.s32 $0x1B8B  }
0xa2: {  	_ =	swait.ge [sflag:s23], $0x1  }
0xa3: {  	[sflag:s23] =	ssyncset.done $0x0  }
0xa4: {  	s25 =	simm.s32 $0x1B8E;
	s24 =	sld [smem:$0x3FFE];
	[sflag:s23] =	ssyncadd.s32 $0xFFFFFFFF  }
0xa5: {  	s26 =	simm.s32 $execute0_lowered;
	[smem:$0x3FD2] =	sst s25  }
0xa6: {  	s5 =	sshll.u32 s26, $0x1;
	_ =	strace $0x80000046;
	[dreg:$0x1] =	wrdreg $0xFFFFFFFF  }
0xa7: {  	s28 =	simm.s32 $_size_execute0_lowered;
	s3 =	sadd.s32 s3, s5;
	[dreg:$0x0] =	wrdreg $0x0  }
0xa8: {  	s5 =	sshll.u32 s28, $0x1;
	[dreg:$0x2] =	wrdreg s3  }
0xa9: {  	[dreg:$0x3] =	wrdreg s5  }
0xaa: {  	[dreg:$0x4] =	wrdreg $0xC0  }
0xab: {  	_ =	task [dreg:s7], $0x5FFFF  }
0xac: {  	[dreg:$0x1] =	wrdreg $0xFFFFFFFF  }
0xad: {  	[dreg:$0x0] =	wrdreg $0x60  }
0xae: {  	[dreg:$0x2] =	wrdreg s24  }
0xaf: {  	[dreg:$0x3] =	wrdreg s2  }
0xb0: {  	[dreg:$0x4] =	wrdreg $0x9  }
0xb1: {  	_ =	task.clear_ibuf [dreg:s7], $0x5FFFF;
	_ =	strace $0x90000046  }
0xb2: {  	s29 =	simm.s32 $0x9;
	_ =	strace $0x80000048  }
0xb3: {  	_ =	swait.ge [sflag:s29], $0x1  }
0xb4: {  	[sflag:s29] =	ssyncadd.s32 $0xFFFFFFFF  }
0xb5: {  	_ =	strace $0x90000048  }
0xb6: {  	_ =	sfence  }
0xb7: {  	s30 =	sld [smem:$0x0];
	_ =	sdelay $0x2  }
0xb8: {  	s31 =	sshll.u32 s1, $0xD;
	s1 =	sshrl.u32 s1, $0x2  }
0xb9: {  	s3 =	sand.u32 $0x4000, s31;
	s1 =	sadd.s32 s1, s30  }
0xba: {  	s0 =	sor.u32 s3, s0;
	s1 =	sshll.u32 s1, $0x11  }
0xbb: {  	s0 =	sor.u32 s1, s0  }
0xbc: {  	s0 =	sadd.s32 $0x8F2B, s0  }
0xbd: {  	[sflag:s0] =	ssyncadd.remote.s32 $0x1  }
0xbe: {  	_ =	sfence.sel $0xFFFF  }
0xbf: {  	[dreg:$0x0] =	wrdreg $0xFFFFFFFF;
	(pc) =	sbr.abs _section_cstart, $3  }
0xc0: {  	[dreg:$0x1] =	wrdreg $0xFFFFFFFF  }
0xc1: {  	_ =	task.clear_ibuf [dreg:s7], $0x2FFFF;
	_ =	strace $0x9FFFFFFF  }
0xc2: {  	(tm) =	ssettm $0x7FFFFFFF  }
0xc3: {  	_ =	shalt  }
tec
execute0_lowered:
.L_overlay_start_1:
0x0: {  	(tag) =	ssettag $0x1  }
0x1: {  	s3 =	rddreg [dreg:$0x0]  }
0x2: {  	s5 =	rddreg [dreg:$0x1]  }
0x3: {  	s0 =	rddreg [dreg:$0x2]  }
0x4: {  	s2 =	simm.s32 $0x0;
	s4 =	srdreg.scid;
	s1 =	stileid.u32  }
0x5: {  	[smem:$0x7FF] =	sst s2;
	s4 =	sand.u32 $0x1, s4;
	s6 =	sshll.u32 s1, $0x1  }
0x6: {  	s9 =	simm.s32 $0x0;
	_ =	strace $0x80000047;
	s6 =	sor.u32 s4, s6  }
0x7: {  	s4 =	ssub.s32 $0x2, s4;
	s7 =	sshll.u32 s6, $0xB;
	s6 =	smul.u32 $0x500, s6  }
0x8: {  	s8 =	sshrl.u32 s4, $0x1;
	s7 =	sadd.s32 s7, s3;
	s3 =	sadd.s32 $0x13800, s3  }
0x9: {  	s8 =	ssub.s32 s4, s8;
	s4 =	sadd.s32 $0x3800, s7;
	s5 =	sadd.s32 s5, s6  }
0xa: {  	v0 =	vimm.f32 $1.000000000e+00;
	s6 =	smax.u32 s8, $0x1;
	s7 =	simm.s32 $0x4000;
	s8 =	simm.s32 $0x1  }
.LBB2_1:
0xb: {  	[tilespmem:s7], [sflag:$0x1] =	stream.linear.gather [hbm4b:s3+s2], $0x2800, $0x38;
	[tilespmem:$0x6800] =	vst v63  }
0xc: {  	_ =	swait.ge [sflag:s8], $0x2800  }
0xd: {  	[sflag:s8] =	ssyncset.done $0x0  }
0xe: {  	[sflag:s8] =	ssyncadd.s32 $0xFFFFD800  }
0xf: {  	[tilespmem:s2], [sflag:$0x1] =	stream.linear.gather [hbm4b:s4+s2], $0x3E80, $0x38;
	[tilespmem:$0x6800] =	vst v63  }
0x10: {  	_ =	swait.ge [sflag:s8], $0x3E80  }
0x11: {  	[sflag:s8] =	ssyncset.done $0x0  }
0x12: {  	s10 =	simm.s32 $0x0;
	[sflag:s8] =	ssyncadd.s32 $0xFFFFC180  }
.LBB2_2:
0x13: {  	s11 =	sshra.s32 s10, $0x2  }
0x14: {  	v1 =	vld [tilespmem:s11+$0x0];
	_ =	sdelay $0x7  }
0x15: {  	[tilespmem:v1+s7+$0x0] =	vst.idx.add.f32.msk $0xffff, v0  }
0x16: {  	v1 =	vld [tilespmem:s11+$0x10];
	_ =	sdelay $0x7  }
0x17: {  	[tilespmem:v1+s7+$0x0] =	vst.idx.add.f32.msk $0xffff, v0  }
0x18: {  	v1 =	vld [tilespmem:s11+$0x20];
	_ =	sdelay $0x7  }
0x19: {  	[tilespmem:v1+s7+$0x0] =	vst.idx.add.f32.msk $0xffff, v0  }
0x1a: {  	v1 =	vld [tilespmem:s11+$0x30];
	_ =	sdelay $0x7  }
0x1b: {  	[tilespmem:v1+s7+$0x0] =	vst.idx.add.f32.msk $0xffff, v0  }
0x1c: {  	v1 =	vld [tilespmem:s11+$0x40];
	_ =	sdelay $0x2  }
0x1d: {  	p0 =	sne.s32 s10, $0xF800  }
.Ltmp0:
0x1e: {  	_ = 	snop;
	(pc) =	sbr.rel @p0 .LBB2_2-.Ltmp0, $2  }
0x1f: {  	_ =	sdelay $0x2  }
0x20: {  	s10 =	sadd.s32 $0x200, s10;
	[tilespmem:v1+s7+$0x0] =	vst.idx.add.f32.msk $0xffff, v0  }
0x21: {  	s9 =	sadd.s32 $0x1, s9  }
0x22: {  	p0 =	sne.s32 s9, s6  }
.Ltmp1:
0x23: {  	_ = 	snop;
	(pc) =	sbr.rel @p0 .LBB2_1-.Ltmp1, $4  }
0x24: {  	[hbm4b:s5+s2] =	stream.linear.scatter [tilespmem:s7], [sflag:$0x1], $0x2800, $0x38;
	[tilespmem:$0x6800] =	vst v63  }
0x25: {  	_ =	swait.ge [sflag:s8], $0x2800  }
0x26: {  	[sflag:s8] =	ssyncset.done $0x0  }
0x27: {  	[sflag:s8] =	ssyncadd.s32 $0xFFFFD800  }
0x28: {  	_ =	sfence.sel $0x180000  }
0x29: {  	[bflag:$0x0] =	sbarrier.arrive $0xFFFF  }
0x2a: {  	p0 =	sne.s32 s1, $0x0;
	_ =	strace $0x90000047  }
0x2b: {  	s0 =	sadd.s32 @!p0 $0x100000, s0;
	[bflag:$0x2] =	sbarrier.arrive $0xFFFF  }
0x2c: {  	[sflag:s0] =	ssyncadd.tile.s32 @!p0 $0x1;
	_ =	shalt  }
.Lfunc_end2:
_tile_overlayer_lowered:
.L_overlay_start_2:
0x2d: {  	(tag) =	ssettag $0x2  }
0x2e: {  	s0 =	rddreg [dreg:$0x0];
	s2 =	stileid.u32  }
0x2f: {  	s1 =	rddreg [dreg:$0x1];
	p0 =	sne.s32 s2, $0x0  }
0x30: {  	s3 =	rddreg [dreg:$0x2];
	[bflag:$0x3] =	sbarrier.arrive $0xFFFF;
	s2 =	simm.s32 @!p0 $0x1C01  }
0x31: {  	[timem:s3], [sflag:s2] =	dma.local @!p0 [hbm:s0], s1  }
0x32: {  	s0 =	simm.s32 @!p0 $0x1  }
0x33: {  	_ =	swait.ge @!p0 [sflag:s0], s1  }
0x34: {  	s1 =	ssub.s32 @!p0 $0x0, s1;
	[sflag:s0] =	ssyncset.done @!p0 $0x0  }
0x35: {  	[sflag:s0] =	ssyncadd.s32 @!p0 s1  }
0x36: {  	[bflag:$0x3] =	sbarrier.arrive $0xFFFF  }
0x37: {  	_ =	shalt  }

// kernel: kernel.14.cloned.1.call-start
scs
__scs_entry_jumppad:
0x0: {  	(pc) =	sbr.rel $0x88, $3  }
0x1: {  	(tag) =	ssettag $0x0;
	lr =	simm.s32 $0x1  }
0x2: {  	[smem:$0x3F91] =	sst lr;
	_ =	strace $0xD0000000  }
0x3: {  	_ = 	snop  }
0x4: {  	_ = 	snop  }
0x5: {  	_ = 	snop  }
0x6: {  	_ = 	snop  }
0x7: {  	_ = 	snop  }
__scs_overlays_trampoline_lowered:
0x8: {  	[smem:$0x3FA0] =	sst s0  }
0x9: {  	[smem:$0x3FA1] =	sst s1  }
0xa: {  	[smem:$0x3FA2] =	sst s2  }
0xb: {  	[smem:$0x3FA3] =	sst s3  }
0xc: {  	[smem:$0x3FA4] =	sst s4  }
0xd: {  	[smem:$0x3FA5] =	sst s5  }
0xe: {  	[smem:$0x3FA6] =	sst s6  }
0xf: {  	[smem:$0x3FA7] =	sst s7  }
0x10: {  	[smem:$0x3FA8] =	sst s8  }
0x11: {  	[smem:$0x3FA9] =	sst s9;
	s0 =	simm.s32 @!p0 $0x0  }
0x12: {  	s1 =	sld [smem:$0x3F8F];
	s0 =	simm.s32 @p0 $0x1  }
0x13: {  	[smem:$0x3FAA] =	sst s0;
	s0 =	simm.s32 @!p1 $0x0  }
0x14: {  	s2 =	sld [smem:$0x3F8E];
	s0 =	simm.s32 @p1 $0x1  }
0x15: {  	[smem:$0x3FAB] =	sst s0;
	s0 =	simm.s32 @!p2 $0x0  }
0x16: {  	s3 =	sld [smem:$0x3FDB];
	s0 =	simm.s32 @p2 $0x1  }
0x17: {  	s4 =	simm.s32 $0x1BF5;
	[smem:$0x3FAD] =	sst s0  }
0x18: {  	s0 =	sld [smem:$0x3F90];
	_ =	swait.ge [sflag:s4], $0x0  }
0x19: {  	s7 =	sld [smem:$0x3F91]  }
0x1a: {  	s8 =	sadd.s32 $0xFFFFE003, lr  }
0x1b: {  	s9 =	sadd.s32 $0xFFFFFEF7, lr;
	s5 =	simm.s32 $0xFFFFFFFF;
	p2 =	slt.u32 s8, $0xFFFFF086  }
0x1c: {  	p1 =	slt.u32 s9, $0xF7A;
	s5 =	simm.s32 @!p2 $0x0  }
0x1d: {  	s5 =	simm.s32 @p1 $0x1;
	p0 =	seq.s32 s7, s2  }
0x1e: {  	s7 =	smul.u32 @!p0 $0xF7A, s2;
	p2 =	seq.s32 @!p0 s5, $0x0  }
0x1f: {  	s9 =	smul.u32 $0xF7A, s1;
	s8 =	simm.s32 @!p0 $0x1BF5;
	p2 =	por !p2, p0  }
0x20: {  	[sflag:s8] =	ssyncset.s32 @!p0 $0xFFFFF086;
	s6 =	sadd.s32 @!p0 s3, s7;
	s7 =	simm.s32 @!p0 $0x108  }
0x21: {  	s3 =	sadd.s32 s3, s9;
	s6 =	sadd.s32 @!p0 $0x88, s6;
	s7 =	simm.s32 @p2 $0x1082  }
0x22: {  	[simem:s7], [sflag:s8] =	dma.local @!p0 [hbm:s6], $0xF7A  }
0x23: {  	s9 =	sor.u32 $0xD0000000, s2;
	s6 =	simm.s32 $0x108;
	_ =	swait.ge @!p0 [sflag:s8], $0x0  }
0x24: {  	s3 =	sadd.s32 $0x88, s3;
	s6 =	simm.s32 @!p1 $0x1082;
	[sflag:s4] =	ssyncset.s32 $0xFFFFF086  }
0x25: {  	[simem:s6], [sflag:s4] =	dma.local [hbm:s3], $0xF7A  }
0x26: {  	[smem:$0x3F91] =	sst s1;
	(tag) =	ssettag s2;
	_ =	strace s9  }
0x27: {  	s1 =	sld [smem:$0x3FA1]  }
0x28: {  	s2 =	sld [smem:$0x3FA2]  }
0x29: {  	s4 =	sld [smem:$0x3FA4]  }
0x2a: {  	p0 =	seq.s32 s5, $0x0;
	s5 =	sld [smem:$0x3FA5]  }
0x2b: {  	s6 =	sld [smem:$0x3FA6]  }
0x2c: {  	s7 =	sld [smem:$0x3FA7]  }
0x2d: {  	s3 =	simm.s32 $0x108;
	s8 =	sld [smem:$0x3FA8]  }
0x2e: {  	s3 =	simm.s32 @!p0 $0x1082;
	s9 =	sld [smem:$0x3FA9]  }
0x2f: {  	lr =	sadd.s32 s0, s3;
	s0 =	sld [smem:$0x3FA0]  }
0x30: {  	s3 =	sld [smem:$0x3FA3]  }
0x31: {  	[smem:$0x3FAC] =	sst s10  }
0x32: {  	s10 =	sld [smem:$0x3FAA];
	_ =	sdelay $0x3  }
0x33: {  	p0 =	seq.s32 s10, $0x1;
	s10 =	sld [smem:$0x3FAC];
	_ =	sdelay $0x3  }
0x34: {  	[smem:$0x3FAC] =	sst s10  }
0x35: {  	s10 =	sld [smem:$0x3FAB];
	_ =	sdelay $0x3  }
0x36: {  	p1 =	seq.s32 s10, $0x1;
	s10 =	sld [smem:$0x3FAC];
	_ =	sdelay $0x3  }
0x37: {  	[smem:$0x3FAC] =	sst s10  }
0x38: {  	s10 =	sld [smem:$0x3FAD]  }
0x39: {  	_ = 	snop;
	(pc) =	sbr.ind lr, $3  }
0x3a: {  	_ = 	snop  }
0x3b: {  	_ = 	snop  }
0x3c: {  	p2 =	seq.s32 s10, $0x1;
	s10 =	sld [smem:$0x3FAC]  }
0x3d: {  	_ =	shalt  }
0x3e: {  	_ =	shalt  }
0x3f: {  	_ =	shalt  }
0x40: {  	_ =	shalt  }
0x41: {  	_ =	shalt  }
0x42: {  	_ =	shalt  }
0x43: {  	_ =	shalt  }
0x44: {  	_ =	shalt  }
0x45: {  	_ =	shalt  }
0x46: {  	_ =	shalt  }
0x47: {  	_ =	shalt  }
0x48: {  	_ =	shalt  }
0x49: {  	_ =	shalt  }
0x4a: {  	_ =	shalt  }
0x4b: {  	_ =	shalt  }
0x4c: {  	_ =	shalt  }
0x4d: {  	_ =	shalt  }
0x4e: {  	_ =	shalt  }
0x4f: {  	_ =	shalt  }
0x50: {  	_ =	shalt  }
0x51: {  	_ =	shalt  }
0x52: {  	_ =	shalt  }
0x53: {  	_ =	shalt  }
0x54: {  	_ =	shalt  }
0x55: {  	_ =	shalt  }
0x56: {  	_ =	shalt  }
0x57: {  	_ =	shalt  }
0x58: {  	_ =	shalt  }
0x59: {  	_ =	shalt  }
0x5a: {  	_ =	shalt  }
0x5b: {  	_ =	shalt  }
0x5c: {  	_ =	shalt  }
0x5d: {  	_ =	shalt  }
0x5e: {  	_ =	shalt  }
0x5f: {  	_ =	shalt  }
0x60: {  	_ =	shalt  }
0x61: {  	_ =	shalt  }
0x62: {  	_ =	shalt  }
0x63: {  	_ =	shalt  }
0x64: {  	_ =	shalt  }
0x65: {  	_ =	shalt  }
0x66: {  	_ =	shalt  }
0x67: {  	_ =	shalt  }
0x68: {  	_ =	shalt  }
0x69: {  	_ =	shalt  }
0x6a: {  	_ =	shalt  }
0x6b: {  	_ =	shalt  }
0x6c: {  	_ =	shalt  }
0x6d: {  	_ =	shalt  }
0x6e: {  	_ =	shalt  }
0x6f: {  	_ =	shalt  }
0x70: {  	_ =	shalt  }
0x71: {  	_ =	shalt  }
0x72: {  	_ =	shalt  }
0x73: {  	_ =	shalt  }
0x74: {  	_ =	shalt  }
0x75: {  	_ =	shalt  }
0x76: {  	_ =	shalt  }
0x77: {  	_ =	shalt  }
0x78: {  	_ =	shalt  }
0x79: {  	_ =	shalt  }
0x7a: {  	_ =	shalt  }
0x7b: {  	_ =	shalt  }
0x7c: {  	_ =	shalt  }
0x7d: {  	_ =	shalt  }
0x7e: {  	_ =	shalt  }
0x7f: {  	_ =	shalt  }
0x80: {  	_ =	shalt  }
0x81: {  	_ =	shalt  }
0x82: {  	_ =	shalt  }
0x83: {  	_ =	shalt  }
0x84: {  	_ =	shalt  }
0x85: {  	_ =	shalt  }
0x86: {  	_ =	shalt  }
0x87: {  	_ =	shalt  }
.Lfunc_end0:
.L_simem_size_0:
called_computation.1_lowered:
.L_overlay_start_0:
0x88: {  	s2 =	sld [smem:$0x3FD9]  }
0x89: {  	s3 =	sld [smem:$0x3FFE];
	_ =	sdelay $0x1  }
0x8a: {  	s1 =	srdreg.scid  }
0x8b: {  	s0 =	sand.u32 $0x1, s1  }
0x8c: {  	s17 =	sshll.u32 s0, $0xA;
	s2 =	sadd.s32 s3, s2  }
0x8d: {  	s2 =	sadd.s32 s2, s17  }
0x8e: {  	[smem:$0x3FB8] =	sst s2  }
0x8f: {  	_ = 	snop  }
0x90: {  	s2 =	sld [smem:$0x3FD0];
	(tm) =	ssettm $0x1  }
0x91: {  	s18 =	sld [smem:$0x3FFB];
	_ =	sdelay $0x3  }
0x92: {  	_ =	strace s18  }
0x93: {  	s3 =	sld [smem:$0x3FFC];
	_ =	sdelay $0x3  }
0x94: {  	_ =	strace s3  }
0x95: {  	s3 =	sld [smem:$0x3FFD];
	_ =	sdelay $0x3  }
0x96: {  	_ =	strace s3  }
0x97: {  	_ =	strace $0x8FFFFFFF  }
0x98: {  	s19 =	sld [smem:$0x3FDB];
	_ =	sdelay $0x1  }
0x99: {  	s4 =	simm.s32 $_scs_section_size  }
0x9a: {  	s5 =	simm.s32 $_size__tile_overlayer_lowered;
	s6 =	simm.s32 $_tile_overlayer_lowered  }
0x9b: {  	s22 =	simm.s32 $0x1BFF;
	s21 =	sshll.u32 s6, $0x1;
	s3 =	sadd.s32 s4, s19  }
0x9c: {  	s7 =	simm.s32 $0x0;
	s20 =	sshll.u32 s5, $0x1;
	s5 =	sadd.s32 s21, s3  }
0x9d: {  	[timem:s7], [sflag:s22] =	dma.local [hbm:s5], s20  }
0x9e: {  	_ =	swait.ge [sflag:s22], s20  }
0x9f: {  	s4 =	ssub.s32 $0x0, s20;
	[sflag:s22] =	ssyncset.done $0x0  }
0xa0: {  	[sflag:s22] =	ssyncadd.s32 s4;
	_ =	sdelay $0x1  }
0xa1: {  	s23 =	simm.s32 $0x1B8B  }
0xa2: {  	_ =	swait.ge [sflag:s23], $0x1  }
0xa3: {  	[sflag:s23] =	ssyncset.done $0x0  }
0xa4: {  	s25 =	simm.s32 $0x1B8E;
	s24 =	sld [smem:$0x3FFE];
	[sflag:s23] =	ssyncadd.s32 $0xFFFFFFFF  }
0xa5: {  	s26 =	simm.s32 $execute0_lowered;
	[smem:$0x3FD2] =	sst s25  }
0xa6: {  	s5 =	sshll.u32 s26, $0x1;
	_ =	strace $0x80000049;
	[dreg:$0x1] =	wrdreg $0xFFFFFFFF  }
0xa7: {  	s28 =	simm.s32 $_size_execute0_lowered;
	s3 =	sadd.s32 s3, s5;
	[dreg:$0x0] =	wrdreg $0x0  }
0xa8: {  	s5 =	sshll.u32 s28, $0x1;
	[dreg:$0x2] =	wrdreg s3  }
0xa9: {  	[dreg:$0x3] =	wrdreg s5  }
0xaa: {  	[dreg:$0x4] =	wrdreg $0xC0  }
0xab: {  	_ =	task [dreg:s7], $0x5FFFF  }
0xac: {  	[dreg:$0x1] =	wrdreg $0xFFFFFFFF  }
0xad: {  	[dreg:$0x0] =	wrdreg $0x60  }
0xae: {  	[dreg:$0x2] =	wrdreg s24  }
0xaf: {  	[dreg:$0x3] =	wrdreg s2  }
0xb0: {  	[dreg:$0x4] =	wrdreg $0x98000  }
0xb1: {  	[dreg:$0x5] =	wrdreg $0x9  }
0xb2: {  	_ =	task.clear_ibuf [dreg:s7], $0x6FFFF;
	_ =	strace $0x90000049  }
0xb3: {  	s29 =	simm.s32 $0x9;
	_ =	strace $0x8000004B  }
0xb4: {  	_ =	swait.ge [sflag:s29], $0x1  }
0xb5: {  	[sflag:s29] =	ssyncadd.s32 $0xFFFFFFFF  }
0xb6: {  	_ =	strace $0x9000004B  }
0xb7: {  	_ =	sfence  }
0xb8: {  	s30 =	sld [smem:$0x0];
	_ =	sdelay $0x2  }
0xb9: {  	s31 =	sshll.u32 s1, $0xD;
	s1 =	sshrl.u32 s1, $0x2  }
0xba: {  	s3 =	sand.u32 $0x4000, s31;
	s1 =	sadd.s32 s1, s30  }
0xbb: {  	s0 =	sor.u32 s3, s0;
	s1 =	sshll.u32 s1, $0x11  }
0xbc: {  	s0 =	sor.u32 s1, s0  }
0xbd: {  	s0 =	sadd.s32 $0x8F2B, s0  }
0xbe: {  	[sflag:s0] =	ssyncadd.remote.s32 $0x1  }
0xbf: {  	_ =	sfence.sel $0xFFFF  }
0xc0: {  	[dreg:$0x0] =	wrdreg $0xFFFFFFFF;
	(pc) =	sbr.abs _section_cstart, $3  }
0xc1: {  	[dreg:$0x1] =	wrdreg $0xFFFFFFFF  }
0xc2: {  	_ =	task.clear_ibuf [dreg:s7], $0x2FFFF;
	_ =	strace $0x9FFFFFFF  }
0xc3: {  	(tm) =	ssettm $0x7FFFFFFF  }
tec
execute0_lowered:
.L_overlay_start_1:
0x0: {  	(tag) =	ssettag $0x1  }
0x1: {  	s0 =	srdreg.scid;
	s10 =	stileid.u32  }
0x2: {  	s0 =	sand.u32 $0x1, s0;
	s1 =	smul.u32 $0xA000, s10  }
0x3: {  	s4 =	smul.u32 $0x5000, s0  }
0x4: {  	s2 =	rddreg [dreg:$0x0]  }
0x5: {  	s3 =	rddreg [dreg:$0x2];
	s1 =	sadd.s32 s4, s1;
	s4 =	simm.s32 $0x0  }
0x6: {  	s12 =	simm.s32 $0x80;
	[smem:$0x7FF] =	sst s4  }
0x7: {  	s13 =	simm.s32 $0x100;
	_ =	strace $0x8000004A;
	[dreg:$0x6] =	wrdreg s12  }
0x8: {  	s14 =	simm.s32 $0x180;
	[dreg:$0x7] =	wrdreg s13  }
0x9: {  	s15 =	simm.s32 $0x1080;
	[dreg:$0x8] =	wrdreg s14  }
0xa: {  	s16 =	simm.s32 $0x200;
	s17 =	simm.s32 $0x1100;
	[dreg:$0x9] =	wrdreg s15  }
0xb: {  	s18 =	simm.s32 $0x280;
	s19 =	simm.s32 $0x1180;
	[dreg:$0xa] =	wrdreg s16  }
0xc: {  	s21 =	simm.s32 $0x300;
	s22 =	simm.s32 $0x1200;
	[dreg:$0xb] =	wrdreg s17  }
0xd: {  	s23 =	simm.s32 $0x380;
	s25 =	simm.s32 $0x1280;
	[dreg:$0xc] =	wrdreg s18  }
0xe: {  	s26 =	simm.s32 $0x400;
	s11 =	simm.s32 $0x1300;
	[dreg:$0xd] =	wrdreg s19  }
0xf: {  	s28 =	simm.s32 $0x1980;
	s29 =	simm.s32 $0xB00;
	[dreg:$0xe] =	wrdreg s21  }
0x10: {  	s30 =	simm.s32 $0x1A00;
	s8 =	smul.u32 $0x4E000, s10;
	[dreg:$0xf] =	wrdreg s22  }
0x11: {  	s24 =	smul.u32 $0x13800, s10;
	s6 =	ssub.s32 $0x2, s0;
	[dreg:$0x10] =	wrdreg s23  }
0x12: {  	s0 =	smul.u32 $0x138800, s0;
	s7 =	sshrl.u32 s6, $0x1;
	[dreg:$0x11] =	wrdreg s25  }
0x13: {  	s20 =	sshrl.u32 s8, $0x2;
	s6 =	ssub.s32 s6, s7;
	[dreg:$0x12] =	wrdreg s26  }
0x14: {  	s7 =	sadd.s32 s20, s3;
	s20 =	simm.s32 $0x1500;
	[dreg:$0x13] =	wrdreg s11  }
0x15: {  	s8 =	sadd.s32 s24, s0;
	s24 =	simm.s32 $0x1600;
	[dreg:$0x1b] =	wrdreg s20  }
0x16: {  	s31 =	simm.s32 $0xB80;
	s12 =	simm.s32 $0x480;
	[dreg:$0x1f] =	wrdreg s24  }
0x17: {  	s9 =	sadd.s32 $0x124800, s3;
	s13 =	simm.s32 $0x1380;
	[dreg:$0x14] =	wrdreg s12  }
0x18: {  	p0 =	sne.s32 s10, $0xF;
	s14 =	simm.s32 $0x500;
	[dreg:$0x15] =	wrdreg s13  }
0x19: {  	s0 =	sshrl.u32 s0, $0x3;
	s15 =	simm.s32 $0x1400;
	[dreg:$0x16] =	wrdreg s14  }
0x1a: {  	s1 =	sshrl.u32 s1, $0x3;
	s17 =	smax.u32 s6, $0x1;
	[dreg:$0x17] =	wrdreg s15  }
0x1b: {  	s8 =	sshrl.u32 s8, $0x3;
	s16 =	simm.s32 $0x580;
	[smem:$0x7F2] =	sst s17  }
0x1c: {  	s1 =	sadd.s32 s1, s2;
	s18 =	simm.s32 $0x1480;
	[dreg:$0x18] =	wrdreg s16  }
0x1d: {  	s19 =	simm.s32 $0x600;
	s21 =	simm.s32 $0x680;
	[dreg:$0x19] =	wrdreg s18  }
0x1e: {  	s11 =	sshrl.u32 @p0 s7, $0x3;
	s22 =	simm.s32 $0x1580;
	[dreg:$0x1a] =	wrdreg s19  }
0x1f: {  	s23 =	simm.s32 $0x700;
	s25 =	simm.s32 $0x780;
	[dreg:$0x1c] =	wrdreg s21  }
0x20: {  	s26 =	simm.s32 $0x1680;
	s6 =	simm.s32 $0x880;
	[dreg:$0x1d] =	wrdreg s22  }
0x21: {  	s7 =	simm.s32 $0x1780;
	s20 =	simm.s32 $0x3;
	[dreg:$0x1e] =	wrdreg s23  }
0x22: {  	s24 =	simm.s32 $0xA00;
	s5 =	sadd.s32 $0x13E00, s1;
	[smem:$0x7F4] =	sst s25  }
0x23: {  	s1 =	sadd.s32 $0x27E00, s1;
	s12 =	simm.s32 $0x4;
	[smem:$0x7F5] =	sst s26  }
0x24: {  	s13 =	simm.s32 $0x1000;
	s14 =	simm.s32 $0x50;
	[smem:$0x7F8] =	sst s6  }
0x25: {  	s15 =	simm.s32 $0x2000;
	s16 =	simm.s32 $0x4800;
	[smem:$0x7F9] =	sst s7  }
0x26: {  	s17 =	simm.s32 $0x7000;
	s18 =	simm.s32 $0x1;
	[smem:$0x7FC] =	sst s11  }
0x27: {  	s19 =	simm.s32 $0x2;
	s21 =	simm.s32 $0x1800;
	[dreg:$0x4] =	wrdreg s5  }
0x28: {  	s22 =	simm.s32 $0x980;
	s23 =	simm.s32 $0x1880;
	[dreg:$0x5] =	wrdreg s1  }
0x29: {  	s1 =	sshll.u32 @p0 s10, $0x6;
	s10 =	sshrl.u32 @!p0 s9, $0x3;
	s9 =	simm.s32 $0x0  }
0x2a: {  	s5 =	sadd.s32 $0x3BE00, s2;
	s2 =	sadd.s32 $0x63000, s2;
	[smem:$0x7FB] =	sst s9  }
0x2b: {  	s25 =	simm.s32 $0x1900;
	s8 =	sadd.s32 s2, s8;
	[smem:$0x7FD] =	sst s10  }
0x2c: {  	s26 =	simm.s32 $0xA80;
	s1 =	sor.u32 @p0 $0x1C04, s1;
	[smem:$0x7F0] =	sst s8  }
0x2d: {  	s0 =	sadd.s32 s2, s0;
	s2 =	simm.s32 $0x1700;
	[smem:$0x7F3] =	sst s1  }
0x2e: {  	s6 =	simm.s32 $0x1B80;
	s0 =	sadd.s32 $0x24900, s0;
	[smem:$0x7F7] =	sst s2  }
0x2f: {  	s7 =	simm.s32 $0x1C00;
	s1 =	simm.s32 $0x800;
	[smem:$0x7F1] =	sst s0  }
0x30: {  	s8 =	simm.s32 $0x900;
	s2 =	simm.s32 $0x1B00;
	[smem:$0x7F6] =	sst s1  }
0x31: {  	[smem:$0x7FA] =	sst s8;
	s1 =	simm.s32 $0x1A80;
	s0 =	simm.s32 $0xC00  }
.LBB2_1:
0x32: {  	s9 =	sld [smem:$0x7F3];
	_ =	sdelay $0x1  }
0x33: {  	s8 =	rddreg [dreg:$0x1]  }
0x34: {  	[spmem:s11], [sflag:s9] =	dma.local @p0 [hbm:s8], $0x2700  }
0x35: {  	s9 =	simm.s32 @p0 $0x4  }
0x36: {  	_ =	swait.ge @p0 [sflag:s9], $0x2700  }
0x37: {  	[sflag:s9] =	ssyncset.done @p0 $0x0  }
0x38: {  	[sflag:s9] =	ssyncadd.s32 @p0 $0xFFFFD900;
	s9 =	simm.s32 @!p0 $0x1FC4  }
0x39: {  	[spmem:s10], [sflag:s9] =	dma.local @!p0 [hbm:s8], $0x2800  }
0x3a: {  	s9 =	simm.s32 @!p0 $0x4  }
0x3b: {  	_ =	swait.ge @!p0 [sflag:s9], $0x2800  }
0x3c: {  	[sflag:s9] =	ssyncset.done @!p0 $0x0  }
0x3d: {  	[sflag:s9] =	ssyncadd.s32 @!p0 $0xFFFFD800  }
0x3e: {  	[bflag:$0x0] =	sbarrier.arrive $0xFFFF  }
0x3f: {  	s8 =	rddreg [dreg:$0x5]  }
0x40: {  	s9 =	sadd.s32 $0x0, s8  }
0x41: {  	[tilespmem:s4], [sflag:$0x4] =	stream.linear.gather [hbm4b:s9+s4], $0xC80, $0x38;
	[tilespmem:$0x1D080] =	vst v63  }
0x42: {  	_ =	swait.ge [sflag:s12], $0xC80  }
0x43: {  	s10 =	rddreg [dreg:$0x4];
	[sflag:s12] =	ssyncset.done $0x0  }
0x44: {  	[sflag:s12] =	ssyncadd.s32 $0xFFFFF380;
	s9 =	sadd.s32 $0x0, s10  }
0x45: {  	[tilespmem:s13], [sflag:$0x4] =	stream.linear.gather [hbm4b:s9+s4], $0xC80, $0x38;
	[tilespmem:$0x1D080] =	vst v63  }
0x46: {  	_ =	swait.ge [sflag:s12], $0xC80  }
0x47: {  	[sflag:s12] =	ssyncset.done $0x0  }
0x48: {  	[sflag:s12] =	ssyncadd.s32 $0xFFFFF380  }
0x49: {  	[tilespmem:s15], [sflag:$0x1] =	stream.indirect.gather [hbm4b:s5+s14], $0x80, s4, s14, $0xb8;
	[tilespmem:$0x1D080] =	vst v63  }
0x4a: {  	s11 =	rddreg [dreg:$0x6]  }
0x4b: {  	[tilespmem:s16], [sflag:$0x2] =	stream.indirect.gather [hbm4b:s5+s14], $0x80, s11, s14, $0xb8;
	[tilespmem:$0x1D080] =	vst v63  }
0x4c: {  	s8 =	rddreg [dreg:$0x7]  }
0x4d: {  	[tilespmem:s17], [sflag:$0x3] =	stream.indirect.gather [hbm4b:s5+s14], $0x80, s8, s14, $0xb8;
	[tilespmem:$0x1D080] =	vst v63  }
0x4e: {  	_ =	swait.ge [sflag:s18], $0x2800  }
0x4f: {  	[sflag:s18] =	ssyncset.done $0x0  }
0x50: {  	[sflag:s18] =	ssyncadd.s32 $0xFFFFD800  }
0x51: {  	[spmem:s3] =	stream.indirect.scatter.add.f32 [tilespmem:s15], [sflag:$0x4], $0x80, s13, s14, $0xb8;
	[tilespmem:$0x1D080] =	vst v63  }
0x52: {  	_ =	swait.ge [sflag:s12], $0x2800  }
0x53: {  	[sflag:s12] =	ssyncset.done $0x0  }
0x54: {  	s11 =	rddreg [dreg:$0x8];
	[sflag:s12] =	ssyncadd.s32 $0xFFFFD800  }
0x55: {  	[tilespmem:s15], [sflag:$0x1] =	stream.indirect.gather [hbm4b:s5+s14], $0x80, s11, s14, $0xb8;
	[tilespmem:$0x1D080] =	vst v63  }
0x56: {  	_ =	swait.ge [sflag:s19], $0x2800  }
0x57: {  	[sflag:s19] =	ssyncset.done $0x0  }
0x58: {  	s8 =	rddreg [dreg:$0x9];
	[sflag:s19] =	ssyncadd.s32 $0xFFFFD800  }
0x59: {  	[spmem:s3] =	stream.indirect.scatter.add.f32 [tilespmem:s16], [sflag:$0x4], $0x80, s8, s14, $0xb8;
	[tilespmem:$0x1D080] =	vst v63  }
0x5a: {  	_ =	swait.ge [sflag:s12], $0x2800  }
0x5b: {  	[sflag:s12] =	ssyncset.done $0x0  }
0x5c: {  	s10 =	rddreg [dreg:$0xa];
	[sflag:s12] =	ssyncadd.s32 $0xFFFFD800  }
0x5d: {  	[tilespmem:s16], [sflag:$0x2] =	stream.indirect.gather [hbm4b:s5+s14], $0x80, s10, s14, $0xb8;
	[tilespmem:$0x1D080] =	vst v63  }
0x5e: {  	_ =	swait.ge [sflag:s20], $0x2800  }
0x5f: {  	[sflag:s20] =	ssyncset.done $0x0  }
0x60: {  	s11 =	rddreg [dreg:$0xb];
	[sflag:s20] =	ssyncadd.s32 $0xFFFFD800  }
0x61: {  	[spmem:s3] =	stream.indirect.scatter.add.f32 [tilespmem:s17], [sflag:$0x4], $0x80, s11, s14, $0xb8;
	[tilespmem:$0x1D080] =	vst v63  }
0x62: {  	_ =	swait.ge [sflag:s12], $0x2800  }
0x63: {  	[sflag:s12] =	ssyncset.done $0x0  }
0x64: {  	s8 =	rddreg [dreg:$0xc];
	[sflag:s12] =	ssyncadd.s32 $0xFFFFD800  }
0x65: {  	[tilespmem:s17], [sflag:$0x3] =	stream.indirect.gather [hbm4b:s5+s14], $0x80, s8, s14, $0xb8;
	[tilespmem:$0x1D080] =	vst v63  }
0x66: {  	_ =	swait.ge [sflag:s18], $0x2800  }
0x67: {  	[sflag:s18] =	ssyncset.done $0x0  }
0x68: {  	s10 =	rddreg [dreg:$0xd];
	[sflag:s18] =	ssyncadd.s32 $0xFFFFD800  }
0x69: {  	[spmem:s3] =	stream.indirect.scatter.add.f32 [tilespmem:s15], [sflag:$0x4], $0x80, s10, s14, $0xb8;
	[tilespmem:$0x1D080] =	vst v63  }
0x6a: {  	_ =	swait.ge [sflag:s12], $0x2800  }
0x6b: {  	[sflag:s12] =	ssyncset.done $0x0  }
0x6c: {  	s11 =	rddreg [dreg:$0xe];
	[sflag:s12] =	ssyncadd.s32 $0xFFFFD800  }
0x6d: {  	[tilespmem:s15], [sflag:$0x1] =	stream.indirect.gather [hbm4b:s5+s14], $0x80, s11, s14, $0xb8;
	[tilespmem:$0x1D080] =	vst v63  }
0x6e: {  	_ =	swait.ge [sflag:s19], $0x2800  }
0x6f: {  	[sflag:s19] =	ssyncset.done $0x0  }
0x70: {  	s8 =	rddreg [dreg:$0xf];
	[sflag:s19] =	ssyncadd.s32 $0xFFFFD800  }
0x71: {  	[spmem:s3] =	stream.indirect.scatter.add.f32 [tilespmem:s16], [sflag:$0x4], $0x80, s8, s14, $0xb8;
	[tilespmem:$0x1D080] =	vst v63  }
0x72: {  	_ =	swait.ge [sflag:s12], $0x2800  }
0x73: {  	[sflag:s12] =	ssyncset.done $0x0  }
0x74: {  	s10 =	rddreg [dreg:$0x10];
	[sflag:s12] =	ssyncadd.s32 $0xFFFFD800  }
0x75: {  	[tilespmem:s16], [sflag:$0x2] =	stream.indirect.gather [hbm4b:s5+s14], $0x80, s10, s14, $0xb8;
	[tilespmem:$0x1D080] =	vst v63  }
0x76: {  	_ =	swait.ge [sflag:s20], $0x2800  }
0x77: {  	[sflag:s20] =	ssyncset.done $0x0  }
0x78: {  	s11 =	rddreg [dreg:$0x11];
	[sflag:s20] =	ssyncadd.s32 $0xFFFFD800  }
0x79: {  	[spmem:s3] =	stream.indirect.scatter.add.f32 [tilespmem:s17], [sflag:$0x4], $0x80, s11, s14, $0xb8;
	[tilespmem:$0x1D080] =	vst v63  }
0x7a: {  	_ =	swait.ge [sflag:s12], $0x2800  }
0x7b: {  	[sflag:s12] =	ssyncset.done $0x0  }
0x7c: {  	s8 =	rddreg [dreg:$0x12];
	[sflag:s12] =	ssyncadd.s32 $0xFFFFD800  }
0x7d: {  	[tilespmem:s17], [sflag:$0x3] =	stream.indirect.gather [hbm4b:s5+s14], $0x80, s8, s14, $0xb8;
	[tilespmem:$0x1D080] =	vst v63  }
0x7e: {  	_ =	swait.ge [sflag:s18], $0x2800  }
0x7f: {  	[sflag:s18] =	ssyncset.done $0x0  }
0x80: {  	s10 =	rddreg [dreg:$0x13];
	[sflag:s18] =	ssyncadd.s32 $0xFFFFD800  }
0x81: {  	[spmem:s3] =	stream.indirect.scatter.add.f32 [tilespmem:s15], [sflag:$0x4], $0x80, s10, s14, $0xb8;
	[tilespmem:$0x1D080] =	vst v63  }
0x82: {  	_ =	swait.ge [sflag:s12], $0x2800  }
0x83: {  	[sflag:s12] =	ssyncset.done $0x0  }
0x84: {  	s11 =	rddreg [dreg:$0x14];
	[sflag:s12] =	ssyncadd.s32 $0xFFFFD800  }
0x85: {  	[tilespmem:s15], [sflag:$0x1] =	stream.indirect.gather [hbm4b:s5+s14], $0x80, s11, s14, $0xb8;
	[tilespmem:$0x1D080] =	vst v63  }
0x86: {  	_ =	swait.ge [sflag:s19], $0x2800  }
0x87: {  	[sflag:s19] =	ssyncset.done $0x0  }
0x88: {  	s8 =	rddreg [dreg:$0x15];
	[sflag:s19] =	ssyncadd.s32 $0xFFFFD800  }
0x89: {  	[spmem:s3] =	stream.indirect.scatter.add.f32 [tilespmem:s16], [sflag:$0x4], $0x80, s8, s14, $0xb8;
	[tilespmem:$0x1D080] =	vst v63  }
0x8a: {  	_ =	swait.ge [sflag:s12], $0x2800  }
0x8b: {  	[sflag:s12] =	ssyncset.done $0x0  }
0x8c: {  	s10 =	rddreg [dreg:$0x16];
	[sflag:s12] =	ssyncadd.s32 $0xFFFFD800  }
0x8d: {  	[tilespmem:s16], [sflag:$0x2] =	stream.indirect.gather [hbm4b:s5+s14], $0x80, s10, s14, $0xb8;
	[tilespmem:$0x1D080] =	vst v63  }
0x8e: {  	_ =	swait.ge [sflag:s20], $0x2800  }
0x8f: {  	[sflag:s20] =	ssyncset.done $0x0  }
0x90: {  	s11 =	rddreg [dreg:$0x17];
	[sflag:s20] =	ssyncadd.s32 $0xFFFFD800  }
0x91: {  	[spmem:s3] =	stream.indirect.scatter.add.f32 [tilespmem:s17], [sflag:$0x4], $0x80, s11, s14, $0xb8;
	[tilespmem:$0x1D080] =	vst v63  }
0x92: {  	_ =	swait.ge [sflag:s12], $0x2800  }
0x93: {  	[sflag:s12] =	ssyncset.done $0x0  }
0x94: {  	s8 =	rddreg [dreg:$0x18];
	[sflag:s12] =	ssyncadd.s32 $0xFFFFD800  }
0x95: {  	[tilespmem:s17], [sflag:$0x3] =	stream.indirect.gather [hbm4b:s5+s14], $0x80, s8, s14, $0xb8;
	[tilespmem:$0x1D080] =	vst v63  }
0x96: {  	_ =	swait.ge [sflag:s18], $0x2800  }
0x97: {  	[sflag:s18] =	ssyncset.done $0x0  }
0x98: {  	s10 =	rddreg [dreg:$0x19];
	[sflag:s18] =	ssyncadd.s32 $0xFFFFD800  }
0x99: {  	[spmem:s3] =	stream.indirect.scatter.add.f32 [tilespmem:s15], [sflag:$0x4], $0x80, s10, s14, $0xb8;
	[tilespmem:$0x1D080] =	vst v63  }
0x9a: {  	_ =	swait.ge [sflag:s12], $0x2800  }
0x9b: {  	[sflag:s12] =	ssyncset.done $0x0  }
0x9c: {  	s11 =	rddreg [dreg:$0x1a];
	[sflag:s12] =	ssyncadd.s32 $0xFFFFD800  }
0x9d: {  	[tilespmem:s15], [sflag:$0x1] =	stream.indirect.gather [hbm4b:s5+s14], $0x80, s11, s14, $0xb8;
	[tilespmem:$0x1D080] =	vst v63  }
0x9e: {  	_ =	swait.ge [sflag:s19], $0x2800  }
0x9f: {  	[sflag:s19] =	ssyncset.done $0x0  }
0xa0: {  	s8 =	rddreg [dreg:$0x1b];
	[sflag:s19] =	ssyncadd.s32 $0xFFFFD800  }
0xa1: {  	[spmem:s3] =	stream.indirect.scatter.add.f32 [tilespmem:s16], [sflag:$0x4], $0x80, s8, s14, $0xb8;
	[tilespmem:$0x1D080] =	vst v63  }
0xa2: {  	_ =	swait.ge [sflag:s12], $0x2800  }
0xa3: {  	[sflag:s12] =	ssyncset.done $0x0  }
0xa4: {  	s10 =	rddreg [dreg:$0x1c];
	[sflag:s12] =	ssyncadd.s32 $0xFFFFD800  }
0xa5: {  	[tilespmem:s16], [sflag:$0x2] =	stream.indirect.gather [hbm4b:s5+s14], $0x80, s10, s14, $0xb8;
	[tilespmem:$0x1D080] =	vst v63  }
0xa6: {  	_ =	swait.ge [sflag:s20], $0x2800  }
0xa7: {  	[sflag:s20] =	ssyncset.done $0x0  }
0xa8: {  	s11 =	rddreg [dreg:$0x1d];
	[sflag:s20] =	ssyncadd.s32 $0xFFFFD800  }
0xa9: {  	[spmem:s3] =	stream.indirect.scatter.add.f32 [tilespmem:s17], [sflag:$0x4], $0x80, s11, s14, $0xb8;
	[tilespmem:$0x1D080] =	vst v63  }
0xaa: {  	_ =	swait.ge [sflag:s12], $0x2800  }
0xab: {  	[sflag:s12] =	ssyncset.done $0x0  }
0xac: {  	s8 =	rddreg [dreg:$0x1e];
	[sflag:s12] =	ssyncadd.s32 $0xFFFFD800  }
0xad: {  	[tilespmem:s17], [sflag:$0x3] =	stream.indirect.gather [hbm4b:s5+s14], $0x80, s8, s14, $0xb8;
	[tilespmem:$0x1D080] =	vst v63  }
0xae: {  	_ =	swait.ge [sflag:s18], $0x2800  }
0xaf: {  	[sflag:s18] =	ssyncset.done $0x0  }
0xb0: {  	s10 =	rddreg [dreg:$0x1f];
	[sflag:s18] =	ssyncadd.s32 $0xFFFFD800  }
0xb1: {  	[spmem:s3] =	stream.indirect.scatter.add.f32 [tilespmem:s15], [sflag:$0x4], $0x80, s10, s14, $0xb8;
	[tilespmem:$0x1D080] =	vst v63  }
0xb2: {  	_ =	swait.ge [sflag:s12], $0x2800  }
0xb3: {  	s11 =	sld [smem:$0x7F4]  }
0xb4: {  	[sflag:s12] =	ssyncset.done $0x0  }
0xb5: {  	[sflag:s12] =	ssyncadd.s32 $0xFFFFD800  }
0xb6: {  	[tilespmem:s15], [sflag:$0x1] =	stream.indirect.gather [hbm4b:s5+s14], $0x80, s11, s14, $0xb8;
	[tilespmem:$0x1D080] =	vst v63  }
0xb7: {  	_ =	swait.ge [sflag:s19], $0x2800  }
0xb8: {  	s8 =	sld [smem:$0x7F5]  }
0xb9: {  	[sflag:s19] =	ssyncset.done $0x0  }
0xba: {  	[sflag:s19] =	ssyncadd.s32 $0xFFFFD800  }
0xbb: {  	[spmem:s3] =	stream.indirect.scatter.add.f32 [tilespmem:s16], [sflag:$0x4], $0x80, s8, s14, $0xb8;
	[tilespmem:$0x1D080] =	vst v63  }
0xbc: {  	_ =	swait.ge [sflag:s12], $0x2800  }
0xbd: {  	s10 =	sld [smem:$0x7F6]  }
0xbe: {  	[sflag:s12] =	ssyncset.done $0x0  }
0xbf: {  	[sflag:s12] =	ssyncadd.s32 $0xFFFFD800  }
0xc0: {  	[tilespmem:s16], [sflag:$0x2] =	stream.indirect.gather [hbm4b:s5+s14], $0x80, s10, s14, $0xb8;
	[tilespmem:$0x1D080] =	vst v63  }
0xc1: {  	_ =	swait.ge [sflag:s20], $0x2800  }
0xc2: {  	s11 =	sld [smem:$0x7F7]  }
0xc3: {  	[sflag:s20] =	ssyncset.done $0x0  }
0xc4: {  	[sflag:s20] =	ssyncadd.s32 $0xFFFFD800  }
0xc5: {  	[spmem:s3] =	stream.indirect.scatter.add.f32 [tilespmem:s17], [sflag:$0x4], $0x80, s11, s14, $0xb8;
	[tilespmem:$0x1D080] =	vst v63  }
0xc6: {  	_ =	swait.ge [sflag:s12], $0x2800  }
0xc7: {  	s8 =	sld [smem:$0x7F8]  }
0xc8: {  	[sflag:s12] =	ssyncset.done $0x0  }
0xc9: {  	[sflag:s12] =	ssyncadd.s32 $0xFFFFD800  }
0xca: {  	[tilespmem:s17], [sflag:$0x3] =	stream.indirect.gather [hbm4b:s5+s14], $0x80, s8, s14, $0xb8;
	[tilespmem:$0x1D080] =	vst v63  }
0xcb: {  	_ =	swait.ge [sflag:s18], $0x2800  }
0xcc: {  	s10 =	sld [smem:$0x7F9]  }
0xcd: {  	[sflag:s18] =	ssyncset.done $0x0  }
0xce: {  	[sflag:s18] =	ssyncadd.s32 $0xFFFFD800  }
0xcf: {  	[spmem:s3] =	stream.indirect.scatter.add.f32 [tilespmem:s15], [sflag:$0x4], $0x80, s10, s14, $0xb8;
	[tilespmem:$0x1D080] =	vst v63  }
0xd0: {  	_ =	swait.ge [sflag:s12], $0x2800  }
0xd1: {  	s11 =	sld [smem:$0x7FA]  }
0xd2: {  	[sflag:s12] =	ssyncset.done $0x0  }
0xd3: {  	[sflag:s12] =	ssyncadd.s32 $0xFFFFD800  }
0xd4: {  	[tilespmem:s15], [sflag:$0x1] =	stream.indirect.gather [hbm4b:s5+s14], $0x80, s11, s14, $0xb8;
	[tilespmem:$0x1D080] =	vst v63  }
0xd5: {  	_ =	swait.ge [sflag:s19], $0x2800  }
0xd6: {  	[sflag:s19] =	ssyncset.done $0x0  }
0xd7: {  	[sflag:s19] =	ssyncadd.s32 $0xFFFFD800  }
0xd8: {  	[spmem:s3] =	stream.indirect.scatter.add.f32 [tilespmem:s16], [sflag:$0x4], $0x80, s21, s14, $0xb8;
	[tilespmem:$0x1D080] =	vst v63  }
0xd9: {  	_ =	swait.ge [sflag:s12], $0x2800  }
0xda: {  	[sflag:s12] =	ssyncset.done $0x0  }
0xdb: {  	[sflag:s12] =	ssyncadd.s32 $0xFFFFD800  }
0xdc: {  	[tilespmem:s16], [sflag:$0x2] =	stream.indirect.gather [hbm4b:s5+s14], $0x80, s22, s14, $0xb8;
	[tilespmem:$0x1D080] =	vst v63  }
0xdd: {  	_ =	swait.ge [sflag:s20], $0x2800  }
0xde: {  	[sflag:s20] =	ssyncset.done $0x0  }
0xdf: {  	[sflag:s20] =	ssyncadd.s32 $0xFFFFD800  }
0xe0: {  	[spmem:s3] =	stream.indirect.scatter.add.f32 [tilespmem:s17], [sflag:$0x4], $0x80, s23, s14, $0xb8;
	[tilespmem:$0x1D080] =	vst v63  }
0xe1: {  	_ =	swait.ge [sflag:s12], $0x2800  }
0xe2: {  	[sflag:s12] =	ssyncset.done $0x0  }
0xe3: {  	[sflag:s12] =	ssyncadd.s32 $0xFFFFD800  }
0xe4: {  	[tilespmem:s17], [sflag:$0x3] =	stream.indirect.gather [hbm4b:s5+s14], $0x80, s24, s14, $0xb8;
	[tilespmem:$0x1D080] =	vst v63  }
0xe5: {  	_ =	swait.ge [sflag:s18], $0x2800  }
0xe6: {  	[sflag:s18] =	ssyncset.done $0x0  }
0xe7: {  	[sflag:s18] =	ssyncadd.s32 $0xFFFFD800  }
0xe8: {  	[spmem:s3] =	stream.indirect.scatter.add.f32 [tilespmem:s15], [sflag:$0x4], $0x80, s25, s14, $0xb8;
	[tilespmem:$0x1D080] =	vst v63  }
0xe9: {  	_ =	swait.ge [sflag:s12], $0x2800  }
0xea: {  	[sflag:s12] =	ssyncset.done $0x0  }
0xeb: {  	[sflag:s12] =	ssyncadd.s32 $0xFFFFD800  }
0xec: {  	[tilespmem:s15], [sflag:$0x1] =	stream.indirect.gather [hbm4b:s5+s14], $0x80, s26, s14, $0xb8;
	[tilespmem:$0x1D080] =	vst v63  }
0xed: {  	_ =	swait.ge [sflag:s19], $0x2800  }
0xee: {  	[sflag:s19] =	ssyncset.done $0x0  }
0xef: {  	[sflag:s19] =	ssyncadd.s32 $0xFFFFD800  }
0xf0: {  	[spmem:s3] =	stream.indirect.scatter.add.f32 [tilespmem:s16], [sflag:$0x4], $0x80, s28, s14, $0xb8;
	[tilespmem:$0x1D080] =	vst v63  }
0xf1: {  	_ =	swait.ge [sflag:s12], $0x2800  }
0xf2: {  	[sflag:s12] =	ssyncset.done $0x0  }
0xf3: {  	[sflag:s12] =	ssyncadd.s32 $0xFFFFD800  }
0xf4: {  	[tilespmem:s16], [sflag:$0x2] =	stream.indirect.gather [hbm4b:s5+s14], $0x80, s29, s14, $0xb8;
	[tilespmem:$0x1D080] =	vst v63  }
0xf5: {  	_ =	swait.ge [sflag:s20], $0x2800  }
0xf6: {  	[sflag:s20] =	ssyncset.done $0x0  }
0xf7: {  	[sflag:s20] =	ssyncadd.s32 $0xFFFFD800  }
0xf8: {  	[spmem:s3] =	stream.indirect.scatter.add.f32 [tilespmem:s17], [sflag:$0x4], $0x80, s30, s14, $0xb8;
	[tilespmem:$0x1D080] =	vst v63  }
0xf9: {  	_ =	swait.ge [sflag:s12], $0x2800  }
0xfa: {  	[sflag:s12] =	ssyncset.done $0x0  }
0xfb: {  	[sflag:s12] =	ssyncadd.s32 $0xFFFFD800  }
0xfc: {  	[tilespmem:s17], [sflag:$0x3] =	stream.indirect.gather [hbm4b:s5+s14], $0x80, s31, s14, $0xb8;
	[tilespmem:$0x1D080] =	vst v63  }
0xfd: {  	_ =	swait.ge [sflag:s18], $0x2800  }
0xfe: {  	[sflag:s18] =	ssyncset.done $0x0  }
0xff: {  	[sflag:s18] =	ssyncadd.s32 $0xFFFFD800  }
0x100: {  	[spmem:s3] =	stream.indirect.scatter.add.f32 [tilespmem:s15], [sflag:$0x4], $0x80, s1, s14, $0xb8;
	[tilespmem:$0x1D080] =	vst v63  }
0x101: {  	_ =	swait.ge [sflag:s12], $0x2800  }
0x102: {  	[sflag:s12] =	ssyncset.done $0x0  }
0x103: {  	[sflag:s12] =	ssyncadd.s32 $0xFFFFD800  }
0x104: {  	[tilespmem:s15], [sflag:$0x1] =	stream.indirect.gather [hbm4b:s5+s14], $0x80, s0, s14, $0xb8;
	[tilespmem:$0x1D080] =	vst v63  }
0x105: {  	_ =	swait.ge [sflag:s19], $0x2800  }
0x106: {  	[sflag:s19] =	ssyncset.done $0x0  }
0x107: {  	[sflag:s19] =	ssyncadd.s32 $0xFFFFD800  }
0x108: {  	[spmem:s3] =	stream.indirect.scatter.add.f32 [tilespmem:s16], [sflag:$0x4], $0x80, s2, s14, $0xb8;
	[tilespmem:$0x1D080] =	vst v63  }
0x109: {  	_ =	swait.ge [sflag:s12], $0x2800  }
0x10a: {  	[sflag:s12] =	ssyncset.done $0x0  }
0x10b: {  	[sflag:s12] =	ssyncadd.s32 $0xFFFFD800  }
0x10c: {  	_ =	swait.ge [sflag:s20], $0x2800  }
0x10d: {  	[sflag:s20] =	ssyncset.done $0x0  }
0x10e: {  	[sflag:s20] =	ssyncadd.s32 $0xFFFFD800  }
0x10f: {  	[spmem:s3] =	stream.indirect.scatter.add.f32 [tilespmem:s17], [sflag:$0x4], $0x80, s6, s14, $0xb8;
	[tilespmem:$0x1D080] =	vst v63  }
0x110: {  	_ =	swait.ge [sflag:s12], $0x2800  }
0x111: {  	[sflag:s12] =	ssyncset.done $0x0  }
0x112: {  	[sflag:s12] =	ssyncadd.s32 $0xFFFFD800  }
0x113: {  	_ =	swait.ge [sflag:s18], $0x2800  }
0x114: {  	[sflag:s18] =	ssyncset.done $0x0  }
0x115: {  	[sflag:s18] =	ssyncadd.s32 $0xFFFFD800  }
0x116: {  	[spmem:s3] =	stream.indirect.scatter.add.f32 [tilespmem:s15], [sflag:$0x4], $0x80, s7, s14, $0xb8;
	[tilespmem:$0x1D080] =	vst v63  }
0x117: {  	s9 =	simm.s32 $0x200;
	_ =	swait.ge [sflag:s12], $0x2800  }
0x118: {  	s10 =	simm.s32 $0x400;
	s11 =	rddreg [dreg:$0x5];
	[sflag:s12] =	ssyncset.done $0x0  }
.LBB2_2:
0x119: {  	[sflag:s12] =	ssyncadd.s32 $0xFFFFD800;
	s11 =	sadd.s32 s9, s11  }
0x11a: {  	[tilespmem:s4], [sflag:$0x4] =	stream.linear.gather [hbm4b:s11+s4], $0xC80, $0x38;
	[tilespmem:$0x1D080] =	vst v63  }
0x11b: {  	_ =	swait.ge [sflag:s12], $0xC80  }
0x11c: {  	s11 =	rddreg [dreg:$0x4];
	[sflag:s12] =	ssyncset.done $0x0  }
0x11d: {  	[sflag:s12] =	ssyncadd.s32 $0xFFFFF380;
	s11 =	sadd.s32 s9, s11  }
0x11e: {  	[tilespmem:s13], [sflag:$0x4] =	stream.linear.gather [hbm4b:s11+s4], $0xC80, $0x38;
	[tilespmem:$0x1D080] =	vst v63  }
0x11f: {  	_ =	swait.ge [sflag:s12], $0xC80  }
0x120: {  	[sflag:s12] =	ssyncset.done $0x0  }
0x121: {  	s8 =	smov.u32 s10;
	[sflag:s12] =	ssyncadd.s32 $0xFFFFF380  }
0x122: {  	[tilespmem:s15], [sflag:$0x1] =	stream.indirect.gather [hbm4b:s5+s14], $0x80, s4, s14, $0xb8;
	[tilespmem:$0x1D080] =	vst v63  }
0x123: {  	s9 =	smov.u32 s8;
	s8 =	rddreg [dreg:$0x6]  }
0x124: {  	[tilespmem:s16], [sflag:$0x2] =	stream.indirect.gather [hbm4b:s5+s14], $0x80, s8, s14, $0xb8;
	[tilespmem:$0x1D080] =	vst v63  }
0x125: {  	s11 =	rddreg [dreg:$0x7]  }
0x126: {  	[tilespmem:s17], [sflag:$0x3] =	stream.indirect.gather [hbm4b:s5+s14], $0x80, s11, s14, $0xb8;
	[tilespmem:$0x1D080] =	vst v63  }
0x127: {  	_ =	swait.ge [sflag:s18], $0x2800  }
0x128: {  	[sflag:s18] =	ssyncset.done $0x0  }
0x129: {  	[sflag:s18] =	ssyncadd.s32 $0xFFFFD800  }
0x12a: {  	[spmem:s3] =	stream.indirect.scatter.add.f32 [tilespmem:s15], [sflag:$0x4], $0x80, s13, s14, $0xb8;
	[tilespmem:$0x1D080] =	vst v63  }
0x12b: {  	_ =	swait.ge [sflag:s12], $0x2800  }
0x12c: {  	[sflag:s12] =	ssyncset.done $0x0  }
0x12d: {  	s11 =	rddreg [dreg:$0x8];
	[sflag:s12] =	ssyncadd.s32 $0xFFFFD800  }
0x12e: {  	[tilespmem:s15], [sflag:$0x1] =	stream.indirect.gather [hbm4b:s5+s14], $0x80, s11, s14, $0xb8;
	[tilespmem:$0x1D080] =	vst v63  }
0x12f: {  	_ =	swait.ge [sflag:s19], $0x2800  }
0x130: {  	[sflag:s19] =	ssyncset.done $0x0  }
0x131: {  	s11 =	rddreg [dreg:$0x9];
	[sflag:s19] =	ssyncadd.s32 $0xFFFFD800  }
0x132: {  	[spmem:s3] =	stream.indirect.scatter.add.f32 [tilespmem:s16], [sflag:$0x4], $0x80, s11, s14, $0xb8;
	[tilespmem:$0x1D080] =	vst v63  }
0x133: {  	_ =	swait.ge [sflag:s12], $0x2800  }
0x134: {  	[sflag:s12] =	ssyncset.done $0x0  }
0x135: {  	s11 =	rddreg [dreg:$0xa];
	[sflag:s12] =	ssyncadd.s32 $0xFFFFD800  }
0x136: {  	[tilespmem:s16], [sflag:$0x2] =	stream.indirect.gather [hbm4b:s5+s14], $0x80, s11, s14, $0xb8;
	[tilespmem:$0x1D080] =	vst v63  }
0x137: {  	_ =	swait.ge [sflag:s20], $0x2800  }
0x138: {  	[sflag:s20] =	ssyncset.done $0x0  }
0x139: {  	s11 =	rddreg [dreg:$0xb];
	[sflag:s20] =	ssyncadd.s32 $0xFFFFD800  }
0x13a: {  	[spmem:s3] =	stream.indirect.scatter.add.f32 [tilespmem:s17], [sflag:$0x4], $0x80, s11, s14, $0xb8;
	[tilespmem:$0x1D080] =	vst v63  }
0x13b: {  	_ =	swait.ge [sflag:s12], $0x2800  }
0x13c: {  	[sflag:s12] =	ssyncset.done $0x0  }
0x13d: {  	s11 =	rddreg [dreg:$0xc];
	[sflag:s12] =	ssyncadd.s32 $0xFFFFD800  }
0x13e: {  	[tilespmem:s17], [sflag:$0x3] =	stream.indirect.gather [hbm4b:s5+s14], $0x80, s11, s14, $0xb8;
	[tilespmem:$0x1D080] =	vst v63  }
0x13f: {  	_ =	swait.ge [sflag:s18], $0x2800  }
0x140: {  	[sflag:s18] =	ssyncset.done $0x0  }
0x141: {  	s11 =	rddreg [dreg:$0xd];
	[sflag:s18] =	ssyncadd.s32 $0xFFFFD800  }
0x142: {  	[spmem:s3] =	stream.indirect.scatter.add.f32 [tilespmem:s15], [sflag:$0x4], $0x80, s11, s14, $0xb8;
	[tilespmem:$0x1D080] =	vst v63  }
0x143: {  	_ =	swait.ge [sflag:s12], $0x2800  }
0x144: {  	[sflag:s12] =	ssyncset.done $0x0  }
0x145: {  	s11 =	rddreg [dreg:$0xe];
	[sflag:s12] =	ssyncadd.s32 $0xFFFFD800  }
0x146: {  	[tilespmem:s15], [sflag:$0x1] =	stream.indirect.gather [hbm4b:s5+s14], $0x80, s11, s14, $0xb8;
	[tilespmem:$0x1D080] =	vst v63  }
0x147: {  	_ =	swait.ge [sflag:s19], $0x2800  }
0x148: {  	[sflag:s19] =	ssyncset.done $0x0  }
0x149: {  	s11 =	rddreg [dreg:$0xf];
	[sflag:s19] =	ssyncadd.s32 $0xFFFFD800  }
0x14a: {  	[spmem:s3] =	stream.indirect.scatter.add.f32 [tilespmem:s16], [sflag:$0x4], $0x80, s11, s14, $0xb8;
	[tilespmem:$0x1D080] =	vst v63  }
0x14b: {  	_ =	swait.ge [sflag:s12], $0x2800  }
0x14c: {  	[sflag:s12] =	ssyncset.done $0x0  }
0x14d: {  	s11 =	rddreg [dreg:$0x10];
	[sflag:s12] =	ssyncadd.s32 $0xFFFFD800  }
0x14e: {  	[tilespmem:s16], [sflag:$0x2] =	stream.indirect.gather [hbm4b:s5+s14], $0x80, s11, s14, $0xb8;
	[tilespmem:$0x1D080] =	vst v63  }
0x14f: {  	_ =	swait.ge [sflag:s20], $0x2800  }
0x150: {  	[sflag:s20] =	ssyncset.done $0x0  }
0x151: {  	s11 =	rddreg [dreg:$0x11];
	[sflag:s20] =	ssyncadd.s32 $0xFFFFD800  }
0x152: {  	[spmem:s3] =	stream.indirect.scatter.add.f32 [tilespmem:s17], [sflag:$0x4], $0x80, s11, s14, $0xb8;
	[tilespmem:$0x1D080] =	vst v63  }
0x153: {  	_ =	swait.ge [sflag:s12], $0x2800  }
0x154: {  	[sflag:s12] =	ssyncset.done $0x0  }
0x155: {  	s11 =	rddreg [dreg:$0x12];
	[sflag:s12] =	ssyncadd.s32 $0xFFFFD800  }
0x156: {  	[tilespmem:s17], [sflag:$0x3] =	stream.indirect.gather [hbm4b:s5+s14], $0x80, s11, s14, $0xb8;
	[tilespmem:$0x1D080] =	vst v63  }
0x157: {  	_ =	swait.ge [sflag:s18], $0x2800  }
0x158: {  	[sflag:s18] =	ssyncset.done $0x0  }
0x159: {  	s11 =	rddreg [dreg:$0x13];
	[sflag:s18] =	ssyncadd.s32 $0xFFFFD800  }
0x15a: {  	[spmem:s3] =	stream.indirect.scatter.add.f32 [tilespmem:s15], [sflag:$0x4], $0x80, s11, s14, $0xb8;
	[tilespmem:$0x1D080] =	vst v63  }
0x15b: {  	_ =	swait.ge [sflag:s12], $0x2800  }
0x15c: {  	[sflag:s12] =	ssyncset.done $0x0  }
0x15d: {  	s11 =	rddreg [dreg:$0x14];
	[sflag:s12] =	ssyncadd.s32 $0xFFFFD800  }
0x15e: {  	[tilespmem:s15], [sflag:$0x1] =	stream.indirect.gather [hbm4b:s5+s14], $0x80, s11, s14, $0xb8;
	[tilespmem:$0x1D080] =	vst v63  }
0x15f: {  	_ =	swait.ge [sflag:s19], $0x2800  }
0x160: {  	[sflag:s19] =	ssyncset.done $0x0  }
0x161: {  	s11 =	rddreg [dreg:$0x15];
	[sflag:s19] =	ssyncadd.s32 $0xFFFFD800  }
0x162: {  	[spmem:s3] =	stream.indirect.scatter.add.f32 [tilespmem:s16], [sflag:$0x4], $0x80, s11, s14, $0xb8;
	[tilespmem:$0x1D080] =	vst v63  }
0x163: {  	_ =	swait.ge [sflag:s12], $0x2800  }
0x164: {  	[sflag:s12] =	ssyncset.done $0x0  }
0x165: {  	s11 =	rddreg [dreg:$0x16];
	[sflag:s12] =	ssyncadd.s32 $0xFFFFD800  }
0x166: {  	[tilespmem:s16], [sflag:$0x2] =	stream.indirect.gather [hbm4b:s5+s14], $0x80, s11, s14, $0xb8;
	[tilespmem:$0x1D080] =	vst v63  }
0x167: {  	_ =	swait.ge [sflag:s20], $0x2800  }
0x168: {  	[sflag:s20] =	ssyncset.done $0x0  }
0x169: {  	s11 =	rddreg [dreg:$0x17];
	[sflag:s20] =	ssyncadd.s32 $0xFFFFD800  }
0x16a: {  	[spmem:s3] =	stream.indirect.scatter.add.f32 [tilespmem:s17], [sflag:$0x4], $0x80, s11, s14, $0xb8;
	[tilespmem:$0x1D080] =	vst v63  }
0x16b: {  	_ =	swait.ge [sflag:s12], $0x2800  }
0x16c: {  	[sflag:s12] =	ssyncset.done $0x0  }
0x16d: {  	s11 =	rddreg [dreg:$0x18];
	[sflag:s12] =	ssyncadd.s32 $0xFFFFD800  }
0x16e: {  	[tilespmem:s17], [sflag:$0x3] =	stream.indirect.gather [hbm4b:s5+s14], $0x80, s11, s14, $0xb8;
	[tilespmem:$0x1D080] =	vst v63  }
0x16f: {  	_ =	swait.ge [sflag:s18], $0x2800  }
0x170: {  	[sflag:s18] =	ssyncset.done $0x0  }
0x171: {  	s11 =	rddreg [dreg:$0x19];
	[sflag:s18] =	ssyncadd.s32 $0xFFFFD800  }
0x172: {  	[spmem:s3] =	stream.indirect.scatter.add.f32 [tilespmem:s15], [sflag:$0x4], $0x80, s11, s14, $0xb8;
	[tilespmem:$0x1D080] =	vst v63  }
0x173: {  	_ =	swait.ge [sflag:s12], $0x2800  }
0x174: {  	[sflag:s12] =	ssyncset.done $0x0  }
0x175: {  	s11 =	rddreg [dreg:$0x1a];
	[sflag:s12] =	ssyncadd.s32 $0xFFFFD800  }
0x176: {  	[tilespmem:s15], [sflag:$0x1] =	stream.indirect.gather [hbm4b:s5+s14], $0x80, s11, s14, $0xb8;
	[tilespmem:$0x1D080] =	vst v63  }
0x177: {  	_ =	swait.ge [sflag:s19], $0x2800  }
0x178: {  	[sflag:s19] =	ssyncset.done $0x0  }
0x179: {  	s11 =	rddreg [dreg:$0x1b];
	[sflag:s19] =	ssyncadd.s32 $0xFFFFD800  }
0x17a: {  	[spmem:s3] =	stream.indirect.scatter.add.f32 [tilespmem:s16], [sflag:$0x4], $0x80, s11, s14, $0xb8;
	[tilespmem:$0x1D080] =	vst v63  }
0x17b: {  	_ =	swait.ge [sflag:s12], $0x2800  }
0x17c: {  	[sflag:s12] =	ssyncset.done $0x0  }
0x17d: {  	s11 =	rddreg [dreg:$0x1c];
	[sflag:s12] =	ssyncadd.s32 $0xFFFFD800  }
0x17e: {  	[tilespmem:s16], [sflag:$0x2] =	stream.indirect.gather [hbm4b:s5+s14], $0x80, s11, s14, $0xb8;
	[tilespmem:$0x1D080] =	vst v63  }
0x17f: {  	_ =	swait.ge [sflag:s20], $0x2800  }
0x180: {  	[sflag:s20] =	ssyncset.done $0x0  }
0x181: {  	s11 =	rddreg [dreg:$0x1d];
	[sflag:s20] =	ssyncadd.s32 $0xFFFFD800  }
0x182: {  	[spmem:s3] =	stream.indirect.scatter.add.f32 [tilespmem:s17], [sflag:$0x4], $0x80, s11, s14, $0xb8;
	[tilespmem:$0x1D080] =	vst v63  }
0x183: {  	_ =	swait.ge [sflag:s12], $0x2800  }
0x184: {  	[sflag:s12] =	ssyncset.done $0x0  }
0x185: {  	s11 =	rddreg [dreg:$0x1e];
	[sflag:s12] =	ssyncadd.s32 $0xFFFFD800  }
0x186: {  	[tilespmem:s17], [sflag:$0x3] =	stream.indirect.gather [hbm4b:s5+s14], $0x80, s11, s14, $0xb8;
	[tilespmem:$0x1D080] =	vst v63  }
0x187: {  	_ =	swait.ge [sflag:s18], $0x2800  }
0x188: {  	[sflag:s18] =	ssyncset.done $0x0  }
0x189: {  	s11 =	rddreg [dreg:$0x1f];
	[sflag:s18] =	ssyncadd.s32 $0xFFFFD800  }
0x18a: {  	[spmem:s3] =	stream.indirect.scatter.add.f32 [tilespmem:s15], [sflag:$0x4], $0x80, s11, s14, $0xb8;
	[tilespmem:$0x1D080] =	vst v63  }
0x18b: {  	_ =	swait.ge [sflag:s12], $0x2800  }
0x18c: {  	s11 =	sld [smem:$0x7F4]  }
0x18d: {  	[sflag:s12] =	ssyncset.done $0x0  }
0x18e: {  	[sflag:s12] =	ssyncadd.s32 $0xFFFFD800  }
0x18f: {  	[tilespmem:s15], [sflag:$0x1] =	stream.indirect.gather [hbm4b:s5+s14], $0x80, s11, s14, $0xb8;
	[tilespmem:$0x1D080] =	vst v63  }
0x190: {  	_ =	swait.ge [sflag:s19], $0x2800  }
0x191: {  	s11 =	sld [smem:$0x7F5]  }
0x192: {  	[sflag:s19] =	ssyncset.done $0x0  }
0x193: {  	[sflag:s19] =	ssyncadd.s32 $0xFFFFD800  }
0x194: {  	[spmem:s3] =	stream.indirect.scatter.add.f32 [tilespmem:s16], [sflag:$0x4], $0x80, s11, s14, $0xb8;
	[tilespmem:$0x1D080] =	vst v63  }
0x195: {  	_ =	swait.ge [sflag:s12], $0x2800  }
0x196: {  	s11 =	sld [smem:$0x7F6]  }
0x197: {  	[sflag:s12] =	ssyncset.done $0x0  }
0x198: {  	[sflag:s12] =	ssyncadd.s32 $0xFFFFD800  }
0x199: {  	[tilespmem:s16], [sflag:$0x2] =	stream.indirect.gather [hbm4b:s5+s14], $0x80, s11, s14, $0xb8;
	[tilespmem:$0x1D080] =	vst v63  }
0x19a: {  	_ =	swait.ge [sflag:s20], $0x2800  }
0x19b: {  	s11 =	sld [smem:$0x7F7]  }
0x19c: {  	[sflag:s20] =	ssyncset.done $0x0  }
0x19d: {  	[sflag:s20] =	ssyncadd.s32 $0xFFFFD800  }
0x19e: {  	[spmem:s3] =	stream.indirect.scatter.add.f32 [tilespmem:s17], [sflag:$0x4], $0x80, s11, s14, $0xb8;
	[tilespmem:$0x1D080] =	vst v63  }
0x19f: {  	_ =	swait.ge [sflag:s12], $0x2800  }
0x1a0: {  	s11 =	sld [smem:$0x7F8]  }
0x1a1: {  	[sflag:s12] =	ssyncset.done $0x0  }
0x1a2: {  	[sflag:s12] =	ssyncadd.s32 $0xFFFFD800  }
0x1a3: {  	[tilespmem:s17], [sflag:$0x3] =	stream.indirect.gather [hbm4b:s5+s14], $0x80, s11, s14, $0xb8;
	[tilespmem:$0x1D080] =	vst v63  }
0x1a4: {  	_ =	swait.ge [sflag:s18], $0x2800  }
0x1a5: {  	s11 =	sld [smem:$0x7F9]  }
0x1a6: {  	[sflag:s18] =	ssyncset.done $0x0  }
0x1a7: {  	[sflag:s18] =	ssyncadd.s32 $0xFFFFD800  }
0x1a8: {  	[spmem:s3] =	stream.indirect.scatter.add.f32 [tilespmem:s15], [sflag:$0x4], $0x80, s11, s14, $0xb8;
	[tilespmem:$0x1D080] =	vst v63  }
0x1a9: {  	_ =	swait.ge [sflag:s12], $0x2800  }
0x1aa: {  	s11 =	sld [smem:$0x7FA]  }
0x1ab: {  	[sflag:s12] =	ssyncset.done $0x0  }
0x1ac: {  	[sflag:s12] =	ssyncadd.s32 $0xFFFFD800  }
0x1ad: {  	[tilespmem:s15], [sflag:$0x1] =	stream.indirect.gather [hbm4b:s5+s14], $0x80, s11, s14, $0xb8;
	[tilespmem:$0x1D080] =	vst v63  }
0x1ae: {  	_ =	swait.ge [sflag:s19], $0x2800  }
0x1af: {  	[sflag:s19] =	ssyncset.done $0x0  }
0x1b0: {  	[sflag:s19] =	ssyncadd.s32 $0xFFFFD800  }
0x1b1: {  	[spmem:s3] =	stream.indirect.scatter.add.f32 [tilespmem:s16], [sflag:$0x4], $0x80, s21, s14, $0xb8;
	[tilespmem:$0x1D080] =	vst v63  }
0x1b2: {  	_ =	swait.ge [sflag:s12], $0x2800  }
0x1b3: {  	[sflag:s12] =	ssyncset.done $0x0  }
0x1b4: {  	[sflag:s12] =	ssyncadd.s32 $0xFFFFD800  }
0x1b5: {  	[tilespmem:s16], [sflag:$0x2] =	stream.indirect.gather [hbm4b:s5+s14], $0x80, s22, s14, $0xb8;
	[tilespmem:$0x1D080] =	vst v63  }
0x1b6: {  	_ =	swait.ge [sflag:s20], $0x2800  }
0x1b7: {  	[sflag:s20] =	ssyncset.done $0x0  }
0x1b8: {  	[sflag:s20] =	ssyncadd.s32 $0xFFFFD800  }
0x1b9: {  	[spmem:s3] =	stream.indirect.scatter.add.f32 [tilespmem:s17], [sflag:$0x4], $0x80, s23, s14, $0xb8;
	[tilespmem:$0x1D080] =	vst v63  }
0x1ba: {  	_ =	swait.ge [sflag:s12], $0x2800  }
0x1bb: {  	[sflag:s12] =	ssyncset.done $0x0  }
0x1bc: {  	[sflag:s12] =	ssyncadd.s32 $0xFFFFD800  }
0x1bd: {  	[tilespmem:s17], [sflag:$0x3] =	stream.indirect.gather [hbm4b:s5+s14], $0x80, s24, s14, $0xb8;
	[tilespmem:$0x1D080] =	vst v63  }
0x1be: {  	_ =	swait.ge [sflag:s18], $0x2800  }
0x1bf: {  	[sflag:s18] =	ssyncset.done $0x0  }
0x1c0: {  	[sflag:s18] =	ssyncadd.s32 $0xFFFFD800  }
0x1c1: {  	[spmem:s3] =	stream.indirect.scatter.add.f32 [tilespmem:s15], [sflag:$0x4], $0x80, s25, s14, $0xb8;
	[tilespmem:$0x1D080] =	vst v63  }
0x1c2: {  	_ =	swait.ge [sflag:s12], $0x2800  }
0x1c3: {  	[sflag:s12] =	ssyncset.done $0x0  }
0x1c4: {  	[sflag:s12] =	ssyncadd.s32 $0xFFFFD800  }
0x1c5: {  	[tilespmem:s15], [sflag:$0x1] =	stream.indirect.gather [hbm4b:s5+s14], $0x80, s26, s14, $0xb8;
	[tilespmem:$0x1D080] =	vst v63  }
0x1c6: {  	_ =	swait.ge [sflag:s19], $0x2800  }
0x1c7: {  	[sflag:s19] =	ssyncset.done $0x0  }
0x1c8: {  	[sflag:s19] =	ssyncadd.s32 $0xFFFFD800  }
0x1c9: {  	[spmem:s3] =	stream.indirect.scatter.add.f32 [tilespmem:s16], [sflag:$0x4], $0x80, s28, s14, $0xb8;
	[tilespmem:$0x1D080] =	vst v63  }
0x1ca: {  	_ =	swait.ge [sflag:s12], $0x2800  }
0x1cb: {  	[sflag:s12] =	ssyncset.done $0x0  }
0x1cc: {  	[sflag:s12] =	ssyncadd.s32 $0xFFFFD800  }
0x1cd: {  	[tilespmem:s16], [sflag:$0x2] =	stream.indirect.gather [hbm4b:s5+s14], $0x80, s29, s14, $0xb8;
	[tilespmem:$0x1D080] =	vst v63  }
0x1ce: {  	_ =	swait.ge [sflag:s20], $0x2800  }
0x1cf: {  	[sflag:s20] =	ssyncset.done $0x0  }
0x1d0: {  	[sflag:s20] =	ssyncadd.s32 $0xFFFFD800  }
0x1d1: {  	[spmem:s3] =	stream.indirect.scatter.add.f32 [tilespmem:s17], [sflag:$0x4], $0x80, s30, s14, $0xb8;
	[tilespmem:$0x1D080] =	vst v63  }
0x1d2: {  	_ =	swait.ge [sflag:s12], $0x2800  }
0x1d3: {  	[sflag:s12] =	ssyncset.done $0x0  }
0x1d4: {  	[sflag:s12] =	ssyncadd.s32 $0xFFFFD800  }
0x1d5: {  	[tilespmem:s17], [sflag:$0x3] =	stream.indirect.gather [hbm4b:s5+s14], $0x80, s31, s14, $0xb8;
	[tilespmem:$0x1D080] =	vst v63  }
0x1d6: {  	_ =	swait.ge [sflag:s18], $0x2800  }
0x1d7: {  	[sflag:s18] =	ssyncset.done $0x0  }
0x1d8: {  	[sflag:s18] =	ssyncadd.s32 $0xFFFFD800  }
0x1d9: {  	[spmem:s3] =	stream.indirect.scatter.add.f32 [tilespmem:s15], [sflag:$0x4], $0x80, s1, s14, $0xb8;
	[tilespmem:$0x1D080] =	vst v63  }
0x1da: {  	_ =	swait.ge [sflag:s12], $0x2800  }
0x1db: {  	[sflag:s12] =	ssyncset.done $0x0  }
0x1dc: {  	[sflag:s12] =	ssyncadd.s32 $0xFFFFD800  }
0x1dd: {  	[tilespmem:s15], [sflag:$0x1] =	stream.indirect.gather [hbm4b:s5+s14], $0x80, s0, s14, $0xb8;
	[tilespmem:$0x1D080] =	vst v63  }
0x1de: {  	_ =	swait.ge [sflag:s19], $0x2800  }
0x1df: {  	[sflag:s19] =	ssyncset.done $0x0  }
0x1e0: {  	[sflag:s19] =	ssyncadd.s32 $0xFFFFD800  }
0x1e1: {  	[spmem:s3] =	stream.indirect.scatter.add.f32 [tilespmem:s16], [sflag:$0x4], $0x80, s2, s14, $0xb8;
	[tilespmem:$0x1D080] =	vst v63  }
0x1e2: {  	_ =	swait.ge [sflag:s12], $0x2800  }
0x1e3: {  	[sflag:s12] =	ssyncset.done $0x0  }
0x1e4: {  	[sflag:s12] =	ssyncadd.s32 $0xFFFFD800  }
0x1e5: {  	_ =	swait.ge [sflag:s20], $0x2800  }
0x1e6: {  	[sflag:s20] =	ssyncset.done $0x0  }
0x1e7: {  	[sflag:s20] =	ssyncadd.s32 $0xFFFFD800  }
0x1e8: {  	[spmem:s3] =	stream.indirect.scatter.add.f32 [tilespmem:s17], [sflag:$0x4], $0x80, s6, s14, $0xb8;
	[tilespmem:$0x1D080] =	vst v63  }
0x1e9: {  	_ =	swait.ge [sflag:s12], $0x2800  }
0x1ea: {  	[sflag:s12] =	ssyncset.done $0x0  }
0x1eb: {  	[sflag:s12] =	ssyncadd.s32 $0xFFFFD800  }
0x1ec: {  	p1 =	sne.s32 s10, $0x800;
	_ =	swait.ge [sflag:s18], $0x2800  }
.Ltmp0:
0x1ed: {  	[sflag:s18] =	ssyncset.done $0x0;
	(pc) =	sbr.rel @p1 .LBB2_2-.Ltmp0, $4  }
0x1ee: {  	[sflag:s18] =	ssyncadd.s32 $0xFFFFD800  }
0x1ef: {  	[spmem:s3] =	stream.indirect.scatter.add.f32 [tilespmem:s15], [sflag:$0x4], $0x80, s7, s14, $0xb8;
	[tilespmem:$0x1D080] =	vst v63  }
0x1f0: {  	_ =	swait.ge [sflag:s12], $0x2800  }
0x1f1: {  	s10 =	sadd.s32 $0x200, s10;
	s11 =	rddreg [dreg:$0x5];
	[sflag:s12] =	ssyncset.done $0x0  }
0x1f2: {  	[sflag:s12] =	ssyncadd.s32 $0xFFFFD800;
	s8 =	sadd.s32 s9, s11  }
0x1f3: {  	[tilespmem:s4], [sflag:$0x4] =	stream.linear.gather [hbm4b:s8+s4], $0xC80, $0x38;
	[tilespmem:$0x1D080] =	vst v63  }
0x1f4: {  	_ =	swait.ge [sflag:s12], $0xC80  }
0x1f5: {  	s11 =	rddreg [dreg:$0x4];
	[sflag:s12] =	ssyncset.done $0x0  }
0x1f6: {  	[sflag:s12] =	ssyncadd.s32 $0xFFFFF380;
	s8 =	sadd.s32 s9, s11  }
0x1f7: {  	[tilespmem:s13], [sflag:$0x4] =	stream.linear.gather [hbm4b:s8+s4], $0xC80, $0x38;
	[tilespmem:$0x1D080] =	vst v63  }
0x1f8: {  	_ =	swait.ge [sflag:s12], $0xC80  }
0x1f9: {  	[sflag:s12] =	ssyncset.done $0x0  }
0x1fa: {  	[sflag:s12] =	ssyncadd.s32 $0xFFFFF380  }
0x1fb: {  	[tilespmem:s15], [sflag:$0x1] =	stream.indirect.gather [hbm4b:s5+s14], $0x80, s4, s14, $0xb8;
	[tilespmem:$0x1D080] =	vst v63  }
0x1fc: {  	s9 =	rddreg [dreg:$0x6]  }
0x1fd: {  	[tilespmem:s16], [sflag:$0x2] =	stream.indirect.gather [hbm4b:s5+s14], $0x80, s9, s14, $0xb8;
	[tilespmem:$0x1D080] =	vst v63  }
0x1fe: {  	s10 =	rddreg [dreg:$0x7]  }
0x1ff: {  	[tilespmem:s17], [sflag:$0x3] =	stream.indirect.gather [hbm4b:s5+s14], $0x80, s10, s14, $0xb8;
	[tilespmem:$0x1D080] =	vst v63  }
0x200: {  	_ =	swait.ge [sflag:s18], $0x2800  }
0x201: {  	[sflag:s18] =	ssyncset.done $0x0  }
0x202: {  	[sflag:s18] =	ssyncadd.s32 $0xFFFFD800  }
0x203: {  	[spmem:s3] =	stream.indirect.scatter.add.f32 [tilespmem:s15], [sflag:$0x4], $0x80, s13, s14, $0xb8;
	[tilespmem:$0x1D080] =	vst v63  }
0x204: {  	_ =	swait.ge [sflag:s12], $0x2800  }
0x205: {  	[sflag:s12] =	ssyncset.done $0x0  }
0x206: {  	s11 =	rddreg [dreg:$0x8];
	[sflag:s12] =	ssyncadd.s32 $0xFFFFD800  }
0x207: {  	[tilespmem:s15], [sflag:$0x1] =	stream.indirect.gather [hbm4b:s5+s14], $0x80, s11, s14, $0xb8;
	[tilespmem:$0x1D080] =	vst v63  }
0x208: {  	_ =	swait.ge [sflag:s19], $0x2800  }
0x209: {  	[sflag:s19] =	ssyncset.done $0x0  }
0x20a: {  	s9 =	rddreg [dreg:$0x9];
	[sflag:s19] =	ssyncadd.s32 $0xFFFFD800  }
0x20b: {  	[spmem:s3] =	stream.indirect.scatter.add.f32 [tilespmem:s16], [sflag:$0x4], $0x80, s9, s14, $0xb8;
	[tilespmem:$0x1D080] =	vst v63  }
0x20c: {  	_ =	swait.ge [sflag:s12], $0x2800  }
0x20d: {  	[sflag:s12] =	ssyncset.done $0x0  }
0x20e: {  	s10 =	rddreg [dreg:$0xa];
	[sflag:s12] =	ssyncadd.s32 $0xFFFFD800  }
0x20f: {  	[tilespmem:s16], [sflag:$0x2] =	stream.indirect.gather [hbm4b:s5+s14], $0x80, s10, s14, $0xb8;
	[tilespmem:$0x1D080] =	vst v63  }
0x210: {  	_ =	swait.ge [sflag:s20], $0x2800  }
0x211: {  	[sflag:s20] =	ssyncset.done $0x0  }
0x212: {  	s11 =	rddreg [dreg:$0xb];
	[sflag:s20] =	ssyncadd.s32 $0xFFFFD800  }
0x213: {  	[spmem:s3] =	stream.indirect.scatter.add.f32 [tilespmem:s17], [sflag:$0x4], $0x80, s11, s14, $0xb8;
	[tilespmem:$0x1D080] =	vst v63  }
0x214: {  	_ =	swait.ge [sflag:s12], $0x2800  }
0x215: {  	[sflag:s12] =	ssyncset.done $0x0  }
0x216: {  	s9 =	rddreg [dreg:$0xc];
	[sflag:s12] =	ssyncadd.s32 $0xFFFFD800  }
0x217: {  	[tilespmem:s17], [sflag:$0x3] =	stream.indirect.gather [hbm4b:s5+s14], $0x80, s9, s14, $0xb8;
	[tilespmem:$0x1D080] =	vst v63  }
0x218: {  	_ =	swait.ge [sflag:s18], $0x2800  }
0x219: {  	[sflag:s18] =	ssyncset.done $0x0  }
0x21a: {  	s10 =	rddreg [dreg:$0xd];
	[sflag:s18] =	ssyncadd.s32 $0xFFFFD800  }
0x21b: {  	[spmem:s3] =	stream.indirect.scatter.add.f32 [tilespmem:s15], [sflag:$0x4], $0x80, s10, s14, $0xb8;
	[tilespmem:$0x1D080] =	vst v63  }
0x21c: {  	_ =	swait.ge [sflag:s12], $0x2800  }
0x21d: {  	[sflag:s12] =	ssyncset.done $0x0  }
0x21e: {  	s11 =	rddreg [dreg:$0xe];
	[sflag:s12] =	ssyncadd.s32 $0xFFFFD800  }
0x21f: {  	[tilespmem:s15], [sflag:$0x1] =	stream.indirect.gather [hbm4b:s5+s14], $0x80, s11, s14, $0xb8;
	[tilespmem:$0x1D080] =	vst v63  }
0x220: {  	_ =	swait.ge [sflag:s19], $0x2800  }
0x221: {  	[sflag:s19] =	ssyncset.done $0x0  }
0x222: {  	s9 =	rddreg [dreg:$0xf];
	[sflag:s19] =	ssyncadd.s32 $0xFFFFD800  }
0x223: {  	[spmem:s3] =	stream.indirect.scatter.add.f32 [tilespmem:s16], [sflag:$0x4], $0x80, s9, s14, $0xb8;
	[tilespmem:$0x1D080] =	vst v63  }
0x224: {  	_ =	swait.ge [sflag:s12], $0x2800  }
0x225: {  	[sflag:s12] =	ssyncset.done $0x0  }
0x226: {  	s10 =	rddreg [dreg:$0x10];
	[sflag:s12] =	ssyncadd.s32 $0xFFFFD800  }
0x227: {  	[tilespmem:s16], [sflag:$0x2] =	stream.indirect.gather [hbm4b:s5+s14], $0x80, s10, s14, $0xb8;
	[tilespmem:$0x1D080] =	vst v63  }
0x228: {  	_ =	swait.ge [sflag:s20], $0x2800  }
0x229: {  	[sflag:s20] =	ssyncset.done $0x0  }
0x22a: {  	s11 =	rddreg [dreg:$0x11];
	[sflag:s20] =	ssyncadd.s32 $0xFFFFD800  }
0x22b: {  	[spmem:s3] =	stream.indirect.scatter.add.f32 [tilespmem:s17], [sflag:$0x4], $0x80, s11, s14, $0xb8;
	[tilespmem:$0x1D080] =	vst v63  }
0x22c: {  	_ =	swait.ge [sflag:s12], $0x2800  }
0x22d: {  	[sflag:s12] =	ssyncset.done $0x0  }
0x22e: {  	s9 =	rddreg [dreg:$0x12];
	[sflag:s12] =	ssyncadd.s32 $0xFFFFD800  }
0x22f: {  	[tilespmem:s17], [sflag:$0x3] =	stream.indirect.gather [hbm4b:s5+s14], $0x80, s9, s14, $0xb8;
	[tilespmem:$0x1D080] =	vst v63  }
0x230: {  	_ =	swait.ge [sflag:s18], $0x2800  }
0x231: {  	[sflag:s18] =	ssyncset.done $0x0  }
0x232: {  	s10 =	rddreg [dreg:$0x13];
	[sflag:s18] =	ssyncadd.s32 $0xFFFFD800  }
0x233: {  	[spmem:s3] =	stream.indirect.scatter.add.f32 [tilespmem:s15], [sflag:$0x4], $0x80, s10, s14, $0xb8;
	[tilespmem:$0x1D080] =	vst v63  }
0x234: {  	_ =	swait.ge [sflag:s12], $0x2800  }
0x235: {  	[sflag:s12] =	ssyncset.done $0x0  }
0x236: {  	s11 =	rddreg [dreg:$0x14];
	[sflag:s12] =	ssyncadd.s32 $0xFFFFD800  }
0x237: {  	[tilespmem:s15], [sflag:$0x1] =	stream.indirect.gather [hbm4b:s5+s14], $0x80, s11, s14, $0xb8;
	[tilespmem:$0x1D080] =	vst v63  }
0x238: {  	_ =	swait.ge [sflag:s19], $0x2800  }
0x239: {  	[sflag:s19] =	ssyncset.done $0x0  }
0x23a: {  	s9 =	rddreg [dreg:$0x15];
	[sflag:s19] =	ssyncadd.s32 $0xFFFFD800  }
0x23b: {  	[spmem:s3] =	stream.indirect.scatter.add.f32 [tilespmem:s16], [sflag:$0x4], $0x80, s9, s14, $0xb8;
	[tilespmem:$0x1D080] =	vst v63  }
0x23c: {  	_ =	swait.ge [sflag:s12], $0x2800  }
0x23d: {  	[sflag:s12] =	ssyncset.done $0x0  }
0x23e: {  	s10 =	rddreg [dreg:$0x16];
	[sflag:s12] =	ssyncadd.s32 $0xFFFFD800  }
0x23f: {  	[tilespmem:s16], [sflag:$0x2] =	stream.indirect.gather [hbm4b:s5+s14], $0x80, s10, s14, $0xb8;
	[tilespmem:$0x1D080] =	vst v63  }
0x240: {  	_ =	swait.ge [sflag:s20], $0x2800  }
0x241: {  	[sflag:s20] =	ssyncset.done $0x0  }
0x242: {  	s11 =	rddreg [dreg:$0x17];
	[sflag:s20] =	ssyncadd.s32 $0xFFFFD800  }
0x243: {  	[spmem:s3] =	stream.indirect.scatter.add.f32 [tilespmem:s17], [sflag:$0x4], $0x80, s11, s14, $0xb8;
	[tilespmem:$0x1D080] =	vst v63  }
0x244: {  	_ =	swait.ge [sflag:s12], $0x2800  }
0x245: {  	[sflag:s12] =	ssyncset.done $0x0  }
0x246: {  	s9 =	rddreg [dreg:$0x18];
	[sflag:s12] =	ssyncadd.s32 $0xFFFFD800  }
0x247: {  	[tilespmem:s17], [sflag:$0x3] =	stream.indirect.gather [hbm4b:s5+s14], $0x80, s9, s14, $0xb8;
	[tilespmem:$0x1D080] =	vst v63  }
0x248: {  	_ =	swait.ge [sflag:s18], $0x2800  }
0x249: {  	[sflag:s18] =	ssyncset.done $0x0  }
0x24a: {  	s10 =	rddreg [dreg:$0x19];
	[sflag:s18] =	ssyncadd.s32 $0xFFFFD800  }
0x24b: {  	[spmem:s3] =	stream.indirect.scatter.add.f32 [tilespmem:s15], [sflag:$0x4], $0x80, s10, s14, $0xb8;
	[tilespmem:$0x1D080] =	vst v63  }
0x24c: {  	_ =	swait.ge [sflag:s12], $0x2800  }
0x24d: {  	[sflag:s12] =	ssyncset.done $0x0  }
0x24e: {  	s11 =	rddreg [dreg:$0x1a];
	[sflag:s12] =	ssyncadd.s32 $0xFFFFD800  }
0x24f: {  	[tilespmem:s15], [sflag:$0x1] =	stream.indirect.gather [hbm4b:s5+s14], $0x80, s11, s14, $0xb8;
	[tilespmem:$0x1D080] =	vst v63  }
0x250: {  	_ =	swait.ge [sflag:s19], $0x2800  }
0x251: {  	[sflag:s19] =	ssyncset.done $0x0  }
0x252: {  	s9 =	rddreg [dreg:$0x1b];
	[sflag:s19] =	ssyncadd.s32 $0xFFFFD800  }
0x253: {  	[spmem:s3] =	stream.indirect.scatter.add.f32 [tilespmem:s16], [sflag:$0x4], $0x80, s9, s14, $0xb8;
	[tilespmem:$0x1D080] =	vst v63  }
0x254: {  	_ =	swait.ge [sflag:s12], $0x2800  }
0x255: {  	[sflag:s12] =	ssyncset.done $0x0  }
0x256: {  	s10 =	rddreg [dreg:$0x1c];
	[sflag:s12] =	ssyncadd.s32 $0xFFFFD800  }
0x257: {  	[tilespmem:s16], [sflag:$0x2] =	stream.indirect.gather [hbm4b:s5+s14], $0x80, s10, s14, $0xb8;
	[tilespmem:$0x1D080] =	vst v63  }
0x258: {  	_ =	swait.ge [sflag:s20], $0x2800  }
0x259: {  	[sflag:s20] =	ssyncset.done $0x0  }
0x25a: {  	s11 =	rddreg [dreg:$0x1d];
	[sflag:s20] =	ssyncadd.s32 $0xFFFFD800  }
0x25b: {  	[spmem:s3] =	stream.indirect.scatter.add.f32 [tilespmem:s17], [sflag:$0x4], $0x80, s11, s14, $0xb8;
	[tilespmem:$0x1D080] =	vst v63  }
0x25c: {  	_ =	swait.ge [sflag:s12], $0x2800  }
0x25d: {  	[sflag:s12] =	ssyncset.done $0x0  }
0x25e: {  	s9 =	rddreg [dreg:$0x1e];
	[sflag:s12] =	ssyncadd.s32 $0xFFFFD800  }
0x25f: {  	[tilespmem:s17], [sflag:$0x3] =	stream.indirect.gather [hbm4b:s5+s14], $0x80, s9, s14, $0xb8;
	[tilespmem:$0x1D080] =	vst v63  }
0x260: {  	_ =	swait.ge [sflag:s18], $0x2800  }
0x261: {  	[sflag:s18] =	ssyncset.done $0x0  }
0x262: {  	s10 =	rddreg [dreg:$0x1f];
	[sflag:s18] =	ssyncadd.s32 $0xFFFFD800  }
0x263: {  	[spmem:s3] =	stream.indirect.scatter.add.f32 [tilespmem:s15], [sflag:$0x4], $0x80, s10, s14, $0xb8;
	[tilespmem:$0x1D080] =	vst v63  }
0x264: {  	_ =	swait.ge [sflag:s12], $0x2800  }
0x265: {  	s11 =	sld [smem:$0x7F4]  }
0x266: {  	[sflag:s12] =	ssyncset.done $0x0  }
0x267: {  	[sflag:s12] =	ssyncadd.s32 $0xFFFFD800  }
0x268: {  	[tilespmem:s15], [sflag:$0x1] =	stream.indirect.gather [hbm4b:s5+s14], $0x80, s11, s14, $0xb8;
	[tilespmem:$0x1D080] =	vst v63  }
0x269: {  	_ =	swait.ge [sflag:s19], $0x2800  }
0x26a: {  	s9 =	sld [smem:$0x7F5]  }
0x26b: {  	[sflag:s19] =	ssyncset.done $0x0  }
0x26c: {  	[sflag:s19] =	ssyncadd.s32 $0xFFFFD800  }
0x26d: {  	[spmem:s3] =	stream.indirect.scatter.add.f32 [tilespmem:s16], [sflag:$0x4], $0x80, s9, s14, $0xb8;
	[tilespmem:$0x1D080] =	vst v63  }
0x26e: {  	_ =	swait.ge [sflag:s12], $0x2800  }
0x26f: {  	s10 =	sld [smem:$0x7F6]  }
0x270: {  	[sflag:s12] =	ssyncset.done $0x0  }
0x271: {  	[sflag:s12] =	ssyncadd.s32 $0xFFFFD800  }
0x272: {  	[tilespmem:s16], [sflag:$0x2] =	stream.indirect.gather [hbm4b:s5+s14], $0x80, s10, s14, $0xb8;
	[tilespmem:$0x1D080] =	vst v63  }
0x273: {  	_ =	swait.ge [sflag:s20], $0x2800  }
0x274: {  	s11 =	sld [smem:$0x7F7]  }
0x275: {  	[sflag:s20] =	ssyncset.done $0x0  }
0x276: {  	[sflag:s20] =	ssyncadd.s32 $0xFFFFD800  }
0x277: {  	[spmem:s3] =	stream.indirect.scatter.add.f32 [tilespmem:s17], [sflag:$0x4], $0x80, s11, s14, $0xb8;
	[tilespmem:$0x1D080] =	vst v63  }
0x278: {  	_ =	swait.ge [sflag:s12], $0x2800  }
0x279: {  	s9 =	sld [smem:$0x7F8]  }
0x27a: {  	[sflag:s12] =	ssyncset.done $0x0  }
0x27b: {  	[sflag:s12] =	ssyncadd.s32 $0xFFFFD800  }
0x27c: {  	[tilespmem:s17], [sflag:$0x3] =	stream.indirect.gather [hbm4b:s5+s14], $0x80, s9, s14, $0xb8;
	[tilespmem:$0x1D080] =	vst v63  }
0x27d: {  	_ =	swait.ge [sflag:s18], $0x2800  }
0x27e: {  	s10 =	sld [smem:$0x7F9]  }
0x27f: {  	[sflag:s18] =	ssyncset.done $0x0  }
0x280: {  	[sflag:s18] =	ssyncadd.s32 $0xFFFFD800  }
0x281: {  	[spmem:s3] =	stream.indirect.scatter.add.f32 [tilespmem:s15], [sflag:$0x4], $0x80, s10, s14, $0xb8;
	[tilespmem:$0x1D080] =	vst v63  }
0x282: {  	_ =	swait.ge [sflag:s12], $0x2800  }
0x283: {  	s11 =	sld [smem:$0x7FA]  }
0x284: {  	[sflag:s12] =	ssyncset.done $0x0  }
0x285: {  	[sflag:s12] =	ssyncadd.s32 $0xFFFFD800  }
0x286: {  	[tilespmem:s15], [sflag:$0x1] =	stream.indirect.gather [hbm4b:s5+s14], $0x80, s11, s14, $0xb8;
	[tilespmem:$0x1D080] =	vst v63  }
0x287: {  	_ =	swait.ge [sflag:s19], $0x2800  }
0x288: {  	[sflag:s19] =	ssyncset.done $0x0  }
0x289: {  	[sflag:s19] =	ssyncadd.s32 $0xFFFFD800  }
0x28a: {  	[spmem:s3] =	stream.indirect.scatter.add.f32 [tilespmem:s16], [sflag:$0x4], $0x80, s21, s14, $0xb8;
	[tilespmem:$0x1D080] =	vst v63  }
0x28b: {  	_ =	swait.ge [sflag:s12], $0x2800  }
0x28c: {  	[sflag:s12] =	ssyncset.done $0x0  }
0x28d: {  	[sflag:s12] =	ssyncadd.s32 $0xFFFFD800  }
0x28e: {  	[tilespmem:s16], [sflag:$0x2] =	stream.indirect.gather [hbm4b:s5+s14], $0x80, s22, s14, $0xb8;
	[tilespmem:$0x1D080] =	vst v63  }
0x28f: {  	_ =	swait.ge [sflag:s20], $0x2800  }
0x290: {  	[sflag:s20] =	ssyncset.done $0x0  }
0x291: {  	[sflag:s20] =	ssyncadd.s32 $0xFFFFD800  }
0x292: {  	[spmem:s3] =	stream.indirect.scatter.add.f32 [tilespmem:s17], [sflag:$0x4], $0x80, s23, s14, $0xb8;
	[tilespmem:$0x1D080] =	vst v63  }
0x293: {  	_ =	swait.ge [sflag:s12], $0x2800  }
0x294: {  	[sflag:s12] =	ssyncset.done $0x0  }
0x295: {  	[sflag:s12] =	ssyncadd.s32 $0xFFFFD800  }
0x296: {  	[tilespmem:s17], [sflag:$0x3] =	stream.indirect.gather [hbm4b:s5+s14], $0x80, s24, s14, $0xb8;
	[tilespmem:$0x1D080] =	vst v63  }
0x297: {  	_ =	swait.ge [sflag:s18], $0x2800  }
0x298: {  	[sflag:s18] =	ssyncset.done $0x0  }
0x299: {  	[sflag:s18] =	ssyncadd.s32 $0xFFFFD800  }
0x29a: {  	[spmem:s3] =	stream.indirect.scatter.add.f32 [tilespmem:s15], [sflag:$0x4], $0x80, s25, s14, $0xb8;
	[tilespmem:$0x1D080] =	vst v63  }
0x29b: {  	_ =	swait.ge [sflag:s12], $0x2800  }
0x29c: {  	[sflag:s12] =	ssyncset.done $0x0  }
0x29d: {  	[sflag:s12] =	ssyncadd.s32 $0xFFFFD800  }
0x29e: {  	[tilespmem:s15], [sflag:$0x1] =	stream.indirect.gather [hbm4b:s5+s14], $0x80, s26, s14, $0xb8;
	[tilespmem:$0x1D080] =	vst v63  }
0x29f: {  	_ =	swait.ge [sflag:s19], $0x2800  }
0x2a0: {  	[sflag:s19] =	ssyncset.done $0x0  }
0x2a1: {  	[sflag:s19] =	ssyncadd.s32 $0xFFFFD800  }
0x2a2: {  	[spmem:s3] =	stream.indirect.scatter.add.f32 [tilespmem:s16], [sflag:$0x4], $0x80, s28, s14, $0xb8;
	[tilespmem:$0x1D080] =	vst v63  }
0x2a3: {  	_ =	swait.ge [sflag:s12], $0x2800  }
0x2a4: {  	[sflag:s12] =	ssyncset.done $0x0  }
0x2a5: {  	[sflag:s12] =	ssyncadd.s32 $0xFFFFD800  }
0x2a6: {  	[tilespmem:s16], [sflag:$0x2] =	stream.indirect.gather [hbm4b:s5+s14], $0x80, s29, s14, $0xb8;
	[tilespmem:$0x1D080] =	vst v63  }
0x2a7: {  	_ =	swait.ge [sflag:s20], $0x2800  }
0x2a8: {  	[sflag:s20] =	ssyncset.done $0x0  }
0x2a9: {  	[sflag:s20] =	ssyncadd.s32 $0xFFFFD800  }
0x2aa: {  	[spmem:s3] =	stream.indirect.scatter.add.f32 [tilespmem:s17], [sflag:$0x4], $0x80, s30, s14, $0xb8;
	[tilespmem:$0x1D080] =	vst v63  }
0x2ab: {  	_ =	swait.ge [sflag:s12], $0x2800  }
0x2ac: {  	[sflag:s12] =	ssyncset.done $0x0  }
0x2ad: {  	[sflag:s12] =	ssyncadd.s32 $0xFFFFD800  }
0x2ae: {  	[tilespmem:s17], [sflag:$0x3] =	stream.indirect.gather [hbm4b:s5+s14], $0x80, s31, s14, $0xb8;
	[tilespmem:$0x1D080] =	vst v63  }
0x2af: {  	_ =	swait.ge [sflag:s18], $0x2800  }
0x2b0: {  	[sflag:s18] =	ssyncset.done $0x0  }
0x2b1: {  	[sflag:s18] =	ssyncadd.s32 $0xFFFFD800  }
0x2b2: {  	[spmem:s3] =	stream.indirect.scatter.add.f32 [tilespmem:s15], [sflag:$0x4], $0x80, s1, s14, $0xb8;
	[tilespmem:$0x1D080] =	vst v63  }
0x2b3: {  	_ =	swait.ge [sflag:s12], $0x2800  }
0x2b4: {  	[sflag:s12] =	ssyncset.done $0x0  }
0x2b5: {  	[sflag:s12] =	ssyncadd.s32 $0xFFFFD800  }
0x2b6: {  	[tilespmem:s15], [sflag:$0x1] =	stream.indirect.gather [hbm4b:s5+s14], $0x80, s0, s14, $0xb8;
	[tilespmem:$0x1D080] =	vst v63  }
0x2b7: {  	_ =	swait.ge [sflag:s19], $0x2800  }
0x2b8: {  	[sflag:s19] =	ssyncset.done $0x0  }
0x2b9: {  	[sflag:s19] =	ssyncadd.s32 $0xFFFFD800  }
0x2ba: {  	[spmem:s3] =	stream.indirect.scatter.add.f32 [tilespmem:s16], [sflag:$0x4], $0x80, s2, s14, $0xb8;
	[tilespmem:$0x1D080] =	vst v63  }
0x2bb: {  	_ =	swait.ge [sflag:s12], $0x2800  }
0x2bc: {  	[sflag:s12] =	ssyncset.done $0x0  }
0x2bd: {  	[sflag:s12] =	ssyncadd.s32 $0xFFFFD800  }
0x2be: {  	_ =	swait.ge [sflag:s20], $0x2800  }
0x2bf: {  	[sflag:s20] =	ssyncset.done $0x0  }
0x2c0: {  	[sflag:s20] =	ssyncadd.s32 $0xFFFFD800  }
0x2c1: {  	[spmem:s3] =	stream.indirect.scatter.add.f32 [tilespmem:s17], [sflag:$0x4], $0x80, s6, s14, $0xb8;
	[tilespmem:$0x1D080] =	vst v63  }
0x2c2: {  	_ =	swait.ge [sflag:s12], $0x2800  }
0x2c3: {  	[sflag:s12] =	ssyncset.done $0x0  }
0x2c4: {  	[sflag:s12] =	ssyncadd.s32 $0xFFFFD800  }
0x2c5: {  	_ =	swait.ge [sflag:s18], $0x2800  }
0x2c6: {  	[sflag:s18] =	ssyncset.done $0x0  }
0x2c7: {  	[sflag:s18] =	ssyncadd.s32 $0xFFFFD800  }
0x2c8: {  	[spmem:s3] =	stream.indirect.scatter.add.f32 [tilespmem:s15], [sflag:$0x4], $0x80, s7, s14, $0xb8;
	[tilespmem:$0x1D080] =	vst v63  }
0x2c9: {  	_ =	swait.ge [sflag:s12], $0x2800  }
0x2ca: {  	[sflag:s12] =	ssyncset.done $0x0  }
0x2cb: {  	[sflag:s12] =	ssyncadd.s32 $0xFFFFD800  }
0x2cc: {  	[bflag:$0x0] =	sbarrier.arrive $0xFFFF  }
0x2cd: {  	[bflag:$0x0] =	sbarrier.arrive $0xFFFF  }
0x2ce: {  	s8 =	sld [smem:$0x7F0]  }
0x2cf: {  	s9 =	sld [smem:$0x7F3]  }
0x2d0: {  	s11 =	sld [smem:$0x7FC];
	_ =	sdelay $0x2  }
0x2d1: {  	[hbm:s8], [sflag:s9] =	dma.local @p0 [spmem:s11], $0x2700  }
0x2d2: {  	s8 =	simm.s32 @p0 $0x4  }
0x2d3: {  	_ =	swait.ge @p0 [sflag:s8], $0x2700  }
0x2d4: {  	s9 =	sld [smem:$0x7F1]  }
0x2d5: {  	s10 =	sld [smem:$0x7FD]  }
0x2d6: {  	[sflag:s8] =	ssyncset.done @p0 $0x0  }
0x2d7: {  	[sflag:s8] =	ssyncadd.s32 @p0 $0xFFFFD900;
	s8 =	simm.s32 @!p0 $0x1FC4  }
0x2d8: {  	[hbm:s9], [sflag:s8] =	dma.local @!p0 [spmem:s10], $0x2800  }
0x2d9: {  	s9 =	simm.s32 @!p0 $0x4  }
0x2da: {  	_ =	swait.ge @!p0 [sflag:s9], $0x2800  }
0x2db: {  	s8 =	sld [smem:$0x7FB]  }
0x2dc: {  	[sflag:s9] =	ssyncset.done @!p0 $0x0;
	s9 =	sld [smem:$0x7F2];
	_ =	sdelay $0x1  }
0x2dd: {  	s8 =	sadd.s32 $0x1, s8  }
0x2de: {  	p1 =	sne.s32 s8, s9  }
.Ltmp1:
0x2df: {  	_ = 	snop;
	(pc) =	sbr.rel @p1 .LBB2_1-.Ltmp1, $3  }
0x2e0: {  	_ =	sdelay $0x1  }
0x2e1: {  	[smem:$0x7FB] =	sst s8;
	s8 =	simm.s32 @!p0 $0x4  }
0x2e2: {  	[sflag:s8] =	ssyncadd.s32 @!p0 $0xFFFFD800  }
0x2e3: {  	_ =	sfence.sel $0x180000  }
0x2e4: {  	[bflag:$0x0] =	sbarrier.arrive $0xFFFF  }
0x2e5: {  	_ =	strace $0x9000004A  }
0x2e6: {  	s0 =	stileid.u32;
	[bflag:$0x2] =	sbarrier.arrive $0xFFFF  }
0x2e7: {  	p0 =	sne.s32 s0, $0x0;
	s0 =	rddreg [dreg:$0x3]  }
0x2e8: {  	s0 =	sadd.s32 @!p0 $0x100000, s0  }
0x2e9: {  	[sflag:s0] =	ssyncadd.tile.s32 @!p0 $0x1;
	_ =	shalt  }
.Lfunc_end2:
_tile_overlayer_lowered:
.L_overlay_start_2:
0x2ea: {  	(tag) =	ssettag $0x2  }
0x2eb: {  	s0 =	rddreg [dreg:$0x0];
	s2 =	stileid.u32  }
0x2ec: {  	s1 =	rddreg [dreg:$0x1];
	p0 =	sne.s32 s2, $0x0  }
0x2ed: {  	s3 =	rddreg [dreg:$0x2];
	[bflag:$0x3] =	sbarrier.arrive $0xFFFF;
	s2 =	simm.s32 @!p0 $0x1C04  }
0x2ee: {  	[timem:s3], [sflag:s2] =	dma.local @!p0 [hbm:s0], s1  }
0x2ef: {  	s0 =	simm.s32 @!p0 $0x4  }
0x2f0: {  	_ =	swait.ge @!p0 [sflag:s0], s1  }
0x2f1: {  	s1 =	ssub.s32 @!p0 $0x0, s1;
	[sflag:s0] =	ssyncset.done @!p0 $0x0  }
0x2f2: {  	[sflag:s0] =	ssyncadd.s32 @!p0 s1  }
0x2f3: {  	[bflag:$0x3] =	sbarrier.arrive $0xFFFF  }
0x2f4: {  	_ =	shalt  }

// kernel: kernel.17.cloned.1.call-start
scs
__scs_entry_jumppad:
0x0: {  	(pc) =	sbr.rel $0x88, $3  }
0x1: {  	(tag) =	ssettag $0x0;
	lr =	simm.s32 $0x1  }
0x2: {  	[smem:$0x3F91] =	sst lr;
	_ =	strace $0xD0000000  }
0x3: {  	_ = 	snop  }
0x4: {  	_ = 	snop  }
0x5: {  	_ = 	snop  }
0x6: {  	_ = 	snop  }
0x7: {  	_ = 	snop  }
__scs_overlays_trampoline_lowered:
0x8: {  	[smem:$0x3FA0] =	sst s0  }
0x9: {  	[smem:$0x3FA1] =	sst s1  }
0xa: {  	[smem:$0x3FA2] =	sst s2  }
0xb: {  	[smem:$0x3FA3] =	sst s3  }
0xc: {  	[smem:$0x3FA4] =	sst s4  }
0xd: {  	[smem:$0x3FA5] =	sst s5  }
0xe: {  	[smem:$0x3FA6] =	sst s6  }
0xf: {  	[smem:$0x3FA7] =	sst s7  }
0x10: {  	[smem:$0x3FA8] =	sst s8  }
0x11: {  	[smem:$0x3FA9] =	sst s9;
	s0 =	simm.s32 @!p0 $0x0  }
0x12: {  	s1 =	sld [smem:$0x3F8F];
	s0 =	simm.s32 @p0 $0x1  }
0x13: {  	[smem:$0x3FAA] =	sst s0;
	s0 =	simm.s32 @!p1 $0x0  }
0x14: {  	s2 =	sld [smem:$0x3F8E];
	s0 =	simm.s32 @p1 $0x1  }
0x15: {  	[smem:$0x3FAB] =	sst s0;
	s0 =	simm.s32 @!p2 $0x0  }
0x16: {  	s3 =	sld [smem:$0x3FDB];
	s0 =	simm.s32 @p2 $0x1  }
0x17: {  	s4 =	simm.s32 $0x1BF5;
	[smem:$0x3FAD] =	sst s0  }
0x18: {  	s0 =	sld [smem:$0x3F90];
	_ =	swait.ge [sflag:s4], $0x0  }
0x19: {  	s7 =	sld [smem:$0x3F91]  }
0x1a: {  	s8 =	sadd.s32 $0xFFFFE003, lr  }
0x1b: {  	s9 =	sadd.s32 $0xFFFFFEF7, lr;
	s5 =	simm.s32 $0xFFFFFFFF;
	p2 =	slt.u32 s8, $0xFFFFF086  }
0x1c: {  	p1 =	slt.u32 s9, $0xF7A;
	s5 =	simm.s32 @!p2 $0x0  }
0x1d: {  	s5 =	simm.s32 @p1 $0x1;
	p0 =	seq.s32 s7, s2  }
0x1e: {  	s7 =	smul.u32 @!p0 $0xF7A, s2;
	p2 =	seq.s32 @!p0 s5, $0x0  }
0x1f: {  	s9 =	smul.u32 $0xF7A, s1;
	s8 =	simm.s32 @!p0 $0x1BF5;
	p2 =	por !p2, p0  }
0x20: {  	[sflag:s8] =	ssyncset.s32 @!p0 $0xFFFFF086;
	s6 =	sadd.s32 @!p0 s3, s7;
	s7 =	simm.s32 @!p0 $0x108  }
0x21: {  	s3 =	sadd.s32 s3, s9;
	s6 =	sadd.s32 @!p0 $0x88, s6;
	s7 =	simm.s32 @p2 $0x1082  }
0x22: {  	[simem:s7], [sflag:s8] =	dma.local @!p0 [hbm:s6], $0xF7A  }
0x23: {  	s9 =	sor.u32 $0xD0000000, s2;
	s6 =	simm.s32 $0x108;
	_ =	swait.ge @!p0 [sflag:s8], $0x0  }
0x24: {  	s3 =	sadd.s32 $0x88, s3;
	s6 =	simm.s32 @!p1 $0x1082;
	[sflag:s4] =	ssyncset.s32 $0xFFFFF086  }
0x25: {  	[simem:s6], [sflag:s4] =	dma.local [hbm:s3], $0xF7A  }
0x26: {  	[smem:$0x3F91] =	sst s1;
	(tag) =	ssettag s2;
	_ =	strace s9  }
0x27: {  	s1 =	sld [smem:$0x3FA1]  }
0x28: {  	s2 =	sld [smem:$0x3FA2]  }
0x29: {  	s4 =	sld [smem:$0x3FA4]  }
0x2a: {  	p0 =	seq.s32 s5, $0x0;
	s5 =	sld [smem:$0x3FA5]  }
0x2b: {  	s6 =	sld [smem:$0x3FA6]  }
0x2c: {  	s7 =	sld [smem:$0x3FA7]  }
0x2d: {  	s3 =	simm.s32 $0x108;
	s8 =	sld [smem:$0x3FA8]  }
0x2e: {  	s3 =	simm.s32 @!p0 $0x1082;
	s9 =	sld [smem:$0x3FA9]  }
0x2f: {  	lr =	sadd.s32 s0, s3;
	s0 =	sld [smem:$0x3FA0]  }
0x30: {  	s3 =	sld [smem:$0x3FA3]  }
0x31: {  	[smem:$0x3FAC] =	sst s10  }
0x32: {  	s10 =	sld [smem:$0x3FAA];
	_ =	sdelay $0x3  }
0x33: {  	p0 =	seq.s32 s10, $0x1;
	s10 =	sld [smem:$0x3FAC];
	_ =	sdelay $0x3  }
0x34: {  	[smem:$0x3FAC] =	sst s10  }
0x35: {  	s10 =	sld [smem:$0x3FAB];
	_ =	sdelay $0x3  }
0x36: {  	p1 =	seq.s32 s10, $0x1;
	s10 =	sld [smem:$0x3FAC];
	_ =	sdelay $0x3  }
0x37: {  	[smem:$0x3FAC] =	sst s10  }
0x38: {  	s10 =	sld [smem:$0x3FAD]  }
0x39: {  	_ = 	snop;
	(pc) =	sbr.ind lr, $3  }
0x3a: {  	_ = 	snop  }
0x3b: {  	_ = 	snop  }
0x3c: {  	p2 =	seq.s32 s10, $0x1;
	s10 =	sld [smem:$0x3FAC]  }
0x3d: {  	_ =	shalt  }
0x3e: {  	_ =	shalt  }
0x3f: {  	_ =	shalt  }
0x40: {  	_ =	shalt  }
0x41: {  	_ =	shalt  }
0x42: {  	_ =	shalt  }
0x43: {  	_ =	shalt  }
0x44: {  	_ =	shalt  }
0x45: {  	_ =	shalt  }
0x46: {  	_ =	shalt  }
0x47: {  	_ =	shalt  }
0x48: {  	_ =	shalt  }
0x49: {  	_ =	shalt  }
0x4a: {  	_ =	shalt  }
0x4b: {  	_ =	shalt  }
0x4c: {  	_ =	shalt  }
0x4d: {  	_ =	shalt  }
0x4e: {  	_ =	shalt  }
0x4f: {  	_ =	shalt  }
0x50: {  	_ =	shalt  }
0x51: {  	_ =	shalt  }
0x52: {  	_ =	shalt  }
0x53: {  	_ =	shalt  }
0x54: {  	_ =	shalt  }
0x55: {  	_ =	shalt  }
0x56: {  	_ =	shalt  }
0x57: {  	_ =	shalt  }
0x58: {  	_ =	shalt  }
0x59: {  	_ =	shalt  }
0x5a: {  	_ =	shalt  }
0x5b: {  	_ =	shalt  }
0x5c: {  	_ =	shalt  }
0x5d: {  	_ =	shalt  }
0x5e: {  	_ =	shalt  }
0x5f: {  	_ =	shalt  }
0x60: {  	_ =	shalt  }
0x61: {  	_ =	shalt  }
0x62: {  	_ =	shalt  }
0x63: {  	_ =	shalt  }
0x64: {  	_ =	shalt  }
0x65: {  	_ =	shalt  }
0x66: {  	_ =	shalt  }
0x67: {  	_ =	shalt  }
0x68: {  	_ =	shalt  }
0x69: {  	_ =	shalt  }
0x6a: {  	_ =	shalt  }
0x6b: {  	_ =	shalt  }
0x6c: {  	_ =	shalt  }
0x6d: {  	_ =	shalt  }
0x6e: {  	_ =	shalt  }
0x6f: {  	_ =	shalt  }
0x70: {  	_ =	shalt  }
0x71: {  	_ =	shalt  }
0x72: {  	_ =	shalt  }
0x73: {  	_ =	shalt  }
0x74: {  	_ =	shalt  }
0x75: {  	_ =	shalt  }
0x76: {  	_ =	shalt  }
0x77: {  	_ =	shalt  }
0x78: {  	_ =	shalt  }
0x79: {  	_ =	shalt  }
0x7a: {  	_ =	shalt  }
0x7b: {  	_ =	shalt  }
0x7c: {  	_ =	shalt  }
0x7d: {  	_ =	shalt  }
0x7e: {  	_ =	shalt  }
0x7f: {  	_ =	shalt  }
0x80: {  	_ =	shalt  }
0x81: {  	_ =	shalt  }
0x82: {  	_ =	shalt  }
0x83: {  	_ =	shalt  }
0x84: {  	_ =	shalt  }
0x85: {  	_ =	shalt  }
0x86: {  	_ =	shalt  }
0x87: {  	_ =	shalt  }
.Lfunc_end0:
.L_simem_size_0:
called_computation.2_lowered:
.L_overlay_start_0:
0x88: {  	s2 =	sld [smem:$0x3FD9]  }
0x89: {  	s3 =	sld [smem:$0x3FFE];
	_ =	sdelay $0x1  }
0x8a: {  	s1 =	srdreg.scid  }
0x8b: {  	s0 =	sand.u32 $0x1, s1  }
0x8c: {  	s17 =	sshll.u32 s0, $0xA;
	s2 =	sadd.s32 s3, s2  }
0x8d: {  	s2 =	sadd.s32 s2, s17  }
0x8e: {  	[smem:$0x3FB8] =	sst s2  }
0x8f: {  	_ = 	snop  }
0x90: {  	s2 =	sld [smem:$0x3FD0];
	(tm) =	ssettm $0x1  }
0x91: {  	s18 =	sld [smem:$0x3FFB];
	_ =	sdelay $0x3  }
0x92: {  	_ =	strace s18  }
0x93: {  	s3 =	sld [smem:$0x3FFC];
	_ =	sdelay $0x3  }
0x94: {  	_ =	strace s3  }
0x95: {  	s3 =	sld [smem:$0x3FFD];
	_ =	sdelay $0x3  }
0x96: {  	_ =	strace s3  }
0x97: {  	_ =	strace $0x8FFFFFFF  }
0x98: {  	s19 =	sld [smem:$0x3FDB];
	_ =	sdelay $0x1  }
0x99: {  	s4 =	simm.s32 $_scs_section_size  }
0x9a: {  	s5 =	simm.s32 $_size__tile_overlayer_lowered;
	s6 =	simm.s32 $_tile_overlayer_lowered  }
0x9b: {  	s22 =	simm.s32 $0x1BFF;
	s21 =	sshll.u32 s6, $0x1;
	s3 =	sadd.s32 s4, s19  }
0x9c: {  	s7 =	simm.s32 $0x0;
	s20 =	sshll.u32 s5, $0x1;
	s5 =	sadd.s32 s21, s3  }
0x9d: {  	[timem:s7], [sflag:s22] =	dma.local [hbm:s5], s20  }
0x9e: {  	_ =	swait.ge [sflag:s22], s20  }
0x9f: {  	s4 =	ssub.s32 $0x0, s20;
	[sflag:s22] =	ssyncset.done $0x0  }
0xa0: {  	[sflag:s22] =	ssyncadd.s32 s4;
	_ =	sdelay $0x1  }
0xa1: {  	s23 =	simm.s32 $0x1B8B  }
0xa2: {  	_ =	swait.ge [sflag:s23], $0x1  }
0xa3: {  	[sflag:s23] =	ssyncset.done $0x0  }
0xa4: {  	s25 =	simm.s32 $0x1B8E;
	s24 =	sld [smem:$0x3FFE];
	[sflag:s23] =	ssyncadd.s32 $0xFFFFFFFF  }
0xa5: {  	s26 =	simm.s32 $execute0_lowered;
	[smem:$0x3FD2] =	sst s25  }
0xa6: {  	s5 =	sshll.u32 s26, $0x1;
	_ =	strace $0x8000004C;
	[dreg:$0x1] =	wrdreg $0xFFFFFFFF  }
0xa7: {  	s28 =	simm.s32 $_size_execute0_lowered;
	s3 =	sadd.s32 s3, s5;
	[dreg:$0x0] =	wrdreg $0x0  }
0xa8: {  	s5 =	sshll.u32 s28, $0x1;
	[dreg:$0x2] =	wrdreg s3  }
0xa9: {  	[dreg:$0x3] =	wrdreg s5  }
0xaa: {  	[dreg:$0x4] =	wrdreg $0xC0  }
0xab: {  	_ =	task [dreg:s7], $0x5FFFF  }
0xac: {  	[dreg:$0x1] =	wrdreg $0xFFFFFFFF  }
0xad: {  	[dreg:$0x0] =	wrdreg $0x60  }
0xae: {  	[dreg:$0x2] =	wrdreg s24  }
0xaf: {  	[dreg:$0x3] =	wrdreg s2  }
0xb0: {  	[dreg:$0x4] =	wrdreg $0x98000  }
0xb1: {  	[dreg:$0x5] =	wrdreg $0x9  }
0xb2: {  	_ =	task.clear_ibuf [dreg:s7], $0x6FFFF;
	_ =	strace $0x9000004C  }
0xb3: {  	s29 =	simm.s32 $0x9;
	_ =	strace $0x8000004E  }
0xb4: {  	_ =	swait.ge [sflag:s29], $0x1  }
0xb5: {  	[sflag:s29] =	ssyncadd.s32 $0xFFFFFFFF  }
0xb6: {  	_ =	strace $0x9000004E  }
0xb7: {  	_ =	sfence  }
0xb8: {  	s30 =	sld [smem:$0x0];
	_ =	sdelay $0x2  }
0xb9: {  	s31 =	sshll.u32 s1, $0xD;
	s1 =	sshrl.u32 s1, $0x2  }
0xba: {  	s3 =	sand.u32 $0x4000, s31;
	s1 =	sadd.s32 s1, s30  }
0xbb: {  	s0 =	sor.u32 s3, s0;
	s1 =	sshll.u32 s1, $0x11  }
0xbc: {  	s0 =	sor.u32 s1, s0  }
0xbd: {  	s0 =	sadd.s32 $0x8F2B, s0  }
0xbe: {  	[sflag:s0] =	ssyncadd.remote.s32 $0x1  }
0xbf: {  	_ =	sfence.sel $0xFFFF  }
0xc0: {  	[dreg:$0x0] =	wrdreg $0xFFFFFFFF;
	(pc) =	sbr.abs _section_cstart, $3  }
0xc1: {  	[dreg:$0x1] =	wrdreg $0xFFFFFFFF  }
0xc2: {  	_ =	task.clear_ibuf [dreg:s7], $0x2FFFF;
	_ =	strace $0x9FFFFFFF  }
0xc3: {  	(tm) =	ssettm $0x7FFFFFFF  }
tec
execute0_lowered:
.L_overlay_start_1:
0x0: {  	(tag) =	ssettag $0x1  }
0x1: {  	s0 =	srdreg.scid;
	s10 =	stileid.u32  }
0x2: {  	s0 =	sand.u32 $0x1, s0;
	s1 =	smul.u32 $0xA000, s10  }
0x3: {  	s4 =	smul.u32 $0x5000, s0  }
0x4: {  	s2 =	rddreg [dreg:$0x0]  }
0x5: {  	s3 =	rddreg [dreg:$0x2];
	s1 =	sadd.s32 s4, s1;
	s4 =	simm.s32 $0x0  }
0x6: {  	s12 =	simm.s32 $0x80;
	[smem:$0x7FF] =	sst s4  }
0x7: {  	s13 =	simm.s32 $0x100;
	_ =	strace $0x8000004D;
	[dreg:$0x6] =	wrdreg s12  }
0x8: {  	s14 =	simm.s32 $0x180;
	[dreg:$0x7] =	wrdreg s13  }
0x9: {  	s15 =	simm.s32 $0x1080;
	[dreg:$0x8] =	wrdreg s14  }
0xa: {  	s16 =	simm.s32 $0x200;
	s17 =	simm.s32 $0x1100;
	[dreg:$0x9] =	wrdreg s15  }
0xb: {  	s18 =	simm.s32 $0x280;
	s19 =	simm.s32 $0x1180;
	[dreg:$0xa] =	wrdreg s16  }
0xc: {  	s21 =	simm.s32 $0x300;
	s22 =	simm.s32 $0x1200;
	[dreg:$0xb] =	wrdreg s17  }
0xd: {  	s23 =	simm.s32 $0x380;
	s25 =	simm.s32 $0x1280;
	[dreg:$0xc] =	wrdreg s18  }
0xe: {  	s26 =	simm.s32 $0x400;
	s11 =	simm.s32 $0x1300;
	[dreg:$0xd] =	wrdreg s19  }
0xf: {  	s28 =	simm.s32 $0x1980;
	s29 =	simm.s32 $0xB00;
	[dreg:$0xe] =	wrdreg s21  }
0x10: {  	s30 =	simm.s32 $0x1A00;
	s8 =	smul.u32 $0x4E000, s10;
	[dreg:$0xf] =	wrdreg s22  }
0x11: {  	s24 =	smul.u32 $0x13800, s10;
	s6 =	ssub.s32 $0x2, s0;
	[dreg:$0x10] =	wrdreg s23  }
0x12: {  	s0 =	smul.u32 $0x138800, s0;
	s7 =	sshrl.u32 s6, $0x1;
	[dreg:$0x11] =	wrdreg s25  }
0x13: {  	s20 =	sshrl.u32 s8, $0x2;
	s6 =	ssub.s32 s6, s7;
	[dreg:$0x12] =	wrdreg s26  }
0x14: {  	s7 =	sadd.s32 s20, s3;
	s20 =	simm.s32 $0x1500;
	[dreg:$0x13] =	wrdreg s11  }
0x15: {  	s8 =	sadd.s32 s24, s0;
	s24 =	simm.s32 $0x1600;
	[dreg:$0x1b] =	wrdreg s20  }
0x16: {  	s31 =	simm.s32 $0xB80;
	s12 =	simm.s32 $0x480;
	[dreg:$0x1f] =	wrdreg s24  }
0x17: {  	s9 =	sadd.s32 $0x124800, s3;
	s13 =	simm.s32 $0x1380;
	[dreg:$0x14] =	wrdreg s12  }
0x18: {  	p0 =	sne.s32 s10, $0xF;
	s14 =	simm.s32 $0x500;
	[dreg:$0x15] =	wrdreg s13  }
0x19: {  	s0 =	sshrl.u32 s0, $0x3;
	s15 =	simm.s32 $0x1400;
	[dreg:$0x16] =	wrdreg s14  }
0x1a: {  	s1 =	sshrl.u32 s1, $0x3;
	s17 =	smax.u32 s6, $0x1;
	[dreg:$0x17] =	wrdreg s15  }
0x1b: {  	s8 =	sshrl.u32 s8, $0x3;
	s16 =	simm.s32 $0x580;
	[smem:$0x7F2] =	sst s17  }
0x1c: {  	s1 =	sadd.s32 s1, s2;
	s18 =	simm.s32 $0x1480;
	[dreg:$0x18] =	wrdreg s16  }
0x1d: {  	s19 =	simm.s32 $0x600;
	s21 =	simm.s32 $0x680;
	[dreg:$0x19] =	wrdreg s18  }
0x1e: {  	s11 =	sshrl.u32 @p0 s7, $0x3;
	s22 =	simm.s32 $0x1580;
	[dreg:$0x1a] =	wrdreg s19  }
0x1f: {  	s23 =	simm.s32 $0x700;
	s25 =	simm.s32 $0x780;
	[dreg:$0x1c] =	wrdreg s21  }
0x20: {  	s26 =	simm.s32 $0x1680;
	s6 =	simm.s32 $0x880;
	[dreg:$0x1d] =	wrdreg s22  }
0x21: {  	s7 =	simm.s32 $0x1780;
	s20 =	simm.s32 $0x3;
	[dreg:$0x1e] =	wrdreg s23  }
0x22: {  	s24 =	simm.s32 $0xA00;
	s5 =	sadd.s32 $0x13E00, s1;
	[smem:$0x7F4] =	sst s25  }
0x23: {  	s1 =	sadd.s32 $0x27E00, s1;
	s12 =	simm.s32 $0x4;
	[smem:$0x7F5] =	sst s26  }
0x24: {  	s13 =	simm.s32 $0x1000;
	s14 =	simm.s32 $0x50;
	[smem:$0x7F8] =	sst s6  }
0x25: {  	s15 =	simm.s32 $0x2000;
	s16 =	simm.s32 $0x4800;
	[smem:$0x7F9] =	sst s7  }
0x26: {  	s17 =	simm.s32 $0x7000;
	s18 =	simm.s32 $0x1;
	[smem:$0x7FC] =	sst s11  }
0x27: {  	s19 =	simm.s32 $0x2;
	s21 =	simm.s32 $0x1800;
	[dreg:$0x4] =	wrdreg s5  }
0x28: {  	s22 =	simm.s32 $0x980;
	s23 =	simm.s32 $0x1880;
	[dreg:$0x5] =	wrdreg s1  }
0x29: {  	s1 =	sshll.u32 @p0 s10, $0x6;
	s10 =	sshrl.u32 @!p0 s9, $0x3;
	s9 =	simm.s32 $0x0  }
0x2a: {  	s5 =	sadd.s32 $0x3BE00, s2;
	s2 =	sadd.s32 $0x63000, s2;
	[smem:$0x7FB] =	sst s9  }
0x2b: {  	s25 =	simm.s32 $0x1900;
	s8 =	sadd.s32 s2, s8;
	[smem:$0x7FD] =	sst s10  }
0x2c: {  	s26 =	simm.s32 $0xA80;
	s1 =	sor.u32 @p0 $0x1C04, s1;
	[smem:$0x7F0] =	sst s8  }
0x2d: {  	s0 =	sadd.s32 s2, s0;
	s2 =	simm.s32 $0x1700;
	[smem:$0x7F3] =	sst s1  }
0x2e: {  	s6 =	simm.s32 $0x1B80;
	s0 =	sadd.s32 $0x24900, s0;
	[smem:$0x7F7] =	sst s2  }
0x2f: {  	s7 =	simm.s32 $0x1C00;
	s1 =	simm.s32 $0x800;
	[smem:$0x7F1] =	sst s0  }
0x30: {  	s8 =	simm.s32 $0x900;
	s2 =	simm.s32 $0x1B00;
	[smem:$0x7F6] =	sst s1  }
0x31: {  	[smem:$0x7FA] =	sst s8;
	s1 =	simm.s32 $0x1A80;
	s0 =	simm.s32 $0xC00  }
.LBB2_1:
0x32: {  	s9 =	sld [smem:$0x7F3];
	_ =	sdelay $0x1  }
0x33: {  	s8 =	rddreg [dreg:$0x1]  }
0x34: {  	[spmem:s11], [sflag:s9] =	dma.local @p0 [hbm:s8], $0x2700  }
0x35: {  	s9 =	simm.s32 @p0 $0x4  }
0x36: {  	_ =	swait.ge @p0 [sflag:s9], $0x2700  }
0x37: {  	[sflag:s9] =	ssyncset.done @p0 $0x0  }
0x38: {  	[sflag:s9] =	ssyncadd.s32 @p0 $0xFFFFD900;
	s9 =	simm.s32 @!p0 $0x1FC4  }
0x39: {  	[spmem:s10], [sflag:s9] =	dma.local @!p0 [hbm:s8], $0x2800  }
0x3a: {  	s9 =	simm.s32 @!p0 $0x4  }
0x3b: {  	_ =	swait.ge @!p0 [sflag:s9], $0x2800  }
0x3c: {  	[sflag:s9] =	ssyncset.done @!p0 $0x0  }
0x3d: {  	[sflag:s9] =	ssyncadd.s32 @!p0 $0xFFFFD800  }
0x3e: {  	[bflag:$0x0] =	sbarrier.arrive $0xFFFF  }
0x3f: {  	s8 =	rddreg [dreg:$0x5]  }
0x40: {  	s9 =	sadd.s32 $0x0, s8  }
0x41: {  	[tilespmem:s4], [sflag:$0x4] =	stream.linear.gather [hbm4b:s9+s4], $0xC80, $0x38;
	[tilespmem:$0x1D080] =	vst v63  }
0x42: {  	_ =	swait.ge [sflag:s12], $0xC80  }
0x43: {  	s10 =	rddreg [dreg:$0x4];
	[sflag:s12] =	ssyncset.done $0x0  }
0x44: {  	[sflag:s12] =	ssyncadd.s32 $0xFFFFF380;
	s9 =	sadd.s32 $0x0, s10  }
0x45: {  	[tilespmem:s13], [sflag:$0x4] =	stream.linear.gather [hbm4b:s9+s4], $0xC80, $0x38;
	[tilespmem:$0x1D080] =	vst v63  }
0x46: {  	_ =	swait.ge [sflag:s12], $0xC80  }
0x47: {  	[sflag:s12] =	ssyncset.done $0x0  }
0x48: {  	[sflag:s12] =	ssyncadd.s32 $0xFFFFF380  }
0x49: {  	[tilespmem:s15], [sflag:$0x1] =	stream.indirect.gather [hbm4b:s5+s14], $0x80, s4, s14, $0xb8;
	[tilespmem:$0x1D080] =	vst v63  }
0x4a: {  	s11 =	rddreg [dreg:$0x6]  }
0x4b: {  	[tilespmem:s16], [sflag:$0x2] =	stream.indirect.gather [hbm4b:s5+s14], $0x80, s11, s14, $0xb8;
	[tilespmem:$0x1D080] =	vst v63  }
0x4c: {  	s8 =	rddreg [dreg:$0x7]  }
0x4d: {  	[tilespmem:s17], [sflag:$0x3] =	stream.indirect.gather [hbm4b:s5+s14], $0x80, s8, s14, $0xb8;
	[tilespmem:$0x1D080] =	vst v63  }
0x4e: {  	_ =	swait.ge [sflag:s18], $0x2800  }
0x4f: {  	[sflag:s18] =	ssyncset.done $0x0  }
0x50: {  	[sflag:s18] =	ssyncadd.s32 $0xFFFFD800  }
0x51: {  	[spmem:s3] =	stream.indirect.scatter.add.f32 [tilespmem:s15], [sflag:$0x4], $0x80, s13, s14, $0xb8;
	[tilespmem:$0x1D080] =	vst v63  }
0x52: {  	_ =	swait.ge [sflag:s12], $0x2800  }
0x53: {  	[sflag:s12] =	ssyncset.done $0x0  }
0x54: {  	s11 =	rddreg [dreg:$0x8];
	[sflag:s12] =	ssyncadd.s32 $0xFFFFD800  }
0x55: {  	[tilespmem:s15], [sflag:$0x1] =	stream.indirect.gather [hbm4b:s5+s14], $0x80, s11, s14, $0xb8;
	[tilespmem:$0x1D080] =	vst v63  }
0x56: {  	_ =	swait.ge [sflag:s19], $0x2800  }
0x57: {  	[sflag:s19] =	ssyncset.done $0x0  }
0x58: {  	s8 =	rddreg [dreg:$0x9];
	[sflag:s19] =	ssyncadd.s32 $0xFFFFD800  }
0x59: {  	[spmem:s3] =	stream.indirect.scatter.add.f32 [tilespmem:s16], [sflag:$0x4], $0x80, s8, s14, $0xb8;
	[tilespmem:$0x1D080] =	vst v63  }
0x5a: {  	_ =	swait.ge [sflag:s12], $0x2800  }
0x5b: {  	[sflag:s12] =	ssyncset.done $0x0  }
0x5c: {  	s10 =	rddreg [dreg:$0xa];
	[sflag:s12] =	ssyncadd.s32 $0xFFFFD800  }
0x5d: {  	[tilespmem:s16], [sflag:$0x2] =	stream.indirect.gather [hbm4b:s5+s14], $0x80, s10, s14, $0xb8;
	[tilespmem:$0x1D080] =	vst v63  }
0x5e: {  	_ =	swait.ge [sflag:s20], $0x2800  }
0x5f: {  	[sflag:s20] =	ssyncset.done $0x0  }
0x60: {  	s11 =	rddreg [dreg:$0xb];
	[sflag:s20] =	ssyncadd.s32 $0xFFFFD800  }
0x61: {  	[spmem:s3] =	stream.indirect.scatter.add.f32 [tilespmem:s17], [sflag:$0x4], $0x80, s11, s14, $0xb8;
	[tilespmem:$0x1D080] =	vst v63  }
0x62: {  	_ =	swait.ge [sflag:s12], $0x2800  }
0x63: {  	[sflag:s12] =	ssyncset.done $0x0  }
0x64: {  	s8 =	rddreg [dreg:$0xc];
	[sflag:s12] =	ssyncadd.s32 $0xFFFFD800  }
0x65: {  	[tilespmem:s17], [sflag:$0x3] =	stream.indirect.gather [hbm4b:s5+s14], $0x80, s8, s14, $0xb8;
	[tilespmem:$0x1D080] =	vst v63  }
0x66: {  	_ =	swait.ge [sflag:s18], $0x2800  }
0x67: {  	[sflag:s18] =	ssyncset.done $0x0  }
0x68: {  	s10 =	rddreg [dreg:$0xd];
	[sflag:s18] =	ssyncadd.s32 $0xFFFFD800  }
0x69: {  	[spmem:s3] =	stream.indirect.scatter.add.f32 [tilespmem:s15], [sflag:$0x4], $0x80, s10, s14, $0xb8;
	[tilespmem:$0x1D080] =	vst v63  }
0x6a: {  	_ =	swait.ge [sflag:s12], $0x2800  }
0x6b: {  	[sflag:s12] =	ssyncset.done $0x0  }
0x6c: {  	s11 =	rddreg [dreg:$0xe];
	[sflag:s12] =	ssyncadd.s32 $0xFFFFD800  }
0x6d: {  	[tilespmem:s15], [sflag:$0x1] =	stream.indirect.gather [hbm4b:s5+s14], $0x80, s11, s14, $0xb8;
	[tilespmem:$0x1D080] =	vst v63  }
0x6e: {  	_ =	swait.ge [sflag:s19], $0x2800  }
0x6f: {  	[sflag:s19] =	ssyncset.done $0x0  }
0x70: {  	s8 =	rddreg [dreg:$0xf];
	[sflag:s19] =	ssyncadd.s32 $0xFFFFD800  }
0x71: {  	[spmem:s3] =	stream.indirect.scatter.add.f32 [tilespmem:s16], [sflag:$0x4], $0x80, s8, s14, $0xb8;
	[tilespmem:$0x1D080] =	vst v63  }
0x72: {  	_ =	swait.ge [sflag:s12], $0x2800  }
0x73: {  	[sflag:s12] =	ssyncset.done $0x0  }
0x74: {  	s10 =	rddreg [dreg:$0x10];
	[sflag:s12] =	ssyncadd.s32 $0xFFFFD800  }
0x75: {  	[tilespmem:s16], [sflag:$0x2] =	stream.indirect.gather [hbm4b:s5+s14], $0x80, s10, s14, $0xb8;
	[tilespmem:$0x1D080] =	vst v63  }
0x76: {  	_ =	swait.ge [sflag:s20], $0x2800  }
0x77: {  	[sflag:s20] =	ssyncset.done $0x0  }
0x78: {  	s11 =	rddreg [dreg:$0x11];
	[sflag:s20] =	ssyncadd.s32 $0xFFFFD800  }
0x79: {  	[spmem:s3] =	stream.indirect.scatter.add.f32 [tilespmem:s17], [sflag:$0x4], $0x80, s11, s14, $0xb8;
	[tilespmem:$0x1D080] =	vst v63  }
0x7a: {  	_ =	swait.ge [sflag:s12], $0x2800  }
0x7b: {  	[sflag:s12] =	ssyncset.done $0x0  }
0x7c: {  	s8 =	rddreg [dreg:$0x12];
	[sflag:s12] =	ssyncadd.s32 $0xFFFFD800  }
0x7d: {  	[tilespmem:s17], [sflag:$0x3] =	stream.indirect.gather [hbm4b:s5+s14], $0x80, s8, s14, $0xb8;
	[tilespmem:$0x1D080] =	vst v63  }
0x7e: {  	_ =	swait.ge [sflag:s18], $0x2800  }
0x7f: {  	[sflag:s18] =	ssyncset.done $0x0  }
0x80: {  	s10 =	rddreg [dreg:$0x13];
	[sflag:s18] =	ssyncadd.s32 $0xFFFFD800  }
0x81: {  	[spmem:s3] =	stream.indirect.scatter.add.f32 [tilespmem:s15], [sflag:$0x4], $0x80, s10, s14, $0xb8;
	[tilespmem:$0x1D080] =	vst v63  }
0x82: {  	_ =	swait.ge [sflag:s12], $0x2800  }
0x83: {  	[sflag:s12] =	ssyncset.done $0x0  }
0x84: {  	s11 =	rddreg [dreg:$0x14];
	[sflag:s12] =	ssyncadd.s32 $0xFFFFD800  }
0x85: {  	[tilespmem:s15], [sflag:$0x1] =	stream.indirect.gather [hbm4b:s5+s14], $0x80, s11, s14, $0xb8;
	[tilespmem:$0x1D080] =	vst v63  }
0x86: {  	_ =	swait.ge [sflag:s19], $0x2800  }
0x87: {  	[sflag:s19] =	ssyncset.done $0x0  }
0x88: {  	s8 =	rddreg [dreg:$0x15];
	[sflag:s19] =	ssyncadd.s32 $0xFFFFD800  }
0x89: {  	[spmem:s3] =	stream.indirect.scatter.add.f32 [tilespmem:s16], [sflag:$0x4], $0x80, s8, s14, $0xb8;
	[tilespmem:$0x1D080] =	vst v63  }
0x8a: {  	_ =	swait.ge [sflag:s12], $0x2800  }
0x8b: {  	[sflag:s12] =	ssyncset.done $0x0  }
0x8c: {  	s10 =	rddreg [dreg:$0x16];
	[sflag:s12] =	ssyncadd.s32 $0xFFFFD800  }
0x8d: {  	[tilespmem:s16], [sflag:$0x2] =	stream.indirect.gather [hbm4b:s5+s14], $0x80, s10, s14, $0xb8;
	[tilespmem:$0x1D080] =	vst v63  }
0x8e: {  	_ =	swait.ge [sflag:s20], $0x2800  }
0x8f: {  	[sflag:s20] =	ssyncset.done $0x0  }
0x90: {  	s11 =	rddreg [dreg:$0x17];
	[sflag:s20] =	ssyncadd.s32 $0xFFFFD800  }
0x91: {  	[spmem:s3] =	stream.indirect.scatter.add.f32 [tilespmem:s17], [sflag:$0x4], $0x80, s11, s14, $0xb8;
	[tilespmem:$0x1D080] =	vst v63  }
0x92: {  	_ =	swait.ge [sflag:s12], $0x2800  }
0x93: {  	[sflag:s12] =	ssyncset.done $0x0  }
0x94: {  	s8 =	rddreg [dreg:$0x18];
	[sflag:s12] =	ssyncadd.s32 $0xFFFFD800  }
0x95: {  	[tilespmem:s17], [sflag:$0x3] =	stream.indirect.gather [hbm4b:s5+s14], $0x80, s8, s14, $0xb8;
	[tilespmem:$0x1D080] =	vst v63  }
0x96: {  	_ =	swait.ge [sflag:s18], $0x2800  }
0x97: {  	[sflag:s18] =	ssyncset.done $0x0  }
0x98: {  	s10 =	rddreg [dreg:$0x19];
	[sflag:s18] =	ssyncadd.s32 $0xFFFFD800  }
0x99: {  	[spmem:s3] =	stream.indirect.scatter.add.f32 [tilespmem:s15], [sflag:$0x4], $0x80, s10, s14, $0xb8;
	[tilespmem:$0x1D080] =	vst v63  }
0x9a: {  	_ =	swait.ge [sflag:s12], $0x2800  }
0x9b: {  	[sflag:s12] =	ssyncset.done $0x0  }
0x9c: {  	s11 =	rddreg [dreg:$0x1a];
	[sflag:s12] =	ssyncadd.s32 $0xFFFFD800  }
0x9d: {  	[tilespmem:s15], [sflag:$0x1] =	stream.indirect.gather [hbm4b:s5+s14], $0x80, s11, s14, $0xb8;
	[tilespmem:$0x1D080] =	vst v63  }
0x9e: {  	_ =	swait.ge [sflag:s19], $0x2800  }
0x9f: {  	[sflag:s19] =	ssyncset.done $0x0  }
0xa0: {  	s8 =	rddreg [dreg:$0x1b];
	[sflag:s19] =	ssyncadd.s32 $0xFFFFD800  }
0xa1: {  	[spmem:s3] =	stream.indirect.scatter.add.f32 [tilespmem:s16], [sflag:$0x4], $0x80, s8, s14, $0xb8;
	[tilespmem:$0x1D080] =	vst v63  }
0xa2: {  	_ =	swait.ge [sflag:s12], $0x2800  }
0xa3: {  	[sflag:s12] =	ssyncset.done $0x0  }
0xa4: {  	s10 =	rddreg [dreg:$0x1c];
	[sflag:s12] =	ssyncadd.s32 $0xFFFFD800  }
0xa5: {  	[tilespmem:s16], [sflag:$0x2] =	stream.indirect.gather [hbm4b:s5+s14], $0x80, s10, s14, $0xb8;
	[tilespmem:$0x1D080] =	vst v63  }
0xa6: {  	_ =	swait.ge [sflag:s20], $0x2800  }
0xa7: {  	[sflag:s20] =	ssyncset.done $0x0  }
0xa8: {  	s11 =	rddreg [dreg:$0x1d];
	[sflag:s20] =	ssyncadd.s32 $0xFFFFD800  }
0xa9: {  	[spmem:s3] =	stream.indirect.scatter.add.f32 [tilespmem:s17], [sflag:$0x4], $0x80, s11, s14, $0xb8;
	[tilespmem:$0x1D080] =	vst v63  }
0xaa: {  	_ =	swait.ge [sflag:s12], $0x2800  }
0xab: {  	[sflag:s12] =	ssyncset.done $0x0  }
0xac: {  	s8 =	rddreg [dreg:$0x1e];
	[sflag:s12] =	ssyncadd.s32 $0xFFFFD800  }
0xad: {  	[tilespmem:s17], [sflag:$0x3] =	stream.indirect.gather [hbm4b:s5+s14], $0x80, s8, s14, $0xb8;
	[tilespmem:$0x1D080] =	vst v63  }
0xae: {  	_ =	swait.ge [sflag:s18], $0x2800  }
0xaf: {  	[sflag:s18] =	ssyncset.done $0x0  }
0xb0: {  	s10 =	rddreg [dreg:$0x1f];
	[sflag:s18] =	ssyncadd.s32 $0xFFFFD800  }
0xb1: {  	[spmem:s3] =	stream.indirect.scatter.add.f32 [tilespmem:s15], [sflag:$0x4], $0x80, s10, s14, $0xb8;
	[tilespmem:$0x1D080] =	vst v63  }
0xb2: {  	_ =	swait.ge [sflag:s12], $0x2800  }
0xb3: {  	s11 =	sld [smem:$0x7F4]  }
0xb4: {  	[sflag:s12] =	ssyncset.done $0x0  }
0xb5: {  	[sflag:s12] =	ssyncadd.s32 $0xFFFFD800  }
0xb6: {  	[tilespmem:s15], [sflag:$0x1] =	stream.indirect.gather [hbm4b:s5+s14], $0x80, s11, s14, $0xb8;
	[tilespmem:$0x1D080] =	vst v63  }
0xb7: {  	_ =	swait.ge [sflag:s19], $0x2800  }
0xb8: {  	s8 =	sld [smem:$0x7F5]  }
0xb9: {  	[sflag:s19] =	ssyncset.done $0x0  }
0xba: {  	[sflag:s19] =	ssyncadd.s32 $0xFFFFD800  }
0xbb: {  	[spmem:s3] =	stream.indirect.scatter.add.f32 [tilespmem:s16], [sflag:$0x4], $0x80, s8, s14, $0xb8;
	[tilespmem:$0x1D080] =	vst v63  }
0xbc: {  	_ =	swait.ge [sflag:s12], $0x2800  }
0xbd: {  	s10 =	sld [smem:$0x7F6]  }
0xbe: {  	[sflag:s12] =	ssyncset.done $0x0  }
0xbf: {  	[sflag:s12] =	ssyncadd.s32 $0xFFFFD800  }
0xc0: {  	[tilespmem:s16], [sflag:$0x2] =	stream.indirect.gather [hbm4b:s5+s14], $0x80, s10, s14, $0xb8;
	[tilespmem:$0x1D080] =	vst v63  }
0xc1: {  	_ =	swait.ge [sflag:s20], $0x2800  }
0xc2: {  	s11 =	sld [smem:$0x7F7]  }
0xc3: {  	[sflag:s20] =	ssyncset.done $0x0  }
0xc4: {  	[sflag:s20] =	ssyncadd.s32 $0xFFFFD800  }
0xc5: {  	[spmem:s3] =	stream.indirect.scatter.add.f32 [tilespmem:s17], [sflag:$0x4], $0x80, s11, s14, $0xb8;
	[tilespmem:$0x1D080] =	vst v63  }
0xc6: {  	_ =	swait.ge [sflag:s12], $0x2800  }
0xc7: {  	s8 =	sld [smem:$0x7F8]  }
0xc8: {  	[sflag:s12] =	ssyncset.done $0x0  }
0xc9: {  	[sflag:s12] =	ssyncadd.s32 $0xFFFFD800  }
0xca: {  	[tilespmem:s17], [sflag:$0x3] =	stream.indirect.gather [hbm4b:s5+s14], $0x80, s8, s14, $0xb8;
	[tilespmem:$0x1D080] =	vst v63  }
0xcb: {  	_ =	swait.ge [sflag:s18], $0x2800  }
0xcc: {  	s10 =	sld [smem:$0x7F9]  }
0xcd: {  	[sflag:s18] =	ssyncset.done $0x0  }
0xce: {  	[sflag:s18] =	ssyncadd.s32 $0xFFFFD800  }
0xcf: {  	[spmem:s3] =	stream.indirect.scatter.add.f32 [tilespmem:s15], [sflag:$0x4], $0x80, s10, s14, $0xb8;
	[tilespmem:$0x1D080] =	vst v63  }
0xd0: {  	_ =	swait.ge [sflag:s12], $0x2800  }
0xd1: {  	s11 =	sld [smem:$0x7FA]  }
0xd2: {  	[sflag:s12] =	ssyncset.done $0x0  }
0xd3: {  	[sflag:s12] =	ssyncadd.s32 $0xFFFFD800  }
0xd4: {  	[tilespmem:s15], [sflag:$0x1] =	stream.indirect.gather [hbm4b:s5+s14], $0x80, s11, s14, $0xb8;
	[tilespmem:$0x1D080] =	vst v63  }
0xd5: {  	_ =	swait.ge [sflag:s19], $0x2800  }
0xd6: {  	[sflag:s19] =	ssyncset.done $0x0  }
0xd7: {  	[sflag:s19] =	ssyncadd.s32 $0xFFFFD800  }
0xd8: {  	[spmem:s3] =	stream.indirect.scatter.add.f32 [tilespmem:s16], [sflag:$0x4], $0x80, s21, s14, $0xb8;
	[tilespmem:$0x1D080] =	vst v63  }
0xd9: {  	_ =	swait.ge [sflag:s12], $0x2800  }
0xda: {  	[sflag:s12] =	ssyncset.done $0x0  }
0xdb: {  	[sflag:s12] =	ssyncadd.s32 $0xFFFFD800  }
0xdc: {  	[tilespmem:s16], [sflag:$0x2] =	stream.indirect.gather [hbm4b:s5+s14], $0x80, s22, s14, $0xb8;
	[tilespmem:$0x1D080] =	vst v63  }
0xdd: {  	_ =	swait.ge [sflag:s20], $0x2800  }
0xde: {  	[sflag:s20] =	ssyncset.done $0x0  }
0xdf: {  	[sflag:s20] =	ssyncadd.s32 $0xFFFFD800  }
0xe0: {  	[spmem:s3] =	stream.indirect.scatter.add.f32 [tilespmem:s17], [sflag:$0x4], $0x80, s23, s14, $0xb8;
	[tilespmem:$0x1D080] =	vst v63  }
0xe1: {  	_ =	swait.ge [sflag:s12], $0x2800  }
0xe2: {  	[sflag:s12] =	ssyncset.done $0x0  }
0xe3: {  	[sflag:s12] =	ssyncadd.s32 $0xFFFFD800  }
0xe4: {  	[tilespmem:s17], [sflag:$0x3] =	stream.indirect.gather [hbm4b:s5+s14], $0x80, s24, s14, $0xb8;
	[tilespmem:$0x1D080] =	vst v63  }
0xe5: {  	_ =	swait.ge [sflag:s18], $0x2800  }
0xe6: {  	[sflag:s18] =	ssyncset.done $0x0  }
0xe7: {  	[sflag:s18] =	ssyncadd.s32 $0xFFFFD800  }
0xe8: {  	[spmem:s3] =	stream.indirect.scatter.add.f32 [tilespmem:s15], [sflag:$0x4], $0x80, s25, s14, $0xb8;
	[tilespmem:$0x1D080] =	vst v63  }
0xe9: {  	_ =	swait.ge [sflag:s12], $0x2800  }
0xea: {  	[sflag:s12] =	ssyncset.done $0x0  }
0xeb: {  	[sflag:s12] =	ssyncadd.s32 $0xFFFFD800  }
0xec: {  	[tilespmem:s15], [sflag:$0x1] =	stream.indirect.gather [hbm4b:s5+s14], $0x80, s26, s14, $0xb8;
	[tilespmem:$0x1D080] =	vst v63  }
0xed: {  	_ =	swait.ge [sflag:s19], $0x2800  }
0xee: {  	[sflag:s19] =	ssyncset.done $0x0  }
0xef: {  	[sflag:s19] =	ssyncadd.s32 $0xFFFFD800  }
0xf0: {  	[spmem:s3] =	stream.indirect.scatter.add.f32 [tilespmem:s16], [sflag:$0x4], $0x80, s28, s14, $0xb8;
	[tilespmem:$0x1D080] =	vst v63  }
0xf1: {  	_ =	swait.ge [sflag:s12], $0x2800  }
0xf2: {  	[sflag:s12] =	ssyncset.done $0x0  }
0xf3: {  	[sflag:s12] =	ssyncadd.s32 $0xFFFFD800  }
0xf4: {  	[tilespmem:s16], [sflag:$0x2] =	stream.indirect.gather [hbm4b:s5+s14], $0x80, s29, s14, $0xb8;
	[tilespmem:$0x1D080] =	vst v63  }
0xf5: {  	_ =	swait.ge [sflag:s20], $0x2800  }
0xf6: {  	[sflag:s20] =	ssyncset.done $0x0  }
0xf7: {  	[sflag:s20] =	ssyncadd.s32 $0xFFFFD800  }
0xf8: {  	[spmem:s3] =	stream.indirect.scatter.add.f32 [tilespmem:s17], [sflag:$0x4], $0x80, s30, s14, $0xb8;
	[tilespmem:$0x1D080] =	vst v63  }
0xf9: {  	_ =	swait.ge [sflag:s12], $0x2800  }
0xfa: {  	[sflag:s12] =	ssyncset.done $0x0  }
0xfb: {  	[sflag:s12] =	ssyncadd.s32 $0xFFFFD800  }
0xfc: {  	[tilespmem:s17], [sflag:$0x3] =	stream.indirect.gather [hbm4b:s5+s14], $0x80, s31, s14, $0xb8;
	[tilespmem:$0x1D080] =	vst v63  }
0xfd: {  	_ =	swait.ge [sflag:s18], $0x2800  }
0xfe: {  	[sflag:s18] =	ssyncset.done $0x0  }
0xff: {  	[sflag:s18] =	ssyncadd.s32 $0xFFFFD800  }
0x100: {  	[spmem:s3] =	stream.indirect.scatter.add.f32 [tilespmem:s15], [sflag:$0x4], $0x80, s1, s14, $0xb8;
	[tilespmem:$0x1D080] =	vst v63  }
0x101: {  	_ =	swait.ge [sflag:s12], $0x2800  }
0x102: {  	[sflag:s12] =	ssyncset.done $0x0  }
0x103: {  	[sflag:s12] =	ssyncadd.s32 $0xFFFFD800  }
0x104: {  	[tilespmem:s15], [sflag:$0x1] =	stream.indirect.gather [hbm4b:s5+s14], $0x80, s0, s14, $0xb8;
	[tilespmem:$0x1D080] =	vst v63  }
0x105: {  	_ =	swait.ge [sflag:s19], $0x2800  }
0x106: {  	[sflag:s19] =	ssyncset.done $0x0  }
0x107: {  	[sflag:s19] =	ssyncadd.s32 $0xFFFFD800  }
0x108: {  	[spmem:s3] =	stream.indirect.scatter.add.f32 [tilespmem:s16], [sflag:$0x4], $0x80, s2, s14, $0xb8;
	[tilespmem:$0x1D080] =	vst v63  }
0x109: {  	_ =	swait.ge [sflag:s12], $0x2800  }
0x10a: {  	[sflag:s12] =	ssyncset.done $0x0  }
0x10b: {  	[sflag:s12] =	ssyncadd.s32 $0xFFFFD800  }
0x10c: {  	_ =	swait.ge [sflag:s20], $0x2800  }
0x10d: {  	[sflag:s20] =	ssyncset.done $0x0  }
0x10e: {  	[sflag:s20] =	ssyncadd.s32 $0xFFFFD800  }
0x10f: {  	[spmem:s3] =	stream.indirect.scatter.add.f32 [tilespmem:s17], [sflag:$0x4], $0x80, s6, s14, $0xb8;
	[tilespmem:$0x1D080] =	vst v63  }
0x110: {  	_ =	swait.ge [sflag:s12], $0x2800  }
0x111: {  	[sflag:s12] =	ssyncset.done $0x0  }
0x112: {  	[sflag:s12] =	ssyncadd.s32 $0xFFFFD800  }
0x113: {  	_ =	swait.ge [sflag:s18], $0x2800  }
0x114: {  	[sflag:s18] =	ssyncset.done $0x0  }
0x115: {  	[sflag:s18] =	ssyncadd.s32 $0xFFFFD800  }
0x116: {  	[spmem:s3] =	stream.indirect.scatter.add.f32 [tilespmem:s15], [sflag:$0x4], $0x80, s7, s14, $0xb8;
	[tilespmem:$0x1D080] =	vst v63  }
0x117: {  	s9 =	simm.s32 $0x200;
	_ =	swait.ge [sflag:s12], $0x2800  }
0x118: {  	s10 =	simm.s32 $0x400;
	s11 =	rddreg [dreg:$0x5];
	[sflag:s12] =	ssyncset.done $0x0  }
.LBB2_2:
0x119: {  	[sflag:s12] =	ssyncadd.s32 $0xFFFFD800;
	s11 =	sadd.s32 s9, s11  }
0x11a: {  	[tilespmem:s4], [sflag:$0x4] =	stream.linear.gather [hbm4b:s11+s4], $0xC80, $0x38;
	[tilespmem:$0x1D080] =	vst v63  }
0x11b: {  	_ =	swait.ge [sflag:s12], $0xC80  }
0x11c: {  	s11 =	rddreg [dreg:$0x4];
	[sflag:s12] =	ssyncset.done $0x0  }
0x11d: {  	[sflag:s12] =	ssyncadd.s32 $0xFFFFF380;
	s11 =	sadd.s32 s9, s11  }
0x11e: {  	[tilespmem:s13], [sflag:$0x4] =	stream.linear.gather [hbm4b:s11+s4], $0xC80, $0x38;
	[tilespmem:$0x1D080] =	vst v63  }
0x11f: {  	_ =	swait.ge [sflag:s12], $0xC80  }
0x120: {  	[sflag:s12] =	ssyncset.done $0x0  }
0x121: {  	s8 =	smov.u32 s10;
	[sflag:s12] =	ssyncadd.s32 $0xFFFFF380  }
0x122: {  	[tilespmem:s15], [sflag:$0x1] =	stream.indirect.gather [hbm4b:s5+s14], $0x80, s4, s14, $0xb8;
	[tilespmem:$0x1D080] =	vst v63  }
0x123: {  	s9 =	smov.u32 s8;
	s8 =	rddreg [dreg:$0x6]  }
0x124: {  	[tilespmem:s16], [sflag:$0x2] =	stream.indirect.gather [hbm4b:s5+s14], $0x80, s8, s14, $0xb8;
	[tilespmem:$0x1D080] =	vst v63  }
0x125: {  	s11 =	rddreg [dreg:$0x7]  }
0x126: {  	[tilespmem:s17], [sflag:$0x3] =	stream.indirect.gather [hbm4b:s5+s14], $0x80, s11, s14, $0xb8;
	[tilespmem:$0x1D080] =	vst v63  }
0x127: {  	_ =	swait.ge [sflag:s18], $0x2800  }
0x128: {  	[sflag:s18] =	ssyncset.done $0x0  }
0x129: {  	[sflag:s18] =	ssyncadd.s32 $0xFFFFD800  }
0x12a: {  	[spmem:s3] =	stream.indirect.scatter.add.f32 [tilespmem:s15], [sflag:$0x4], $0x80, s13, s14, $0xb8;
	[tilespmem:$0x1D080] =	vst v63  }
0x12b: {  	_ =	swait.ge [sflag:s12], $0x2800  }
0x12c: {  	[sflag:s12] =	ssyncset.done $0x0  }
0x12d: {  	s11 =	rddreg [dreg:$0x8];
	[sflag:s12] =	ssyncadd.s32 $0xFFFFD800  }
0x12e: {  	[tilespmem:s15], [sflag:$0x1] =	stream.indirect.gather [hbm4b:s5+s14], $0x80, s11, s14, $0xb8;
	[tilespmem:$0x1D080] =	vst v63  }
0x12f: {  	_ =	swait.ge [sflag:s19], $0x2800  }
0x130: {  	[sflag:s19] =	ssyncset.done $0x0  }
0x131: {  	s11 =	rddreg [dreg:$0x9];
	[sflag:s19] =	ssyncadd.s32 $0xFFFFD800  }
0x132: {  	[spmem:s3] =	stream.indirect.scatter.add.f32 [tilespmem:s16], [sflag:$0x4], $0x80, s11, s14, $0xb8;
	[tilespmem:$0x1D080] =	vst v63  }
0x133: {  	_ =	swait.ge [sflag:s12], $0x2800  }
0x134: {  	[sflag:s12] =	ssyncset.done $0x0  }
0x135: {  	s11 =	rddreg [dreg:$0xa];
	[sflag:s12] =	ssyncadd.s32 $0xFFFFD800  }
0x136: {  	[tilespmem:s16], [sflag:$0x2] =	stream.indirect.gather [hbm4b:s5+s14], $0x80, s11, s14, $0xb8;
	[tilespmem:$0x1D080] =	vst v63  }
0x137: {  	_ =	swait.ge [sflag:s20], $0x2800  }
0x138: {  	[sflag:s20] =	ssyncset.done $0x0  }
0x139: {  	s11 =	rddreg [dreg:$0xb];
	[sflag:s20] =	ssyncadd.s32 $0xFFFFD800  }
0x13a: {  	[spmem:s3] =	stream.indirect.scatter.add.f32 [tilespmem:s17], [sflag:$0x4], $0x80, s11, s14, $0xb8;
	[tilespmem:$0x1D080] =	vst v63  }
0x13b: {  	_ =	swait.ge [sflag:s12], $0x2800  }
0x13c: {  	[sflag:s12] =	ssyncset.done $0x0  }
0x13d: {  	s11 =	rddreg [dreg:$0xc];
	[sflag:s12] =	ssyncadd.s32 $0xFFFFD800  }
0x13e: {  	[tilespmem:s17], [sflag:$0x3] =	stream.indirect.gather [hbm4b:s5+s14], $0x80, s11, s14, $0xb8;
	[tilespmem:$0x1D080] =	vst v63  }
0x13f: {  	_ =	swait.ge [sflag:s18], $0x2800  }
0x140: {  	[sflag:s18] =	ssyncset.done $0x0  }
0x141: {  	s11 =	rddreg [dreg:$0xd];
	[sflag:s18] =	ssyncadd.s32 $0xFFFFD800  }
0x142: {  	[spmem:s3] =	stream.indirect.scatter.add.f32 [tilespmem:s15], [sflag:$0x4], $0x80, s11, s14, $0xb8;
	[tilespmem:$0x1D080] =	vst v63  }
0x143: {  	_ =	swait.ge [sflag:s12], $0x2800  }
0x144: {  	[sflag:s12] =	ssyncset.done $0x0  }
0x145: {  	s11 =	rddreg [dreg:$0xe];
	[sflag:s12] =	ssyncadd.s32 $0xFFFFD800  }
0x146: {  	[tilespmem:s15], [sflag:$0x1] =	stream.indirect.gather [hbm4b:s5+s14], $0x80, s11, s14, $0xb8;
	[tilespmem:$0x1D080] =	vst v63  }
0x147: {  	_ =	swait.ge [sflag:s19], $0x2800  }
0x148: {  	[sflag:s19] =	ssyncset.done $0x0  }
0x149: {  	s11 =	rddreg [dreg:$0xf];
	[sflag:s19] =	ssyncadd.s32 $0xFFFFD800  }
0x14a: {  	[spmem:s3] =	stream.indirect.scatter.add.f32 [tilespmem:s16], [sflag:$0x4], $0x80, s11, s14, $0xb8;
	[tilespmem:$0x1D080] =	vst v63  }
0x14b: {  	_ =	swait.ge [sflag:s12], $0x2800  }
0x14c: {  	[sflag:s12] =	ssyncset.done $0x0  }
0x14d: {  	s11 =	rddreg [dreg:$0x10];
	[sflag:s12] =	ssyncadd.s32 $0xFFFFD800  }
0x14e: {  	[tilespmem:s16], [sflag:$0x2] =	stream.indirect.gather [hbm4b:s5+s14], $0x80, s11, s14, $0xb8;
	[tilespmem:$0x1D080] =	vst v63  }
0x14f: {  	_ =	swait.ge [sflag:s20], $0x2800  }
0x150: {  	[sflag:s20] =	ssyncset.done $0x0  }
0x151: {  	s11 =	rddreg [dreg:$0x11];
	[sflag:s20] =	ssyncadd.s32 $0xFFFFD800  }
0x152: {  	[spmem:s3] =	stream.indirect.scatter.add.f32 [tilespmem:s17], [sflag:$0x4], $0x80, s11, s14, $0xb8;
	[tilespmem:$0x1D080] =	vst v63  }
0x153: {  	_ =	swait.ge [sflag:s12], $0x2800  }
0x154: {  	[sflag:s12] =	ssyncset.done $0x0  }
0x155: {  	s11 =	rddreg [dreg:$0x12];
	[sflag:s12] =	ssyncadd.s32 $0xFFFFD800  }
0x156: {  	[tilespmem:s17], [sflag:$0x3] =	stream.indirect.gather [hbm4b:s5+s14], $0x80, s11, s14, $0xb8;
	[tilespmem:$0x1D080] =	vst v63  }
0x157: {  	_ =	swait.ge [sflag:s18], $0x2800  }
0x158: {  	[sflag:s18] =	ssyncset.done $0x0  }
0x159: {  	s11 =	rddreg [dreg:$0x13];
	[sflag:s18] =	ssyncadd.s32 $0xFFFFD800  }
0x15a: {  	[spmem:s3] =	stream.indirect.scatter.add.f32 [tilespmem:s15], [sflag:$0x4], $0x80, s11, s14, $0xb8;
	[tilespmem:$0x1D080] =	vst v63  }
0x15b: {  	_ =	swait.ge [sflag:s12], $0x2800  }
0x15c: {  	[sflag:s12] =	ssyncset.done $0x0  }
0x15d: {  	s11 =	rddreg [dreg:$0x14];
	[sflag:s12] =	ssyncadd.s32 $0xFFFFD800  }
0x15e: {  	[tilespmem:s15], [sflag:$0x1] =	stream.indirect.gather [hbm4b:s5+s14], $0x80, s11, s14, $0xb8;
	[tilespmem:$0x1D080] =	vst v63  }
0x15f: {  	_ =	swait.ge [sflag:s19], $0x2800  }
0x160: {  	[sflag:s19] =	ssyncset.done $0x0  }
0x161: {  	s11 =	rddreg [dreg:$0x15];
	[sflag:s19] =	ssyncadd.s32 $0xFFFFD800  }
0x162: {  	[spmem:s3] =	stream.indirect.scatter.add.f32 [tilespmem:s16], [sflag:$0x4], $0x80, s11, s14, $0xb8;
	[tilespmem:$0x1D080] =	vst v63  }
0x163: {  	_ =	swait.ge [sflag:s12], $0x2800  }
0x164: {  	[sflag:s12] =	ssyncset.done $0x0  }
0x165: {  	s11 =	rddreg [dreg:$0x16];
	[sflag:s12] =	ssyncadd.s32 $0xFFFFD800  }
0x166: {  	[tilespmem:s16], [sflag:$0x2] =	stream.indirect.gather [hbm4b:s5+s14], $0x80, s11, s14, $0xb8;
	[tilespmem:$0x1D080] =	vst v63  }
0x167: {  	_ =	swait.ge [sflag:s20], $0x2800  }
0x168: {  	[sflag:s20] =	ssyncset.done $0x0  }
0x169: {  	s11 =	rddreg [dreg:$0x17];
	[sflag:s20] =	ssyncadd.s32 $0xFFFFD800  }
0x16a: {  	[spmem:s3] =	stream.indirect.scatter.add.f32 [tilespmem:s17], [sflag:$0x4], $0x80, s11, s14, $0xb8;
	[tilespmem:$0x1D080] =	vst v63  }
0x16b: {  	_ =	swait.ge [sflag:s12], $0x2800  }
0x16c: {  	[sflag:s12] =	ssyncset.done $0x0  }
0x16d: {  	s11 =	rddreg [dreg:$0x18];
	[sflag:s12] =	ssyncadd.s32 $0xFFFFD800  }
0x16e: {  	[tilespmem:s17], [sflag:$0x3] =	stream.indirect.gather [hbm4b:s5+s14], $0x80, s11, s14, $0xb8;
	[tilespmem:$0x1D080] =	vst v63  }
0x16f: {  	_ =	swait.ge [sflag:s18], $0x2800  }
0x170: {  	[sflag:s18] =	ssyncset.done $0x0  }
0x171: {  	s11 =	rddreg [dreg:$0x19];
	[sflag:s18] =	ssyncadd.s32 $0xFFFFD800  }
0x172: {  	[spmem:s3] =	stream.indirect.scatter.add.f32 [tilespmem:s15], [sflag:$0x4], $0x80, s11, s14, $0xb8;
	[tilespmem:$0x1D080] =	vst v63  }
0x173: {  	_ =	swait.ge [sflag:s12], $0x2800  }
0x174: {  	[sflag:s12] =	ssyncset.done $0x0  }
0x175: {  	s11 =	rddreg [dreg:$0x1a];
	[sflag:s12] =	ssyncadd.s32 $0xFFFFD800  }
0x176: {  	[tilespmem:s15], [sflag:$0x1] =	stream.indirect.gather [hbm4b:s5+s14], $0x80, s11, s14, $0xb8;
	[tilespmem:$0x1D080] =	vst v63  }
0x177: {  	_ =	swait.ge [sflag:s19], $0x2800  }
0x178: {  	[sflag:s19] =	ssyncset.done $0x0  }
0x179: {  	s11 =	rddreg [dreg:$0x1b];
	[sflag:s19] =	ssyncadd.s32 $0xFFFFD800  }
0x17a: {  	[spmem:s3] =	stream.indirect.scatter.add.f32 [tilespmem:s16], [sflag:$0x4], $0x80, s11, s14, $0xb8;
	[tilespmem:$0x1D080] =	vst v63  }
0x17b: {  	_ =	swait.ge [sflag:s12], $0x2800  }
0x17c: {  	[sflag:s12] =	ssyncset.done $0x0  }
0x17d: {  	s11 =	rddreg [dreg:$0x1c];
	[sflag:s12] =	ssyncadd.s32 $0xFFFFD800  }
0x17e: {  	[tilespmem:s16], [sflag:$0x2] =	stream.indirect.gather [hbm4b:s5+s14], $0x80, s11, s14, $0xb8;
	[tilespmem:$0x1D080] =	vst v63  }
0x17f: {  	_ =	swait.ge [sflag:s20], $0x2800  }
0x180: {  	[sflag:s20] =	ssyncset.done $0x0  }
0x181: {  	s11 =	rddreg [dreg:$0x1d];
	[sflag:s20] =	ssyncadd.s32 $0xFFFFD800  }
0x182: {  	[spmem:s3] =	stream.indirect.scatter.add.f32 [tilespmem:s17], [sflag:$0x4], $0x80, s11, s14, $0xb8;
	[tilespmem:$0x1D080] =	vst v63  }
0x183: {  	_ =	swait.ge [sflag:s12], $0x2800  }
0x184: {  	[sflag:s12] =	ssyncset.done $0x0  }
0x185: {  	s11 =	rddreg [dreg:$0x1e];
	[sflag:s12] =	ssyncadd.s32 $0xFFFFD800  }
0x186: {  	[tilespmem:s17], [sflag:$0x3] =	stream.indirect.gather [hbm4b:s5+s14], $0x80, s11, s14, $0xb8;
	[tilespmem:$0x1D080] =	vst v63  }
0x187: {  	_ =	swait.ge [sflag:s18], $0x2800  }
0x188: {  	[sflag:s18] =	ssyncset.done $0x0  }
0x189: {  	s11 =	rddreg [dreg:$0x1f];
	[sflag:s18] =	ssyncadd.s32 $0xFFFFD800  }
0x18a: {  	[spmem:s3] =	stream.indirect.scatter.add.f32 [tilespmem:s15], [sflag:$0x4], $0x80, s11, s14, $0xb8;
	[tilespmem:$0x1D080] =	vst v63  }
0x18b: {  	_ =	swait.ge [sflag:s12], $0x2800  }
0x18c: {  	s11 =	sld [smem:$0x7F4]  }
0x18d: {  	[sflag:s12] =	ssyncset.done $0x0  }
0x18e: {  	[sflag:s12] =	ssyncadd.s32 $0xFFFFD800  }
0x18f: {  	[tilespmem:s15], [sflag:$0x1] =	stream.indirect.gather [hbm4b:s5+s14], $0x80, s11, s14, $0xb8;
	[tilespmem:$0x1D080] =	vst v63  }
0x190: {  	_ =	swait.ge [sflag:s19], $0x2800  }
0x191: {  	s11 =	sld [smem:$0x7F5]  }
0x192: {  	[sflag:s19] =	ssyncset.done $0x0  }
0x193: {  	[sflag:s19] =	ssyncadd.s32 $0xFFFFD800  }
0x194: {  	[spmem:s3] =	stream.indirect.scatter.add.f32 [tilespmem:s16], [sflag:$0x4], $0x80, s11, s14, $0xb8;
	[tilespmem:$0x1D080] =	vst v63  }
0x195: {  	_ =	swait.ge [sflag:s12], $0x2800  }
0x196: {  	s11 =	sld [smem:$0x7F6]  }
0x197: {  	[sflag:s12] =	ssyncset.done $0x0  }
0x198: {  	[sflag:s12] =	ssyncadd.s32 $0xFFFFD800  }
0x199: {  	[tilespmem:s16], [sflag:$0x2] =	stream.indirect.gather [hbm4b:s5+s14], $0x80, s11, s14, $0xb8;
	[tilespmem:$0x1D080] =	vst v63  }
0x19a: {  	_ =	swait.ge [sflag:s20], $0x2800  }
0x19b: {  	s11 =	sld [smem:$0x7F7]  }
0x19c: {  	[sflag:s20] =	ssyncset.done $0x0  }
0x19d: {  	[sflag:s20] =	ssyncadd.s32 $0xFFFFD800  }
0x19e: {  	[spmem:s3] =	stream.indirect.scatter.add.f32 [tilespmem:s17], [sflag:$0x4], $0x80, s11, s14, $0xb8;
	[tilespmem:$0x1D080] =	vst v63  }
0x19f: {  	_ =	swait.ge [sflag:s12], $0x2800  }
0x1a0: {  	s11 =	sld [smem:$0x7F8]  }
0x1a1: {  	[sflag:s12] =	ssyncset.done $0x0  }
0x1a2: {  	[sflag:s12] =	ssyncadd.s32 $0xFFFFD800  }
0x1a3: {  	[tilespmem:s17], [sflag:$0x3] =	stream.indirect.gather [hbm4b:s5+s14], $0x80, s11, s14, $0xb8;
	[tilespmem:$0x1D080] =	vst v63  }
0x1a4: {  	_ =	swait.ge [sflag:s18], $0x2800  }
0x1a5: {  	s11 =	sld [smem:$0x7F9]  }
0x1a6: {  	[sflag:s18] =	ssyncset.done $0x0  }
0x1a7: {  	[sflag:s18] =	ssyncadd.s32 $0xFFFFD800  }
0x1a8: {  	[spmem:s3] =	stream.indirect.scatter.add.f32 [tilespmem:s15], [sflag:$0x4], $0x80, s11, s14, $0xb8;
	[tilespmem:$0x1D080] =	vst v63  }
0x1a9: {  	_ =	swait.ge [sflag:s12], $0x2800  }
0x1aa: {  	s11 =	sld [smem:$0x7FA]  }
0x1ab: {  	[sflag:s12] =	ssyncset.done $0x0  }
0x1ac: {  	[sflag:s12] =	ssyncadd.s32 $0xFFFFD800  }
0x1ad: {  	[tilespmem:s15], [sflag:$0x1] =	stream.indirect.gather [hbm4b:s5+s14], $0x80, s11, s14, $0xb8;
	[tilespmem:$0x1D080] =	vst v63  }
0x1ae: {  	_ =	swait.ge [sflag:s19], $0x2800  }
0x1af: {  	[sflag:s19] =	ssyncset.done $0x0  }
0x1b0: {  	[sflag:s19] =	ssyncadd.s32 $0xFFFFD800  }
0x1b1: {  	[spmem:s3] =	stream.indirect.scatter.add.f32 [tilespmem:s16], [sflag:$0x4], $0x80, s21, s14, $0xb8;
	[tilespmem:$0x1D080] =	vst v63  }
0x1b2: {  	_ =	swait.ge [sflag:s12], $0x2800  }
0x1b3: {  	[sflag:s12] =	ssyncset.done $0x0  }
0x1b4: {  	[sflag:s12] =	ssyncadd.s32 $0xFFFFD800  }
0x1b5: {  	[tilespmem:s16], [sflag:$0x2] =	stream.indirect.gather [hbm4b:s5+s14], $0x80, s22, s14, $0xb8;
	[tilespmem:$0x1D080] =	vst v63  }
0x1b6: {  	_ =	swait.ge [sflag:s20], $0x2800  }
0x1b7: {  	[sflag:s20] =	ssyncset.done $0x0  }
0x1b8: {  	[sflag:s20] =	ssyncadd.s32 $0xFFFFD800  }
0x1b9: {  	[spmem:s3] =	stream.indirect.scatter.add.f32 [tilespmem:s17], [sflag:$0x4], $0x80, s23, s14, $0xb8;
	[tilespmem:$0x1D080] =	vst v63  }
0x1ba: {  	_ =	swait.ge [sflag:s12], $0x2800  }
0x1bb: {  	[sflag:s12] =	ssyncset.done $0x0  }
0x1bc: {  	[sflag:s12] =	ssyncadd.s32 $0xFFFFD800  }
0x1bd: {  	[tilespmem:s17], [sflag:$0x3] =	stream.indirect.gather [hbm4b:s5+s14], $0x80, s24, s14, $0xb8;
	[tilespmem:$0x1D080] =	vst v63  }
0x1be: {  	_ =	swait.ge [sflag:s18], $0x2800  }
0x1bf: {  	[sflag:s18] =	ssyncset.done $0x0  }
0x1c0: {  	[sflag:s18] =	ssyncadd.s32 $0xFFFFD800  }
0x1c1: {  	[spmem:s3] =	stream.indirect.scatter.add.f32 [tilespmem:s15], [sflag:$0x4], $0x80, s25, s14, $0xb8;
	[tilespmem:$0x1D080] =	vst v63  }
0x1c2: {  	_ =	swait.ge [sflag:s12], $0x2800  }
0x1c3: {  	[sflag:s12] =	ssyncset.done $0x0  }
0x1c4: {  	[sflag:s12] =	ssyncadd.s32 $0xFFFFD800  }
0x1c5: {  	[tilespmem:s15], [sflag:$0x1] =	stream.indirect.gather [hbm4b:s5+s14], $0x80, s26, s14, $0xb8;
	[tilespmem:$0x1D080] =	vst v63  }
0x1c6: {  	_ =	swait.ge [sflag:s19], $0x2800  }
0x1c7: {  	[sflag:s19] =	ssyncset.done $0x0  }
0x1c8: {  	[sflag:s19] =	ssyncadd.s32 $0xFFFFD800  }
0x1c9: {  	[spmem:s3] =	stream.indirect.scatter.add.f32 [tilespmem:s16], [sflag:$0x4], $0x80, s28, s14, $0xb8;
	[tilespmem:$0x1D080] =	vst v63  }
0x1ca: {  	_ =	swait.ge [sflag:s12], $0x2800  }
0x1cb: {  	[sflag:s12] =	ssyncset.done $0x0  }
0x1cc: {  	[sflag:s12] =	ssyncadd.s32 $0xFFFFD800  }
0x1cd: {  	[tilespmem:s16], [sflag:$0x2] =	stream.indirect.gather [hbm4b:s5+s14], $0x80, s29, s14, $0xb8;
	[tilespmem:$0x1D080] =	vst v63  }
0x1ce: {  	_ =	swait.ge [sflag:s20], $0x2800  }
0x1cf: {  	[sflag:s20] =	ssyncset.done $0x0  }
0x1d0: {  	[sflag:s20] =	ssyncadd.s32 $0xFFFFD800  }
0x1d1: {  	[spmem:s3] =	stream.indirect.scatter.add.f32 [tilespmem:s17], [sflag:$0x4], $0x80, s30, s14, $0xb8;
	[tilespmem:$0x1D080] =	vst v63  }
0x1d2: {  	_ =	swait.ge [sflag:s12], $0x2800  }
0x1d3: {  	[sflag:s12] =	ssyncset.done $0x0  }
0x1d4: {  	[sflag:s12] =	ssyncadd.s32 $0xFFFFD800  }
0x1d5: {  	[tilespmem:s17], [sflag:$0x3] =	stream.indirect.gather [hbm4b:s5+s14], $0x80, s31, s14, $0xb8;
	[tilespmem:$0x1D080] =	vst v63  }
0x1d6: {  	_ =	swait.ge [sflag:s18], $0x2800  }
0x1d7: {  	[sflag:s18] =	ssyncset.done $0x0  }
0x1d8: {  	[sflag:s18] =	ssyncadd.s32 $0xFFFFD800  }
0x1d9: {  	[spmem:s3] =	stream.indirect.scatter.add.f32 [tilespmem:s15], [sflag:$0x4], $0x80, s1, s14, $0xb8;
	[tilespmem:$0x1D080] =	vst v63  }
0x1da: {  	_ =	swait.ge [sflag:s12], $0x2800  }
0x1db: {  	[sflag:s12] =	ssyncset.done $0x0  }
0x1dc: {  	[sflag:s12] =	ssyncadd.s32 $0xFFFFD800  }
0x1dd: {  	[tilespmem:s15], [sflag:$0x1] =	stream.indirect.gather [hbm4b:s5+s14], $0x80, s0, s14, $0xb8;
	[tilespmem:$0x1D080] =	vst v63  }
0x1de: {  	_ =	swait.ge [sflag:s19], $0x2800  }
0x1df: {  	[sflag:s19] =	ssyncset.done $0x0  }
0x1e0: {  	[sflag:s19] =	ssyncadd.s32 $0xFFFFD800  }
0x1e1: {  	[spmem:s3] =	stream.indirect.scatter.add.f32 [tilespmem:s16], [sflag:$0x4], $0x80, s2, s14, $0xb8;
	[tilespmem:$0x1D080] =	vst v63  }
0x1e2: {  	_ =	swait.ge [sflag:s12], $0x2800  }
0x1e3: {  	[sflag:s12] =	ssyncset.done $0x0  }
0x1e4: {  	[sflag:s12] =	ssyncadd.s32 $0xFFFFD800  }
0x1e5: {  	_ =	swait.ge [sflag:s20], $0x2800  }
0x1e6: {  	[sflag:s20] =	ssyncset.done $0x0  }
0x1e7: {  	[sflag:s20] =	ssyncadd.s32 $0xFFFFD800  }
0x1e8: {  	[spmem:s3] =	stream.indirect.scatter.add.f32 [tilespmem:s17], [sflag:$0x4], $0x80, s6, s14, $0xb8;
	[tilespmem:$0x1D080] =	vst v63  }
0x1e9: {  	_ =	swait.ge [sflag:s12], $0x2800  }
0x1ea: {  	[sflag:s12] =	ssyncset.done $0x0  }
0x1eb: {  	[sflag:s12] =	ssyncadd.s32 $0xFFFFD800  }
0x1ec: {  	p1 =	sne.s32 s10, $0x800;
	_ =	swait.ge [sflag:s18], $0x2800  }
.Ltmp0:
0x1ed: {  	[sflag:s18] =	ssyncset.done $0x0;
	(pc) =	sbr.rel @p1 .LBB2_2-.Ltmp0, $4  }
0x1ee: {  	[sflag:s18] =	ssyncadd.s32 $0xFFFFD800  }
0x1ef: {  	[spmem:s3] =	stream.indirect.scatter.add.f32 [tilespmem:s15], [sflag:$0x4], $0x80, s7, s14, $0xb8;
	[tilespmem:$0x1D080] =	vst v63  }
0x1f0: {  	_ =	swait.ge [sflag:s12], $0x2800  }
0x1f1: {  	s10 =	sadd.s32 $0x200, s10;
	s11 =	rddreg [dreg:$0x5];
	[sflag:s12] =	ssyncset.done $0x0  }
0x1f2: {  	[sflag:s12] =	ssyncadd.s32 $0xFFFFD800;
	s8 =	sadd.s32 s9, s11  }
0x1f3: {  	[tilespmem:s4], [sflag:$0x4] =	stream.linear.gather [hbm4b:s8+s4], $0xC80, $0x38;
	[tilespmem:$0x1D080] =	vst v63  }
0x1f4: {  	_ =	swait.ge [sflag:s12], $0xC80  }
0x1f5: {  	s11 =	rddreg [dreg:$0x4];
	[sflag:s12] =	ssyncset.done $0x0  }
0x1f6: {  	[sflag:s12] =	ssyncadd.s32 $0xFFFFF380;
	s8 =	sadd.s32 s9, s11  }
0x1f7: {  	[tilespmem:s13], [sflag:$0x4] =	stream.linear.gather [hbm4b:s8+s4], $0xC80, $0x38;
	[tilespmem:$0x1D080] =	vst v63  }
0x1f8: {  	_ =	swait.ge [sflag:s12], $0xC80  }
0x1f9: {  	[sflag:s12] =	ssyncset.done $0x0  }
0x1fa: {  	[sflag:s12] =	ssyncadd.s32 $0xFFFFF380  }
0x1fb: {  	[tilespmem:s15], [sflag:$0x1] =	stream.indirect.gather [hbm4b:s5+s14], $0x80, s4, s14, $0xb8;
	[tilespmem:$0x1D080] =	vst v63  }
0x1fc: {  	s9 =	rddreg [dreg:$0x6]  }
0x1fd: {  	[tilespmem:s16], [sflag:$0x2] =	stream.indirect.gather [hbm4b:s5+s14], $0x80, s9, s14, $0xb8;
	[tilespmem:$0x1D080] =	vst v63  }
0x1fe: {  	s10 =	rddreg [dreg:$0x7]  }
0x1ff: {  	[tilespmem:s17], [sflag:$0x3] =	stream.indirect.gather [hbm4b:s5+s14], $0x80, s10, s14, $0xb8;
	[tilespmem:$0x1D080] =	vst v63  }
0x200: {  	_ =	swait.ge [sflag:s18], $0x2800  }
0x201: {  	[sflag:s18] =	ssyncset.done $0x0  }
0x202: {  	[sflag:s18] =	ssyncadd.s32 $0xFFFFD800  }
0x203: {  	[spmem:s3] =	stream.indirect.scatter.add.f32 [tilespmem:s15], [sflag:$0x4], $0x80, s13, s14, $0xb8;
	[tilespmem:$0x1D080] =	vst v63  }
0x204: {  	_ =	swait.ge [sflag:s12], $0x2800  }
0x205: {  	[sflag:s12] =	ssyncset.done $0x0  }
0x206: {  	s11 =	rddreg [dreg:$0x8];
	[sflag:s12] =	ssyncadd.s32 $0xFFFFD800  }
0x207: {  	[tilespmem:s15], [sflag:$0x1] =	stream.indirect.gather [hbm4b:s5+s14], $0x80, s11, s14, $0xb8;
	[tilespmem:$0x1D080] =	vst v63  }
0x208: {  	_ =	swait.ge [sflag:s19], $0x2800  }
0x209: {  	[sflag:s19] =	ssyncset.done $0x0  }
0x20a: {  	s9 =	rddreg [dreg:$0x9];
	[sflag:s19] =	ssyncadd.s32 $0xFFFFD800  }
0x20b: {  	[spmem:s3] =	stream.indirect.scatter.add.f32 [tilespmem:s16], [sflag:$0x4], $0x80, s9, s14, $0xb8;
	[tilespmem:$0x1D080] =	vst v63  }
0x20c: {  	_ =	swait.ge [sflag:s12], $0x2800  }
0x20d: {  	[sflag:s12] =	ssyncset.done $0x0  }
0x20e: {  	s10 =	rddreg [dreg:$0xa];
	[sflag:s12] =	ssyncadd.s32 $0xFFFFD800  }
0x20f: {  	[tilespmem:s16], [sflag:$0x2] =	stream.indirect.gather [hbm4b:s5+s14], $0x80, s10, s14, $0xb8;
	[tilespmem:$0x1D080] =	vst v63  }
0x210: {  	_ =	swait.ge [sflag:s20], $0x2800  }
0x211: {  	[sflag:s20] =	ssyncset.done $0x0  }
0x212: {  	s11 =	rddreg [dreg:$0xb];
	[sflag:s20] =	ssyncadd.s32 $0xFFFFD800  }
0x213: {  	[spmem:s3] =	stream.indirect.scatter.add.f32 [tilespmem:s17], [sflag:$0x4], $0x80, s11, s14, $0xb8;
	[tilespmem:$0x1D080] =	vst v63  }
0x214: {  	_ =	swait.ge [sflag:s12], $0x2800  }
0x215: {  	[sflag:s12] =	ssyncset.done $0x0  }
0x216: {  	s9 =	rddreg [dreg:$0xc];
	[sflag:s12] =	ssyncadd.s32 $0xFFFFD800  }
0x217: {  	[tilespmem:s17], [sflag:$0x3] =	stream.indirect.gather [hbm4b:s5+s14], $0x80, s9, s14, $0xb8;
	[tilespmem:$0x1D080] =	vst v63  }
0x218: {  	_ =	swait.ge [sflag:s18], $0x2800  }
0x219: {  	[sflag:s18] =	ssyncset.done $0x0  }
0x21a: {  	s10 =	rddreg [dreg:$0xd];
	[sflag:s18] =	ssyncadd.s32 $0xFFFFD800  }
0x21b: {  	[spmem:s3] =	stream.indirect.scatter.add.f32 [tilespmem:s15], [sflag:$0x4], $0x80, s10, s14, $0xb8;
	[tilespmem:$0x1D080] =	vst v63  }
0x21c: {  	_ =	swait.ge [sflag:s12], $0x2800  }
0x21d: {  	[sflag:s12] =	ssyncset.done $0x0  }
0x21e: {  	s11 =	rddreg [dreg:$0xe];
	[sflag:s12] =	ssyncadd.s32 $0xFFFFD800  }
0x21f: {  	[tilespmem:s15], [sflag:$0x1] =	stream.indirect.gather [hbm4b:s5+s14], $0x80, s11, s14, $0xb8;
	[tilespmem:$0x1D080] =	vst v63  }
0x220: {  	_ =	swait.ge [sflag:s19], $0x2800  }
0x221: {  	[sflag:s19] =	ssyncset.done $0x0  }
0x222: {  	s9 =	rddreg [dreg:$0xf];
	[sflag:s19] =	ssyncadd.s32 $0xFFFFD800  }
0x223: {  	[spmem:s3] =	stream.indirect.scatter.add.f32 [tilespmem:s16], [sflag:$0x4], $0x80, s9, s14, $0xb8;
	[tilespmem:$0x1D080] =	vst v63  }
0x224: {  	_ =	swait.ge [sflag:s12], $0x2800  }
0x225: {  	[sflag:s12] =	ssyncset.done $0x0  }
0x226: {  	s10 =	rddreg [dreg:$0x10];
	[sflag:s12] =	ssyncadd.s32 $0xFFFFD800  }
0x227: {  	[tilespmem:s16], [sflag:$0x2] =	stream.indirect.gather [hbm4b:s5+s14], $0x80, s10, s14, $0xb8;
	[tilespmem:$0x1D080] =	vst v63  }
0x228: {  	_ =	swait.ge [sflag:s20], $0x2800  }
0x229: {  	[sflag:s20] =	ssyncset.done $0x0  }
0x22a: {  	s11 =	rddreg [dreg:$0x11];
	[sflag:s20] =	ssyncadd.s32 $0xFFFFD800  }
0x22b: {  	[spmem:s3] =	stream.indirect.scatter.add.f32 [tilespmem:s17], [sflag:$0x4], $0x80, s11, s14, $0xb8;
	[tilespmem:$0x1D080] =	vst v63  }
0x22c: {  	_ =	swait.ge [sflag:s12], $0x2800  }
0x22d: {  	[sflag:s12] =	ssyncset.done $0x0  }
0x22e: {  	s9 =	rddreg [dreg:$0x12];
	[sflag:s12] =	ssyncadd.s32 $0xFFFFD800  }
0x22f: {  	[tilespmem:s17], [sflag:$0x3] =	stream.indirect.gather [hbm4b:s5+s14], $0x80, s9, s14, $0xb8;
	[tilespmem:$0x1D080] =	vst v63  }
0x230: {  	_ =	swait.ge [sflag:s18], $0x2800  }
0x231: {  	[sflag:s18] =	ssyncset.done $0x0  }
0x232: {  	s10 =	rddreg [dreg:$0x13];
	[sflag:s18] =	ssyncadd.s32 $0xFFFFD800  }
0x233: {  	[spmem:s3] =	stream.indirect.scatter.add.f32 [tilespmem:s15], [sflag:$0x4], $0x80, s10, s14, $0xb8;
	[tilespmem:$0x1D080] =	vst v63  }
0x234: {  	_ =	swait.ge [sflag:s12], $0x2800  }
0x235: {  	[sflag:s12] =	ssyncset.done $0x0  }
0x236: {  	s11 =	rddreg [dreg:$0x14];
	[sflag:s12] =	ssyncadd.s32 $0xFFFFD800  }
0x237: {  	[tilespmem:s15], [sflag:$0x1] =	stream.indirect.gather [hbm4b:s5+s14], $0x80, s11, s14, $0xb8;
	[tilespmem:$0x1D080] =	vst v63  }
0x238: {  	_ =	swait.ge [sflag:s19], $0x2800  }
0x239: {  	[sflag:s19] =	ssyncset.done $0x0  }
0x23a: {  	s9 =	rddreg [dreg:$0x15];
	[sflag:s19] =	ssyncadd.s32 $0xFFFFD800  }
0x23b: {  	[spmem:s3] =	stream.indirect.scatter.add.f32 [tilespmem:s16], [sflag:$0x4], $0x80, s9, s14, $0xb8;
	[tilespmem:$0x1D080] =	vst v63  }
0x23c: {  	_ =	swait.ge [sflag:s12], $0x2800  }
0x23d: {  	[sflag:s12] =	ssyncset.done $0x0  }
0x23e: {  	s10 =	rddreg [dreg:$0x16];
	[sflag:s12] =	ssyncadd.s32 $0xFFFFD800  }
0x23f: {  	[tilespmem:s16], [sflag:$0x2] =	stream.indirect.gather [hbm4b:s5+s14], $0x80, s10, s14, $0xb8;
	[tilespmem:$0x1D080] =	vst v63  }
0x240: {  	_ =	swait.ge [sflag:s20], $0x2800  }
0x241: {  	[sflag:s20] =	ssyncset.done $0x0  }
0x242: {  	s11 =	rddreg [dreg:$0x17];
	[sflag:s20] =	ssyncadd.s32 $0xFFFFD800  }
0x243: {  	[spmem:s3] =	stream.indirect.scatter.add.f32 [tilespmem:s17], [sflag:$0x4], $0x80, s11, s14, $0xb8;
	[tilespmem:$0x1D080] =	vst v63  }
0x244: {  	_ =	swait.ge [sflag:s12], $0x2800  }
0x245: {  	[sflag:s12] =	ssyncset.done $0x0  }
0x246: {  	s9 =	rddreg [dreg:$0x18];
	[sflag:s12] =	ssyncadd.s32 $0xFFFFD800  }
0x247: {  	[tilespmem:s17], [sflag:$0x3] =	stream.indirect.gather [hbm4b:s5+s14], $0x80, s9, s14, $0xb8;
	[tilespmem:$0x1D080] =	vst v63  }
0x248: {  	_ =	swait.ge [sflag:s18], $0x2800  }
0x249: {  	[sflag:s18] =	ssyncset.done $0x0  }
0x24a: {  	s10 =	rddreg [dreg:$0x19];
	[sflag:s18] =	ssyncadd.s32 $0xFFFFD800  }
0x24b: {  	[spmem:s3] =	stream.indirect.scatter.add.f32 [tilespmem:s15], [sflag:$0x4], $0x80, s10, s14, $0xb8;
	[tilespmem:$0x1D080] =	vst v63  }
0x24c: {  	_ =	swait.ge [sflag:s12], $0x2800  }
0x24d: {  	[sflag:s12] =	ssyncset.done $0x0  }
0x24e: {  	s11 =	rddreg [dreg:$0x1a];
	[sflag:s12] =	ssyncadd.s32 $0xFFFFD800  }
0x24f: {  	[tilespmem:s15], [sflag:$0x1] =	stream.indirect.gather [hbm4b:s5+s14], $0x80, s11, s14, $0xb8;
	[tilespmem:$0x1D080] =	vst v63  }
0x250: {  	_ =	swait.ge [sflag:s19], $0x2800  }
0x251: {  	[sflag:s19] =	ssyncset.done $0x0  }
0x252: {  	s9 =	rddreg [dreg:$0x1b];
	[sflag:s19] =	ssyncadd.s32 $0xFFFFD800  }
0x253: {  	[spmem:s3] =	stream.indirect.scatter.add.f32 [tilespmem:s16], [sflag:$0x4], $0x80, s9, s14, $0xb8;
	[tilespmem:$0x1D080] =	vst v63  }
0x254: {  	_ =	swait.ge [sflag:s12], $0x2800  }
0x255: {  	[sflag:s12] =	ssyncset.done $0x0  }
0x256: {  	s10 =	rddreg [dreg:$0x1c];
	[sflag:s12] =	ssyncadd.s32 $0xFFFFD800  }
0x257: {  	[tilespmem:s16], [sflag:$0x2] =	stream.indirect.gather [hbm4b:s5+s14], $0x80, s10, s14, $0xb8;
	[tilespmem:$0x1D080] =	vst v63  }
0x258: {  	_ =	swait.ge [sflag:s20], $0x2800  }
0x259: {  	[sflag:s20] =	ssyncset.done $0x0  }
0x25a: {  	s11 =	rddreg [dreg:$0x1d];
	[sflag:s20] =	ssyncadd.s32 $0xFFFFD800  }
0x25b: {  	[spmem:s3] =	stream.indirect.scatter.add.f32 [tilespmem:s17], [sflag:$0x4], $0x80, s11, s14, $0xb8;
	[tilespmem:$0x1D080] =	vst v63  }
0x25c: {  	_ =	swait.ge [sflag:s12], $0x2800  }
0x25d: {  	[sflag:s12] =	ssyncset.done $0x0  }
0x25e: {  	s9 =	rddreg [dreg:$0x1e];
	[sflag:s12] =	ssyncadd.s32 $0xFFFFD800  }
0x25f: {  	[tilespmem:s17], [sflag:$0x3] =	stream.indirect.gather [hbm4b:s5+s14], $0x80, s9, s14, $0xb8;
	[tilespmem:$0x1D080] =	vst v63  }
0x260: {  	_ =	swait.ge [sflag:s18], $0x2800  }
0x261: {  	[sflag:s18] =	ssyncset.done $0x0  }
0x262: {  	s10 =	rddreg [dreg:$0x1f];
	[sflag:s18] =	ssyncadd.s32 $0xFFFFD800  }
0x263: {  	[spmem:s3] =	stream.indirect.scatter.add.f32 [tilespmem:s15], [sflag:$0x4], $0x80, s10, s14, $0xb8;
	[tilespmem:$0x1D080] =	vst v63  }
0x264: {  	_ =	swait.ge [sflag:s12], $0x2800  }
0x265: {  	s11 =	sld [smem:$0x7F4]  }
0x266: {  	[sflag:s12] =	ssyncset.done $0x0  }
0x267: {  	[sflag:s12] =	ssyncadd.s32 $0xFFFFD800  }
0x268: {  	[tilespmem:s15], [sflag:$0x1] =	stream.indirect.gather [hbm4b:s5+s14], $0x80, s11, s14, $0xb8;
	[tilespmem:$0x1D080] =	vst v63  }
0x269: {  	_ =	swait.ge [sflag:s19], $0x2800  }
0x26a: {  	s9 =	sld [smem:$0x7F5]  }
0x26b: {  	[sflag:s19] =	ssyncset.done $0x0  }
0x26c: {  	[sflag:s19] =	ssyncadd.s32 $0xFFFFD800  }
0x26d: {  	[spmem:s3] =	stream.indirect.scatter.add.f32 [tilespmem:s16], [sflag:$0x4], $0x80, s9, s14, $0xb8;
	[tilespmem:$0x1D080] =	vst v63  }
0x26e: {  	_ =	swait.ge [sflag:s12], $0x2800  }
0x26f: {  	s10 =	sld [smem:$0x7F6]  }
0x270: {  	[sflag:s12] =	ssyncset.done $0x0  }
0x271: {  	[sflag:s12] =	ssyncadd.s32 $0xFFFFD800  }
0x272: {  	[tilespmem:s16], [sflag:$0x2] =	stream.indirect.gather [hbm4b:s5+s14], $0x80, s10, s14, $0xb8;
	[tilespmem:$0x1D080] =	vst v63  }
0x273: {  	_ =	swait.ge [sflag:s20], $0x2800  }
0x274: {  	s11 =	sld [smem:$0x7F7]  }
0x275: {  	[sflag:s20] =	ssyncset.done $0x0  }
0x276: {  	[sflag:s20] =	ssyncadd.s32 $0xFFFFD800  }
0x277: {  	[spmem:s3] =	stream.indirect.scatter.add.f32 [tilespmem:s17], [sflag:$0x4], $0x80, s11, s14, $0xb8;
	[tilespmem:$0x1D080] =	vst v63  }
0x278: {  	_ =	swait.ge [sflag:s12], $0x2800  }
0x279: {  	s9 =	sld [smem:$0x7F8]  }
0x27a: {  	[sflag:s12] =	ssyncset.done $0x0  }
0x27b: {  	[sflag:s12] =	ssyncadd.s32 $0xFFFFD800  }
0x27c: {  	[tilespmem:s17], [sflag:$0x3] =	stream.indirect.gather [hbm4b:s5+s14], $0x80, s9, s14, $0xb8;
	[tilespmem:$0x1D080] =	vst v63  }
0x27d: {  	_ =	swait.ge [sflag:s18], $0x2800  }
0x27e: {  	s10 =	sld [smem:$0x7F9]  }
0x27f: {  	[sflag:s18] =	ssyncset.done $0x0  }
0x280: {  	[sflag:s18] =	ssyncadd.s32 $0xFFFFD800  }
0x281: {  	[spmem:s3] =	stream.indirect.scatter.add.f32 [tilespmem:s15], [sflag:$0x4], $0x80, s10, s14, $0xb8;
	[tilespmem:$0x1D080] =	vst v63  }
0x282: {  	_ =	swait.ge [sflag:s12], $0x2800  }
0x283: {  	s11 =	sld [smem:$0x7FA]  }
0x284: {  	[sflag:s12] =	ssyncset.done $0x0  }
0x285: {  	[sflag:s12] =	ssyncadd.s32 $0xFFFFD800  }
0x286: {  	[tilespmem:s15], [sflag:$0x1] =	stream.indirect.gather [hbm4b:s5+s14], $0x80, s11, s14, $0xb8;
	[tilespmem:$0x1D080] =	vst v63  }
0x287: {  	_ =	swait.ge [sflag:s19], $0x2800  }
0x288: {  	[sflag:s19] =	ssyncset.done $0x0  }
0x289: {  	[sflag:s19] =	ssyncadd.s32 $0xFFFFD800  }
0x28a: {  	[spmem:s3] =	stream.indirect.scatter.add.f32 [tilespmem:s16], [sflag:$0x4], $0x80, s21, s14, $0xb8;
	[tilespmem:$0x1D080] =	vst v63  }
0x28b: {  	_ =	swait.ge [sflag:s12], $0x2800  }
0x28c: {  	[sflag:s12] =	ssyncset.done $0x0  }
0x28d: {  	[sflag:s12] =	ssyncadd.s32 $0xFFFFD800  }
0x28e: {  	[tilespmem:s16], [sflag:$0x2] =	stream.indirect.gather [hbm4b:s5+s14], $0x80, s22, s14, $0xb8;
	[tilespmem:$0x1D080] =	vst v63  }
0x28f: {  	_ =	swait.ge [sflag:s20], $0x2800  }
0x290: {  	[sflag:s20] =	ssyncset.done $0x0  }
0x291: {  	[sflag:s20] =	ssyncadd.s32 $0xFFFFD800  }
0x292: {  	[spmem:s3] =	stream.indirect.scatter.add.f32 [tilespmem:s17], [sflag:$0x4], $0x80, s23, s14, $0xb8;
	[tilespmem:$0x1D080] =	vst v63  }
0x293: {  	_ =	swait.ge [sflag:s12], $0x2800  }
0x294: {  	[sflag:s12] =	ssyncset.done $0x0  }
0x295: {  	[sflag:s12] =	ssyncadd.s32 $0xFFFFD800  }
0x296: {  	[tilespmem:s17], [sflag:$0x3] =	stream.indirect.gather [hbm4b:s5+s14], $0x80, s24, s14, $0xb8;
	[tilespmem:$0x1D080] =	vst v63  }
0x297: {  	_ =	swait.ge [sflag:s18], $0x2800  }
0x298: {  	[sflag:s18] =	ssyncset.done $0x0  }
0x299: {  	[sflag:s18] =	ssyncadd.s32 $0xFFFFD800  }
0x29a: {  	[spmem:s3] =	stream.indirect.scatter.add.f32 [tilespmem:s15], [sflag:$0x4], $0x80, s25, s14, $0xb8;
	[tilespmem:$0x1D080] =	vst v63  }
0x29b: {  	_ =	swait.ge [sflag:s12], $0x2800  }
0x29c: {  	[sflag:s12] =	ssyncset.done $0x0  }
0x29d: {  	[sflag:s12] =	ssyncadd.s32 $0xFFFFD800  }
0x29e: {  	[tilespmem:s15], [sflag:$0x1] =	stream.indirect.gather [hbm4b:s5+s14], $0x80, s26, s14, $0xb8;
	[tilespmem:$0x1D080] =	vst v63  }
0x29f: {  	_ =	swait.ge [sflag:s19], $0x2800  }
0x2a0: {  	[sflag:s19] =	ssyncset.done $0x0  }
0x2a1: {  	[sflag:s19] =	ssyncadd.s32 $0xFFFFD800  }
0x2a2: {  	[spmem:s3] =	stream.indirect.scatter.add.f32 [tilespmem:s16], [sflag:$0x4], $0x80, s28, s14, $0xb8;
	[tilespmem:$0x1D080] =	vst v63  }
0x2a3: {  	_ =	swait.ge [sflag:s12], $0x2800  }
0x2a4: {  	[sflag:s12] =	ssyncset.done $0x0  }
0x2a5: {  	[sflag:s12] =	ssyncadd.s32 $0xFFFFD800  }
0x2a6: {  	[tilespmem:s16], [sflag:$0x2] =	stream.indirect.gather [hbm4b:s5+s14], $0x80, s29, s14, $0xb8;
	[tilespmem:$0x1D080] =	vst v63  }
0x2a7: {  	_ =	swait.ge [sflag:s20], $0x2800  }
0x2a8: {  	[sflag:s20] =	ssyncset.done $0x0  }
0x2a9: {  	[sflag:s20] =	ssyncadd.s32 $0xFFFFD800  }
0x2aa: {  	[spmem:s3] =	stream.indirect.scatter.add.f32 [tilespmem:s17], [sflag:$0x4], $0x80, s30, s14, $0xb8;
	[tilespmem:$0x1D080] =	vst v63  }
0x2ab: {  	_ =	swait.ge [sflag:s12], $0x2800  }
0x2ac: {  	[sflag:s12] =	ssyncset.done $0x0  }
0x2ad: {  	[sflag:s12] =	ssyncadd.s32 $0xFFFFD800  }
0x2ae: {  	[tilespmem:s17], [sflag:$0x3] =	stream.indirect.gather [hbm4b:s5+s14], $0x80, s31, s14, $0xb8;
	[tilespmem:$0x1D080] =	vst v63  }
0x2af: {  	_ =	swait.ge [sflag:s18], $0x2800  }
0x2b0: {  	[sflag:s18] =	ssyncset.done $0x0  }
0x2b1: {  	[sflag:s18] =	ssyncadd.s32 $0xFFFFD800  }
0x2b2: {  	[spmem:s3] =	stream.indirect.scatter.add.f32 [tilespmem:s15], [sflag:$0x4], $0x80, s1, s14, $0xb8;
	[tilespmem:$0x1D080] =	vst v63  }
0x2b3: {  	_ =	swait.ge [sflag:s12], $0x2800  }
0x2b4: {  	[sflag:s12] =	ssyncset.done $0x0  }
0x2b5: {  	[sflag:s12] =	ssyncadd.s32 $0xFFFFD800  }
0x2b6: {  	[tilespmem:s15], [sflag:$0x1] =	stream.indirect.gather [hbm4b:s5+s14], $0x80, s0, s14, $0xb8;
	[tilespmem:$0x1D080] =	vst v63  }
0x2b7: {  	_ =	swait.ge [sflag:s19], $0x2800  }
0x2b8: {  	[sflag:s19] =	ssyncset.done $0x0  }
0x2b9: {  	[sflag:s19] =	ssyncadd.s32 $0xFFFFD800  }
0x2ba: {  	[spmem:s3] =	stream.indirect.scatter.add.f32 [tilespmem:s16], [sflag:$0x4], $0x80, s2, s14, $0xb8;
	[tilespmem:$0x1D080] =	vst v63  }
0x2bb: {  	_ =	swait.ge [sflag:s12], $0x2800  }
0x2bc: {  	[sflag:s12] =	ssyncset.done $0x0  }
0x2bd: {  	[sflag:s12] =	ssyncadd.s32 $0xFFFFD800  }
0x2be: {  	_ =	swait.ge [sflag:s20], $0x2800  }
0x2bf: {  	[sflag:s20] =	ssyncset.done $0x0  }
0x2c0: {  	[sflag:s20] =	ssyncadd.s32 $0xFFFFD800  }
0x2c1: {  	[spmem:s3] =	stream.indirect.scatter.add.f32 [tilespmem:s17], [sflag:$0x4], $0x80, s6, s14, $0xb8;
	[tilespmem:$0x1D080] =	vst v63  }
0x2c2: {  	_ =	swait.ge [sflag:s12], $0x2800  }
0x2c3: {  	[sflag:s12] =	ssyncset.done $0x0  }
0x2c4: {  	[sflag:s12] =	ssyncadd.s32 $0xFFFFD800  }
0x2c5: {  	_ =	swait.ge [sflag:s18], $0x2800  }
0x2c6: {  	[sflag:s18] =	ssyncset.done $0x0  }
0x2c7: {  	[sflag:s18] =	ssyncadd.s32 $0xFFFFD800  }
0x2c8: {  	[spmem:s3] =	stream.indirect.scatter.add.f32 [tilespmem:s15], [sflag:$0x4], $0x80, s7, s14, $0xb8;
	[tilespmem:$0x1D080] =	vst v63  }
0x2c9: {  	_ =	swait.ge [sflag:s12], $0x2800  }
0x2ca: {  	[sflag:s12] =	ssyncset.done $0x0  }
0x2cb: {  	[sflag:s12] =	ssyncadd.s32 $0xFFFFD800  }
0x2cc: {  	[bflag:$0x0] =	sbarrier.arrive $0xFFFF  }
0x2cd: {  	[bflag:$0x0] =	sbarrier.arrive $0xFFFF  }
0x2ce: {  	s8 =	sld [smem:$0x7F0]  }
0x2cf: {  	s9 =	sld [smem:$0x7F3]  }
0x2d0: {  	s11 =	sld [smem:$0x7FC];
	_ =	sdelay $0x2  }
0x2d1: {  	[hbm:s8], [sflag:s9] =	dma.local @p0 [spmem:s11], $0x2700  }
0x2d2: {  	s8 =	simm.s32 @p0 $0x4  }
0x2d3: {  	_ =	swait.ge @p0 [sflag:s8], $0x2700  }
0x2d4: {  	s9 =	sld [smem:$0x7F1]  }
0x2d5: {  	s10 =	sld [smem:$0x7FD]  }
0x2d6: {  	[sflag:s8] =	ssyncset.done @p0 $0x0  }
0x2d7: {  	[sflag:s8] =	ssyncadd.s32 @p0 $0xFFFFD900;
	s8 =	simm.s32 @!p0 $0x1FC4  }
0x2d8: {  	[hbm:s9], [sflag:s8] =	dma.local @!p0 [spmem:s10], $0x2800  }
0x2d9: {  	s9 =	simm.s32 @!p0 $0x4  }
0x2da: {  	_ =	swait.ge @!p0 [sflag:s9], $0x2800  }
0x2db: {  	s8 =	sld [smem:$0x7FB]  }
0x2dc: {  	[sflag:s9] =	ssyncset.done @!p0 $0x0;
	s9 =	sld [smem:$0x7F2];
	_ =	sdelay $0x1  }
0x2dd: {  	s8 =	sadd.s32 $0x1, s8  }
0x2de: {  	p1 =	sne.s32 s8, s9  }
.Ltmp1:
0x2df: {  	_ = 	snop;
	(pc) =	sbr.rel @p1 .LBB2_1-.Ltmp1, $3  }
0x2e0: {  	_ =	sdelay $0x1  }
0x2e1: {  	[smem:$0x7FB] =	sst s8;
	s8 =	simm.s32 @!p0 $0x4  }
0x2e2: {  	[sflag:s8] =	ssyncadd.s32 @!p0 $0xFFFFD800  }
0x2e3: {  	_ =	sfence.sel $0x180000  }
0x2e4: {  	[bflag:$0x0] =	sbarrier.arrive $0xFFFF  }
0x2e5: {  	_ =	strace $0x9000004D  }
0x2e6: {  	s0 =	stileid.u32;
	[bflag:$0x2] =	sbarrier.arrive $0xFFFF  }
0x2e7: {  	p0 =	sne.s32 s0, $0x0;
	s0 =	rddreg [dreg:$0x3]  }
0x2e8: {  	s0 =	sadd.s32 @!p0 $0x100000, s0  }
0x2e9: {  	[sflag:s0] =	ssyncadd.tile.s32 @!p0 $0x1;
	_ =	shalt  }
.Lfunc_end2:
_tile_overlayer_lowered:
.L_overlay_start_2:
0x2ea: {  	(tag) =	ssettag $0x2  }
0x2eb: {  	s0 =	rddreg [dreg:$0x0];
	s2 =	stileid.u32  }
0x2ec: {  	s1 =	rddreg [dreg:$0x1];
	p0 =	sne.s32 s2, $0x0  }
0x2ed: {  	s3 =	rddreg [dreg:$0x2];
	[bflag:$0x3] =	sbarrier.arrive $0xFFFF;
	s2 =	simm.s32 @!p0 $0x1C04  }
0x2ee: {  	[timem:s3], [sflag:s2] =	dma.local @!p0 [hbm:s0], s1  }
0x2ef: {  	s0 =	simm.s32 @!p0 $0x4  }
0x2f0: {  	_ =	swait.ge @!p0 [sflag:s0], s1  }
0x2f1: {  	s1 =	ssub.s32 @!p0 $0x0, s1;
	[sflag:s0] =	ssyncset.done @!p0 $0x0  }
0x2f2: {  	[sflag:s0] =	ssyncadd.s32 @!p0 s1  }
0x2f3: {  	[bflag:$0x3] =	sbarrier.arrive $0xFFFF  }
0x2f4: {  	_ =	shalt  }

// kernel: kernel.20.cloned.1.call-start
scs
__scs_entry_jumppad:
0x0: {  	(pc) =	sbr.rel $0x88, $3  }
0x1: {  	(tag) =	ssettag $0x0;
	lr =	simm.s32 $0x1  }
0x2: {  	[smem:$0x3F91] =	sst lr;
	_ =	strace $0xD0000000  }
0x3: {  	_ = 	snop  }
0x4: {  	_ = 	snop  }
0x5: {  	_ = 	snop  }
0x6: {  	_ = 	snop  }
0x7: {  	_ = 	snop  }
__scs_overlays_trampoline_lowered:
0x8: {  	[smem:$0x3FA0] =	sst s0  }
0x9: {  	[smem:$0x3FA1] =	sst s1  }
0xa: {  	[smem:$0x3FA2] =	sst s2  }
0xb: {  	[smem:$0x3FA3] =	sst s3  }
0xc: {  	[smem:$0x3FA4] =	sst s4  }
0xd: {  	[smem:$0x3FA5] =	sst s5  }
0xe: {  	[smem:$0x3FA6] =	sst s6  }
0xf: {  	[smem:$0x3FA7] =	sst s7  }
0x10: {  	[smem:$0x3FA8] =	sst s8  }
0x11: {  	[smem:$0x3FA9] =	sst s9;
	s0 =	simm.s32 @!p0 $0x0  }
0x12: {  	s1 =	sld [smem:$0x3F8F];
	s0 =	simm.s32 @p0 $0x1  }
0x13: {  	[smem:$0x3FAA] =	sst s0;
	s0 =	simm.s32 @!p1 $0x0  }
0x14: {  	s2 =	sld [smem:$0x3F8E];
	s0 =	simm.s32 @p1 $0x1  }
0x15: {  	[smem:$0x3FAB] =	sst s0;
	s0 =	simm.s32 @!p2 $0x0  }
0x16: {  	s3 =	sld [smem:$0x3FDB];
	s0 =	simm.s32 @p2 $0x1  }
0x17: {  	s4 =	simm.s32 $0x1BF5;
	[smem:$0x3FAD] =	sst s0  }
0x18: {  	s0 =	sld [smem:$0x3F90];
	_ =	swait.ge [sflag:s4], $0x0  }
0x19: {  	s7 =	sld [smem:$0x3F91]  }
0x1a: {  	s8 =	sadd.s32 $0xFFFFE003, lr  }
0x1b: {  	s9 =	sadd.s32 $0xFFFFFEF7, lr;
	s5 =	simm.s32 $0xFFFFFFFF;
	p2 =	slt.u32 s8, $0xFFFFF086  }
0x1c: {  	p1 =	slt.u32 s9, $0xF7A;
	s5 =	simm.s32 @!p2 $0x0  }
0x1d: {  	s5 =	simm.s32 @p1 $0x1;
	p0 =	seq.s32 s7, s2  }
0x1e: {  	s7 =	smul.u32 @!p0 $0xF7A, s2;
	p2 =	seq.s32 @!p0 s5, $0x0  }
0x1f: {  	s9 =	smul.u32 $0xF7A, s1;
	s8 =	simm.s32 @!p0 $0x1BF5;
	p2 =	por !p2, p0  }
0x20: {  	[sflag:s8] =	ssyncset.s32 @!p0 $0xFFFFF086;
	s6 =	sadd.s32 @!p0 s3, s7;
	s7 =	simm.s32 @!p0 $0x108  }
0x21: {  	s3 =	sadd.s32 s3, s9;
	s6 =	sadd.s32 @!p0 $0x88, s6;
	s7 =	simm.s32 @p2 $0x1082  }
0x22: {  	[simem:s7], [sflag:s8] =	dma.local @!p0 [hbm:s6], $0xF7A  }
0x23: {  	s9 =	sor.u32 $0xD0000000, s2;
	s6 =	simm.s32 $0x108;
	_ =	swait.ge @!p0 [sflag:s8], $0x0  }
0x24: {  	s3 =	sadd.s32 $0x88, s3;
	s6 =	simm.s32 @!p1 $0x1082;
	[sflag:s4] =	ssyncset.s32 $0xFFFFF086  }
0x25: {  	[simem:s6], [sflag:s4] =	dma.local [hbm:s3], $0xF7A  }
0x26: {  	[smem:$0x3F91] =	sst s1;
	(tag) =	ssettag s2;
	_ =	strace s9  }
0x27: {  	s1 =	sld [smem:$0x3FA1]  }
0x28: {  	s2 =	sld [smem:$0x3FA2]  }
0x29: {  	s4 =	sld [smem:$0x3FA4]  }
0x2a: {  	p0 =	seq.s32 s5, $0x0;
	s5 =	sld [smem:$0x3FA5]  }
0x2b: {  	s6 =	sld [smem:$0x3FA6]  }
0x2c: {  	s7 =	sld [smem:$0x3FA7]  }
0x2d: {  	s3 =	simm.s32 $0x108;
	s8 =	sld [smem:$0x3FA8]  }
0x2e: {  	s3 =	simm.s32 @!p0 $0x1082;
	s9 =	sld [smem:$0x3FA9]  }
0x2f: {  	lr =	sadd.s32 s0, s3;
	s0 =	sld [smem:$0x3FA0]  }
0x30: {  	s3 =	sld [smem:$0x3FA3]  }
0x31: {  	[smem:$0x3FAC] =	sst s10  }
0x32: {  	s10 =	sld [smem:$0x3FAA];
	_ =	sdelay $0x3  }
0x33: {  	p0 =	seq.s32 s10, $0x1;
	s10 =	sld [smem:$0x3FAC];
	_ =	sdelay $0x3  }
0x34: {  	[smem:$0x3FAC] =	sst s10  }
0x35: {  	s10 =	sld [smem:$0x3FAB];
	_ =	sdelay $0x3  }
0x36: {  	p1 =	seq.s32 s10, $0x1;
	s10 =	sld [smem:$0x3FAC];
	_ =	sdelay $0x3  }
0x37: {  	[smem:$0x3FAC] =	sst s10  }
0x38: {  	s10 =	sld [smem:$0x3FAD]  }
0x39: {  	_ = 	snop;
	(pc) =	sbr.ind lr, $3  }
0x3a: {  	_ = 	snop  }
0x3b: {  	_ = 	snop  }
0x3c: {  	p2 =	seq.s32 s10, $0x1;
	s10 =	sld [smem:$0x3FAC]  }
0x3d: {  	_ =	shalt  }
0x3e: {  	_ =	shalt  }
0x3f: {  	_ =	shalt  }
0x40: {  	_ =	shalt  }
0x41: {  	_ =	shalt  }
0x42: {  	_ =	shalt  }
0x43: {  	_ =	shalt  }
0x44: {  	_ =	shalt  }
0x45: {  	_ =	shalt  }
0x46: {  	_ =	shalt  }
0x47: {  	_ =	shalt  }
0x48: {  	_ =	shalt  }
0x49: {  	_ =	shalt  }
0x4a: {  	_ =	shalt  }
0x4b: {  	_ =	shalt  }
0x4c: {  	_ =	shalt  }
0x4d: {  	_ =	shalt  }
0x4e: {  	_ =	shalt  }
0x4f: {  	_ =	shalt  }
0x50: {  	_ =	shalt  }
0x51: {  	_ =	shalt  }
0x52: {  	_ =	shalt  }
0x53: {  	_ =	shalt  }
0x54: {  	_ =	shalt  }
0x55: {  	_ =	shalt  }
0x56: {  	_ =	shalt  }
0x57: {  	_ =	shalt  }
0x58: {  	_ =	shalt  }
0x59: {  	_ =	shalt  }
0x5a: {  	_ =	shalt  }
0x5b: {  	_ =	shalt  }
0x5c: {  	_ =	shalt  }
0x5d: {  	_ =	shalt  }
0x5e: {  	_ =	shalt  }
0x5f: {  	_ =	shalt  }
0x60: {  	_ =	shalt  }
0x61: {  	_ =	shalt  }
0x62: {  	_ =	shalt  }
0x63: {  	_ =	shalt  }
0x64: {  	_ =	shalt  }
0x65: {  	_ =	shalt  }
0x66: {  	_ =	shalt  }
0x67: {  	_ =	shalt  }
0x68: {  	_ =	shalt  }
0x69: {  	_ =	shalt  }
0x6a: {  	_ =	shalt  }
0x6b: {  	_ =	shalt  }
0x6c: {  	_ =	shalt  }
0x6d: {  	_ =	shalt  }
0x6e: {  	_ =	shalt  }
0x6f: {  	_ =	shalt  }
0x70: {  	_ =	shalt  }
0x71: {  	_ =	shalt  }
0x72: {  	_ =	shalt  }
0x73: {  	_ =	shalt  }
0x74: {  	_ =	shalt  }
0x75: {  	_ =	shalt  }
0x76: {  	_ =	shalt  }
0x77: {  	_ =	shalt  }
0x78: {  	_ =	shalt  }
0x79: {  	_ =	shalt  }
0x7a: {  	_ =	shalt  }
0x7b: {  	_ =	shalt  }
0x7c: {  	_ =	shalt  }
0x7d: {  	_ =	shalt  }
0x7e: {  	_ =	shalt  }
0x7f: {  	_ =	shalt  }
0x80: {  	_ =	shalt  }
0x81: {  	_ =	shalt  }
0x82: {  	_ =	shalt  }
0x83: {  	_ =	shalt  }
0x84: {  	_ =	shalt  }
0x85: {  	_ =	shalt  }
0x86: {  	_ =	shalt  }
0x87: {  	_ =	shalt  }
.Lfunc_end0:
.L_simem_size_0:
called_computation.3_lowered:
.L_overlay_start_0:
0x88: {  	s2 =	sld [smem:$0x3FD9]  }
0x89: {  	s3 =	sld [smem:$0x3FFE];
	_ =	sdelay $0x1  }
0x8a: {  	s1 =	srdreg.scid  }
0x8b: {  	s0 =	sand.u32 $0x1, s1  }
0x8c: {  	s17 =	sshll.u32 s0, $0xA;
	s2 =	sadd.s32 s3, s2  }
0x8d: {  	s2 =	sadd.s32 s2, s17  }
0x8e: {  	[smem:$0x3FB8] =	sst s2  }
0x8f: {  	_ = 	snop  }
0x90: {  	s2 =	sld [smem:$0x3FD0];
	(tm) =	ssettm $0x1  }
0x91: {  	s18 =	sld [smem:$0x3FFB];
	_ =	sdelay $0x3  }
0x92: {  	_ =	strace s18  }
0x93: {  	s3 =	sld [smem:$0x3FFC];
	_ =	sdelay $0x3  }
0x94: {  	_ =	strace s3  }
0x95: {  	s3 =	sld [smem:$0x3FFD];
	_ =	sdelay $0x3  }
0x96: {  	_ =	strace s3  }
0x97: {  	_ =	strace $0x8FFFFFFF  }
0x98: {  	s19 =	sld [smem:$0x3FDB];
	_ =	sdelay $0x1  }
0x99: {  	s4 =	simm.s32 $_scs_section_size  }
0x9a: {  	s5 =	simm.s32 $_size__tile_overlayer_lowered;
	s6 =	simm.s32 $_tile_overlayer_lowered  }
0x9b: {  	s22 =	simm.s32 $0x1BFF;
	s21 =	sshll.u32 s6, $0x1;
	s3 =	sadd.s32 s4, s19  }
0x9c: {  	s7 =	simm.s32 $0x0;
	s20 =	sshll.u32 s5, $0x1;
	s5 =	sadd.s32 s21, s3  }
0x9d: {  	[timem:s7], [sflag:s22] =	dma.local [hbm:s5], s20  }
0x9e: {  	_ =	swait.ge [sflag:s22], s20  }
0x9f: {  	s4 =	ssub.s32 $0x0, s20;
	[sflag:s22] =	ssyncset.done $0x0  }
0xa0: {  	[sflag:s22] =	ssyncadd.s32 s4;
	_ =	sdelay $0x1  }
0xa1: {  	s23 =	simm.s32 $0x1B8B  }
0xa2: {  	_ =	swait.ge [sflag:s23], $0x1  }
0xa3: {  	[sflag:s23] =	ssyncset.done $0x0  }
0xa4: {  	s25 =	simm.s32 $0x1B8E;
	s24 =	sld [smem:$0x3FFE];
	[sflag:s23] =	ssyncadd.s32 $0xFFFFFFFF  }
0xa5: {  	s26 =	simm.s32 $execute0_lowered;
	[smem:$0x3FD2] =	sst s25  }
0xa6: {  	s5 =	sshll.u32 s26, $0x1;
	_ =	strace $0x8000004F;
	[dreg:$0x1] =	wrdreg $0xFFFFFFFF  }
0xa7: {  	s28 =	simm.s32 $_size_execute0_lowered;
	s3 =	sadd.s32 s3, s5;
	[dreg:$0x0] =	wrdreg $0x0  }
0xa8: {  	s5 =	sshll.u32 s28, $0x1;
	[dreg:$0x2] =	wrdreg s3  }
0xa9: {  	[dreg:$0x3] =	wrdreg s5  }
0xaa: {  	[dreg:$0x4] =	wrdreg $0xC0  }
0xab: {  	_ =	task [dreg:s7], $0x5FFFF  }
0xac: {  	[dreg:$0x1] =	wrdreg $0xFFFFFFFF  }
0xad: {  	[dreg:$0x0] =	wrdreg $0x60  }
0xae: {  	[dreg:$0x2] =	wrdreg s24  }
0xaf: {  	[dreg:$0x3] =	wrdreg s2  }
0xb0: {  	[dreg:$0x4] =	wrdreg $0x98000  }
0xb1: {  	[dreg:$0x5] =	wrdreg $0x9  }
0xb2: {  	_ =	task.clear_ibuf [dreg:s7], $0x6FFFF;
	_ =	strace $0x9000004F  }
0xb3: {  	s29 =	simm.s32 $0x9;
	_ =	strace $0x80000051  }
0xb4: {  	_ =	swait.ge [sflag:s29], $0x1  }
0xb5: {  	[sflag:s29] =	ssyncadd.s32 $0xFFFFFFFF  }
0xb6: {  	_ =	strace $0x90000051  }
0xb7: {  	_ =	sfence  }
0xb8: {  	s30 =	sld [smem:$0x0];
	_ =	sdelay $0x2  }
0xb9: {  	s31 =	sshll.u32 s1, $0xD;
	s1 =	sshrl.u32 s1, $0x2  }
0xba: {  	s3 =	sand.u32 $0x4000, s31;
	s1 =	sadd.s32 s1, s30  }
0xbb: {  	s0 =	sor.u32 s3, s0;
	s1 =	sshll.u32 s1, $0x11  }
0xbc: {  	s0 =	sor.u32 s1, s0  }
0xbd: {  	s0 =	sadd.s32 $0x8F2B, s0  }
0xbe: {  	[sflag:s0] =	ssyncadd.remote.s32 $0x1  }
0xbf: {  	_ =	sfence.sel $0xFFFF  }
0xc0: {  	[dreg:$0x0] =	wrdreg $0xFFFFFFFF;
	(pc) =	sbr.abs _section_cstart, $3  }
0xc1: {  	[dreg:$0x1] =	wrdreg $0xFFFFFFFF  }
0xc2: {  	_ =	task.clear_ibuf [dreg:s7], $0x2FFFF;
	_ =	strace $0x9FFFFFFF  }
0xc3: {  	(tm) =	ssettm $0x7FFFFFFF  }
tec
execute0_lowered:
.L_overlay_start_1:
0x0: {  	(tag) =	ssettag $0x1  }
0x1: {  	s0 =	srdreg.scid;
	s10 =	stileid.u32  }
0x2: {  	s0 =	sand.u32 $0x1, s0;
	s1 =	smul.u32 $0xA000, s10  }
0x3: {  	s4 =	smul.u32 $0x5000, s0  }
0x4: {  	s2 =	rddreg [dreg:$0x0]  }
0x5: {  	s3 =	rddreg [dreg:$0x2];
	s1 =	sadd.s32 s4, s1;
	s4 =	simm.s32 $0x0  }
0x6: {  	s12 =	simm.s32 $0x80;
	[smem:$0x7FF] =	sst s4  }
0x7: {  	s13 =	simm.s32 $0x100;
	_ =	strace $0x80000050;
	[dreg:$0x6] =	wrdreg s12  }
0x8: {  	s14 =	simm.s32 $0x180;
	[dreg:$0x7] =	wrdreg s13  }
0x9: {  	s15 =	simm.s32 $0x1080;
	[dreg:$0x8] =	wrdreg s14  }
0xa: {  	s16 =	simm.s32 $0x200;
	s17 =	simm.s32 $0x1100;
	[dreg:$0x9] =	wrdreg s15  }
0xb: {  	s18 =	simm.s32 $0x280;
	s19 =	simm.s32 $0x1180;
	[dreg:$0xa] =	wrdreg s16  }
0xc: {  	s21 =	simm.s32 $0x300;
	s22 =	simm.s32 $0x1200;
	[dreg:$0xb] =	wrdreg s17  }
0xd: {  	s23 =	simm.s32 $0x380;
	s25 =	simm.s32 $0x1280;
	[dreg:$0xc] =	wrdreg s18  }
0xe: {  	s26 =	simm.s32 $0x400;
	s11 =	simm.s32 $0x1300;
	[dreg:$0xd] =	wrdreg s19  }
0xf: {  	s28 =	simm.s32 $0x1980;
	s29 =	simm.s32 $0xB00;
	[dreg:$0xe] =	wrdreg s21  }
0x10: {  	s30 =	simm.s32 $0x1A00;
	s8 =	smul.u32 $0x4E000, s10;
	[dreg:$0xf] =	wrdreg s22  }
0x11: {  	s24 =	smul.u32 $0x13800, s10;
	s6 =	ssub.s32 $0x2, s0;
	[dreg:$0x10] =	wrdreg s23  }
0x12: {  	s0 =	smul.u32 $0x138800, s0;
	s7 =	sshrl.u32 s6, $0x1;
	[dreg:$0x11] =	wrdreg s25  }
0x13: {  	s20 =	sshrl.u32 s8, $0x2;
	s6 =	ssub.s32 s6, s7;
	[dreg:$0x12] =	wrdreg s26  }
0x14: {  	s7 =	sadd.s32 s20, s3;
	s20 =	simm.s32 $0x1500;
	[dreg:$0x13] =	wrdreg s11  }
0x15: {  	s8 =	sadd.s32 s24, s0;
	s24 =	simm.s32 $0x1600;
	[dreg:$0x1b] =	wrdreg s20  }
0x16: {  	s31 =	simm.s32 $0xB80;
	s12 =	simm.s32 $0x480;
	[dreg:$0x1f] =	wrdreg s24  }
0x17: {  	s9 =	sadd.s32 $0x124800, s3;
	s13 =	simm.s32 $0x1380;
	[dreg:$0x14] =	wrdreg s12  }
0x18: {  	p0 =	sne.s32 s10, $0xF;
	s14 =	simm.s32 $0x500;
	[dreg:$0x15] =	wrdreg s13  }
0x19: {  	s0 =	sshrl.u32 s0, $0x3;
	s15 =	simm.s32 $0x1400;
	[dreg:$0x16] =	wrdreg s14  }
0x1a: {  	s1 =	sshrl.u32 s1, $0x3;
	s17 =	smax.u32 s6, $0x1;
	[dreg:$0x17] =	wrdreg s15  }
0x1b: {  	s8 =	sshrl.u32 s8, $0x3;
	s16 =	simm.s32 $0x580;
	[smem:$0x7F2] =	sst s17  }
0x1c: {  	s1 =	sadd.s32 s1, s2;
	s18 =	simm.s32 $0x1480;
	[dreg:$0x18] =	wrdreg s16  }
0x1d: {  	s19 =	simm.s32 $0x600;
	s21 =	simm.s32 $0x680;
	[dreg:$0x19] =	wrdreg s18  }
0x1e: {  	s11 =	sshrl.u32 @p0 s7, $0x3;
	s22 =	simm.s32 $0x1580;
	[dreg:$0x1a] =	wrdreg s19  }
0x1f: {  	s23 =	simm.s32 $0x700;
	s25 =	simm.s32 $0x780;
	[dreg:$0x1c] =	wrdreg s21  }
0x20: {  	s26 =	simm.s32 $0x1680;
	s6 =	simm.s32 $0x880;
	[dreg:$0x1d] =	wrdreg s22  }
0x21: {  	s7 =	simm.s32 $0x1780;
	s20 =	simm.s32 $0x3;
	[dreg:$0x1e] =	wrdreg s23  }
0x22: {  	s24 =	simm.s32 $0xA00;
	s5 =	sadd.s32 $0x13E00, s1;
	[smem:$0x7F4] =	sst s25  }
0x23: {  	s1 =	sadd.s32 $0x27E00, s1;
	s12 =	simm.s32 $0x4;
	[smem:$0x7F5] =	sst s26  }
0x24: {  	s13 =	simm.s32 $0x1000;
	s14 =	simm.s32 $0x50;
	[smem:$0x7F8] =	sst s6  }
0x25: {  	s15 =	simm.s32 $0x2000;
	s16 =	simm.s32 $0x4800;
	[smem:$0x7F9] =	sst s7  }
0x26: {  	s17 =	simm.s32 $0x7000;
	s18 =	simm.s32 $0x1;
	[smem:$0x7FC] =	sst s11  }
0x27: {  	s19 =	simm.s32 $0x2;
	s21 =	simm.s32 $0x1800;
	[dreg:$0x4] =	wrdreg s5  }
0x28: {  	s22 =	simm.s32 $0x980;
	s23 =	simm.s32 $0x1880;
	[dreg:$0x5] =	wrdreg s1  }
0x29: {  	s1 =	sshll.u32 @p0 s10, $0x6;
	s10 =	sshrl.u32 @!p0 s9, $0x3;
	s9 =	simm.s32 $0x0  }
0x2a: {  	s5 =	sadd.s32 $0x3BE00, s2;
	s2 =	sadd.s32 $0x63000, s2;
	[smem:$0x7FB] =	sst s9  }
0x2b: {  	s25 =	simm.s32 $0x1900;
	s8 =	sadd.s32 s2, s8;
	[smem:$0x7FD] =	sst s10  }
0x2c: {  	s26 =	simm.s32 $0xA80;
	s1 =	sor.u32 @p0 $0x1C04, s1;
	[smem:$0x7F0] =	sst s8  }
0x2d: {  	s0 =	sadd.s32 s2, s0;
	s2 =	simm.s32 $0x1700;
	[smem:$0x7F3] =	sst s1  }
0x2e: {  	s6 =	simm.s32 $0x1B80;
	s0 =	sadd.s32 $0x24900, s0;
	[smem:$0x7F7] =	sst s2  }
0x2f: {  	s7 =	simm.s32 $0x1C00;
	s1 =	simm.s32 $0x800;
	[smem:$0x7F1] =	sst s0  }
0x30: {  	s8 =	simm.s32 $0x900;
	s2 =	simm.s32 $0x1B00;
	[smem:$0x7F6] =	sst s1  }
0x31: {  	[smem:$0x7FA] =	sst s8;
	s1 =	simm.s32 $0x1A80;
	s0 =	simm.s32 $0xC00  }
.LBB2_1:
0x32: {  	s9 =	sld [smem:$0x7F3];
	_ =	sdelay $0x1  }
0x33: {  	s8 =	rddreg [dreg:$0x1]  }
0x34: {  	[spmem:s11], [sflag:s9] =	dma.local @p0 [hbm:s8], $0x2700  }
0x35: {  	s9 =	simm.s32 @p0 $0x4  }
0x36: {  	_ =	swait.ge @p0 [sflag:s9], $0x2700  }
0x37: {  	[sflag:s9] =	ssyncset.done @p0 $0x0  }
0x38: {  	[sflag:s9] =	ssyncadd.s32 @p0 $0xFFFFD900;
	s9 =	simm.s32 @!p0 $0x1FC4  }
0x39: {  	[spmem:s10], [sflag:s9] =	dma.local @!p0 [hbm:s8], $0x2800  }
0x3a: {  	s9 =	simm.s32 @!p0 $0x4  }
0x3b: {  	_ =	swait.ge @!p0 [sflag:s9], $0x2800  }
0x3c: {  	[sflag:s9] =	ssyncset.done @!p0 $0x0  }
0x3d: {  	[sflag:s9] =	ssyncadd.s32 @!p0 $0xFFFFD800  }
0x3e: {  	[bflag:$0x0] =	sbarrier.arrive $0xFFFF  }
0x3f: {  	s8 =	rddreg [dreg:$0x5]  }
0x40: {  	s9 =	sadd.s32 $0x0, s8  }
0x41: {  	[tilespmem:s4], [sflag:$0x4] =	stream.linear.gather [hbm4b:s9+s4], $0xC80, $0x38;
	[tilespmem:$0x1D080] =	vst v63  }
0x42: {  	_ =	swait.ge [sflag:s12], $0xC80  }
0x43: {  	s10 =	rddreg [dreg:$0x4];
	[sflag:s12] =	ssyncset.done $0x0  }
0x44: {  	[sflag:s12] =	ssyncadd.s32 $0xFFFFF380;
	s9 =	sadd.s32 $0x0, s10  }
0x45: {  	[tilespmem:s13], [sflag:$0x4] =	stream.linear.gather [hbm4b:s9+s4], $0xC80, $0x38;
	[tilespmem:$0x1D080] =	vst v63  }
0x46: {  	_ =	swait.ge [sflag:s12], $0xC80  }
0x47: {  	[sflag:s12] =	ssyncset.done $0x0  }
0x48: {  	[sflag:s12] =	ssyncadd.s32 $0xFFFFF380  }
0x49: {  	[tilespmem:s15], [sflag:$0x1] =	stream.indirect.gather [hbm4b:s5+s14], $0x80, s4, s14, $0xb8;
	[tilespmem:$0x1D080] =	vst v63  }
0x4a: {  	s11 =	rddreg [dreg:$0x6]  }
0x4b: {  	[tilespmem:s16], [sflag:$0x2] =	stream.indirect.gather [hbm4b:s5+s14], $0x80, s11, s14, $0xb8;
	[tilespmem:$0x1D080] =	vst v63  }
0x4c: {  	s8 =	rddreg [dreg:$0x7]  }
0x4d: {  	[tilespmem:s17], [sflag:$0x3] =	stream.indirect.gather [hbm4b:s5+s14], $0x80, s8, s14, $0xb8;
	[tilespmem:$0x1D080] =	vst v63  }
0x4e: {  	_ =	swait.ge [sflag:s18], $0x2800  }
0x4f: {  	[sflag:s18] =	ssyncset.done $0x0  }
0x50: {  	[sflag:s18] =	ssyncadd.s32 $0xFFFFD800  }
0x51: {  	[spmem:s3] =	stream.indirect.scatter.add.f32 [tilespmem:s15], [sflag:$0x4], $0x80, s13, s14, $0xb8;
	[tilespmem:$0x1D080] =	vst v63  }
0x52: {  	_ =	swait.ge [sflag:s12], $0x2800  }
0x53: {  	[sflag:s12] =	ssyncset.done $0x0  }
0x54: {  	s11 =	rddreg [dreg:$0x8];
	[sflag:s12] =	ssyncadd.s32 $0xFFFFD800  }
0x55: {  	[tilespmem:s15], [sflag:$0x1] =	stream.indirect.gather [hbm4b:s5+s14], $0x80, s11, s14, $0xb8;
	[tilespmem:$0x1D080] =	vst v63  }
0x56: {  	_ =	swait.ge [sflag:s19], $0x2800  }
0x57: {  	[sflag:s19] =	ssyncset.done $0x0  }
0x58: {  	s8 =	rddreg [dreg:$0x9];
	[sflag:s19] =	ssyncadd.s32 $0xFFFFD800  }
0x59: {  	[spmem:s3] =	stream.indirect.scatter.add.f32 [tilespmem:s16], [sflag:$0x4], $0x80, s8, s14, $0xb8;
	[tilespmem:$0x1D080] =	vst v63  }
0x5a: {  	_ =	swait.ge [sflag:s12], $0x2800  }
0x5b: {  	[sflag:s12] =	ssyncset.done $0x0  }
0x5c: {  	s10 =	rddreg [dreg:$0xa];
	[sflag:s12] =	ssyncadd.s32 $0xFFFFD800  }
0x5d: {  	[tilespmem:s16], [sflag:$0x2] =	stream.indirect.gather [hbm4b:s5+s14], $0x80, s10, s14, $0xb8;
	[tilespmem:$0x1D080] =	vst v63  }
0x5e: {  	_ =	swait.ge [sflag:s20], $0x2800  }
0x5f: {  	[sflag:s20] =	ssyncset.done $0x0  }
0x60: {  	s11 =	rddreg [dreg:$0xb];
	[sflag:s20] =	ssyncadd.s32 $0xFFFFD800  }
0x61: {  	[spmem:s3] =	stream.indirect.scatter.add.f32 [tilespmem:s17], [sflag:$0x4], $0x80, s11, s14, $0xb8;
	[tilespmem:$0x1D080] =	vst v63  }
0x62: {  	_ =	swait.ge [sflag:s12], $0x2800  }
0x63: {  	[sflag:s12] =	ssyncset.done $0x0  }
0x64: {  	s8 =	rddreg [dreg:$0xc];
	[sflag:s12] =	ssyncadd.s32 $0xFFFFD800  }
0x65: {  	[tilespmem:s17], [sflag:$0x3] =	stream.indirect.gather [hbm4b:s5+s14], $0x80, s8, s14, $0xb8;
	[tilespmem:$0x1D080] =	vst v63  }
0x66: {  	_ =	swait.ge [sflag:s18], $0x2800  }
0x67: {  	[sflag:s18] =	ssyncset.done $0x0  }
0x68: {  	s10 =	rddreg [dreg:$0xd];
	[sflag:s18] =	ssyncadd.s32 $0xFFFFD800  }
0x69: {  	[spmem:s3] =	stream.indirect.scatter.add.f32 [tilespmem:s15], [sflag:$0x4], $0x80, s10, s14, $0xb8;
	[tilespmem:$0x1D080] =	vst v63  }
0x6a: {  	_ =	swait.ge [sflag:s12], $0x2800  }
0x6b: {  	[sflag:s12] =	ssyncset.done $0x0  }
0x6c: {  	s11 =	rddreg [dreg:$0xe];
	[sflag:s12] =	ssyncadd.s32 $0xFFFFD800  }
0x6d: {  	[tilespmem:s15], [sflag:$0x1] =	stream.indirect.gather [hbm4b:s5+s14], $0x80, s11, s14, $0xb8;
	[tilespmem:$0x1D080] =	vst v63  }
0x6e: {  	_ =	swait.ge [sflag:s19], $0x2800  }
0x6f: {  	[sflag:s19] =	ssyncset.done $0x0  }
0x70: {  	s8 =	rddreg [dreg:$0xf];
	[sflag:s19] =	ssyncadd.s32 $0xFFFFD800  }
0x71: {  	[spmem:s3] =	stream.indirect.scatter.add.f32 [tilespmem:s16], [sflag:$0x4], $0x80, s8, s14, $0xb8;
	[tilespmem:$0x1D080] =	vst v63  }
0x72: {  	_ =	swait.ge [sflag:s12], $0x2800  }
0x73: {  	[sflag:s12] =	ssyncset.done $0x0  }
0x74: {  	s10 =	rddreg [dreg:$0x10];
	[sflag:s12] =	ssyncadd.s32 $0xFFFFD800  }
0x75: {  	[tilespmem:s16], [sflag:$0x2] =	stream.indirect.gather [hbm4b:s5+s14], $0x80, s10, s14, $0xb8;
	[tilespmem:$0x1D080] =	vst v63  }
0x76: {  	_ =	swait.ge [sflag:s20], $0x2800  }
0x77: {  	[sflag:s20] =	ssyncset.done $0x0  }
0x78: {  	s11 =	rddreg [dreg:$0x11];
	[sflag:s20] =	ssyncadd.s32 $0xFFFFD800  }
0x79: {  	[spmem:s3] =	stream.indirect.scatter.add.f32 [tilespmem:s17], [sflag:$0x4], $0x80, s11, s14, $0xb8;
	[tilespmem:$0x1D080] =	vst v63  }
0x7a: {  	_ =	swait.ge [sflag:s12], $0x2800  }
0x7b: {  	[sflag:s12] =	ssyncset.done $0x0  }
0x7c: {  	s8 =	rddreg [dreg:$0x12];
	[sflag:s12] =	ssyncadd.s32 $0xFFFFD800  }
0x7d: {  	[tilespmem:s17], [sflag:$0x3] =	stream.indirect.gather [hbm4b:s5+s14], $0x80, s8, s14, $0xb8;
	[tilespmem:$0x1D080] =	vst v63  }
0x7e: {  	_ =	swait.ge [sflag:s18], $0x2800  }
0x7f: {  	[sflag:s18] =	ssyncset.done $0x0  }
0x80: {  	s10 =	rddreg [dreg:$0x13];
	[sflag:s18] =	ssyncadd.s32 $0xFFFFD800  }
0x81: {  	[spmem:s3] =	stream.indirect.scatter.add.f32 [tilespmem:s15], [sflag:$0x4], $0x80, s10, s14, $0xb8;
	[tilespmem:$0x1D080] =	vst v63  }
0x82: {  	_ =	swait.ge [sflag:s12], $0x2800  }
0x83: {  	[sflag:s12] =	ssyncset.done $0x0  }
0x84: {  	s11 =	rddreg [dreg:$0x14];
	[sflag:s12] =	ssyncadd.s32 $0xFFFFD800  }
0x85: {  	[tilespmem:s15], [sflag:$0x1] =	stream.indirect.gather [hbm4b:s5+s14], $0x80, s11, s14, $0xb8;
	[tilespmem:$0x1D080] =	vst v63  }
0x86: {  	_ =	swait.ge [sflag:s19], $0x2800  }
0x87: {  	[sflag:s19] =	ssyncset.done $0x0  }
0x88: {  	s8 =	rddreg [dreg:$0x15];
	[sflag:s19] =	ssyncadd.s32 $0xFFFFD800  }
0x89: {  	[spmem:s3] =	stream.indirect.scatter.add.f32 [tilespmem:s16], [sflag:$0x4], $0x80, s8, s14, $0xb8;
	[tilespmem:$0x1D080] =	vst v63  }
0x8a: {  	_ =	swait.ge [sflag:s12], $0x2800  }
0x8b: {  	[sflag:s12] =	ssyncset.done $0x0  }
0x8c: {  	s10 =	rddreg [dreg:$0x16];
	[sflag:s12] =	ssyncadd.s32 $0xFFFFD800  }
0x8d: {  	[tilespmem:s16], [sflag:$0x2] =	stream.indirect.gather [hbm4b:s5+s14], $0x80, s10, s14, $0xb8;
	[tilespmem:$0x1D080] =	vst v63  }
0x8e: {  	_ =	swait.ge [sflag:s20], $0x2800  }
0x8f: {  	[sflag:s20] =	ssyncset.done $0x0  }
0x90: {  	s11 =	rddreg [dreg:$0x17];
	[sflag:s20] =	ssyncadd.s32 $0xFFFFD800  }
0x91: {  	[spmem:s3] =	stream.indirect.scatter.add.f32 [tilespmem:s17], [sflag:$0x4], $0x80, s11, s14, $0xb8;
	[tilespmem:$0x1D080] =	vst v63  }
0x92: {  	_ =	swait.ge [sflag:s12], $0x2800  }
0x93: {  	[sflag:s12] =	ssyncset.done $0x0  }
0x94: {  	s8 =	rddreg [dreg:$0x18];
	[sflag:s12] =	ssyncadd.s32 $0xFFFFD800  }
0x95: {  	[tilespmem:s17], [sflag:$0x3] =	stream.indirect.gather [hbm4b:s5+s14], $0x80, s8, s14, $0xb8;
	[tilespmem:$0x1D080] =	vst v63  }
0x96: {  	_ =	swait.ge [sflag:s18], $0x2800  }
0x97: {  	[sflag:s18] =	ssyncset.done $0x0  }
0x98: {  	s10 =	rddreg [dreg:$0x19];
	[sflag:s18] =	ssyncadd.s32 $0xFFFFD800  }
0x99: {  	[spmem:s3] =	stream.indirect.scatter.add.f32 [tilespmem:s15], [sflag:$0x4], $0x80, s10, s14, $0xb8;
	[tilespmem:$0x1D080] =	vst v63  }
0x9a: {  	_ =	swait.ge [sflag:s12], $0x2800  }
0x9b: {  	[sflag:s12] =	ssyncset.done $0x0  }
0x9c: {  	s11 =	rddreg [dreg:$0x1a];
	[sflag:s12] =	ssyncadd.s32 $0xFFFFD800  }
0x9d: {  	[tilespmem:s15], [sflag:$0x1] =	stream.indirect.gather [hbm4b:s5+s14], $0x80, s11, s14, $0xb8;
	[tilespmem:$0x1D080] =	vst v63  }
0x9e: {  	_ =	swait.ge [sflag:s19], $0x2800  }
0x9f: {  	[sflag:s19] =	ssyncset.done $0x0  }
0xa0: {  	s8 =	rddreg [dreg:$0x1b];
	[sflag:s19] =	ssyncadd.s32 $0xFFFFD800  }
0xa1: {  	[spmem:s3] =	stream.indirect.scatter.add.f32 [tilespmem:s16], [sflag:$0x4], $0x80, s8, s14, $0xb8;
	[tilespmem:$0x1D080] =	vst v63  }
0xa2: {  	_ =	swait.ge [sflag:s12], $0x2800  }
0xa3: {  	[sflag:s12] =	ssyncset.done $0x0  }
0xa4: {  	s10 =	rddreg [dreg:$0x1c];
	[sflag:s12] =	ssyncadd.s32 $0xFFFFD800  }
0xa5: {  	[tilespmem:s16], [sflag:$0x2] =	stream.indirect.gather [hbm4b:s5+s14], $0x80, s10, s14, $0xb8;
	[tilespmem:$0x1D080] =	vst v63  }
0xa6: {  	_ =	swait.ge [sflag:s20], $0x2800  }
0xa7: {  	[sflag:s20] =	ssyncset.done $0x0  }
0xa8: {  	s11 =	rddreg [dreg:$0x1d];
	[sflag:s20] =	ssyncadd.s32 $0xFFFFD800  }
0xa9: {  	[spmem:s3] =	stream.indirect.scatter.add.f32 [tilespmem:s17], [sflag:$0x4], $0x80, s11, s14, $0xb8;
	[tilespmem:$0x1D080] =	vst v63  }
0xaa: {  	_ =	swait.ge [sflag:s12], $0x2800  }
0xab: {  	[sflag:s12] =	ssyncset.done $0x0  }
0xac: {  	s8 =	rddreg [dreg:$0x1e];
	[sflag:s12] =	ssyncadd.s32 $0xFFFFD800  }
0xad: {  	[tilespmem:s17], [sflag:$0x3] =	stream.indirect.gather [hbm4b:s5+s14], $0x80, s8, s14, $0xb8;
	[tilespmem:$0x1D080] =	vst v63  }
0xae: {  	_ =	swait.ge [sflag:s18], $0x2800  }
0xaf: {  	[sflag:s18] =	ssyncset.done $0x0  }
0xb0: {  	s10 =	rddreg [dreg:$0x1f];
	[sflag:s18] =	ssyncadd.s32 $0xFFFFD800  }
0xb1: {  	[spmem:s3] =	stream.indirect.scatter.add.f32 [tilespmem:s15], [sflag:$0x4], $0x80, s10, s14, $0xb8;
	[tilespmem:$0x1D080] =	vst v63  }
0xb2: {  	_ =	swait.ge [sflag:s12], $0x2800  }
0xb3: {  	s11 =	sld [smem:$0x7F4]  }
0xb4: {  	[sflag:s12] =	ssyncset.done $0x0  }
0xb5: {  	[sflag:s12] =	ssyncadd.s32 $0xFFFFD800  }
0xb6: {  	[tilespmem:s15], [sflag:$0x1] =	stream.indirect.gather [hbm4b:s5+s14], $0x80, s11, s14, $0xb8;
	[tilespmem:$0x1D080] =	vst v63  }
0xb7: {  	_ =	swait.ge [sflag:s19], $0x2800  }
0xb8: {  	s8 =	sld [smem:$0x7F5]  }
0xb9: {  	[sflag:s19] =	ssyncset.done $0x0  }
0xba: {  	[sflag:s19] =	ssyncadd.s32 $0xFFFFD800  }
0xbb: {  	[spmem:s3] =	stream.indirect.scatter.add.f32 [tilespmem:s16], [sflag:$0x4], $0x80, s8, s14, $0xb8;
	[tilespmem:$0x1D080] =	vst v63  }
0xbc: {  	_ =	swait.ge [sflag:s12], $0x2800  }
0xbd: {  	s10 =	sld [smem:$0x7F6]  }
0xbe: {  	[sflag:s12] =	ssyncset.done $0x0  }
0xbf: {  	[sflag:s12] =	ssyncadd.s32 $0xFFFFD800  }
0xc0: {  	[tilespmem:s16], [sflag:$0x2] =	stream.indirect.gather [hbm4b:s5+s14], $0x80, s10, s14, $0xb8;
	[tilespmem:$0x1D080] =	vst v63  }
0xc1: {  	_ =	swait.ge [sflag:s20], $0x2800  }
0xc2: {  	s11 =	sld [smem:$0x7F7]  }
0xc3: {  	[sflag:s20] =	ssyncset.done $0x0  }
0xc4: {  	[sflag:s20] =	ssyncadd.s32 $0xFFFFD800  }
0xc5: {  	[spmem:s3] =	stream.indirect.scatter.add.f32 [tilespmem:s17], [sflag:$0x4], $0x80, s11, s14, $0xb8;
	[tilespmem:$0x1D080] =	vst v63  }
0xc6: {  	_ =	swait.ge [sflag:s12], $0x2800  }
0xc7: {  	s8 =	sld [smem:$0x7F8]  }
0xc8: {  	[sflag:s12] =	ssyncset.done $0x0  }
0xc9: {  	[sflag:s12] =	ssyncadd.s32 $0xFFFFD800  }
0xca: {  	[tilespmem:s17], [sflag:$0x3] =	stream.indirect.gather [hbm4b:s5+s14], $0x80, s8, s14, $0xb8;
	[tilespmem:$0x1D080] =	vst v63  }
0xcb: {  	_ =	swait.ge [sflag:s18], $0x2800  }
0xcc: {  	s10 =	sld [smem:$0x7F9]  }
0xcd: {  	[sflag:s18] =	ssyncset.done $0x0  }
0xce: {  	[sflag:s18] =	ssyncadd.s32 $0xFFFFD800  }
0xcf: {  	[spmem:s3] =	stream.indirect.scatter.add.f32 [tilespmem:s15], [sflag:$0x4], $0x80, s10, s14, $0xb8;
	[tilespmem:$0x1D080] =	vst v63  }
0xd0: {  	_ =	swait.ge [sflag:s12], $0x2800  }
0xd1: {  	s11 =	sld [smem:$0x7FA]  }
0xd2: {  	[sflag:s12] =	ssyncset.done $0x0  }
0xd3: {  	[sflag:s12] =	ssyncadd.s32 $0xFFFFD800  }
0xd4: {  	[tilespmem:s15], [sflag:$0x1] =	stream.indirect.gather [hbm4b:s5+s14], $0x80, s11, s14, $0xb8;
	[tilespmem:$0x1D080] =	vst v63  }
0xd5: {  	_ =	swait.ge [sflag:s19], $0x2800  }
0xd6: {  	[sflag:s19] =	ssyncset.done $0x0  }
0xd7: {  	[sflag:s19] =	ssyncadd.s32 $0xFFFFD800  }
0xd8: {  	[spmem:s3] =	stream.indirect.scatter.add.f32 [tilespmem:s16], [sflag:$0x4], $0x80, s21, s14, $0xb8;
	[tilespmem:$0x1D080] =	vst v63  }
0xd9: {  	_ =	swait.ge [sflag:s12], $0x2800  }
0xda: {  	[sflag:s12] =	ssyncset.done $0x0  }
0xdb: {  	[sflag:s12] =	ssyncadd.s32 $0xFFFFD800  }
0xdc: {  	[tilespmem:s16], [sflag:$0x2] =	stream.indirect.gather [hbm4b:s5+s14], $0x80, s22, s14, $0xb8;
	[tilespmem:$0x1D080] =	vst v63  }
0xdd: {  	_ =	swait.ge [sflag:s20], $0x2800  }
0xde: {  	[sflag:s20] =	ssyncset.done $0x0  }
0xdf: {  	[sflag:s20] =	ssyncadd.s32 $0xFFFFD800  }
0xe0: {  	[spmem:s3] =	stream.indirect.scatter.add.f32 [tilespmem:s17], [sflag:$0x4], $0x80, s23, s14, $0xb8;
	[tilespmem:$0x1D080] =	vst v63  }
0xe1: {  	_ =	swait.ge [sflag:s12], $0x2800  }
0xe2: {  	[sflag:s12] =	ssyncset.done $0x0  }
0xe3: {  	[sflag:s12] =	ssyncadd.s32 $0xFFFFD800  }
0xe4: {  	[tilespmem:s17], [sflag:$0x3] =	stream.indirect.gather [hbm4b:s5+s14], $0x80, s24, s14, $0xb8;
	[tilespmem:$0x1D080] =	vst v63  }
0xe5: {  	_ =	swait.ge [sflag:s18], $0x2800  }
0xe6: {  	[sflag:s18] =	ssyncset.done $0x0  }
0xe7: {  	[sflag:s18] =	ssyncadd.s32 $0xFFFFD800  }
0xe8: {  	[spmem:s3] =	stream.indirect.scatter.add.f32 [tilespmem:s15], [sflag:$0x4], $0x80, s25, s14, $0xb8;
	[tilespmem:$0x1D080] =	vst v63  }
0xe9: {  	_ =	swait.ge [sflag:s12], $0x2800  }
0xea: {  	[sflag:s12] =	ssyncset.done $0x0  }
0xeb: {  	[sflag:s12] =	ssyncadd.s32 $0xFFFFD800  }
0xec: {  	[tilespmem:s15], [sflag:$0x1] =	stream.indirect.gather [hbm4b:s5+s14], $0x80, s26, s14, $0xb8;
	[tilespmem:$0x1D080] =	vst v63  }
0xed: {  	_ =	swait.ge [sflag:s19], $0x2800  }
0xee: {  	[sflag:s19] =	ssyncset.done $0x0  }
0xef: {  	[sflag:s19] =	ssyncadd.s32 $0xFFFFD800  }
0xf0: {  	[spmem:s3] =	stream.indirect.scatter.add.f32 [tilespmem:s16], [sflag:$0x4], $0x80, s28, s14, $0xb8;
	[tilespmem:$0x1D080] =	vst v63  }
0xf1: {  	_ =	swait.ge [sflag:s12], $0x2800  }
0xf2: {  	[sflag:s12] =	ssyncset.done $0x0  }
0xf3: {  	[sflag:s12] =	ssyncadd.s32 $0xFFFFD800  }
0xf4: {  	[tilespmem:s16], [sflag:$0x2] =	stream.indirect.gather [hbm4b:s5+s14], $0x80, s29, s14, $0xb8;
	[tilespmem:$0x1D080] =	vst v63  }
0xf5: {  	_ =	swait.ge [sflag:s20], $0x2800  }
0xf6: {  	[sflag:s20] =	ssyncset.done $0x0  }
0xf7: {  	[sflag:s20] =	ssyncadd.s32 $0xFFFFD800  }
0xf8: {  	[spmem:s3] =	stream.indirect.scatter.add.f32 [tilespmem:s17], [sflag:$0x4], $0x80, s30, s14, $0xb8;
	[tilespmem:$0x1D080] =	vst v63  }
0xf9: {  	_ =	swait.ge [sflag:s12], $0x2800  }
0xfa: {  	[sflag:s12] =	ssyncset.done $0x0  }
0xfb: {  	[sflag:s12] =	ssyncadd.s32 $0xFFFFD800  }
0xfc: {  	[tilespmem:s17], [sflag:$0x3] =	stream.indirect.gather [hbm4b:s5+s14], $0x80, s31, s14, $0xb8;
	[tilespmem:$0x1D080] =	vst v63  }
0xfd: {  	_ =	swait.ge [sflag:s18], $0x2800  }
0xfe: {  	[sflag:s18] =	ssyncset.done $0x0  }
0xff: {  	[sflag:s18] =	ssyncadd.s32 $0xFFFFD800  }
0x100: {  	[spmem:s3] =	stream.indirect.scatter.add.f32 [tilespmem:s15], [sflag:$0x4], $0x80, s1, s14, $0xb8;
	[tilespmem:$0x1D080] =	vst v63  }
0x101: {  	_ =	swait.ge [sflag:s12], $0x2800  }
0x102: {  	[sflag:s12] =	ssyncset.done $0x0  }
0x103: {  	[sflag:s12] =	ssyncadd.s32 $0xFFFFD800  }
0x104: {  	[tilespmem:s15], [sflag:$0x1] =	stream.indirect.gather [hbm4b:s5+s14], $0x80, s0, s14, $0xb8;
	[tilespmem:$0x1D080] =	vst v63  }
0x105: {  	_ =	swait.ge [sflag:s19], $0x2800  }
0x106: {  	[sflag:s19] =	ssyncset.done $0x0  }
0x107: {  	[sflag:s19] =	ssyncadd.s32 $0xFFFFD800  }
0x108: {  	[spmem:s3] =	stream.indirect.scatter.add.f32 [tilespmem:s16], [sflag:$0x4], $0x80, s2, s14, $0xb8;
	[tilespmem:$0x1D080] =	vst v63  }
0x109: {  	_ =	swait.ge [sflag:s12], $0x2800  }
0x10a: {  	[sflag:s12] =	ssyncset.done $0x0  }
0x10b: {  	[sflag:s12] =	ssyncadd.s32 $0xFFFFD800  }
0x10c: {  	_ =	swait.ge [sflag:s20], $0x2800  }
0x10d: {  	[sflag:s20] =	ssyncset.done $0x0  }
0x10e: {  	[sflag:s20] =	ssyncadd.s32 $0xFFFFD800  }
0x10f: {  	[spmem:s3] =	stream.indirect.scatter.add.f32 [tilespmem:s17], [sflag:$0x4], $0x80, s6, s14, $0xb8;
	[tilespmem:$0x1D080] =	vst v63  }
0x110: {  	_ =	swait.ge [sflag:s12], $0x2800  }
0x111: {  	[sflag:s12] =	ssyncset.done $0x0  }
0x112: {  	[sflag:s12] =	ssyncadd.s32 $0xFFFFD800  }
0x113: {  	_ =	swait.ge [sflag:s18], $0x2800  }
0x114: {  	[sflag:s18] =	ssyncset.done $0x0  }
0x115: {  	[sflag:s18] =	ssyncadd.s32 $0xFFFFD800  }
0x116: {  	[spmem:s3] =	stream.indirect.scatter.add.f32 [tilespmem:s15], [sflag:$0x4], $0x80, s7, s14, $0xb8;
	[tilespmem:$0x1D080] =	vst v63  }
0x117: {  	s9 =	simm.s32 $0x200;
	_ =	swait.ge [sflag:s12], $0x2800  }
0x118: {  	s10 =	simm.s32 $0x400;
	s11 =	rddreg [dreg:$0x5];
	[sflag:s12] =	ssyncset.done $0x0  }
.LBB2_2:
0x119: {  	[sflag:s12] =	ssyncadd.s32 $0xFFFFD800;
	s11 =	sadd.s32 s9, s11  }
0x11a: {  	[tilespmem:s4], [sflag:$0x4] =	stream.linear.gather [hbm4b:s11+s4], $0xC80, $0x38;
	[tilespmem:$0x1D080] =	vst v63  }
0x11b: {  	_ =	swait.ge [sflag:s12], $0xC80  }
0x11c: {  	s11 =	rddreg [dreg:$0x4];
	[sflag:s12] =	ssyncset.done $0x0  }
0x11d: {  	[sflag:s12] =	ssyncadd.s32 $0xFFFFF380;
	s11 =	sadd.s32 s9, s11  }
0x11e: {  	[tilespmem:s13], [sflag:$0x4] =	stream.linear.gather [hbm4b:s11+s4], $0xC80, $0x38;
	[tilespmem:$0x1D080] =	vst v63  }
0x11f: {  	_ =	swait.ge [sflag:s12], $0xC80  }
0x120: {  	[sflag:s12] =	ssyncset.done $0x0  }
0x121: {  	s8 =	smov.u32 s10;
	[sflag:s12] =	ssyncadd.s32 $0xFFFFF380  }
0x122: {  	[tilespmem:s15], [sflag:$0x1] =	stream.indirect.gather [hbm4b:s5+s14], $0x80, s4, s14, $0xb8;
	[tilespmem:$0x1D080] =	vst v63  }
0x123: {  	s9 =	smov.u32 s8;
	s8 =	rddreg [dreg:$0x6]  }
0x124: {  	[tilespmem:s16], [sflag:$0x2] =	stream.indirect.gather [hbm4b:s5+s14], $0x80, s8, s14, $0xb8;
	[tilespmem:$0x1D080] =	vst v63  }
0x125: {  	s11 =	rddreg [dreg:$0x7]  }
0x126: {  	[tilespmem:s17], [sflag:$0x3] =	stream.indirect.gather [hbm4b:s5+s14], $0x80, s11, s14, $0xb8;
	[tilespmem:$0x1D080] =	vst v63  }
0x127: {  	_ =	swait.ge [sflag:s18], $0x2800  }
0x128: {  	[sflag:s18] =	ssyncset.done $0x0  }
0x129: {  	[sflag:s18] =	ssyncadd.s32 $0xFFFFD800  }
0x12a: {  	[spmem:s3] =	stream.indirect.scatter.add.f32 [tilespmem:s15], [sflag:$0x4], $0x80, s13, s14, $0xb8;
	[tilespmem:$0x1D080] =	vst v63  }
0x12b: {  	_ =	swait.ge [sflag:s12], $0x2800  }
0x12c: {  	[sflag:s12] =	ssyncset.done $0x0  }
0x12d: {  	s11 =	rddreg [dreg:$0x8];
	[sflag:s12] =	ssyncadd.s32 $0xFFFFD800  }
0x12e: {  	[tilespmem:s15], [sflag:$0x1] =	stream.indirect.gather [hbm4b:s5+s14], $0x80, s11, s14, $0xb8;
	[tilespmem:$0x1D080] =	vst v63  }
0x12f: {  	_ =	swait.ge [sflag:s19], $0x2800  }
0x130: {  	[sflag:s19] =	ssyncset.done $0x0  }
0x131: {  	s11 =	rddreg [dreg:$0x9];
	[sflag:s19] =	ssyncadd.s32 $0xFFFFD800  }
0x132: {  	[spmem:s3] =	stream.indirect.scatter.add.f32 [tilespmem:s16], [sflag:$0x4], $0x80, s11, s14, $0xb8;
	[tilespmem:$0x1D080] =	vst v63  }
0x133: {  	_ =	swait.ge [sflag:s12], $0x2800  }
0x134: {  	[sflag:s12] =	ssyncset.done $0x0  }
0x135: {  	s11 =	rddreg [dreg:$0xa];
	[sflag:s12] =	ssyncadd.s32 $0xFFFFD800  }
0x136: {  	[tilespmem:s16], [sflag:$0x2] =	stream.indirect.gather [hbm4b:s5+s14], $0x80, s11, s14, $0xb8;
	[tilespmem:$0x1D080] =	vst v63  }
0x137: {  	_ =	swait.ge [sflag:s20], $0x2800  }
0x138: {  	[sflag:s20] =	ssyncset.done $0x0  }
0x139: {  	s11 =	rddreg [dreg:$0xb];
	[sflag:s20] =	ssyncadd.s32 $0xFFFFD800  }
0x13a: {  	[spmem:s3] =	stream.indirect.scatter.add.f32 [tilespmem:s17], [sflag:$0x4], $0x80, s11, s14, $0xb8;
	[tilespmem:$0x1D080] =	vst v63  }
0x13b: {  	_ =	swait.ge [sflag:s12], $0x2800  }
0x13c: {  	[sflag:s12] =	ssyncset.done $0x0  }
0x13d: {  	s11 =	rddreg [dreg:$0xc];
	[sflag:s12] =	ssyncadd.s32 $0xFFFFD800  }
0x13e: {  	[tilespmem:s17], [sflag:$0x3] =	stream.indirect.gather [hbm4b:s5+s14], $0x80, s11, s14, $0xb8;
	[tilespmem:$0x1D080] =	vst v63  }
0x13f: {  	_ =	swait.ge [sflag:s18], $0x2800  }
0x140: {  	[sflag:s18] =	ssyncset.done $0x0  }
0x141: {  	s11 =	rddreg [dreg:$0xd];
	[sflag:s18] =	ssyncadd.s32 $0xFFFFD800  }
0x142: {  	[spmem:s3] =	stream.indirect.scatter.add.f32 [tilespmem:s15], [sflag:$0x4], $0x80, s11, s14, $0xb8;
	[tilespmem:$0x1D080] =	vst v63  }
0x143: {  	_ =	swait.ge [sflag:s12], $0x2800  }
0x144: {  	[sflag:s12] =	ssyncset.done $0x0  }
0x145: {  	s11 =	rddreg [dreg:$0xe];
	[sflag:s12] =	ssyncadd.s32 $0xFFFFD800  }
0x146: {  	[tilespmem:s15], [sflag:$0x1] =	stream.indirect.gather [hbm4b:s5+s14], $0x80, s11, s14, $0xb8;
	[tilespmem:$0x1D080] =	vst v63  }
0x147: {  	_ =	swait.ge [sflag:s19], $0x2800  }
0x148: {  	[sflag:s19] =	ssyncset.done $0x0  }
0x149: {  	s11 =	rddreg [dreg:$0xf];
	[sflag:s19] =	ssyncadd.s32 $0xFFFFD800  }
0x14a: {  	[spmem:s3] =	stream.indirect.scatter.add.f32 [tilespmem:s16], [sflag:$0x4], $0x80, s11, s14, $0xb8;
	[tilespmem:$0x1D080] =	vst v63  }
0x14b: {  	_ =	swait.ge [sflag:s12], $0x2800  }
0x14c: {  	[sflag:s12] =	ssyncset.done $0x0  }
0x14d: {  	s11 =	rddreg [dreg:$0x10];
	[sflag:s12] =	ssyncadd.s32 $0xFFFFD800  }
0x14e: {  	[tilespmem:s16], [sflag:$0x2] =	stream.indirect.gather [hbm4b:s5+s14], $0x80, s11, s14, $0xb8;
	[tilespmem:$0x1D080] =	vst v63  }
0x14f: {  	_ =	swait.ge [sflag:s20], $0x2800  }
0x150: {  	[sflag:s20] =	ssyncset.done $0x0  }
0x151: {  	s11 =	rddreg [dreg:$0x11];
	[sflag:s20] =	ssyncadd.s32 $0xFFFFD800  }
0x152: {  	[spmem:s3] =	stream.indirect.scatter.add.f32 [tilespmem:s17], [sflag:$0x4], $0x80, s11, s14, $0xb8;
	[tilespmem:$0x1D080] =	vst v63  }
0x153: {  	_ =	swait.ge [sflag:s12], $0x2800  }
0x154: {  	[sflag:s12] =	ssyncset.done $0x0  }
0x155: {  	s11 =	rddreg [dreg:$0x12];
	[sflag:s12] =	ssyncadd.s32 $0xFFFFD800  }
0x156: {  	[tilespmem:s17], [sflag:$0x3] =	stream.indirect.gather [hbm4b:s5+s14], $0x80, s11, s14, $0xb8;
	[tilespmem:$0x1D080] =	vst v63  }
0x157: {  	_ =	swait.ge [sflag:s18], $0x2800  }
0x158: {  	[sflag:s18] =	ssyncset.done $0x0  }
0x159: {  	s11 =	rddreg [dreg:$0x13];
	[sflag:s18] =	ssyncadd.s32 $0xFFFFD800  }
0x15a: {  	[spmem:s3] =	stream.indirect.scatter.add.f32 [tilespmem:s15], [sflag:$0x4], $0x80, s11, s14, $0xb8;
	[tilespmem:$0x1D080] =	vst v63  }
0x15b: {  	_ =	swait.ge [sflag:s12], $0x2800  }
0x15c: {  	[sflag:s12] =	ssyncset.done $0x0  }
0x15d: {  	s11 =	rddreg [dreg:$0x14];
	[sflag:s12] =	ssyncadd.s32 $0xFFFFD800  }
0x15e: {  	[tilespmem:s15], [sflag:$0x1] =	stream.indirect.gather [hbm4b:s5+s14], $0x80, s11, s14, $0xb8;
	[tilespmem:$0x1D080] =	vst v63  }
0x15f: {  	_ =	swait.ge [sflag:s19], $0x2800  }
0x160: {  	[sflag:s19] =	ssyncset.done $0x0  }
0x161: {  	s11 =	rddreg [dreg:$0x15];
	[sflag:s19] =	ssyncadd.s32 $0xFFFFD800  }
0x162: {  	[spmem:s3] =	stream.indirect.scatter.add.f32 [tilespmem:s16], [sflag:$0x4], $0x80, s11, s14, $0xb8;
	[tilespmem:$0x1D080] =	vst v63  }
0x163: {  	_ =	swait.ge [sflag:s12], $0x2800  }
0x164: {  	[sflag:s12] =	ssyncset.done $0x0  }
0x165: {  	s11 =	rddreg [dreg:$0x16];
	[sflag:s12] =	ssyncadd.s32 $0xFFFFD800  }
0x166: {  	[tilespmem:s16], [sflag:$0x2] =	stream.indirect.gather [hbm4b:s5+s14], $0x80, s11, s14, $0xb8;
	[tilespmem:$0x1D080] =	vst v63  }
0x167: {  	_ =	swait.ge [sflag:s20], $0x2800  }
0x168: {  	[sflag:s20] =	ssyncset.done $0x0  }
0x169: {  	s11 =	rddreg [dreg:$0x17];
	[sflag:s20] =	ssyncadd.s32 $0xFFFFD800  }
0x16a: {  	[spmem:s3] =	stream.indirect.scatter.add.f32 [tilespmem:s17], [sflag:$0x4], $0x80, s11, s14, $0xb8;
	[tilespmem:$0x1D080] =	vst v63  }
0x16b: {  	_ =	swait.ge [sflag:s12], $0x2800  }
0x16c: {  	[sflag:s12] =	ssyncset.done $0x0  }
0x16d: {  	s11 =	rddreg [dreg:$0x18];
	[sflag:s12] =	ssyncadd.s32 $0xFFFFD800  }
0x16e: {  	[tilespmem:s17], [sflag:$0x3] =	stream.indirect.gather [hbm4b:s5+s14], $0x80, s11, s14, $0xb8;
	[tilespmem:$0x1D080] =	vst v63  }
0x16f: {  	_ =	swait.ge [sflag:s18], $0x2800  }
0x170: {  	[sflag:s18] =	ssyncset.done $0x0  }
0x171: {  	s11 =	rddreg [dreg:$0x19];
	[sflag:s18] =	ssyncadd.s32 $0xFFFFD800  }
0x172: {  	[spmem:s3] =	stream.indirect.scatter.add.f32 [tilespmem:s15], [sflag:$0x4], $0x80, s11, s14, $0xb8;
	[tilespmem:$0x1D080] =	vst v63  }
0x173: {  	_ =	swait.ge [sflag:s12], $0x2800  }
0x174: {  	[sflag:s12] =	ssyncset.done $0x0  }
0x175: {  	s11 =	rddreg [dreg:$0x1a];
	[sflag:s12] =	ssyncadd.s32 $0xFFFFD800  }
0x176: {  	[tilespmem:s15], [sflag:$0x1] =	stream.indirect.gather [hbm4b:s5+s14], $0x80, s11, s14, $0xb8;
	[tilespmem:$0x1D080] =	vst v63  }
0x177: {  	_ =	swait.ge [sflag:s19], $0x2800  }
0x178: {  	[sflag:s19] =	ssyncset.done $0x0  }
0x179: {  	s11 =	rddreg [dreg:$0x1b];
	[sflag:s19] =	ssyncadd.s32 $0xFFFFD800  }
0x17a: {  	[spmem:s3] =	stream.indirect.scatter.add.f32 [tilespmem:s16], [sflag:$0x4], $0x80, s11, s14, $0xb8;
	[tilespmem:$0x1D080] =	vst v63  }
0x17b: {  	_ =	swait.ge [sflag:s12], $0x2800  }
0x17c: {  	[sflag:s12] =	ssyncset.done $0x0  }
0x17d: {  	s11 =	rddreg [dreg:$0x1c];
	[sflag:s12] =	ssyncadd.s32 $0xFFFFD800  }
0x17e: {  	[tilespmem:s16], [sflag:$0x2] =	stream.indirect.gather [hbm4b:s5+s14], $0x80, s11, s14, $0xb8;
	[tilespmem:$0x1D080] =	vst v63  }
0x17f: {  	_ =	swait.ge [sflag:s20], $0x2800  }
0x180: {  	[sflag:s20] =	ssyncset.done $0x0  }
0x181: {  	s11 =	rddreg [dreg:$0x1d];
	[sflag:s20] =	ssyncadd.s32 $0xFFFFD800  }
0x182: {  	[spmem:s3] =	stream.indirect.scatter.add.f32 [tilespmem:s17], [sflag:$0x4], $0x80, s11, s14, $0xb8;
	[tilespmem:$0x1D080] =	vst v63  }
0x183: {  	_ =	swait.ge [sflag:s12], $0x2800  }
0x184: {  	[sflag:s12] =	ssyncset.done $0x0  }
0x185: {  	s11 =	rddreg [dreg:$0x1e];
	[sflag:s12] =	ssyncadd.s32 $0xFFFFD800  }
0x186: {  	[tilespmem:s17], [sflag:$0x3] =	stream.indirect.gather [hbm4b:s5+s14], $0x80, s11, s14, $0xb8;
	[tilespmem:$0x1D080] =	vst v63  }
0x187: {  	_ =	swait.ge [sflag:s18], $0x2800  }
0x188: {  	[sflag:s18] =	ssyncset.done $0x0  }
0x189: {  	s11 =	rddreg [dreg:$0x1f];
	[sflag:s18] =	ssyncadd.s32 $0xFFFFD800  }
0x18a: {  	[spmem:s3] =	stream.indirect.scatter.add.f32 [tilespmem:s15], [sflag:$0x4], $0x80, s11, s14, $0xb8;
	[tilespmem:$0x1D080] =	vst v63  }
0x18b: {  	_ =	swait.ge [sflag:s12], $0x2800  }
0x18c: {  	s11 =	sld [smem:$0x7F4]  }
0x18d: {  	[sflag:s12] =	ssyncset.done $0x0  }
0x18e: {  	[sflag:s12] =	ssyncadd.s32 $0xFFFFD800  }
0x18f: {  	[tilespmem:s15], [sflag:$0x1] =	stream.indirect.gather [hbm4b:s5+s14], $0x80, s11, s14, $0xb8;
	[tilespmem:$0x1D080] =	vst v63  }
0x190: {  	_ =	swait.ge [sflag:s19], $0x2800  }
0x191: {  	s11 =	sld [smem:$0x7F5]  }
0x192: {  	[sflag:s19] =	ssyncset.done $0x0  }
0x193: {  	[sflag:s19] =	ssyncadd.s32 $0xFFFFD800  }
0x194: {  	[spmem:s3] =	stream.indirect.scatter.add.f32 [tilespmem:s16], [sflag:$0x4], $0x80, s11, s14, $0xb8;
	[tilespmem:$0x1D080] =	vst v63  }
0x195: {  	_ =	swait.ge [sflag:s12], $0x2800  }
0x196: {  	s11 =	sld [smem:$0x7F6]  }
0x197: {  	[sflag:s12] =	ssyncset.done $0x0  }
0x198: {  	[sflag:s12] =	ssyncadd.s32 $0xFFFFD800  }
0x199: {  	[tilespmem:s16], [sflag:$0x2] =	stream.indirect.gather [hbm4b:s5+s14], $0x80, s11, s14, $0xb8;
	[tilespmem:$0x1D080] =	vst v63  }
0x19a: {  	_ =	swait.ge [sflag:s20], $0x2800  }
0x19b: {  	s11 =	sld [smem:$0x7F7]  }
0x19c: {  	[sflag:s20] =	ssyncset.done $0x0  }
0x19d: {  	[sflag:s20] =	ssyncadd.s32 $0xFFFFD800  }
0x19e: {  	[spmem:s3] =	stream.indirect.scatter.add.f32 [tilespmem:s17], [sflag:$0x4], $0x80, s11, s14, $0xb8;
	[tilespmem:$0x1D080] =	vst v63  }
0x19f: {  	_ =	swait.ge [sflag:s12], $0x2800  }
0x1a0: {  	s11 =	sld [smem:$0x7F8]  }
0x1a1: {  	[sflag:s12] =	ssyncset.done $0x0  }
0x1a2: {  	[sflag:s12] =	ssyncadd.s32 $0xFFFFD800  }
0x1a3: {  	[tilespmem:s17], [sflag:$0x3] =	stream.indirect.gather [hbm4b:s5+s14], $0x80, s11, s14, $0xb8;
	[tilespmem:$0x1D080] =	vst v63  }
0x1a4: {  	_ =	swait.ge [sflag:s18], $0x2800  }
0x1a5: {  	s11 =	sld [smem:$0x7F9]  }
0x1a6: {  	[sflag:s18] =	ssyncset.done $0x0  }
0x1a7: {  	[sflag:s18] =	ssyncadd.s32 $0xFFFFD800  }
0x1a8: {  	[spmem:s3] =	stream.indirect.scatter.add.f32 [tilespmem:s15], [sflag:$0x4], $0x80, s11, s14, $0xb8;
	[tilespmem:$0x1D080] =	vst v63  }
0x1a9: {  	_ =	swait.ge [sflag:s12], $0x2800  }
0x1aa: {  	s11 =	sld [smem:$0x7FA]  }
0x1ab: {  	[sflag:s12] =	ssyncset.done $0x0  }
0x1ac: {  	[sflag:s12] =	ssyncadd.s32 $0xFFFFD800  }
0x1ad: {  	[tilespmem:s15], [sflag:$0x1] =	stream.indirect.gather [hbm4b:s5+s14], $0x80, s11, s14, $0xb8;
	[tilespmem:$0x1D080] =	vst v63  }
0x1ae: {  	_ =	swait.ge [sflag:s19], $0x2800  }
0x1af: {  	[sflag:s19] =	ssyncset.done $0x0  }
0x1b0: {  	[sflag:s19] =	ssyncadd.s32 $0xFFFFD800  }
0x1b1: {  	[spmem:s3] =	stream.indirect.scatter.add.f32 [tilespmem:s16], [sflag:$0x4], $0x80, s21, s14, $0xb8;
	[tilespmem:$0x1D080] =	vst v63  }
0x1b2: {  	_ =	swait.ge [sflag:s12], $0x2800  }
0x1b3: {  	[sflag:s12] =	ssyncset.done $0x0  }
0x1b4: {  	[sflag:s12] =	ssyncadd.s32 $0xFFFFD800  }
0x1b5: {  	[tilespmem:s16], [sflag:$0x2] =	stream.indirect.gather [hbm4b:s5+s14], $0x80, s22, s14, $0xb8;
	[tilespmem:$0x1D080] =	vst v63  }
0x1b6: {  	_ =	swait.ge [sflag:s20], $0x2800  }
0x1b7: {  	[sflag:s20] =	ssyncset.done $0x0  }
0x1b8: {  	[sflag:s20] =	ssyncadd.s32 $0xFFFFD800  }
0x1b9: {  	[spmem:s3] =	stream.indirect.scatter.add.f32 [tilespmem:s17], [sflag:$0x4], $0x80, s23, s14, $0xb8;
	[tilespmem:$0x1D080] =	vst v63  }
0x1ba: {  	_ =	swait.ge [sflag:s12], $0x2800  }
0x1bb: {  	[sflag:s12] =	ssyncset.done $0x0  }
0x1bc: {  	[sflag:s12] =	ssyncadd.s32 $0xFFFFD800  }
0x1bd: {  	[tilespmem:s17], [sflag:$0x3] =	stream.indirect.gather [hbm4b:s5+s14], $0x80, s24, s14, $0xb8;
	[tilespmem:$0x1D080] =	vst v63  }
0x1be: {  	_ =	swait.ge [sflag:s18], $0x2800  }
0x1bf: {  	[sflag:s18] =	ssyncset.done $0x0  }
0x1c0: {  	[sflag:s18] =	ssyncadd.s32 $0xFFFFD800  }
0x1c1: {  	[spmem:s3] =	stream.indirect.scatter.add.f32 [tilespmem:s15], [sflag:$0x4], $0x80, s25, s14, $0xb8;
	[tilespmem:$0x1D080] =	vst v63  }
0x1c2: {  	_ =	swait.ge [sflag:s12], $0x2800  }
0x1c3: {  	[sflag:s12] =	ssyncset.done $0x0  }
0x1c4: {  	[sflag:s12] =	ssyncadd.s32 $0xFFFFD800  }
0x1c5: {  	[tilespmem:s15], [sflag:$0x1] =	stream.indirect.gather [hbm4b:s5+s14], $0x80, s26, s14, $0xb8;
	[tilespmem:$0x1D080] =	vst v63  }
0x1c6: {  	_ =	swait.ge [sflag:s19], $0x2800  }
0x1c7: {  	[sflag:s19] =	ssyncset.done $0x0  }
0x1c8: {  	[sflag:s19] =	ssyncadd.s32 $0xFFFFD800  }
0x1c9: {  	[spmem:s3] =	stream.indirect.scatter.add.f32 [tilespmem:s16], [sflag:$0x4], $0x80, s28, s14, $0xb8;
	[tilespmem:$0x1D080] =	vst v63  }
0x1ca: {  	_ =	swait.ge [sflag:s12], $0x2800  }
0x1cb: {  	[sflag:s12] =	ssyncset.done $0x0  }
0x1cc: {  	[sflag:s12] =	ssyncadd.s32 $0xFFFFD800  }
0x1cd: {  	[tilespmem:s16], [sflag:$0x2] =	stream.indirect.gather [hbm4b:s5+s14], $0x80, s29, s14, $0xb8;
	[tilespmem:$0x1D080] =	vst v63  }
0x1ce: {  	_ =	swait.ge [sflag:s20], $0x2800  }
0x1cf: {  	[sflag:s20] =	ssyncset.done $0x0  }
0x1d0: {  	[sflag:s20] =	ssyncadd.s32 $0xFFFFD800  }
0x1d1: {  	[spmem:s3] =	stream.indirect.scatter.add.f32 [tilespmem:s17], [sflag:$0x4], $0x80, s30, s14, $0xb8;
	[tilespmem:$0x1D080] =	vst v63  }
0x1d2: {  	_ =	swait.ge [sflag:s12], $0x2800  }
0x1d3: {  	[sflag:s12] =	ssyncset.done $0x0  }
0x1d4: {  	[sflag:s12] =	ssyncadd.s32 $0xFFFFD800  }
0x1d5: {  	[tilespmem:s17], [sflag:$0x3] =	stream.indirect.gather [hbm4b:s5+s14], $0x80, s31, s14, $0xb8;
	[tilespmem:$0x1D080] =	vst v63  }
0x1d6: {  	_ =	swait.ge [sflag:s18], $0x2800  }
0x1d7: {  	[sflag:s18] =	ssyncset.done $0x0  }
0x1d8: {  	[sflag:s18] =	ssyncadd.s32 $0xFFFFD800  }
0x1d9: {  	[spmem:s3] =	stream.indirect.scatter.add.f32 [tilespmem:s15], [sflag:$0x4], $0x80, s1, s14, $0xb8;
	[tilespmem:$0x1D080] =	vst v63  }
0x1da: {  	_ =	swait.ge [sflag:s12], $0x2800  }
0x1db: {  	[sflag:s12] =	ssyncset.done $0x0  }
0x1dc: {  	[sflag:s12] =	ssyncadd.s32 $0xFFFFD800  }
0x1dd: {  	[tilespmem:s15], [sflag:$0x1] =	stream.indirect.gather [hbm4b:s5+s14], $0x80, s0, s14, $0xb8;
	[tilespmem:$0x1D080] =	vst v63  }
0x1de: {  	_ =	swait.ge [sflag:s19], $0x2800  }
0x1df: {  	[sflag:s19] =	ssyncset.done $0x0  }
0x1e0: {  	[sflag:s19] =	ssyncadd.s32 $0xFFFFD800  }
0x1e1: {  	[spmem:s3] =	stream.indirect.scatter.add.f32 [tilespmem:s16], [sflag:$0x4], $0x80, s2, s14, $0xb8;
	[tilespmem:$0x1D080] =	vst v63  }
0x1e2: {  	_ =	swait.ge [sflag:s12], $0x2800  }
0x1e3: {  	[sflag:s12] =	ssyncset.done $0x0  }
0x1e4: {  	[sflag:s12] =	ssyncadd.s32 $0xFFFFD800  }
0x1e5: {  	_ =	swait.ge [sflag:s20], $0x2800  }
0x1e6: {  	[sflag:s20] =	ssyncset.done $0x0  }
0x1e7: {  	[sflag:s20] =	ssyncadd.s32 $0xFFFFD800  }
0x1e8: {  	[spmem:s3] =	stream.indirect.scatter.add.f32 [tilespmem:s17], [sflag:$0x4], $0x80, s6, s14, $0xb8;
	[tilespmem:$0x1D080] =	vst v63  }
0x1e9: {  	_ =	swait.ge [sflag:s12], $0x2800  }
0x1ea: {  	[sflag:s12] =	ssyncset.done $0x0  }
0x1eb: {  	[sflag:s12] =	ssyncadd.s32 $0xFFFFD800  }
0x1ec: {  	p1 =	sne.s32 s10, $0x800;
	_ =	swait.ge [sflag:s18], $0x2800  }
.Ltmp0:
0x1ed: {  	[sflag:s18] =	ssyncset.done $0x0;
	(pc) =	sbr.rel @p1 .LBB2_2-.Ltmp0, $4  }
0x1ee: {  	[sflag:s18] =	ssyncadd.s32 $0xFFFFD800  }
0x1ef: {  	[spmem:s3] =	stream.indirect.scatter.add.f32 [tilespmem:s15], [sflag:$0x4], $0x80, s7, s14, $0xb8;
	[tilespmem:$0x1D080] =	vst v63  }
0x1f0: {  	_ =	swait.ge [sflag:s12], $0x2800  }
0x1f1: {  	s10 =	sadd.s32 $0x200, s10;
	s11 =	rddreg [dreg:$0x5];
	[sflag:s12] =	ssyncset.done $0x0  }
0x1f2: {  	[sflag:s12] =	ssyncadd.s32 $0xFFFFD800;
	s8 =	sadd.s32 s9, s11  }
0x1f3: {  	[tilespmem:s4], [sflag:$0x4] =	stream.linear.gather [hbm4b:s8+s4], $0xC80, $0x38;
	[tilespmem:$0x1D080] =	vst v63  }
0x1f4: {  	_ =	swait.ge [sflag:s12], $0xC80  }
0x1f5: {  	s11 =	rddreg [dreg:$0x4];
	[sflag:s12] =	ssyncset.done $0x0  }
0x1f6: {  	[sflag:s12] =	ssyncadd.s32 $0xFFFFF380;
	s8 =	sadd.s32 s9, s11  }
0x1f7: {  	[tilespmem:s13], [sflag:$0x4] =	stream.linear.gather [hbm4b:s8+s4], $0xC80, $0x38;
	[tilespmem:$0x1D080] =	vst v63  }
0x1f8: {  	_ =	swait.ge [sflag:s12], $0xC80  }
0x1f9: {  	[sflag:s12] =	ssyncset.done $0x0  }
0x1fa: {  	[sflag:s12] =	ssyncadd.s32 $0xFFFFF380  }
0x1fb: {  	[tilespmem:s15], [sflag:$0x1] =	stream.indirect.gather [hbm4b:s5+s14], $0x80, s4, s14, $0xb8;
	[tilespmem:$0x1D080] =	vst v63  }
0x1fc: {  	s9 =	rddreg [dreg:$0x6]  }
0x1fd: {  	[tilespmem:s16], [sflag:$0x2] =	stream.indirect.gather [hbm4b:s5+s14], $0x80, s9, s14, $0xb8;
	[tilespmem:$0x1D080] =	vst v63  }
0x1fe: {  	s10 =	rddreg [dreg:$0x7]  }
0x1ff: {  	[tilespmem:s17], [sflag:$0x3] =	stream.indirect.gather [hbm4b:s5+s14], $0x80, s10, s14, $0xb8;
	[tilespmem:$0x1D080] =	vst v63  }
0x200: {  	_ =	swait.ge [sflag:s18], $0x2800  }
0x201: {  	[sflag:s18] =	ssyncset.done $0x0  }
0x202: {  	[sflag:s18] =	ssyncadd.s32 $0xFFFFD800  }
0x203: {  	[spmem:s3] =	stream.indirect.scatter.add.f32 [tilespmem:s15], [sflag:$0x4], $0x80, s13, s14, $0xb8;
	[tilespmem:$0x1D080] =	vst v63  }
0x204: {  	_ =	swait.ge [sflag:s12], $0x2800  }
0x205: {  	[sflag:s12] =	ssyncset.done $0x0  }
0x206: {  	s11 =	rddreg [dreg:$0x8];
	[sflag:s12] =	ssyncadd.s32 $0xFFFFD800  }
0x207: {  	[tilespmem:s15], [sflag:$0x1] =	stream.indirect.gather [hbm4b:s5+s14], $0x80, s11, s14, $0xb8;
	[tilespmem:$0x1D080] =	vst v63  }
0x208: {  	_ =	swait.ge [sflag:s19], $0x2800  }
0x209: {  	[sflag:s19] =	ssyncset.done $0x0  }
0x20a: {  	s9 =	rddreg [dreg:$0x9];
	[sflag:s19] =	ssyncadd.s32 $0xFFFFD800  }
0x20b: {  	[spmem:s3] =	stream.indirect.scatter.add.f32 [tilespmem:s16], [sflag:$0x4], $0x80, s9, s14, $0xb8;
	[tilespmem:$0x1D080] =	vst v63  }
0x20c: {  	_ =	swait.ge [sflag:s12], $0x2800  }
0x20d: {  	[sflag:s12] =	ssyncset.done $0x0  }
0x20e: {  	s10 =	rddreg [dreg:$0xa];
	[sflag:s12] =	ssyncadd.s32 $0xFFFFD800  }
0x20f: {  	[tilespmem:s16], [sflag:$0x2] =	stream.indirect.gather [hbm4b:s5+s14], $0x80, s10, s14, $0xb8;
	[tilespmem:$0x1D080] =	vst v63  }
0x210: {  	_ =	swait.ge [sflag:s20], $0x2800  }
0x211: {  	[sflag:s20] =	ssyncset.done $0x0  }
0x212: {  	s11 =	rddreg [dreg:$0xb];
	[sflag:s20] =	ssyncadd.s32 $0xFFFFD800  }
0x213: {  	[spmem:s3] =	stream.indirect.scatter.add.f32 [tilespmem:s17], [sflag:$0x4], $0x80, s11, s14, $0xb8;
	[tilespmem:$0x1D080] =	vst v63  }
0x214: {  	_ =	swait.ge [sflag:s12], $0x2800  }
0x215: {  	[sflag:s12] =	ssyncset.done $0x0  }
0x216: {  	s9 =	rddreg [dreg:$0xc];
	[sflag:s12] =	ssyncadd.s32 $0xFFFFD800  }
0x217: {  	[tilespmem:s17], [sflag:$0x3] =	stream.indirect.gather [hbm4b:s5+s14], $0x80, s9, s14, $0xb8;
	[tilespmem:$0x1D080] =	vst v63  }
0x218: {  	_ =	swait.ge [sflag:s18], $0x2800  }
0x219: {  	[sflag:s18] =	ssyncset.done $0x0  }
0x21a: {  	s10 =	rddreg [dreg:$0xd];
	[sflag:s18] =	ssyncadd.s32 $0xFFFFD800  }
0x21b: {  	[spmem:s3] =	stream.indirect.scatter.add.f32 [tilespmem:s15], [sflag:$0x4], $0x80, s10, s14, $0xb8;
	[tilespmem:$0x1D080] =	vst v63  }
0x21c: {  	_ =	swait.ge [sflag:s12], $0x2800  }
0x21d: {  	[sflag:s12] =	ssyncset.done $0x0  }
0x21e: {  	s11 =	rddreg [dreg:$0xe];
	[sflag:s12] =	ssyncadd.s32 $0xFFFFD800  }
0x21f: {  	[tilespmem:s15], [sflag:$0x1] =	stream.indirect.gather [hbm4b:s5+s14], $0x80, s11, s14, $0xb8;
	[tilespmem:$0x1D080] =	vst v63  }
0x220: {  	_ =	swait.ge [sflag:s19], $0x2800  }
0x221: {  	[sflag:s19] =	ssyncset.done $0x0  }
0x222: {  	s9 =	rddreg [dreg:$0xf];
	[sflag:s19] =	ssyncadd.s32 $0xFFFFD800  }
0x223: {  	[spmem:s3] =	stream.indirect.scatter.add.f32 [tilespmem:s16], [sflag:$0x4], $0x80, s9, s14, $0xb8;
	[tilespmem:$0x1D080] =	vst v63  }
0x224: {  	_ =	swait.ge [sflag:s12], $0x2800  }
0x225: {  	[sflag:s12] =	ssyncset.done $0x0  }
0x226: {  	s10 =	rddreg [dreg:$0x10];
	[sflag:s12] =	ssyncadd.s32 $0xFFFFD800  }
0x227: {  	[tilespmem:s16], [sflag:$0x2] =	stream.indirect.gather [hbm4b:s5+s14], $0x80, s10, s14, $0xb8;
	[tilespmem:$0x1D080] =	vst v63  }
0x228: {  	_ =	swait.ge [sflag:s20], $0x2800  }
0x229: {  	[sflag:s20] =	ssyncset.done $0x0  }
0x22a: {  	s11 =	rddreg [dreg:$0x11];
	[sflag:s20] =	ssyncadd.s32 $0xFFFFD800  }
0x22b: {  	[spmem:s3] =	stream.indirect.scatter.add.f32 [tilespmem:s17], [sflag:$0x4], $0x80, s11, s14, $0xb8;
	[tilespmem:$0x1D080] =	vst v63  }
0x22c: {  	_ =	swait.ge [sflag:s12], $0x2800  }
0x22d: {  	[sflag:s12] =	ssyncset.done $0x0  }
0x22e: {  	s9 =	rddreg [dreg:$0x12];
	[sflag:s12] =	ssyncadd.s32 $0xFFFFD800  }
0x22f: {  	[tilespmem:s17], [sflag:$0x3] =	stream.indirect.gather [hbm4b:s5+s14], $0x80, s9, s14, $0xb8;
	[tilespmem:$0x1D080] =	vst v63  }
0x230: {  	_ =	swait.ge [sflag:s18], $0x2800  }
0x231: {  	[sflag:s18] =	ssyncset.done $0x0  }
0x232: {  	s10 =	rddreg [dreg:$0x13];
	[sflag:s18] =	ssyncadd.s32 $0xFFFFD800  }
0x233: {  	[spmem:s3] =	stream.indirect.scatter.add.f32 [tilespmem:s15], [sflag:$0x4], $0x80, s10, s14, $0xb8;
	[tilespmem:$0x1D080] =	vst v63  }
0x234: {  	_ =	swait.ge [sflag:s12], $0x2800  }
0x235: {  	[sflag:s12] =	ssyncset.done $0x0  }
0x236: {  	s11 =	rddreg [dreg:$0x14];
	[sflag:s12] =	ssyncadd.s32 $0xFFFFD800  }
0x237: {  	[tilespmem:s15], [sflag:$0x1] =	stream.indirect.gather [hbm4b:s5+s14], $0x80, s11, s14, $0xb8;
	[tilespmem:$0x1D080] =	vst v63  }
0x238: {  	_ =	swait.ge [sflag:s19], $0x2800  }
0x239: {  	[sflag:s19] =	ssyncset.done $0x0  }
0x23a: {  	s9 =	rddreg [dreg:$0x15];
	[sflag:s19] =	ssyncadd.s32 $0xFFFFD800  }
0x23b: {  	[spmem:s3] =	stream.indirect.scatter.add.f32 [tilespmem:s16], [sflag:$0x4], $0x80, s9, s14, $0xb8;
	[tilespmem:$0x1D080] =	vst v63  }
0x23c: {  	_ =	swait.ge [sflag:s12], $0x2800  }
0x23d: {  	[sflag:s12] =	ssyncset.done $0x0  }
0x23e: {  	s10 =	rddreg [dreg:$0x16];
	[sflag:s12] =	ssyncadd.s32 $0xFFFFD800  }
0x23f: {  	[tilespmem:s16], [sflag:$0x2] =	stream.indirect.gather [hbm4b:s5+s14], $0x80, s10, s14, $0xb8;
	[tilespmem:$0x1D080] =	vst v63  }
0x240: {  	_ =	swait.ge [sflag:s20], $0x2800  }
0x241: {  	[sflag:s20] =	ssyncset.done $0x0  }
0x242: {  	s11 =	rddreg [dreg:$0x17];
	[sflag:s20] =	ssyncadd.s32 $0xFFFFD800  }
0x243: {  	[spmem:s3] =	stream.indirect.scatter.add.f32 [tilespmem:s17], [sflag:$0x4], $0x80, s11, s14, $0xb8;
	[tilespmem:$0x1D080] =	vst v63  }
0x244: {  	_ =	swait.ge [sflag:s12], $0x2800  }
0x245: {  	[sflag:s12] =	ssyncset.done $0x0  }
0x246: {  	s9 =	rddreg [dreg:$0x18];
	[sflag:s12] =	ssyncadd.s32 $0xFFFFD800  }
0x247: {  	[tilespmem:s17], [sflag:$0x3] =	stream.indirect.gather [hbm4b:s5+s14], $0x80, s9, s14, $0xb8;
	[tilespmem:$0x1D080] =	vst v63  }
0x248: {  	_ =	swait.ge [sflag:s18], $0x2800  }
0x249: {  	[sflag:s18] =	ssyncset.done $0x0  }
0x24a: {  	s10 =	rddreg [dreg:$0x19];
	[sflag:s18] =	ssyncadd.s32 $0xFFFFD800  }
0x24b: {  	[spmem:s3] =	stream.indirect.scatter.add.f32 [tilespmem:s15], [sflag:$0x4], $0x80, s10, s14, $0xb8;
	[tilespmem:$0x1D080] =	vst v63  }
0x24c: {  	_ =	swait.ge [sflag:s12], $0x2800  }
0x24d: {  	[sflag:s12] =	ssyncset.done $0x0  }
0x24e: {  	s11 =	rddreg [dreg:$0x1a];
	[sflag:s12] =	ssyncadd.s32 $0xFFFFD800  }
0x24f: {  	[tilespmem:s15], [sflag:$0x1] =	stream.indirect.gather [hbm4b:s5+s14], $0x80, s11, s14, $0xb8;
	[tilespmem:$0x1D080] =	vst v63  }
0x250: {  	_ =	swait.ge [sflag:s19], $0x2800  }
0x251: {  	[sflag:s19] =	ssyncset.done $0x0  }
0x252: {  	s9 =	rddreg [dreg:$0x1b];
	[sflag:s19] =	ssyncadd.s32 $0xFFFFD800  }
0x253: {  	[spmem:s3] =	stream.indirect.scatter.add.f32 [tilespmem:s16], [sflag:$0x4], $0x80, s9, s14, $0xb8;
	[tilespmem:$0x1D080] =	vst v63  }
0x254: {  	_ =	swait.ge [sflag:s12], $0x2800  }
0x255: {  	[sflag:s12] =	ssyncset.done $0x0  }
0x256: {  	s10 =	rddreg [dreg:$0x1c];
	[sflag:s12] =	ssyncadd.s32 $0xFFFFD800  }
0x257: {  	[tilespmem:s16], [sflag:$0x2] =	stream.indirect.gather [hbm4b:s5+s14], $0x80, s10, s14, $0xb8;
	[tilespmem:$0x1D080] =	vst v63  }
0x258: {  	_ =	swait.ge [sflag:s20], $0x2800  }
0x259: {  	[sflag:s20] =	ssyncset.done $0x0  }
0x25a: {  	s11 =	rddreg [dreg:$0x1d];
	[sflag:s20] =	ssyncadd.s32 $0xFFFFD800  }
0x25b: {  	[spmem:s3] =	stream.indirect.scatter.add.f32 [tilespmem:s17], [sflag:$0x4], $0x80, s11, s14, $0xb8;
	[tilespmem:$0x1D080] =	vst v63  }
0x25c: {  	_ =	swait.ge [sflag:s12], $0x2800  }
0x25d: {  	[sflag:s12] =	ssyncset.done $0x0  }
0x25e: {  	s9 =	rddreg [dreg:$0x1e];
	[sflag:s12] =	ssyncadd.s32 $0xFFFFD800  }
0x25f: {  	[tilespmem:s17], [sflag:$0x3] =	stream.indirect.gather [hbm4b:s5+s14], $0x80, s9, s14, $0xb8;
	[tilespmem:$0x1D080] =	vst v63  }
0x260: {  	_ =	swait.ge [sflag:s18], $0x2800  }
0x261: {  	[sflag:s18] =	ssyncset.done $0x0  }
0x262: {  	s10 =	rddreg [dreg:$0x1f];
	[sflag:s18] =	ssyncadd.s32 $0xFFFFD800  }
0x263: {  	[spmem:s3] =	stream.indirect.scatter.add.f32 [tilespmem:s15], [sflag:$0x4], $0x80, s10, s14, $0xb8;
	[tilespmem:$0x1D080] =	vst v63  }
0x264: {  	_ =	swait.ge [sflag:s12], $0x2800  }
0x265: {  	s11 =	sld [smem:$0x7F4]  }
0x266: {  	[sflag:s12] =	ssyncset.done $0x0  }
0x267: {  	[sflag:s12] =	ssyncadd.s32 $0xFFFFD800  }
0x268: {  	[tilespmem:s15], [sflag:$0x1] =	stream.indirect.gather [hbm4b:s5+s14], $0x80, s11, s14, $0xb8;
	[tilespmem:$0x1D080] =	vst v63  }
0x269: {  	_ =	swait.ge [sflag:s19], $0x2800  }
0x26a: {  	s9 =	sld [smem:$0x7F5]  }
0x26b: {  	[sflag:s19] =	ssyncset.done $0x0  }
0x26c: {  	[sflag:s19] =	ssyncadd.s32 $0xFFFFD800  }
0x26d: {  	[spmem:s3] =	stream.indirect.scatter.add.f32 [tilespmem:s16], [sflag:$0x4], $0x80, s9, s14, $0xb8;
	[tilespmem:$0x1D080] =	vst v63  }
0x26e: {  	_ =	swait.ge [sflag:s12], $0x2800  }
0x26f: {  	s10 =	sld [smem:$0x7F6]  }
0x270: {  	[sflag:s12] =	ssyncset.done $0x0  }
0x271: {  	[sflag:s12] =	ssyncadd.s32 $0xFFFFD800  }
0x272: {  	[tilespmem:s16], [sflag:$0x2] =	stream.indirect.gather [hbm4b:s5+s14], $0x80, s10, s14, $0xb8;
	[tilespmem:$0x1D080] =	vst v63  }
0x273: {  	_ =	swait.ge [sflag:s20], $0x2800  }
0x274: {  	s11 =	sld [smem:$0x7F7]  }
0x275: {  	[sflag:s20] =	ssyncset.done $0x0  }
0x276: {  	[sflag:s20] =	ssyncadd.s32 $0xFFFFD800  }
0x277: {  	[spmem:s3] =	stream.indirect.scatter.add.f32 [tilespmem:s17], [sflag:$0x4], $0x80, s11, s14, $0xb8;
	[tilespmem:$0x1D080] =	vst v63  }
0x278: {  	_ =	swait.ge [sflag:s12], $0x2800  }
0x279: {  	s9 =	sld [smem:$0x7F8]  }
0x27a: {  	[sflag:s12] =	ssyncset.done $0x0  }
0x27b: {  	[sflag:s12] =	ssyncadd.s32 $0xFFFFD800  }
0x27c: {  	[tilespmem:s17], [sflag:$0x3] =	stream.indirect.gather [hbm4b:s5+s14], $0x80, s9, s14, $0xb8;
	[tilespmem:$0x1D080] =	vst v63  }
0x27d: {  	_ =	swait.ge [sflag:s18], $0x2800  }
0x27e: {  	s10 =	sld [smem:$0x7F9]  }
0x27f: {  	[sflag:s18] =	ssyncset.done $0x0  }
0x280: {  	[sflag:s18] =	ssyncadd.s32 $0xFFFFD800  }
0x281: {  	[spmem:s3] =	stream.indirect.scatter.add.f32 [tilespmem:s15], [sflag:$0x4], $0x80, s10, s14, $0xb8;
	[tilespmem:$0x1D080] =	vst v63  }
0x282: {  	_ =	swait.ge [sflag:s12], $0x2800  }
0x283: {  	s11 =	sld [smem:$0x7FA]  }
0x284: {  	[sflag:s12] =	ssyncset.done $0x0  }
0x285: {  	[sflag:s12] =	ssyncadd.s32 $0xFFFFD800  }
0x286: {  	[tilespmem:s15], [sflag:$0x1] =	stream.indirect.gather [hbm4b:s5+s14], $0x80, s11, s14, $0xb8;
	[tilespmem:$0x1D080] =	vst v63  }
0x287: {  	_ =	swait.ge [sflag:s19], $0x2800  }
0x288: {  	[sflag:s19] =	ssyncset.done $0x0  }
0x289: {  	[sflag:s19] =	ssyncadd.s32 $0xFFFFD800  }
0x28a: {  	[spmem:s3] =	stream.indirect.scatter.add.f32 [tilespmem:s16], [sflag:$0x4], $0x80, s21, s14, $0xb8;
	[tilespmem:$0x1D080] =	vst v63  }
0x28b: {  	_ =	swait.ge [sflag:s12], $0x2800  }
0x28c: {  	[sflag:s12] =	ssyncset.done $0x0  }
0x28d: {  	[sflag:s12] =	ssyncadd.s32 $0xFFFFD800  }
0x28e: {  	[tilespmem:s16], [sflag:$0x2] =	stream.indirect.gather [hbm4b:s5+s14], $0x80, s22, s14, $0xb8;
	[tilespmem:$0x1D080] =	vst v63  }
0x28f: {  	_ =	swait.ge [sflag:s20], $0x2800  }
0x290: {  	[sflag:s20] =	ssyncset.done $0x0  }
0x291: {  	[sflag:s20] =	ssyncadd.s32 $0xFFFFD800  }
0x292: {  	[spmem:s3] =	stream.indirect.scatter.add.f32 [tilespmem:s17], [sflag:$0x4], $0x80, s23, s14, $0xb8;
	[tilespmem:$0x1D080] =	vst v63  }
0x293: {  	_ =	swait.ge [sflag:s12], $0x2800  }
0x294: {  	[sflag:s12] =	ssyncset.done $0x0  }
0x295: {  	[sflag:s12] =	ssyncadd.s32 $0xFFFFD800  }
0x296: {  	[tilespmem:s17], [sflag:$0x3] =	stream.indirect.gather [hbm4b:s5+s14], $0x80, s24, s14, $0xb8;
	[tilespmem:$0x1D080] =	vst v63  }
0x297: {  	_ =	swait.ge [sflag:s18], $0x2800  }
0x298: {  	[sflag:s18] =	ssyncset.done $0x0  }
0x299: {  	[sflag:s18] =	ssyncadd.s32 $0xFFFFD800  }
0x29a: {  	[spmem:s3] =	stream.indirect.scatter.add.f32 [tilespmem:s15], [sflag:$0x4], $0x80, s25, s14, $0xb8;
	[tilespmem:$0x1D080] =	vst v63  }
0x29b: {  	_ =	swait.ge [sflag:s12], $0x2800  }
0x29c: {  	[sflag:s12] =	ssyncset.done $0x0  }
0x29d: {  	[sflag:s12] =	ssyncadd.s32 $0xFFFFD800  }
0x29e: {  	[tilespmem:s15], [sflag:$0x1] =	stream.indirect.gather [hbm4b:s5+s14], $0x80, s26, s14, $0xb8;
	[tilespmem:$0x1D080] =	vst v63  }
0x29f: {  	_ =	swait.ge [sflag:s19], $0x2800  }
0x2a0: {  	[sflag:s19] =	ssyncset.done $0x0  }
0x2a1: {  	[sflag:s19] =	ssyncadd.s32 $0xFFFFD800  }
0x2a2: {  	[spmem:s3] =	stream.indirect.scatter.add.f32 [tilespmem:s16], [sflag:$0x4], $0x80, s28, s14, $0xb8;
	[tilespmem:$0x1D080] =	vst v63  }
0x2a3: {  	_ =	swait.ge [sflag:s12], $0x2800  }
0x2a4: {  	[sflag:s12] =	ssyncset.done $0x0  }
0x2a5: {  	[sflag:s12] =	ssyncadd.s32 $0xFFFFD800  }
0x2a6: {  	[tilespmem:s16], [sflag:$0x2] =	stream.indirect.gather [hbm4b:s5+s14], $0x80, s29, s14, $0xb8;
	[tilespmem:$0x1D080] =	vst v63  }
0x2a7: {  	_ =	swait.ge [sflag:s20], $0x2800  }
0x2a8: {  	[sflag:s20] =	ssyncset.done $0x0  }
0x2a9: {  	[sflag:s20] =	ssyncadd.s32 $0xFFFFD800  }
0x2aa: {  	[spmem:s3] =	stream.indirect.scatter.add.f32 [tilespmem:s17], [sflag:$0x4], $0x80, s30, s14, $0xb8;
	[tilespmem:$0x1D080] =	vst v63  }
0x2ab: {  	_ =	swait.ge [sflag:s12], $0x2800  }
0x2ac: {  	[sflag:s12] =	ssyncset.done $0x0  }
0x2ad: {  	[sflag:s12] =	ssyncadd.s32 $0xFFFFD800  }
0x2ae: {  	[tilespmem:s17], [sflag:$0x3] =	stream.indirect.gather [hbm4b:s5+s14], $0x80, s31, s14, $0xb8;
	[tilespmem:$0x1D080] =	vst v63  }
0x2af: {  	_ =	swait.ge [sflag:s18], $0x2800  }
0x2b0: {  	[sflag:s18] =	ssyncset.done $0x0  }
0x2b1: {  	[sflag:s18] =	ssyncadd.s32 $0xFFFFD800  }
0x2b2: {  	[spmem:s3] =	stream.indirect.scatter.add.f32 [tilespmem:s15], [sflag:$0x4], $0x80, s1, s14, $0xb8;
	[tilespmem:$0x1D080] =	vst v63  }
0x2b3: {  	_ =	swait.ge [sflag:s12], $0x2800  }
0x2b4: {  	[sflag:s12] =	ssyncset.done $0x0  }
0x2b5: {  	[sflag:s12] =	ssyncadd.s32 $0xFFFFD800  }
0x2b6: {  	[tilespmem:s15], [sflag:$0x1] =	stream.indirect.gather [hbm4b:s5+s14], $0x80, s0, s14, $0xb8;
	[tilespmem:$0x1D080] =	vst v63  }
0x2b7: {  	_ =	swait.ge [sflag:s19], $0x2800  }
0x2b8: {  	[sflag:s19] =	ssyncset.done $0x0  }
0x2b9: {  	[sflag:s19] =	ssyncadd.s32 $0xFFFFD800  }
0x2ba: {  	[spmem:s3] =	stream.indirect.scatter.add.f32 [tilespmem:s16], [sflag:$0x4], $0x80, s2, s14, $0xb8;
	[tilespmem:$0x1D080] =	vst v63  }
0x2bb: {  	_ =	swait.ge [sflag:s12], $0x2800  }
0x2bc: {  	[sflag:s12] =	ssyncset.done $0x0  }
0x2bd: {  	[sflag:s12] =	ssyncadd.s32 $0xFFFFD800  }
0x2be: {  	_ =	swait.ge [sflag:s20], $0x2800  }
0x2bf: {  	[sflag:s20] =	ssyncset.done $0x0  }
0x2c0: {  	[sflag:s20] =	ssyncadd.s32 $0xFFFFD800  }
0x2c1: {  	[spmem:s3] =	stream.indirect.scatter.add.f32 [tilespmem:s17], [sflag:$0x4], $0x80, s6, s14, $0xb8;
	[tilespmem:$0x1D080] =	vst v63  }
0x2c2: {  	_ =	swait.ge [sflag:s12], $0x2800  }
0x2c3: {  	[sflag:s12] =	ssyncset.done $0x0  }
0x2c4: {  	[sflag:s12] =	ssyncadd.s32 $0xFFFFD800  }
0x2c5: {  	_ =	swait.ge [sflag:s18], $0x2800  }
0x2c6: {  	[sflag:s18] =	ssyncset.done $0x0  }
0x2c7: {  	[sflag:s18] =	ssyncadd.s32 $0xFFFFD800  }
0x2c8: {  	[spmem:s3] =	stream.indirect.scatter.add.f32 [tilespmem:s15], [sflag:$0x4], $0x80, s7, s14, $0xb8;
	[tilespmem:$0x1D080] =	vst v63  }
0x2c9: {  	_ =	swait.ge [sflag:s12], $0x2800  }
0x2ca: {  	[sflag:s12] =	ssyncset.done $0x0  }
0x2cb: {  	[sflag:s12] =	ssyncadd.s32 $0xFFFFD800  }
0x2cc: {  	[bflag:$0x0] =	sbarrier.arrive $0xFFFF  }
0x2cd: {  	[bflag:$0x0] =	sbarrier.arrive $0xFFFF  }
0x2ce: {  	s8 =	sld [smem:$0x7F0]  }
0x2cf: {  	s9 =	sld [smem:$0x7F3]  }
0x2d0: {  	s11 =	sld [smem:$0x7FC];
	_ =	sdelay $0x2  }
0x2d1: {  	[hbm:s8], [sflag:s9] =	dma.local @p0 [spmem:s11], $0x2700  }
0x2d2: {  	s8 =	simm.s32 @p0 $0x4  }
0x2d3: {  	_ =	swait.ge @p0 [sflag:s8], $0x2700  }
0x2d4: {  	s9 =	sld [smem:$0x7F1]  }
0x2d5: {  	s10 =	sld [smem:$0x7FD]  }
0x2d6: {  	[sflag:s8] =	ssyncset.done @p0 $0x0  }
0x2d7: {  	[sflag:s8] =	ssyncadd.s32 @p0 $0xFFFFD900;
	s8 =	simm.s32 @!p0 $0x1FC4  }
0x2d8: {  	[hbm:s9], [sflag:s8] =	dma.local @!p0 [spmem:s10], $0x2800  }
0x2d9: {  	s9 =	simm.s32 @!p0 $0x4  }
0x2da: {  	_ =	swait.ge @!p0 [sflag:s9], $0x2800  }
0x2db: {  	s8 =	sld [smem:$0x7FB]  }
0x2dc: {  	[sflag:s9] =	ssyncset.done @!p0 $0x0;
	s9 =	sld [smem:$0x7F2];
	_ =	sdelay $0x1  }
0x2dd: {  	s8 =	sadd.s32 $0x1, s8  }
0x2de: {  	p1 =	sne.s32 s8, s9  }
.Ltmp1:
0x2df: {  	_ = 	snop;
	(pc) =	sbr.rel @p1 .LBB2_1-.Ltmp1, $3  }
0x2e0: {  	_ =	sdelay $0x1  }
0x2e1: {  	[smem:$0x7FB] =	sst s8;
	s8 =	simm.s32 @!p0 $0x4  }
0x2e2: {  	[sflag:s8] =	ssyncadd.s32 @!p0 $0xFFFFD800  }
0x2e3: {  	_ =	sfence.sel $0x180000  }
0x2e4: {  	[bflag:$0x0] =	sbarrier.arrive $0xFFFF  }
0x2e5: {  	_ =	strace $0x90000050  }
0x2e6: {  	s0 =	stileid.u32;
	[bflag:$0x2] =	sbarrier.arrive $0xFFFF  }
0x2e7: {  	p0 =	sne.s32 s0, $0x0;
	s0 =	rddreg [dreg:$0x3]  }
0x2e8: {  	s0 =	sadd.s32 @!p0 $0x100000, s0  }
0x2e9: {  	[sflag:s0] =	ssyncadd.tile.s32 @!p0 $0x1;
	_ =	shalt  }
.Lfunc_end2:
_tile_overlayer_lowered:
.L_overlay_start_2:
0x2ea: {  	(tag) =	ssettag $0x2  }
0x2eb: {  	s0 =	rddreg [dreg:$0x0];
	s2 =	stileid.u32  }
0x2ec: {  	s1 =	rddreg [dreg:$0x1];
	p0 =	sne.s32 s2, $0x0  }
0x2ed: {  	s3 =	rddreg [dreg:$0x2];
	[bflag:$0x3] =	sbarrier.arrive $0xFFFF;
	s2 =	simm.s32 @!p0 $0x1C04  }
0x2ee: {  	[timem:s3], [sflag:s2] =	dma.local @!p0 [hbm:s0], s1  }
0x2ef: {  	s0 =	simm.s32 @!p0 $0x4  }
0x2f0: {  	_ =	swait.ge @!p0 [sflag:s0], s1  }
0x2f1: {  	s1 =	ssub.s32 @!p0 $0x0, s1;
	[sflag:s0] =	ssyncset.done @!p0 $0x0  }
0x2f2: {  	[sflag:s0] =	ssyncadd.s32 @!p0 s1  }
0x2f3: {  	[bflag:$0x3] =	sbarrier.arrive $0xFFFF  }
0x2f4: {  	_ =	shalt  }

</sc_bundles>
